<compile_context>
chip_gen: v7x
topology: tpu7x:2x2x1
jax: 0.10.2.dev20260603
libtpu: 0.0.44.dev20260713+nightly
codegen_flags: <defaults>
</compile_context>

<pallas_src>
import functools

import jax
import jax.numpy as jnp
from jax import lax
from jax.experimental import pallas as pl
from jax.experimental.pallas import tpu as pltpu
from jax.experimental.pallas import tpu_sc as plsc

N = 10000
NN = 32
IN_C = 128
OUT_C = 128
K = 15
KP_EXTENT = 0.1

NP = 10240
E = NP * NN

B = 320
G = B // 8
EPB = B * NN
NBLK = NP // B

NC = 2
NS = 16
NW = NC * NS
PER_W = E // NW
CH = 128
NHALF = 2
EH = E // NHALF
PER_WH = EH // NW
NCHUNK = PER_WH // CH
NBUF = 5
NSUP = NCHUNK // NBUF


def _sc_gather(features, supx, supy, supz, idx_grp):
    mesh = plsc.VectorSubcoreMesh(core_axis_name="c", subcore_axis_name="s")

    @functools.partial(
        pl.kernel,
        mesh=mesh,
        out_type=[
            jax.ShapeDtypeStruct((EH, IN_C), jnp.float32),
            jax.ShapeDtypeStruct((EH,), jnp.float32),
            jax.ShapeDtypeStruct((EH,), jnp.float32),
            jax.ShapeDtypeStruct((EH,), jnp.float32),
        ],
        scratch_types=(
            [pltpu.VMEM((NCHUNK, CH), jnp.int32)]
            + [pltpu.VMEM((CH, IN_C), jnp.float32) for _ in range(NBUF)]
            + [pltpu.VMEM((CH,), jnp.float32) for _ in range(3 * NBUF)]
            + [pltpu.SemaphoreType.DMA] * (2 * NBUF)
        ),
        compiler_params=pltpu.CompilerParams(use_tc_tiling_on_sc=False),
    )
    def gather_kernel(feat_hbm, sx_hbm, sy_hbm, sz_hbm, idx_hbm,
                      nf_hbm, xs_hbm, ys_hbm, zs_hbm, idx_all, *bufs):
        feat_v = bufs[:NBUF]
        pos_v = [bufs[NBUF + 3 * j:NBUF + 3 * (j + 1)] for j in range(NBUF)]
        gsem = bufs[4 * NBUF:5 * NBUF]
        wsem = bufs[5 * NBUF:]
        pos_hbms = (sx_hbm, sy_hbm, sz_hbm)
        out_hbms = (xs_hbm, ys_hbm, zs_hbm)
        wid = lax.axis_index("s") * NC + lax.axis_index("c")
        base = wid * PER_WH

        pltpu.sync_copy(idx_hbm.at[wid], idx_all)

        def start_g(c, j):
            pltpu.async_copy(feat_hbm.at[idx_all.at[c]], feat_v[j], gsem[j])
            for t in range(3):
                pltpu.async_copy(pos_hbms[t].at[idx_all.at[c]],
                                 pos_v[j][t], gsem[j])

        def wait_g(j):
            pltpu.make_async_copy(feat_hbm.at[pl.ds(0, CH)], feat_v[j],
                                  gsem[j]).wait()
            for t in range(3):
                pltpu.make_async_copy(pos_hbms[t].at[pl.ds(0, CH)],
                                      pos_v[j][t], gsem[j]).wait()

        def start_w(c, j):
            off = base + c * CH
            pltpu.async_copy(feat_v[j], nf_hbm.at[pl.ds(off, CH)], wsem[j])
            for t in range(3):
                pltpu.async_copy(pos_v[j][t],
                                 out_hbms[t].at[pl.ds(off, CH)], wsem[j])

        def wait_w(j):
            pltpu.make_async_copy(feat_v[j], nf_hbm.at[pl.ds(0, CH)],
                                  wsem[j]).wait()
            for t in range(3):
                pltpu.make_async_copy(pos_v[j][t],
                                      out_hbms[t].at[pl.ds(0, CH)],
                                      wsem[j]).wait()

        for j in range(NBUF):
            start_g(j, j)

        def body(cc, carry):
            for j in range(NBUF):
                c = cc * NBUF + j
                wait_g(j)
                start_w(c, j)

                @pl.when(cc < NSUP - 1)
                def _():
                    wait_w(j)
                    start_g(c + NBUF, j)

            return carry

        lax.fori_loop(0, NSUP, body, 0)
        for j in range(NBUF):
            wait_w(j)

    return gather_kernel(features, supx, supy, supz, idx_grp)


def _tc_body(nf_ref, xs_ref, ys_ref, zs_ref, qx_ref, qy_ref, qz_ref,
             kpt_ref, kv_ref, out_ref, wf_ref):
    f32 = jnp.float32
    bf16 = jnp.bfloat16
    dx = (xs_ref[...] - qx_ref[...]).reshape(1, EPB)
    dy = (ys_ref[...] - qy_ref[...]).reshape(1, EPB)
    dz = (zs_ref[...] - qz_ref[...]).reshape(1, EPB)
    ddx = dx - kpt_ref[:, 0:1]
    ddy = dy - kpt_ref[:, 1:2]
    ddz = dz - kpt_ref[:, 2:3]
    sq = ddx * ddx + ddy * ddy + ddz * ddz
    w2 = jnp.maximum(1.0 - jnp.sqrt(sq) * (1.0 / KP_EXTENT), 0.0)

    ri = lax.broadcasted_iota(jnp.int32, (128, 2 * 128), 0)
    ci = lax.broadcasted_iota(jnp.int32, (128, 2 * 128), 1)
    mask = ((ri % 8) == (ci // NN)).astype(f32)

    for g in range(G):
        w_g = w2[:, 256 * g:256 * (g + 1)]
        bd = jnp.broadcast_to(w_g[:, None, :],
                              (16, 8, 256)).reshape(128, 256) * mask
        nf_g = nf_ref[pl.ds(256 * g, 256), :]
        wf_g = jnp.dot(bd, nf_g, preferred_element_type=f32)
        wf_ref[:, 8 * g:8 * (g + 1), :] = wf_g.astype(bf16).reshape(16, 8, 128)

    acc = jnp.zeros((B, OUT_C), f32)
    for k in range(16):
        acc = acc + jnp.dot(wf_ref[k], kv_ref[k], preferred_element_type=f32)
    out_ref[...] = acc


def kernel(query, support, edge_indices, features, K_points, K_values):
    f32 = jnp.float32
    padv = (jnp.arange(E - N * NN, dtype=jnp.int32) * 53) % N
    idx_pad = jnp.concatenate(
        [edge_indices.astype(jnp.int32).reshape(-1), padv])
    sup = support.astype(f32)
    feat = features.astype(f32)

    q = jnp.pad(query.astype(f32), ((0, NP - N), (0, 0)))
    qxr = jnp.repeat(q[:, 0], NN)
    qyr = jnp.repeat(q[:, 1], NN)
    qzr = jnp.repeat(q[:, 2], NN)
    kpt = jnp.pad(K_points.astype(f32), ((0, 1), (0, 1)),
                  constant_values=1e6)
    kv = jnp.pad(K_values.astype(jnp.bfloat16),
                 ((0, 1), (0, 0), (0, 0)))

    vec = pl.BlockSpec((EPB,), lambda i: (i,))
    tc = pl.pallas_call(
        _tc_body,
        grid=(NBLK // NHALF,),
        in_specs=[
            pl.BlockSpec((EPB, IN_C), lambda i: (i, 0)),
            vec, vec, vec, vec, vec, vec,
            pl.BlockSpec((16, 4), lambda i: (0, 0)),
            pl.BlockSpec((16, 128, 128), lambda i: (0, 0, 0)),
        ],
        out_specs=pl.BlockSpec((B, OUT_C), lambda i: (i, 0)),
        out_shape=jax.ShapeDtypeStruct((NP // NHALF, OUT_C), f32),
        scratch_shapes=[pltpu.VMEM((16, B, 128), jnp.bfloat16)],
    )

    gathered = []
    for h in range(NHALF):
        idx_h = idx_pad[h * EH:(h + 1) * EH].reshape(NW, NCHUNK, CH)
        gathered.append(_sc_gather(feat, sup[:, 0], sup[:, 1], sup[:, 2],
                                   idx_h))
    outs = []
    for h, (nf, xs, ys, zs) in enumerate(gathered):
        outs.append(tc(nf, xs, ys, zs, qxr[h * EH:(h + 1) * EH],
                       qyr[h * EH:(h + 1) * EH], qzr[h * EH:(h + 1) * EH],
                       kpt, kv))
    return jnp.concatenate(outs)[:N]

# --- scband reference (transcript-rebuilt; emitter-appended) ---
"""Pipeline reference for scband-kpconv-basic-block-51866025066566 (READ-ONLY COPY).

The authoritative reference and input builder live on the scoring server;
editing this copy changes nothing except your own understanding.
"""

import jax, jax.numpy as jnp
import numpy as np

N = 10000
NN = 32
IN_C = 128
OUT_C = 128
K = 15
KP_EXTENT = 0.1
KERNEL_RADIUS = KP_EXTENT * 1.5


def setup_inputs(seed: int = 0) -> dict:
    key = jax.random.key(seed)
    k1, k2, k3, k4, k5, k6 = jax.random.split(key, 6)
    query = jax.random.uniform(k1, (N, 3), dtype=jnp.float32)
    support = jax.random.uniform(k2, (N, 3), dtype=jnp.float32)
    edge_indices = jax.random.randint(k3, (N, NN), 0, N, dtype=jnp.int32)
    features = jax.random.normal(k4, (N, IN_C), dtype=jnp.float32)
    # non-trainable kernel point dispositions within kernel radius
    K_points = jax.random.uniform(k5, (K, 3), dtype=jnp.float32, minval=-KERNEL_RADIUS, maxval=KERNEL_RADIUS)
    # xavier-normal weights [K, in_fdim, out_fdim]
    std = float(np.sqrt(2.0 / (IN_C + OUT_C)))
    K_values = jax.random.normal(k6, (K, IN_C, OUT_C), dtype=jnp.float32) * std
    return {"query": query, "support": support, "edge_indices": edge_indices,
            "features": features, "K_points": K_points, "K_values": K_values}


def reference(query, support, edge_indices, features, K_points, K_values):
    # KPConv_ops with KP_influence='linear', aggregation_mode='sum'
    shadow_point = jnp.ones_like(support[:1, :]) * 1000000.0
    support_ext = jnp.concatenate([support, shadow_point], axis=0)
    neighbors = jnp.take(support_ext, edge_indices, axis=0)          # [N, NN, 3]
    neighbors = neighbors - query[:, None, :]                        # center on query
    neighbors = neighbors[:, :, None, :]                             # [N, NN, 1, 3]
    differences = neighbors - K_points                               # [N, NN, K, 3]
    sq_distances = jnp.sum(differences ** 2, axis=3)                 # [N, NN, K]
    all_weights = jnp.maximum(1.0 - jnp.sqrt(sq_distances) / KP_EXTENT, 0.0)
    all_weights = jnp.transpose(all_weights, (0, 2, 1))              # [N, K, NN]
    features_ext = jnp.concatenate([features, jnp.zeros_like(features[:1, :])], axis=0)
    neighborhood_features = jnp.take(features_ext, edge_indices, axis=0)  # [N, NN, in]
    weighted_features = jnp.matmul(all_weights, neighborhood_features)    # [N, K, in]
    weighted_features = jnp.transpose(weighted_features, (1, 0, 2))       # [K, N, in]
    kernel_outputs = jnp.matmul(weighted_features, K_values)              # [K, N, out]
    output_features = jnp.sum(kernel_outputs, axis=0)                     # [N, out]
    return output_features

if __name__ == "__main__":
    import jax
    _d = setup_inputs()
    print(jax.jit(kernel)(*tuple(_d.values())))

</pallas_src>

<mosaic_0001>
#map = affine_map<(d0, d1) -> (0, 0)>
#map1 = affine_map<(d0, d1) -> (0)>
#map2 = affine_map<(d0, d1) -> (0, 0, 0)>
module attributes {stable_mosaic.version = 14 : i64} {
  func.func @gather_kernel(%arg0: i32, %arg1: i32, %arg2: memref<10000x128xf32, #tpu.memory_space<hbm>>, %arg3: memref<10000xf32, #tpu.memory_space<hbm>>, %arg4: memref<10000xf32, #tpu.memory_space<hbm>>, %arg5: memref<10000xf32, #tpu.memory_space<hbm>>, %arg6: memref<32x40x128xi32, #tpu.memory_space<hbm>>, %arg7: memref<163840x128xf32, #tpu.memory_space<hbm>>, %arg8: memref<163840xf32, #tpu.memory_space<hbm>>, %arg9: memref<163840xf32, #tpu.memory_space<hbm>>, %arg10: memref<163840xf32, #tpu.memory_space<hbm>>, %arg11: memref<40x128xi32, #tpu.memory_space<vmem>>, %arg12: memref<128x128xf32, #tpu.memory_space<vmem>>, %arg13: memref<128x128xf32, #tpu.memory_space<vmem>>, %arg14: memref<128x128xf32, #tpu.memory_space<vmem>>, %arg15: memref<128x128xf32, #tpu.memory_space<vmem>>, %arg16: memref<128x128xf32, #tpu.memory_space<vmem>>, %arg17: memref<128xf32, #tpu.memory_space<vmem>>, %arg18: memref<128xf32, #tpu.memory_space<vmem>>, %arg19: memref<128xf32, #tpu.memory_space<vmem>>, %arg20: memref<128xf32, #tpu.memory_space<vmem>>, %arg21: memref<128xf32, #tpu.memory_space<vmem>>, %arg22: memref<128xf32, #tpu.memory_space<vmem>>, %arg23: memref<128xf32, #tpu.memory_space<vmem>>, %arg24: memref<128xf32, #tpu.memory_space<vmem>>, %arg25: memref<128xf32, #tpu.memory_space<vmem>>, %arg26: memref<128xf32, #tpu.memory_space<vmem>>, %arg27: memref<128xf32, #tpu.memory_space<vmem>>, %arg28: memref<128xf32, #tpu.memory_space<vmem>>, %arg29: memref<128xf32, #tpu.memory_space<vmem>>, %arg30: memref<128xf32, #tpu.memory_space<vmem>>, %arg31: memref<128xf32, #tpu.memory_space<vmem>>, %arg32: memref<!tpu.dma_semaphore, #tpu.memory_space<semaphore_mem>>, %arg33: memref<!tpu.dma_semaphore, #tpu.memory_space<semaphore_mem>>, %arg34: memref<!tpu.dma_semaphore, #tpu.memory_space<semaphore_mem>>, %arg35: memref<!tpu.dma_semaphore, #tpu.memory_space<semaphore_mem>>, %arg36: memref<!tpu.dma_semaphore, #tpu.memory_space<semaphore_mem>>, %arg37: memref<!tpu.dma_semaphore, #tpu.memory_space<semaphore_mem>>, %arg38: memref<!tpu.dma_semaphore, #tpu.memory_space<semaphore_mem>>, %arg39: memref<!tpu.dma_semaphore, #tpu.memory_space<semaphore_mem>>, %arg40: memref<!tpu.dma_semaphore, #tpu.memory_space<semaphore_mem>>, %arg41: memref<!tpu.dma_semaphore, #tpu.memory_space<semaphore_mem>>) attributes {dimension_semantics = [#tpu.dimension_semantics<core_parallel>, #tpu.dimension_semantics<subcore_parallel>], iteration_bounds = array<i64: 2, 16>, scalar_prefetch = 0 : i64, scratch_operands = 31 : i64, tpu.core_type = #tpu.core_type<sc_vector_subcore>, window_params = [{transform_indices = #map}, {transform_indices = #map1}, {transform_indices = #map1}, {transform_indices = #map1}, {transform_indices = #map2}, {transform_indices = #map}, {transform_indices = #map1}, {transform_indices = #map1}, {transform_indices = #map1}]} {
    %mul3A = arith.constant 2 : i32
    %mul3A_0 = arith.muli %arg1, %mul3A : i32
    %add3A = arith.addi %mul3A_0, %arg0 : i32
    %mul3A_1 = arith.constant 5120 : i32
    %mul3A_2 = arith.muli %add3A, %mul3A_1 : i32
    "tpu.region"() ({
      %run_scoped3A = tpu.sem_alloc : memref<!tpu.dma_semaphore, #tpu.memory_space<semaphore_mem>>
      %dma_start3A_221 = arith.constant 0 : i32
      %dma_start3A_222 = arith.constant 0 : i32
      %dma_start3A_223 = tpu.memref_slice %arg6[%add3A, %dma_start3A_221, %dma_start3A_222] : memref<32x40x128xi32, #tpu.memory_space<hbm>> -> memref<1x40x128xi32, #tpu.memory_space<hbm>>
      %dma_start3A_224 = tpu.memref_squeeze %dma_start3A_223 : memref<1x40x128xi32, #tpu.memory_space<hbm>> -> memref<40x128xi32, #tpu.memory_space<hbm>>
      %dma_start3A_225 = arith.constant 0 : i32
      %dma_start3A_226 = arith.constant 0 : i32
      %dma_start3A_227 = tpu.memref_slice %arg6[%add3A, %dma_start3A_225, %dma_start3A_226] : memref<32x40x128xi32, #tpu.memory_space<hbm>> -> memref<1x40x128xi32, #tpu.memory_space<hbm>>
      %dma_start3A_228 = tpu.memref_squeeze %dma_start3A_227 : memref<1x40x128xi32, #tpu.memory_space<hbm>> -> memref<40x128xi32, #tpu.memory_space<hbm>>
      tpu.enqueue_dma source(%dma_start3A_228 : memref<40x128xi32, #tpu.memory_space<hbm>>) target(%arg11 : memref<40x128xi32, #tpu.memory_space<vmem>>) target_semaphore(%run_scoped3A : memref<!tpu.dma_semaphore, #tpu.memory_space<semaphore_mem>>)
      %dma_wait3A_229 = arith.constant 0 : i32
      %dma_wait3A_230 = arith.constant 0 : i32
      %dma_wait3A_231 = tpu.memref_slice %arg6[%add3A, %dma_wait3A_229, %dma_wait3A_230] : memref<32x40x128xi32, #tpu.memory_space<hbm>> -> memref<1x40x128xi32, #tpu.memory_space<hbm>>
      %dma_wait3A_232 = tpu.memref_squeeze %dma_wait3A_231 : memref<1x40x128xi32, #tpu.memory_space<hbm>> -> memref<40x128xi32, #tpu.memory_space<hbm>>
      %dma_wait3A_233 = arith.constant 0 : i32
      %dma_wait3A_234 = arith.constant 0 : i32
      %dma_wait3A_235 = tpu.memref_slice %arg6[%add3A, %dma_wait3A_233, %dma_wait3A_234] : memref<32x40x128xi32, #tpu.memory_space<hbm>> -> memref<1x40x128xi32, #tpu.memory_space<hbm>>
      %dma_wait3A_236 = tpu.memref_squeeze %dma_wait3A_235 : memref<1x40x128xi32, #tpu.memory_space<hbm>> -> memref<40x128xi32, #tpu.memory_space<hbm>>
      tpu.wait_dma2 semaphore(%run_scoped3A : memref<!tpu.dma_semaphore, #tpu.memory_space<semaphore_mem>>) src(%dma_wait3A_236 : memref<40x128xi32, #tpu.memory_space<hbm>>) dst(%arg11 : memref<40x128xi32, #tpu.memory_space<vmem>>)
      tpu.yield
    }) : () -> ()
    %dma_start3A = arith.constant 0 : i32
    %dma_start3A_3 = arith.constant 0 : i32
    %dma_start3A_4 = tpu.memref_slice %arg11[%dma_start3A, %dma_start3A_3] : memref<40x128xi32, #tpu.memory_space<vmem>> -> memref<1x128xi32, #tpu.memory_space<vmem>>
    %dma_start3A_5 = tpu.memref_squeeze %dma_start3A_4 : memref<1x128xi32, #tpu.memory_space<vmem>> -> memref<128xi32, #tpu.memory_space<vmem>>
    %dma_start3A_6 = arith.constant 0 : i32
    %dma_start3A_7 = arith.constant 0 : i32
    %dma_start3A_8 = tpu.memref_slice %arg2[%dma_start3A_6, %dma_start3A_7] : memref<10000x128xf32, #tpu.memory_space<hbm>> -> memref<10000x128xf32, #tpu.memory_space<hbm>>
    tpu.enqueue_indirect_dma source(%dma_start3A_8 : memref<10000x128xf32, #tpu.memory_space<hbm>>) target(%arg12 : memref<128x128xf32, #tpu.memory_space<vmem>>) offsets(%dma_start3A_5 : memref<128xi32, #tpu.memory_space<vmem>>) semaphore(%arg32 : memref<!tpu.dma_semaphore, #tpu.memory_space<semaphore_mem>>)
    %dma_start3A_9 = arith.constant 0 : i32
    %dma_start3A_10 = arith.constant 0 : i32
    %dma_start3A_11 = tpu.memref_slice %arg11[%dma_start3A_9, %dma_start3A_10] : memref<40x128xi32, #tpu.memory_space<vmem>> -> memref<1x128xi32, #tpu.memory_space<vmem>>
    %dma_start3A_12 = tpu.memref_squeeze %dma_start3A_11 : memref<1x128xi32, #tpu.memory_space<vmem>> -> memref<128xi32, #tpu.memory_space<vmem>>
    %dma_start3A_13 = arith.constant 0 : i32
    %dma_start3A_14 = tpu.memref_slice %arg3[%dma_start3A_13] : memref<10000xf32, #tpu.memory_space<hbm>> -> memref<10000xf32, #tpu.memory_space<hbm>>
    tpu.enqueue_indirect_dma source(%dma_start3A_14 : memref<10000xf32, #tpu.memory_space<hbm>>) target(%arg17 : memref<128xf32, #tpu.memory_space<vmem>>) offsets(%dma_start3A_12 : memref<128xi32, #tpu.memory_space<vmem>>) semaphore(%arg32 : memref<!tpu.dma_semaphore, #tpu.memory_space<semaphore_mem>>)
    %dma_start3A_15 = arith.constant 0 : i32
    %dma_start3A_16 = arith.constant 0 : i32
    %dma_start3A_17 = tpu.memref_slice %arg11[%dma_start3A_15, %dma_start3A_16] : memref<40x128xi32, #tpu.memory_space<vmem>> -> memref<1x128xi32, #tpu.memory_space<vmem>>
    %dma_start3A_18 = tpu.memref_squeeze %dma_start3A_17 : memref<1x128xi32, #tpu.memory_space<vmem>> -> memref<128xi32, #tpu.memory_space<vmem>>
    %dma_start3A_19 = arith.constant 0 : i32
    %dma_start3A_20 = tpu.memref_slice %arg4[%dma_start3A_19] : memref<10000xf32, #tpu.memory_space<hbm>> -> memref<10000xf32, #tpu.memory_space<hbm>>
    tpu.enqueue_indirect_dma source(%dma_start3A_20 : memref<10000xf32, #tpu.memory_space<hbm>>) target(%arg18 : memref<128xf32, #tpu.memory_space<vmem>>) offsets(%dma_start3A_18 : memref<128xi32, #tpu.memory_space<vmem>>) semaphore(%arg32 : memref<!tpu.dma_semaphore, #tpu.memory_space<semaphore_mem>>)
    %dma_start3A_21 = arith.constant 0 : i32
    %dma_start3A_22 = arith.constant 0 : i32
    %dma_start3A_23 = tpu.memref_slice %arg11[%dma_start3A_21, %dma_start3A_22] : memref<40x128xi32, #tpu.memory_space<vmem>> -> memref<1x128xi32, #tpu.memory_space<vmem>>
    %dma_start3A_24 = tpu.memref_squeeze %dma_start3A_23 : memref<1x128xi32, #tpu.memory_space<vmem>> -> memref<128xi32, #tpu.memory_space<vmem>>
    %dma_start3A_25 = arith.constant 0 : i32
    %dma_start3A_26 = tpu.memref_slice %arg5[%dma_start3A_25] : memref<10000xf32, #tpu.memory_space<hbm>> -> memref<10000xf32, #tpu.memory_space<hbm>>
    tpu.enqueue_indirect_dma source(%dma_start3A_26 : memref<10000xf32, #tpu.memory_space<hbm>>) target(%arg19 : memref<128xf32, #tpu.memory_space<vmem>>) offsets(%dma_start3A_24 : memref<128xi32, #tpu.memory_space<vmem>>) semaphore(%arg32 : memref<!tpu.dma_semaphore, #tpu.memory_space<semaphore_mem>>)
    %dma_start3A_27 = arith.constant 1 : i32
    %dma_start3A_28 = arith.constant 0 : i32
    %dma_start3A_29 = tpu.memref_slice %arg11[%dma_start3A_27, %dma_start3A_28] : memref<40x128xi32, #tpu.memory_space<vmem>> -> memref<1x128xi32, #tpu.memory_space<vmem>>
    %dma_start3A_30 = tpu.memref_squeeze %dma_start3A_29 : memref<1x128xi32, #tpu.memory_space<vmem>> -> memref<128xi32, #tpu.memory_space<vmem>>
    %dma_start3A_31 = arith.constant 0 : i32
    %dma_start3A_32 = arith.constant 0 : i32
    %dma_start3A_33 = tpu.memref_slice %arg2[%dma_start3A_31, %dma_start3A_32] : memref<10000x128xf32, #tpu.memory_space<hbm>> -> memref<10000x128xf32, #tpu.memory_space<hbm>>
    tpu.enqueue_indirect_dma source(%dma_start3A_33 : memref<10000x128xf32, #tpu.memory_space<hbm>>) target(%arg13 : memref<128x128xf32, #tpu.memory_space<vmem>>) offsets(%dma_start3A_30 : memref<128xi32, #tpu.memory_space<vmem>>) semaphore(%arg33 : memref<!tpu.dma_semaphore, #tpu.memory_space<semaphore_mem>>)
    %dma_start3A_34 = arith.constant 1 : i32
    %dma_start3A_35 = arith.constant 0 : i32
    %dma_start3A_36 = tpu.memref_slice %arg11[%dma_start3A_34, %dma_start3A_35] : memref<40x128xi32, #tpu.memory_space<vmem>> -> memref<1x128xi32, #tpu.memory_space<vmem>>
    %dma_start3A_37 = tpu.memref_squeeze %dma_start3A_36 : memref<1x128xi32, #tpu.memory_space<vmem>> -> memref<128xi32, #tpu.memory_space<vmem>>
    %dma_start3A_38 = arith.constant 0 : i32
    %dma_start3A_39 = tpu.memref_slice %arg3[%dma_start3A_38] : memref<10000xf32, #tpu.memory_space<hbm>> -> memref<10000xf32, #tpu.memory_space<hbm>>
    tpu.enqueue_indirect_dma source(%dma_start3A_39 : memref<10000xf32, #tpu.memory_space<hbm>>) target(%arg20 : memref<128xf32, #tpu.memory_space<vmem>>) offsets(%dma_start3A_37 : memref<128xi32, #tpu.memory_space<vmem>>) semaphore(%arg33 : memref<!tpu.dma_semaphore, #tpu.memory_space<semaphore_mem>>)
    %dma_start3A_40 = arith.constant 1 : i32
    %dma_start3A_41 = arith.constant 0 : i32
    %dma_start3A_42 = tpu.memref_slice %arg11[%dma_start3A_40, %dma_start3A_41] : memref<40x128xi32, #tpu.memory_space<vmem>> -> memref<1x128xi32, #tpu.memory_space<vmem>>
    %dma_start3A_43 = tpu.memref_squeeze %dma_start3A_42 : memref<1x128xi32, #tpu.memory_space<vmem>> -> memref<128xi32, #tpu.memory_space<vmem>>
    %dma_start3A_44 = arith.constant 0 : i32
    %dma_start3A_45 = tpu.memref_slice %arg4[%dma_start3A_44] : memref<10000xf32, #tpu.memory_space<hbm>> -> memref<10000xf32, #tpu.memory_space<hbm>>
    tpu.enqueue_indirect_dma source(%dma_start3A_45 : memref<10000xf32, #tpu.memory_space<hbm>>) target(%arg21 : memref<128xf32, #tpu.memory_space<vmem>>) offsets(%dma_start3A_43 : memref<128xi32, #tpu.memory_space<vmem>>) semaphore(%arg33 : memref<!tpu.dma_semaphore, #tpu.memory_space<semaphore_mem>>)
    %dma_start3A_46 = arith.constant 1 : i32
    %dma_start3A_47 = arith.constant 0 : i32
    %dma_start3A_48 = tpu.memref_slice %arg11[%dma_start3A_46, %dma_start3A_47] : memref<40x128xi32, #tpu.memory_space<vmem>> -> memref<1x128xi32, #tpu.memory_space<vmem>>
    %dma_start3A_49 = tpu.memref_squeeze %dma_start3A_48 : memref<1x128xi32, #tpu.memory_space<vmem>> -> memref<128xi32, #tpu.memory_space<vmem>>
    %dma_start3A_50 = arith.constant 0 : i32
    %dma_start3A_51 = tpu.memref_slice %arg5[%dma_start3A_50] : memref<10000xf32, #tpu.memory_space<hbm>> -> memref<10000xf32, #tpu.memory_space<hbm>>
    tpu.enqueue_indirect_dma source(%dma_start3A_51 : memref<10000xf32, #tpu.memory_space<hbm>>) target(%arg22 : memref<128xf32, #tpu.memory_space<vmem>>) offsets(%dma_start3A_49 : memref<128xi32, #tpu.memory_space<vmem>>) semaphore(%arg33 : memref<!tpu.dma_semaphore, #tpu.memory_space<semaphore_mem>>)
    %dma_start3A_52 = arith.constant 2 : i32
    %dma_start3A_53 = arith.constant 0 : i32
    %dma_start3A_54 = tpu.memref_slice %arg11[%dma_start3A_52, %dma_start3A_53] : memref<40x128xi32, #tpu.memory_space<vmem>> -> memref<1x128xi32, #tpu.memory_space<vmem>>
    %dma_start3A_55 = tpu.memref_squeeze %dma_start3A_54 : memref<1x128xi32, #tpu.memory_space<vmem>> -> memref<128xi32, #tpu.memory_space<vmem>>
    %dma_start3A_56 = arith.constant 0 : i32
    %dma_start3A_57 = arith.constant 0 : i32
    %dma_start3A_58 = tpu.memref_slice %arg2[%dma_start3A_56, %dma_start3A_57] : memref<10000x128xf32, #tpu.memory_space<hbm>> -> memref<10000x128xf32, #tpu.memory_space<hbm>>
    tpu.enqueue_indirect_dma source(%dma_start3A_58 : memref<10000x128xf32, #tpu.memory_space<hbm>>) target(%arg14 : memref<128x128xf32, #tpu.memory_space<vmem>>) offsets(%dma_start3A_55 : memref<128xi32, #tpu.memory_space<vmem>>) semaphore(%arg34 : memref<!tpu.dma_semaphore, #tpu.memory_space<semaphore_mem>>)
    %dma_start3A_59 = arith.constant 2 : i32
    %dma_start3A_60 = arith.constant 0 : i32
    %dma_start3A_61 = tpu.memref_slice %arg11[%dma_start3A_59, %dma_start3A_60] : memref<40x128xi32, #tpu.memory_space<vmem>> -> memref<1x128xi32, #tpu.memory_space<vmem>>
    %dma_start3A_62 = tpu.memref_squeeze %dma_start3A_61 : memref<1x128xi32, #tpu.memory_space<vmem>> -> memref<128xi32, #tpu.memory_space<vmem>>
    %dma_start3A_63 = arith.constant 0 : i32
    %dma_start3A_64 = tpu.memref_slice %arg3[%dma_start3A_63] : memref<10000xf32, #tpu.memory_space<hbm>> -> memref<10000xf32, #tpu.memory_space<hbm>>
    tpu.enqueue_indirect_dma source(%dma_start3A_64 : memref<10000xf32, #tpu.memory_space<hbm>>) target(%arg23 : memref<128xf32, #tpu.memory_space<vmem>>) offsets(%dma_start3A_62 : memref<128xi32, #tpu.memory_space<vmem>>) semaphore(%arg34 : memref<!tpu.dma_semaphore, #tpu.memory_space<semaphore_mem>>)
    %dma_start3A_65 = arith.constant 2 : i32
    %dma_start3A_66 = arith.constant 0 : i32
    %dma_start3A_67 = tpu.memref_slice %arg11[%dma_start3A_65, %dma_start3A_66] : memref<40x128xi32, #tpu.memory_space<vmem>> -> memref<1x128xi32, #tpu.memory_space<vmem>>
    %dma_start3A_68 = tpu.memref_squeeze %dma_start3A_67 : memref<1x128xi32, #tpu.memory_space<vmem>> -> memref<128xi32, #tpu.memory_space<vmem>>
    %dma_start3A_69 = arith.constant 0 : i32
    %dma_start3A_70 = tpu.memref_slice %arg4[%dma_start3A_69] : memref<10000xf32, #tpu.memory_space<hbm>> -> memref<10000xf32, #tpu.memory_space<hbm>>
    tpu.enqueue_indirect_dma source(%dma_start3A_70 : memref<10000xf32, #tpu.memory_space<hbm>>) target(%arg24 : memref<128xf32, #tpu.memory_space<vmem>>) offsets(%dma_start3A_68 : memref<128xi32, #tpu.memory_space<vmem>>) semaphore(%arg34 : memref<!tpu.dma_semaphore, #tpu.memory_space<semaphore_mem>>)
    %dma_start3A_71 = arith.constant 2 : i32
    %dma_start3A_72 = arith.constant 0 : i32
    %dma_start3A_73 = tpu.memref_slice %arg11[%dma_start3A_71, %dma_start3A_72] : memref<40x128xi32, #tpu.memory_space<vmem>> -> memref<1x128xi32, #tpu.memory_space<vmem>>
    %dma_start3A_74 = tpu.memref_squeeze %dma_start3A_73 : memref<1x128xi32, #tpu.memory_space<vmem>> -> memref<128xi32, #tpu.memory_space<vmem>>
    %dma_start3A_75 = arith.constant 0 : i32
    %dma_start3A_76 = tpu.memref_slice %arg5[%dma_start3A_75] : memref<10000xf32, #tpu.memory_space<hbm>> -> memref<10000xf32, #tpu.memory_space<hbm>>
    tpu.enqueue_indirect_dma source(%dma_start3A_76 : memref<10000xf32, #tpu.memory_space<hbm>>) target(%arg25 : memref<128xf32, #tpu.memory_space<vmem>>) offsets(%dma_start3A_74 : memref<128xi32, #tpu.memory_space<vmem>>) semaphore(%arg34 : memref<!tpu.dma_semaphore, #tpu.memory_space<semaphore_mem>>)
    %dma_start3A_77 = arith.constant 3 : i32
    %dma_start3A_78 = arith.constant 0 : i32
    %dma_start3A_79 = tpu.memref_slice %arg11[%dma_start3A_77, %dma_start3A_78] : memref<40x128xi32, #tpu.memory_space<vmem>> -> memref<1x128xi32, #tpu.memory_space<vmem>>
    %dma_start3A_80 = tpu.memref_squeeze %dma_start3A_79 : memref<1x128xi32, #tpu.memory_space<vmem>> -> memref<128xi32, #tpu.memory_space<vmem>>
    %dma_start3A_81 = arith.constant 0 : i32
    %dma_start3A_82 = arith.constant 0 : i32
    %dma_start3A_83 = tpu.memref_slice %arg2[%dma_start3A_81, %dma_start3A_82] : memref<10000x128xf32, #tpu.memory_space<hbm>> -> memref<10000x128xf32, #tpu.memory_space<hbm>>
    tpu.enqueue_indirect_dma source(%dma_start3A_83 : memref<10000x128xf32, #tpu.memory_space<hbm>>) target(%arg15 : memref<128x128xf32, #tpu.memory_space<vmem>>) offsets(%dma_start3A_80 : memref<128xi32, #tpu.memory_space<vmem>>) semaphore(%arg35 : memref<!tpu.dma_semaphore, #tpu.memory_space<semaphore_mem>>)
    %dma_start3A_84 = arith.constant 3 : i32
    %dma_start3A_85 = arith.constant 0 : i32
    %dma_start3A_86 = tpu.memref_slice %arg11[%dma_start3A_84, %dma_start3A_85] : memref<40x128xi32, #tpu.memory_space<vmem>> -> memref<1x128xi32, #tpu.memory_space<vmem>>
    %dma_start3A_87 = tpu.memref_squeeze %dma_start3A_86 : memref<1x128xi32, #tpu.memory_space<vmem>> -> memref<128xi32, #tpu.memory_space<vmem>>
    %dma_start3A_88 = arith.constant 0 : i32
    %dma_start3A_89 = tpu.memref_slice %arg3[%dma_start3A_88] : memref<10000xf32, #tpu.memory_space<hbm>> -> memref<10000xf32, #tpu.memory_space<hbm>>
    tpu.enqueue_indirect_dma source(%dma_start3A_89 : memref<10000xf32, #tpu.memory_space<hbm>>) target(%arg26 : memref<128xf32, #tpu.memory_space<vmem>>) offsets(%dma_start3A_87 : memref<128xi32, #tpu.memory_space<vmem>>) semaphore(%arg35 : memref<!tpu.dma_semaphore, #tpu.memory_space<semaphore_mem>>)
    %dma_start3A_90 = arith.constant 3 : i32
    %dma_start3A_91 = arith.constant 0 : i32
    %dma_start3A_92 = tpu.memref_slice %arg11[%dma_start3A_90, %dma_start3A_91] : memref<40x128xi32, #tpu.memory_space<vmem>> -> memref<1x128xi32, #tpu.memory_space<vmem>>
    %dma_start3A_93 = tpu.memref_squeeze %dma_start3A_92 : memref<1x128xi32, #tpu.memory_space<vmem>> -> memref<128xi32, #tpu.memory_space<vmem>>
    %dma_start3A_94 = arith.constant 0 : i32
    %dma_start3A_95 = tpu.memref_slice %arg4[%dma_start3A_94] : memref<10000xf32, #tpu.memory_space<hbm>> -> memref<10000xf32, #tpu.memory_space<hbm>>
    tpu.enqueue_indirect_dma source(%dma_start3A_95 : memref<10000xf32, #tpu.memory_space<hbm>>) target(%arg27 : memref<128xf32, #tpu.memory_space<vmem>>) offsets(%dma_start3A_93 : memref<128xi32, #tpu.memory_space<vmem>>) semaphore(%arg35 : memref<!tpu.dma_semaphore, #tpu.memory_space<semaphore_mem>>)
    %dma_start3A_96 = arith.constant 3 : i32
    %dma_start3A_97 = arith.constant 0 : i32
    %dma_start3A_98 = tpu.memref_slice %arg11[%dma_start3A_96, %dma_start3A_97] : memref<40x128xi32, #tpu.memory_space<vmem>> -> memref<1x128xi32, #tpu.memory_space<vmem>>
    %dma_start3A_99 = tpu.memref_squeeze %dma_start3A_98 : memref<1x128xi32, #tpu.memory_space<vmem>> -> memref<128xi32, #tpu.memory_space<vmem>>
    %dma_start3A_100 = arith.constant 0 : i32
    %dma_start3A_101 = tpu.memref_slice %arg5[%dma_start3A_100] : memref<10000xf32, #tpu.memory_space<hbm>> -> memref<10000xf32, #tpu.memory_space<hbm>>
    tpu.enqueue_indirect_dma source(%dma_start3A_101 : memref<10000xf32, #tpu.memory_space<hbm>>) target(%arg28 : memref<128xf32, #tpu.memory_space<vmem>>) offsets(%dma_start3A_99 : memref<128xi32, #tpu.memory_space<vmem>>) semaphore(%arg35 : memref<!tpu.dma_semaphore, #tpu.memory_space<semaphore_mem>>)
    %dma_start3A_102 = arith.constant 4 : i32
    %dma_start3A_103 = arith.constant 0 : i32
    %dma_start3A_104 = tpu.memref_slice %arg11[%dma_start3A_102, %dma_start3A_103] : memref<40x128xi32, #tpu.memory_space<vmem>> -> memref<1x128xi32, #tpu.memory_space<vmem>>
    %dma_start3A_105 = tpu.memref_squeeze %dma_start3A_104 : memref<1x128xi32, #tpu.memory_space<vmem>> -> memref<128xi32, #tpu.memory_space<vmem>>
    %dma_start3A_106 = arith.constant 0 : i32
    %dma_start3A_107 = arith.constant 0 : i32
    %dma_start3A_108 = tpu.memref_slice %arg2[%dma_start3A_106, %dma_start3A_107] : memref<10000x128xf32, #tpu.memory_space<hbm>> -> memref<10000x128xf32, #tpu.memory_space<hbm>>
    tpu.enqueue_indirect_dma source(%dma_start3A_108 : memref<10000x128xf32, #tpu.memory_space<hbm>>) target(%arg16 : memref<128x128xf32, #tpu.memory_space<vmem>>) offsets(%dma_start3A_105 : memref<128xi32, #tpu.memory_space<vmem>>) semaphore(%arg36 : memref<!tpu.dma_semaphore, #tpu.memory_space<semaphore_mem>>)
    %dma_start3A_109 = arith.constant 4 : i32
    %dma_start3A_110 = arith.constant 0 : i32
    %dma_start3A_111 = tpu.memref_slice %arg11[%dma_start3A_109, %dma_start3A_110] : memref<40x128xi32, #tpu.memory_space<vmem>> -> memref<1x128xi32, #tpu.memory_space<vmem>>
    %dma_start3A_112 = tpu.memref_squeeze %dma_start3A_111 : memref<1x128xi32, #tpu.memory_space<vmem>> -> memref<128xi32, #tpu.memory_space<vmem>>
    %dma_start3A_113 = arith.constant 0 : i32
    %dma_start3A_114 = tpu.memref_slice %arg3[%dma_start3A_113] : memref<10000xf32, #tpu.memory_space<hbm>> -> memref<10000xf32, #tpu.memory_space<hbm>>
    tpu.enqueue_indirect_dma source(%dma_start3A_114 : memref<10000xf32, #tpu.memory_space<hbm>>) target(%arg29 : memref<128xf32, #tpu.memory_space<vmem>>) offsets(%dma_start3A_112 : memref<128xi32, #tpu.memory_space<vmem>>) semaphore(%arg36 : memref<!tpu.dma_semaphore, #tpu.memory_space<semaphore_mem>>)
    %dma_start3A_115 = arith.constant 4 : i32
    %dma_start3A_116 = arith.constant 0 : i32
    %dma_start3A_117 = tpu.memref_slice %arg11[%dma_start3A_115, %dma_start3A_116] : memref<40x128xi32, #tpu.memory_space<vmem>> -> memref<1x128xi32, #tpu.memory_space<vmem>>
    %dma_start3A_118 = tpu.memref_squeeze %dma_start3A_117 : memref<1x128xi32, #tpu.memory_space<vmem>> -> memref<128xi32, #tpu.memory_space<vmem>>
    %dma_start3A_119 = arith.constant 0 : i32
    %dma_start3A_120 = tpu.memref_slice %arg4[%dma_start3A_119] : memref<10000xf32, #tpu.memory_space<hbm>> -> memref<10000xf32, #tpu.memory_space<hbm>>
    tpu.enqueue_indirect_dma source(%dma_start3A_120 : memref<10000xf32, #tpu.memory_space<hbm>>) target(%arg30 : memref<128xf32, #tpu.memory_space<vmem>>) offsets(%dma_start3A_118 : memref<128xi32, #tpu.memory_space<vmem>>) semaphore(%arg36 : memref<!tpu.dma_semaphore, #tpu.memory_space<semaphore_mem>>)
    %dma_start3A_121 = arith.constant 4 : i32
    %dma_start3A_122 = arith.constant 0 : i32
    %dma_start3A_123 = tpu.memref_slice %arg11[%dma_start3A_121, %dma_start3A_122] : memref<40x128xi32, #tpu.memory_space<vmem>> -> memref<1x128xi32, #tpu.memory_space<vmem>>
    %dma_start3A_124 = tpu.memref_squeeze %dma_start3A_123 : memref<1x128xi32, #tpu.memory_space<vmem>> -> memref<128xi32, #tpu.memory_space<vmem>>
    %dma_start3A_125 = arith.constant 0 : i32
    %dma_start3A_126 = tpu.memref_slice %arg5[%dma_start3A_125] : memref<10000xf32, #tpu.memory_space<hbm>> -> memref<10000xf32, #tpu.memory_space<hbm>>
    tpu.enqueue_indirect_dma source(%dma_start3A_126 : memref<10000xf32, #tpu.memory_space<hbm>>) target(%arg31 : memref<128xf32, #tpu.memory_space<vmem>>) offsets(%dma_start3A_124 : memref<128xi32, #tpu.memory_space<vmem>>) semaphore(%arg36 : memref<!tpu.dma_semaphore, #tpu.memory_space<semaphore_mem>>)
    %scan3A = arith.constant 0 : i32
    %scan3A_127 = arith.constant 0 : i32
    %scan3A_128 = arith.constant 8 : i32
    %scan3A_129 = arith.addi %scan3A_127, %scan3A_128 : i32
    %scan3A_130 = arith.constant 1 : i32
    scf.for %scan3A_221 = %scan3A_127 to %scan3A_129 step %scan3A_130  : i32 {
      %mul3A_222 = arith.constant 5 : i32
      %mul3A_223 = arith.muli %scan3A_221, %mul3A_222 : i32
      %add3A_224 = arith.constant 0 : i32
      %add3A_225 = arith.addi %mul3A_223, %add3A_224 : i32
      %dma_wait3A_226 = arith.constant 0 : i32
      %dma_wait3A_227 = arith.constant 0 : i32
      %dma_wait3A_228 = tpu.memref_slice %arg2[%dma_wait3A_226, %dma_wait3A_227] : memref<10000x128xf32, #tpu.memory_space<hbm>> -> memref<128x128xf32, #tpu.memory_space<hbm>>
      %dma_wait3A_229 = arith.constant 0 : i32
      %dma_wait3A_230 = arith.constant 0 : i32
      %dma_wait3A_231 = tpu.memref_slice %arg2[%dma_wait3A_229, %dma_wait3A_230] : memref<10000x128xf32, #tpu.memory_space<hbm>> -> memref<128x128xf32, #tpu.memory_space<hbm>>
      tpu.wait_dma2 semaphore(%arg32 : memref<!tpu.dma_semaphore, #tpu.memory_space<semaphore_mem>>) src(%dma_wait3A_231 : memref<128x128xf32, #tpu.memory_space<hbm>>) dst(%arg12 : memref<128x128xf32, #tpu.memory_space<vmem>>)
      %dma_wait3A_232 = arith.constant 0 : i32
      %dma_wait3A_233 = tpu.memref_slice %arg3[%dma_wait3A_232] : memref<10000xf32, #tpu.memory_space<hbm>> -> memref<128xf32, #tpu.memory_space<hbm>>
      %dma_wait3A_234 = arith.constant 0 : i32
      %dma_wait3A_235 = tpu.memref_slice %arg3[%dma_wait3A_234] : memref<10000xf32, #tpu.memory_space<hbm>> -> memref<128xf32, #tpu.memory_space<hbm>>
      tpu.wait_dma2 semaphore(%arg32 : memref<!tpu.dma_semaphore, #tpu.memory_space<semaphore_mem>>) src(%dma_wait3A_235 : memref<128xf32, #tpu.memory_space<hbm>>) dst(%arg17 : memref<128xf32, #tpu.memory_space<vmem>>)
      %dma_wait3A_236 = arith.constant 0 : i32
      %dma_wait3A_237 = tpu.memref_slice %arg4[%dma_wait3A_236] : memref<10000xf32, #tpu.memory_space<hbm>> -> memref<128xf32, #tpu.memory_space<hbm>>
      %dma_wait3A_238 = arith.constant 0 : i32
      %dma_wait3A_239 = tpu.memref_slice %arg4[%dma_wait3A_238] : memref<10000xf32, #tpu.memory_space<hbm>> -> memref<128xf32, #tpu.memory_space<hbm>>
      tpu.wait_dma2 semaphore(%arg32 : memref<!tpu.dma_semaphore, #tpu.memory_space<semaphore_mem>>) src(%dma_wait3A_239 : memref<128xf32, #tpu.memory_space<hbm>>) dst(%arg18 : memref<128xf32, #tpu.memory_space<vmem>>)
      %dma_wait3A_240 = arith.constant 0 : i32
      %dma_wait3A_241 = tpu.memref_slice %arg5[%dma_wait3A_240] : memref<10000xf32, #tpu.memory_space<hbm>> -> memref<128xf32, #tpu.memory_space<hbm>>
      %dma_wait3A_242 = arith.constant 0 : i32
      %dma_wait3A_243 = tpu.memref_slice %arg5[%dma_wait3A_242] : memref<10000xf32, #tpu.memory_space<hbm>> -> memref<128xf32, #tpu.memory_space<hbm>>
      tpu.wait_dma2 semaphore(%arg32 : memref<!tpu.dma_semaphore, #tpu.memory_space<semaphore_mem>>) src(%dma_wait3A_243 : memref<128xf32, #tpu.memory_space<hbm>>) dst(%arg19 : memref<128xf32, #tpu.memory_space<vmem>>)
      %mul3A_244 = arith.constant 128 : i32
      %mul3A_245 = arith.muli %add3A_225, %mul3A_244 : i32
      %add3A_246 = arith.addi %mul3A_2, %mul3A_245 : i32
      %dma_start3A_247 = arith.constant 0 : i32
      %dma_start3A_248 = tpu.memref_slice %arg7[%add3A_246, %dma_start3A_247] : memref<163840x128xf32, #tpu.memory_space<hbm>> -> memref<128x128xf32, #tpu.memory_space<hbm>>
      %dma_start3A_249 = arith.constant 0 : i32
      %dma_start3A_250 = tpu.memref_slice %arg7[%add3A_246, %dma_start3A_249] : memref<163840x128xf32, #tpu.memory_space<hbm>> -> memref<128x128xf32, #tpu.memory_space<hbm>>
      tpu.enqueue_dma source(%arg12 : memref<128x128xf32, #tpu.memory_space<vmem>>) target(%dma_start3A_250 : memref<128x128xf32, #tpu.memory_space<hbm>>) target_semaphore(%arg37 : memref<!tpu.dma_semaphore, #tpu.memory_space<semaphore_mem>>)
      %dma_start3A_251 = tpu.memref_slice %arg8[%add3A_246] : memref<163840xf32, #tpu.memory_space<hbm>> -> memref<128xf32, #tpu.memory_space<hbm>>
      %dma_start3A_252 = tpu.memref_slice %arg8[%add3A_246] : memref<163840xf32, #tpu.memory_space<hbm>> -> memref<128xf32, #tpu.memory_space<hbm>>
      tpu.enqueue_dma source(%arg17 : memref<128xf32, #tpu.memory_space<vmem>>) target(%dma_start3A_252 : memref<128xf32, #tpu.memory_space<hbm>>) target_semaphore(%arg37 : memref<!tpu.dma_semaphore, #tpu.memory_space<semaphore_mem>>)
      %dma_start3A_253 = tpu.memref_slice %arg9[%add3A_246] : memref<163840xf32, #tpu.memory_space<hbm>> -> memref<128xf32, #tpu.memory_space<hbm>>
      %dma_start3A_254 = tpu.memref_slice %arg9[%add3A_246] : memref<163840xf32, #tpu.memory_space<hbm>> -> memref<128xf32, #tpu.memory_space<hbm>>
      tpu.enqueue_dma source(%arg18 : memref<128xf32, #tpu.memory_space<vmem>>) target(%dma_start3A_254 : memref<128xf32, #tpu.memory_space<hbm>>) target_semaphore(%arg37 : memref<!tpu.dma_semaphore, #tpu.memory_space<semaphore_mem>>)
      %dma_start3A_255 = tpu.memref_slice %arg10[%add3A_246] : memref<163840xf32, #tpu.memory_space<hbm>> -> memref<128xf32, #tpu.memory_space<hbm>>
      %dma_start3A_256 = tpu.memref_slice %arg10[%add3A_246] : memref<163840xf32, #tpu.memory_space<hbm>> -> memref<128xf32, #tpu.memory_space<hbm>>
      tpu.enqueue_dma source(%arg19 : memref<128xf32, #tpu.memory_space<vmem>>) target(%dma_start3A_256 : memref<128xf32, #tpu.memory_space<hbm>>) target_semaphore(%arg37 : memref<!tpu.dma_semaphore, #tpu.memory_space<semaphore_mem>>)
      %lt3A = arith.constant 7 : i32
      %lt3A_257 = arith.cmpi slt, %scan3A_221, %lt3A : i32
      %convert_element_type3A = arith.extui %lt3A_257 : i1 to i32
      %cond3A = arith.constant 0 : i32
      %cond3A_258 = arith.cmpi ne, %convert_element_type3A, %cond3A : i32
      scf.if %cond3A_258 {
        %dma_wait3A_419 = arith.constant 0 : i32
        %dma_wait3A_420 = arith.constant 0 : i32
        %dma_wait3A_421 = tpu.memref_slice %arg7[%dma_wait3A_419, %dma_wait3A_420] : memref<163840x128xf32, #tpu.memory_space<hbm>> -> memref<128x128xf32, #tpu.memory_space<hbm>>
        %dma_wait3A_422 = arith.constant 0 : i32
        %dma_wait3A_423 = arith.constant 0 : i32
        %dma_wait3A_424 = tpu.memref_slice %arg7[%dma_wait3A_422, %dma_wait3A_423] : memref<163840x128xf32, #tpu.memory_space<hbm>> -> memref<128x128xf32, #tpu.memory_space<hbm>>
        tpu.wait_dma2 semaphore(%arg37 : memref<!tpu.dma_semaphore, #tpu.memory_space<semaphore_mem>>) src(%arg12 : memref<128x128xf32, #tpu.memory_space<vmem>>) dst(%dma_wait3A_424 : memref<128x128xf32, #tpu.memory_space<hbm>>)
        %dma_wait3A_425 = arith.constant 0 : i32
        %dma_wait3A_426 = tpu.memref_slice %arg8[%dma_wait3A_425] : memref<163840xf32, #tpu.memory_space<hbm>> -> memref<128xf32, #tpu.memory_space<hbm>>
        %dma_wait3A_427 = arith.constant 0 : i32
        %dma_wait3A_428 = tpu.memref_slice %arg8[%dma_wait3A_427] : memref<163840xf32, #tpu.memory_space<hbm>> -> memref<128xf32, #tpu.memory_space<hbm>>
        tpu.wait_dma2 semaphore(%arg37 : memref<!tpu.dma_semaphore, #tpu.memory_space<semaphore_mem>>) src(%arg17 : memref<128xf32, #tpu.memory_space<vmem>>) dst(%dma_wait3A_428 : memref<128xf32, #tpu.memory_space<hbm>>)
        %dma_wait3A_429 = arith.constant 0 : i32
        %dma_wait3A_430 = tpu.memref_slice %arg9[%dma_wait3A_429] : memref<163840xf32, #tpu.memory_space<hbm>> -> memref<128xf32, #tpu.memory_space<hbm>>
        %dma_wait3A_431 = arith.constant 0 : i32
        %dma_wait3A_432 = tpu.memref_slice %arg9[%dma_wait3A_431] : memref<163840xf32, #tpu.memory_space<hbm>> -> memref<128xf32, #tpu.memory_space<hbm>>
        tpu.wait_dma2 semaphore(%arg37 : memref<!tpu.dma_semaphore, #tpu.memory_space<semaphore_mem>>) src(%arg18 : memref<128xf32, #tpu.memory_space<vmem>>) dst(%dma_wait3A_432 : memref<128xf32, #tpu.memory_space<hbm>>)
        %dma_wait3A_433 = arith.constant 0 : i32
        %dma_wait3A_434 = tpu.memref_slice %arg10[%dma_wait3A_433] : memref<163840xf32, #tpu.memory_space<hbm>> -> memref<128xf32, #tpu.memory_space<hbm>>
        %dma_wait3A_435 = arith.constant 0 : i32
        %dma_wait3A_436 = tpu.memref_slice %arg10[%dma_wait3A_435] : memref<163840xf32, #tpu.memory_space<hbm>> -> memref<128xf32, #tpu.memory_space<hbm>>
        tpu.wait_dma2 semaphore(%arg37 : memref<!tpu.dma_semaphore, #tpu.memory_space<semaphore_mem>>) src(%arg19 : memref<128xf32, #tpu.memory_space<vmem>>) dst(%dma_wait3A_436 : memref<128xf32, #tpu.memory_space<hbm>>)
        %add3A_437 = arith.constant 5 : i32
        %add3A_438 = arith.addi %add3A_225, %add3A_437 : i32
        %dma_start3A_439 = arith.constant 0 : i32
        %dma_start3A_440 = tpu.memref_slice %arg11[%add3A_438, %dma_start3A_439] : memref<40x128xi32, #tpu.memory_space<vmem>> -> memref<1x128xi32, #tpu.memory_space<vmem>>
        %dma_start3A_441 = tpu.memref_squeeze %dma_start3A_440 : memref<1x128xi32, #tpu.memory_space<vmem>> -> memref<128xi32, #tpu.memory_space<vmem>>
        %dma_start3A_442 = arith.constant 0 : i32
        %dma_start3A_443 = arith.constant 0 : i32
        %dma_start3A_444 = tpu.memref_slice %arg2[%dma_start3A_442, %dma_start3A_443] : memref<10000x128xf32, #tpu.memory_space<hbm>> -> memref<10000x128xf32, #tpu.memory_space<hbm>>
        tpu.enqueue_indirect_dma source(%dma_start3A_444 : memref<10000x128xf32, #tpu.memory_space<hbm>>) target(%arg12 : memref<128x128xf32, #tpu.memory_space<vmem>>) offsets(%dma_start3A_441 : memref<128xi32, #tpu.memory_space<vmem>>) semaphore(%arg32 : memref<!tpu.dma_semaphore, #tpu.memory_space<semaphore_mem>>)
        %dma_start3A_445 = arith.constant 0 : i32
        %dma_start3A_446 = tpu.memref_slice %arg11[%add3A_438, %dma_start3A_445] : memref<40x128xi32, #tpu.memory_space<vmem>> -> memref<1x128xi32, #tpu.memory_space<vmem>>
        %dma_start3A_447 = tpu.memref_squeeze %dma_start3A_446 : memref<1x128xi32, #tpu.memory_space<vmem>> -> memref<128xi32, #tpu.memory_space<vmem>>
        %dma_start3A_448 = arith.constant 0 : i32
        %dma_start3A_449 = tpu.memref_slice %arg3[%dma_start3A_448] : memref<10000xf32, #tpu.memory_space<hbm>> -> memref<10000xf32, #tpu.memory_space<hbm>>
        tpu.enqueue_indirect_dma source(%dma_start3A_449 : memref<10000xf32, #tpu.memory_space<hbm>>) target(%arg17 : memref<128xf32, #tpu.memory_space<vmem>>) offsets(%dma_start3A_447 : memref<128xi32, #tpu.memory_space<vmem>>) semaphore(%arg32 : memref<!tpu.dma_semaphore, #tpu.memory_space<semaphore_mem>>)
        %dma_start3A_450 = arith.constant 0 : i32
        %dma_start3A_451 = tpu.memref_slice %arg11[%add3A_438, %dma_start3A_450] : memref<40x128xi32, #tpu.memory_space<vmem>> -> memref<1x128xi32, #tpu.memory_space<vmem>>
        %dma_start3A_452 = tpu.memref_squeeze %dma_start3A_451 : memref<1x128xi32, #tpu.memory_space<vmem>> -> memref<128xi32, #tpu.memory_space<vmem>>
        %dma_start3A_453 = arith.constant 0 : i32
        %dma_start3A_454 = tpu.memref_slice %arg4[%dma_start3A_453] : memref<10000xf32, #tpu.memory_space<hbm>> -> memref<10000xf32, #tpu.memory_space<hbm>>
        tpu.enqueue_indirect_dma source(%dma_start3A_454 : memref<10000xf32, #tpu.memory_space<hbm>>) target(%arg18 : memref<128xf32, #tpu.memory_space<vmem>>) offsets(%dma_start3A_452 : memref<128xi32, #tpu.memory_space<vmem>>) semaphore(%arg32 : memref<!tpu.dma_semaphore, #tpu.memory_space<semaphore_mem>>)
        %dma_start3A_455 = arith.constant 0 : i32
        %dma_start3A_456 = tpu.memref_slice %arg11[%add3A_438, %dma_start3A_455] : memref<40x128xi32, #tpu.memory_space<vmem>> -> memref<1x128xi32, #tpu.memory_space<vmem>>
        %dma_start3A_457 = tpu.memref_squeeze %dma_start3A_456 : memref<1x128xi32, #tpu.memory_space<vmem>> -> memref<128xi32, #tpu.memory_space<vmem>>
        %dma_start3A_458 = arith.constant 0 : i32
        %dma_start3A_459 = tpu.memref_slice %arg5[%dma_start3A_458] : memref<10000xf32, #tpu.memory_space<hbm>> -> memref<10000xf32, #tpu.memory_space<hbm>>
        tpu.enqueue_indirect_dma source(%dma_start3A_459 : memref<10000xf32, #tpu.memory_space<hbm>>) target(%arg19 : memref<128xf32, #tpu.memory_space<vmem>>) offsets(%dma_start3A_457 : memref<128xi32, #tpu.memory_space<vmem>>) semaphore(%arg32 : memref<!tpu.dma_semaphore, #tpu.memory_space<semaphore_mem>>)
      } else {
      }
      %mul3A_259 = arith.constant 5 : i32
      %mul3A_260 = arith.muli %scan3A_221, %mul3A_259 : i32
      %add3A_261 = arith.constant 1 : i32
      %add3A_262 = arith.addi %mul3A_260, %add3A_261 : i32
      %dma_wait3A_263 = arith.constant 0 : i32
      %dma_wait3A_264 = arith.constant 0 : i32
      %dma_wait3A_265 = tpu.memref_slice %arg2[%dma_wait3A_263, %dma_wait3A_264] : memref<10000x128xf32, #tpu.memory_space<hbm>> -> memref<128x128xf32, #tpu.memory_space<hbm>>
      %dma_wait3A_266 = arith.constant 0 : i32
      %dma_wait3A_267 = arith.constant 0 : i32
      %dma_wait3A_268 = tpu.memref_slice %arg2[%dma_wait3A_266, %dma_wait3A_267] : memref<10000x128xf32, #tpu.memory_space<hbm>> -> memref<128x128xf32, #tpu.memory_space<hbm>>
      tpu.wait_dma2 semaphore(%arg33 : memref<!tpu.dma_semaphore, #tpu.memory_space<semaphore_mem>>) src(%dma_wait3A_268 : memref<128x128xf32, #tpu.memory_space<hbm>>) dst(%arg13 : memref<128x128xf32, #tpu.memory_space<vmem>>)
      %dma_wait3A_269 = arith.constant 0 : i32
      %dma_wait3A_270 = tpu.memref_slice %arg3[%dma_wait3A_269] : memref<10000xf32, #tpu.memory_space<hbm>> -> memref<128xf32, #tpu.memory_space<hbm>>
      %dma_wait3A_271 = arith.constant 0 : i32
      %dma_wait3A_272 = tpu.memref_slice %arg3[%dma_wait3A_271] : memref<10000xf32, #tpu.memory_space<hbm>> -> memref<128xf32, #tpu.memory_space<hbm>>
      tpu.wait_dma2 semaphore(%arg33 : memref<!tpu.dma_semaphore, #tpu.memory_space<semaphore_mem>>) src(%dma_wait3A_272 : memref<128xf32, #tpu.memory_space<hbm>>) dst(%arg20 : memref<128xf32, #tpu.memory_space<vmem>>)
      %dma_wait3A_273 = arith.constant 0 : i32
      %dma_wait3A_274 = tpu.memref_slice %arg4[%dma_wait3A_273] : memref<10000xf32, #tpu.memory_space<hbm>> -> memref<128xf32, #tpu.memory_space<hbm>>
      %dma_wait3A_275 = arith.constant 0 : i32
      %dma_wait3A_276 = tpu.memref_slice %arg4[%dma_wait3A_275] : memref<10000xf32, #tpu.memory_space<hbm>> -> memref<128xf32, #tpu.memory_space<hbm>>
      tpu.wait_dma2 semaphore(%arg33 : memref<!tpu.dma_semaphore, #tpu.memory_space<semaphore_mem>>) src(%dma_wait3A_276 : memref<128xf32, #tpu.memory_space<hbm>>) dst(%arg21 : memref<128xf32, #tpu.memory_space<vmem>>)
      %dma_wait3A_277 = arith.constant 0 : i32
      %dma_wait3A_278 = tpu.memref_slice %arg5[%dma_wait3A_277] : memref<10000xf32, #tpu.memory_space<hbm>> -> memref<128xf32, #tpu.memory_space<hbm>>
      %dma_wait3A_279 = arith.constant 0 : i32
      %dma_wait3A_280 = tpu.memref_slice %arg5[%dma_wait3A_279] : memref<10000xf32, #tpu.memory_space<hbm>> -> memref<128xf32, #tpu.memory_space<hbm>>
      tpu.wait_dma2 semaphore(%arg33 : memref<!tpu.dma_semaphore, #tpu.memory_space<semaphore_mem>>) src(%dma_wait3A_280 : memref<128xf32, #tpu.memory_space<hbm>>) dst(%arg22 : memref<128xf32, #tpu.memory_space<vmem>>)
      %mul3A_281 = arith.constant 128 : i32
      %mul3A_282 = arith.muli %add3A_262, %mul3A_281 : i32
      %add3A_283 = arith.addi %mul3A_2, %mul3A_282 : i32
      %dma_start3A_284 = arith.constant 0 : i32
      %dma_start3A_285 = tpu.memref_slice %arg7[%add3A_283, %dma_start3A_284] : memref<163840x128xf32, #tpu.memory_space<hbm>> -> memref<128x128xf32, #tpu.memory_space<hbm>>
      %dma_start3A_286 = arith.constant 0 : i32
      %dma_start3A_287 = tpu.memref_slice %arg7[%add3A_283, %dma_start3A_286] : memref<163840x128xf32, #tpu.memory_space<hbm>> -> memref<128x128xf32, #tpu.memory_space<hbm>>
      tpu.enqueue_dma source(%arg13 : memref<128x128xf32, #tpu.memory_space<vmem>>) target(%dma_start3A_287 : memref<128x128xf32, #tpu.memory_space<hbm>>) target_semaphore(%arg38 : memref<!tpu.dma_semaphore, #tpu.memory_space<semaphore_mem>>)
      %dma_start3A_288 = tpu.memref_slice %arg8[%add3A_283] : memref<163840xf32, #tpu.memory_space<hbm>> -> memref<128xf32, #tpu.memory_space<hbm>>
      %dma_start3A_289 = tpu.memref_slice %arg8[%add3A_283] : memref<163840xf32, #tpu.memory_space<hbm>> -> memref<128xf32, #tpu.memory_space<hbm>>
      tpu.enqueue_dma source(%arg20 : memref<128xf32, #tpu.memory_space<vmem>>) target(%dma_start3A_289 : memref<128xf32, #tpu.memory_space<hbm>>) target_semaphore(%arg38 : memref<!tpu.dma_semaphore, #tpu.memory_space<semaphore_mem>>)
      %dma_start3A_290 = tpu.memref_slice %arg9[%add3A_283] : memref<163840xf32, #tpu.memory_space<hbm>> -> memref<128xf32, #tpu.memory_space<hbm>>
      %dma_start3A_291 = tpu.memref_slice %arg9[%add3A_283] : memref<163840xf32, #tpu.memory_space<hbm>> -> memref<128xf32, #tpu.memory_space<hbm>>
      tpu.enqueue_dma source(%arg21 : memref<128xf32, #tpu.memory_space<vmem>>) target(%dma_start3A_291 : memref<128xf32, #tpu.memory_space<hbm>>) target_semaphore(%arg38 : memref<!tpu.dma_semaphore, #tpu.memory_space<semaphore_mem>>)
      %dma_start3A_292 = tpu.memref_slice %arg10[%add3A_283] : memref<163840xf32, #tpu.memory_space<hbm>> -> memref<128xf32, #tpu.memory_space<hbm>>
      %dma_start3A_293 = tpu.memref_slice %arg10[%add3A_283] : memref<163840xf32, #tpu.memory_space<hbm>> -> memref<128xf32, #tpu.memory_space<hbm>>
      tpu.enqueue_dma source(%arg22 : memref<128xf32, #tpu.memory_space<vmem>>) target(%dma_start3A_293 : memref<128xf32, #tpu.memory_space<hbm>>) target_semaphore(%arg38 : memref<!tpu.dma_semaphore, #tpu.memory_space<semaphore_mem>>)
      %lt3A_294 = arith.constant 7 : i32
      %lt3A_295 = arith.cmpi slt, %scan3A_221, %lt3A_294 : i32
      %convert_element_type3A_296 = arith.extui %lt3A_295 : i1 to i32
      %cond3A_297 = arith.constant 0 : i32
      %cond3A_298 = arith.cmpi ne, %convert_element_type3A_296, %cond3A_297 : i32
      scf.if %cond3A_298 {
        %dma_wait3A_419 = arith.constant 0 : i32
        %dma_wait3A_420 = arith.constant 0 : i32
        %dma_wait3A_421 = tpu.memref_slice %arg7[%dma_wait3A_419, %dma_wait3A_420] : memref<163840x128xf32, #tpu.memory_space<hbm>> -> memref<128x128xf32, #tpu.memory_space<hbm>>
        %dma_wait3A_422 = arith.constant 0 : i32
        %dma_wait3A_423 = arith.constant 0 : i32
        %dma_wait3A_424 = tpu.memref_slice %arg7[%dma_wait3A_422, %dma_wait3A_423] : memref<163840x128xf32, #tpu.memory_space<hbm>> -> memref<128x128xf32, #tpu.memory_space<hbm>>
        tpu.wait_dma2 semaphore(%arg38 : memref<!tpu.dma_semaphore, #tpu.memory_space<semaphore_mem>>) src(%arg13 : memref<128x128xf32, #tpu.memory_space<vmem>>) dst(%dma_wait3A_424 : memref<128x128xf32, #tpu.memory_space<hbm>>)
        %dma_wait3A_425 = arith.constant 0 : i32
        %dma_wait3A_426 = tpu.memref_slice %arg8[%dma_wait3A_425] : memref<163840xf32, #tpu.memory_space<hbm>> -> memref<128xf32, #tpu.memory_space<hbm>>
        %dma_wait3A_427 = arith.constant 0 : i32
        %dma_wait3A_428 = tpu.memref_slice %arg8[%dma_wait3A_427] : memref<163840xf32, #tpu.memory_space<hbm>> -> memref<128xf32, #tpu.memory_space<hbm>>
        tpu.wait_dma2 semaphore(%arg38 : memref<!tpu.dma_semaphore, #tpu.memory_space<semaphore_mem>>) src(%arg20 : memref<128xf32, #tpu.memory_space<vmem>>) dst(%dma_wait3A_428 : memref<128xf32, #tpu.memory_space<hbm>>)
        %dma_wait3A_429 = arith.constant 0 : i32
        %dma_wait3A_430 = tpu.memref_slice %arg9[%dma_wait3A_429] : memref<163840xf32, #tpu.memory_space<hbm>> -> memref<128xf32, #tpu.memory_space<hbm>>
        %dma_wait3A_431 = arith.constant 0 : i32
        %dma_wait3A_432 = tpu.memref_slice %arg9[%dma_wait3A_431] : memref<163840xf32, #tpu.memory_space<hbm>> -> memref<128xf32, #tpu.memory_space<hbm>>
        tpu.wait_dma2 semaphore(%arg38 : memref<!tpu.dma_semaphore, #tpu.memory_space<semaphore_mem>>) src(%arg21 : memref<128xf32, #tpu.memory_space<vmem>>) dst(%dma_wait3A_432 : memref<128xf32, #tpu.memory_space<hbm>>)
        %dma_wait3A_433 = arith.constant 0 : i32
        %dma_wait3A_434 = tpu.memref_slice %arg10[%dma_wait3A_433] : memref<163840xf32, #tpu.memory_space<hbm>> -> memref<128xf32, #tpu.memory_space<hbm>>
        %dma_wait3A_435 = arith.constant 0 : i32
        %dma_wait3A_436 = tpu.memref_slice %arg10[%dma_wait3A_435] : memref<163840xf32, #tpu.memory_space<hbm>> -> memref<128xf32, #tpu.memory_space<hbm>>
        tpu.wait_dma2 semaphore(%arg38 : memref<!tpu.dma_semaphore, #tpu.memory_space<semaphore_mem>>) src(%arg22 : memref<128xf32, #tpu.memory_space<vmem>>) dst(%dma_wait3A_436 : memref<128xf32, #tpu.memory_space<hbm>>)
        %add3A_437 = arith.constant 5 : i32
        %add3A_438 = arith.addi %add3A_262, %add3A_437 : i32
        %dma_start3A_439 = arith.constant 0 : i32
        %dma_start3A_440 = tpu.memref_slice %arg11[%add3A_438, %dma_start3A_439] : memref<40x128xi32, #tpu.memory_space<vmem>> -> memref<1x128xi32, #tpu.memory_space<vmem>>
        %dma_start3A_441 = tpu.memref_squeeze %dma_start3A_440 : memref<1x128xi32, #tpu.memory_space<vmem>> -> memref<128xi32, #tpu.memory_space<vmem>>
        %dma_start3A_442 = arith.constant 0 : i32
        %dma_start3A_443 = arith.constant 0 : i32
        %dma_start3A_444 = tpu.memref_slice %arg2[%dma_start3A_442, %dma_start3A_443] : memref<10000x128xf32, #tpu.memory_space<hbm>> -> memref<10000x128xf32, #tpu.memory_space<hbm>>
        tpu.enqueue_indirect_dma source(%dma_start3A_444 : memref<10000x128xf32, #tpu.memory_space<hbm>>) target(%arg13 : memref<128x128xf32, #tpu.memory_space<vmem>>) offsets(%dma_start3A_441 : memref<128xi32, #tpu.memory_space<vmem>>) semaphore(%arg33 : memref<!tpu.dma_semaphore, #tpu.memory_space<semaphore_mem>>)
        %dma_start3A_445 = arith.constant 0 : i32
        %dma_start3A_446 = tpu.memref_slice %arg11[%add3A_438, %dma_start3A_445] : memref<40x128xi32, #tpu.memory_space<vmem>> -> memref<1x128xi32, #tpu.memory_space<vmem>>
        %dma_start3A_447 = tpu.memref_squeeze %dma_start3A_446 : memref<1x128xi32, #tpu.memory_space<vmem>> -> memref<128xi32, #tpu.memory_space<vmem>>
        %dma_start3A_448 = arith.constant 0 : i32
        %dma_start3A_449 = tpu.memref_slice %arg3[%dma_start3A_448] : memref<10000xf32, #tpu.memory_space<hbm>> -> memref<10000xf32, #tpu.memory_space<hbm>>
        tpu.enqueue_indirect_dma source(%dma_start3A_449 : memref<10000xf32, #tpu.memory_space<hbm>>) target(%arg20 : memref<128xf32, #tpu.memory_space<vmem>>) offsets(%dma_start3A_447 : memref<128xi32, #tpu.memory_space<vmem>>) semaphore(%arg33 : memref<!tpu.dma_semaphore, #tpu.memory_space<semaphore_mem>>)
        %dma_start3A_450 = arith.constant 0 : i32
        %dma_start3A_451 = tpu.memref_slice %arg11[%add3A_438, %dma_start3A_450] : memref<40x128xi32, #tpu.memory_space<vmem>> -> memref<1x128xi32, #tpu.memory_space<vmem>>
        %dma_start3A_452 = tpu.memref_squeeze %dma_start3A_451 : memref<1x128xi32, #tpu.memory_space<vmem>> -> memref<128xi32, #tpu.memory_space<vmem>>
        %dma_start3A_453 = arith.constant 0 : i32
        %dma_start3A_454 = tpu.memref_slice %arg4[%dma_start3A_453] : memref<10000xf32, #tpu.memory_space<hbm>> -> memref<10000xf32, #tpu.memory_space<hbm>>
        tpu.enqueue_indirect_dma source(%dma_start3A_454 : memref<10000xf32, #tpu.memory_space<hbm>>) target(%arg21 : memref<128xf32, #tpu.memory_space<vmem>>) offsets(%dma_start3A_452 : memref<128xi32, #tpu.memory_space<vmem>>) semaphore(%arg33 : memref<!tpu.dma_semaphore, #tpu.memory_space<semaphore_mem>>)
        %dma_start3A_455 = arith.constant 0 : i32
        %dma_start3A_456 = tpu.memref_slice %arg11[%add3A_438, %dma_start3A_455] : memref<40x128xi32, #tpu.memory_space<vmem>> -> memref<1x128xi32, #tpu.memory_space<vmem>>
        %dma_start3A_457 = tpu.memref_squeeze %dma_start3A_456 : memref<1x128xi32, #tpu.memory_space<vmem>> -> memref<128xi32, #tpu.memory_space<vmem>>
        %dma_start3A_458 = arith.constant 0 : i32
        %dma_start3A_459 = tpu.memref_slice %arg5[%dma_start3A_458] : memref<10000xf32, #tpu.memory_space<hbm>> -> memref<10000xf32, #tpu.memory_space<hbm>>
        tpu.enqueue_indirect_dma source(%dma_start3A_459 : memref<10000xf32, #tpu.memory_space<hbm>>) target(%arg22 : memref<128xf32, #tpu.memory_space<vmem>>) offsets(%dma_start3A_457 : memref<128xi32, #tpu.memory_space<vmem>>) semaphore(%arg33 : memref<!tpu.dma_semaphore, #tpu.memory_space<semaphore_mem>>)
      } else {
      }
      %mul3A_299 = arith.constant 5 : i32
      %mul3A_300 = arith.muli %scan3A_221, %mul3A_299 : i32
      %add3A_301 = arith.constant 2 : i32
      %add3A_302 = arith.addi %mul3A_300, %add3A_301 : i32
      %dma_wait3A_303 = arith.constant 0 : i32
      %dma_wait3A_304 = arith.constant 0 : i32
      %dma_wait3A_305 = tpu.memref_slice %arg2[%dma_wait3A_303, %dma_wait3A_304] : memref<10000x128xf32, #tpu.memory_space<hbm>> -> memref<128x128xf32, #tpu.memory_space<hbm>>
      %dma_wait3A_306 = arith.constant 0 : i32
      %dma_wait3A_307 = arith.constant 0 : i32
      %dma_wait3A_308 = tpu.memref_slice %arg2[%dma_wait3A_306, %dma_wait3A_307] : memref<10000x128xf32, #tpu.memory_space<hbm>> -> memref<128x128xf32, #tpu.memory_space<hbm>>
      tpu.wait_dma2 semaphore(%arg34 : memref<!tpu.dma_semaphore, #tpu.memory_space<semaphore_mem>>) src(%dma_wait3A_308 : memref<128x128xf32, #tpu.memory_space<hbm>>) dst(%arg14 : memref<128x128xf32, #tpu.memory_space<vmem>>)
      %dma_wait3A_309 = arith.constant 0 : i32
      %dma_wait3A_310 = tpu.memref_slice %arg3[%dma_wait3A_309] : memref<10000xf32, #tpu.memory_space<hbm>> -> memref<128xf32, #tpu.memory_space<hbm>>
      %dma_wait3A_311 = arith.constant 0 : i32
      %dma_wait3A_312 = tpu.memref_slice %arg3[%dma_wait3A_311] : memref<10000xf32, #tpu.memory_space<hbm>> -> memref<128xf32, #tpu.memory_space<hbm>>
      tpu.wait_dma2 semaphore(%arg34 : memref<!tpu.dma_semaphore, #tpu.memory_space<semaphore_mem>>) src(%dma_wait3A_312 : memref<128xf32, #tpu.memory_space<hbm>>) dst(%arg23 : memref<128xf32, #tpu.memory_space<vmem>>)
      %dma_wait3A_313 = arith.constant 0 : i32
      %dma_wait3A_314 = tpu.memref_slice %arg4[%dma_wait3A_313] : memref<10000xf32, #tpu.memory_space<hbm>> -> memref<128xf32, #tpu.memory_space<hbm>>
      %dma_wait3A_315 = arith.constant 0 : i32
      %dma_wait3A_316 = tpu.memref_slice %arg4[%dma_wait3A_315] : memref<10000xf32, #tpu.memory_space<hbm>> -> memref<128xf32, #tpu.memory_space<hbm>>
      tpu.wait_dma2 semaphore(%arg34 : memref<!tpu.dma_semaphore, #tpu.memory_space<semaphore_mem>>) src(%dma_wait3A_316 : memref<128xf32, #tpu.memory_space<hbm>>) dst(%arg24 : memref<128xf32, #tpu.memory_space<vmem>>)
      %dma_wait3A_317 = arith.constant 0 : i32
      %dma_wait3A_318 = tpu.memref_slice %arg5[%dma_wait3A_317] : memref<10000xf32, #tpu.memory_space<hbm>> -> memref<128xf32, #tpu.memory_space<hbm>>
      %dma_wait3A_319 = arith.constant 0 : i32
      %dma_wait3A_320 = tpu.memref_slice %arg5[%dma_wait3A_319] : memref<10000xf32, #tpu.memory_space<hbm>> -> memref<128xf32, #tpu.memory_space<hbm>>
      tpu.wait_dma2 semaphore(%arg34 : memref<!tpu.dma_semaphore, #tpu.memory_space<semaphore_mem>>) src(%dma_wait3A_320 : memref<128xf32, #tpu.memory_space<hbm>>) dst(%arg25 : memref<128xf32, #tpu.memory_space<vmem>>)
      %mul3A_321 = arith.constant 128 : i32
      %mul3A_322 = arith.muli %add3A_302, %mul3A_321 : i32
      %add3A_323 = arith.addi %mul3A_2, %mul3A_322 : i32
      %dma_start3A_324 = arith.constant 0 : i32
      %dma_start3A_325 = tpu.memref_slice %arg7[%add3A_323, %dma_start3A_324] : memref<163840x128xf32, #tpu.memory_space<hbm>> -> memref<128x128xf32, #tpu.memory_space<hbm>>
      %dma_start3A_326 = arith.constant 0 : i32
      %dma_start3A_327 = tpu.memref_slice %arg7[%add3A_323, %dma_start3A_326] : memref<163840x128xf32, #tpu.memory_space<hbm>> -> memref<128x128xf32, #tpu.memory_space<hbm>>
      tpu.enqueue_dma source(%arg14 : memref<128x128xf32, #tpu.memory_space<vmem>>) target(%dma_start3A_327 : memref<128x128xf32, #tpu.memory_space<hbm>>) target_semaphore(%arg39 : memref<!tpu.dma_semaphore, #tpu.memory_space<semaphore_mem>>)
      %dma_start3A_328 = tpu.memref_slice %arg8[%add3A_323] : memref<163840xf32, #tpu.memory_space<hbm>> -> memref<128xf32, #tpu.memory_space<hbm>>
      %dma_start3A_329 = tpu.memref_slice %arg8[%add3A_323] : memref<163840xf32, #tpu.memory_space<hbm>> -> memref<128xf32, #tpu.memory_space<hbm>>
      tpu.enqueue_dma source(%arg23 : memref<128xf32, #tpu.memory_space<vmem>>) target(%dma_start3A_329 : memref<128xf32, #tpu.memory_space<hbm>>) target_semaphore(%arg39 : memref<!tpu.dma_semaphore, #tpu.memory_space<semaphore_mem>>)
      %dma_start3A_330 = tpu.memref_slice %arg9[%add3A_323] : memref<163840xf32, #tpu.memory_space<hbm>> -> memref<128xf32, #tpu.memory_space<hbm>>
      %dma_start3A_331 = tpu.memref_slice %arg9[%add3A_323] : memref<163840xf32, #tpu.memory_space<hbm>> -> memref<128xf32, #tpu.memory_space<hbm>>
      tpu.enqueue_dma source(%arg24 : memref<128xf32, #tpu.memory_space<vmem>>) target(%dma_start3A_331 : memref<128xf32, #tpu.memory_space<hbm>>) target_semaphore(%arg39 : memref<!tpu.dma_semaphore, #tpu.memory_space<semaphore_mem>>)
      %dma_start3A_332 = tpu.memref_slice %arg10[%add3A_323] : memref<163840xf32, #tpu.memory_space<hbm>> -> memref<128xf32, #tpu.memory_space<hbm>>
      %dma_start3A_333 = tpu.memref_slice %arg10[%add3A_323] : memref<163840xf32, #tpu.memory_space<hbm>> -> memref<128xf32, #tpu.memory_space<hbm>>
      tpu.enqueue_dma source(%arg25 : memref<128xf32, #tpu.memory_space<vmem>>) target(%dma_start3A_333 : memref<128xf32, #tpu.memory_space<hbm>>) target_semaphore(%arg39 : memref<!tpu.dma_semaphore, #tpu.memory_space<semaphore_mem>>)
      %lt3A_334 = arith.constant 7 : i32
      %lt3A_335 = arith.cmpi slt, %scan3A_221, %lt3A_334 : i32
      %convert_element_type3A_336 = arith.extui %lt3A_335 : i1 to i32
      %cond3A_337 = arith.constant 0 : i32
      %cond3A_338 = arith.cmpi ne, %convert_element_type3A_336, %cond3A_337 : i32
      scf.if %cond3A_338 {
        %dma_wait3A_419 = arith.constant 0 : i32
        %dma_wait3A_420 = arith.constant 0 : i32
        %dma_wait3A_421 = tpu.memref_slice %arg7[%dma_wait3A_419, %dma_wait3A_420] : memref<163840x128xf32, #tpu.memory_space<hbm>> -> memref<128x128xf32, #tpu.memory_space<hbm>>
        %dma_wait3A_422 = arith.constant 0 : i32
        %dma_wait3A_423 = arith.constant 0 : i32
        %dma_wait3A_424 = tpu.memref_slice %arg7[%dma_wait3A_422, %dma_wait3A_423] : memref<163840x128xf32, #tpu.memory_space<hbm>> -> memref<128x128xf32, #tpu.memory_space<hbm>>
        tpu.wait_dma2 semaphore(%arg39 : memref<!tpu.dma_semaphore, #tpu.memory_space<semaphore_mem>>) src(%arg14 : memref<128x128xf32, #tpu.memory_space<vmem>>) dst(%dma_wait3A_424 : memref<128x128xf32, #tpu.memory_space<hbm>>)
        %dma_wait3A_425 = arith.constant 0 : i32
        %dma_wait3A_426 = tpu.memref_slice %arg8[%dma_wait3A_425] : memref<163840xf32, #tpu.memory_space<hbm>> -> memref<128xf32, #tpu.memory_space<hbm>>
        %dma_wait3A_427 = arith.constant 0 : i32
        %dma_wait3A_428 = tpu.memref_slice %arg8[%dma_wait3A_427] : memref<163840xf32, #tpu.memory_space<hbm>> -> memref<128xf32, #tpu.memory_space<hbm>>
        tpu.wait_dma2 semaphore(%arg39 : memref<!tpu.dma_semaphore, #tpu.memory_space<semaphore_mem>>) src(%arg23 : memref<128xf32, #tpu.memory_space<vmem>>) dst(%dma_wait3A_428 : memref<128xf32, #tpu.memory_space<hbm>>)
        %dma_wait3A_429 = arith.constant 0 : i32
        %dma_wait3A_430 = tpu.memref_slice %arg9[%dma_wait3A_429] : memref<163840xf32, #tpu.memory_space<hbm>> -> memref<128xf32, #tpu.memory_space<hbm>>
        %dma_wait3A_431 = arith.constant 0 : i32
        %dma_wait3A_432 = tpu.memref_slice %arg9[%dma_wait3A_431] : memref<163840xf32, #tpu.memory_space<hbm>> -> memref<128xf32, #tpu.memory_space<hbm>>
        tpu.wait_dma2 semaphore(%arg39 : memref<!tpu.dma_semaphore, #tpu.memory_space<semaphore_mem>>) src(%arg24 : memref<128xf32, #tpu.memory_space<vmem>>) dst(%dma_wait3A_432 : memref<128xf32, #tpu.memory_space<hbm>>)
        %dma_wait3A_433 = arith.constant 0 : i32
        %dma_wait3A_434 = tpu.memref_slice %arg10[%dma_wait3A_433] : memref<163840xf32, #tpu.memory_space<hbm>> -> memref<128xf32, #tpu.memory_space<hbm>>
        %dma_wait3A_435 = arith.constant 0 : i32
        %dma_wait3A_436 = tpu.memref_slice %arg10[%dma_wait3A_435] : memref<163840xf32, #tpu.memory_space<hbm>> -> memref<128xf32, #tpu.memory_space<hbm>>
        tpu.wait_dma2 semaphore(%arg39 : memref<!tpu.dma_semaphore, #tpu.memory_space<semaphore_mem>>) src(%arg25 : memref<128xf32, #tpu.memory_space<vmem>>) dst(%dma_wait3A_436 : memref<128xf32, #tpu.memory_space<hbm>>)
        %add3A_437 = arith.constant 5 : i32
        %add3A_438 = arith.addi %add3A_302, %add3A_437 : i32
        %dma_start3A_439 = arith.constant 0 : i32
        %dma_start3A_440 = tpu.memref_slice %arg11[%add3A_438, %dma_start3A_439] : memref<40x128xi32, #tpu.memory_space<vmem>> -> memref<1x128xi32, #tpu.memory_space<vmem>>
        %dma_start3A_441 = tpu.memref_squeeze %dma_start3A_440 : memref<1x128xi32, #tpu.memory_space<vmem>> -> memref<128xi32, #tpu.memory_space<vmem>>
        %dma_start3A_442 = arith.constant 0 : i32
        %dma_start3A_443 = arith.constant 0 : i32
        %dma_start3A_444 = tpu.memref_slice %arg2[%dma_start3A_442, %dma_start3A_443] : memref<10000x128xf32, #tpu.memory_space<hbm>> -> memref<10000x128xf32, #tpu.memory_space<hbm>>
        tpu.enqueue_indirect_dma source(%dma_start3A_444 : memref<10000x128xf32, #tpu.memory_space<hbm>>) target(%arg14 : memref<128x128xf32, #tpu.memory_space<vmem>>) offsets(%dma_start3A_441 : memref<128xi32, #tpu.memory_space<vmem>>) semaphore(%arg34 : memref<!tpu.dma_semaphore, #tpu.memory_space<semaphore_mem>>)
        %dma_start3A_445 = arith.constant 0 : i32
        %dma_start3A_446 = tpu.memref_slice %arg11[%add3A_438, %dma_start3A_445] : memref<40x128xi32, #tpu.memory_space<vmem>> -> memref<1x128xi32, #tpu.memory_space<vmem>>
        %dma_start3A_447 = tpu.memref_squeeze %dma_start3A_446 : memref<1x128xi32, #tpu.memory_space<vmem>> -> memref<128xi32, #tpu.memory_space<vmem>>
        %dma_start3A_448 = arith.constant 0 : i32
        %dma_start3A_449 = tpu.memref_slice %arg3[%dma_start3A_448] : memref<10000xf32, #tpu.memory_space<hbm>> -> memref<10000xf32, #tpu.memory_space<hbm>>
        tpu.enqueue_indirect_dma source(%dma_start3A_449 : memref<10000xf32, #tpu.memory_space<hbm>>) target(%arg23 : memref<128xf32, #tpu.memory_space<vmem>>) offsets(%dma_start3A_447 : memref<128xi32, #tpu.memory_space<vmem>>) semaphore(%arg34 : memref<!tpu.dma_semaphore, #tpu.memory_space<semaphore_mem>>)
        %dma_start3A_450 = arith.constant 0 : i32
        %dma_start3A_451 = tpu.memref_slice %arg11[%add3A_438, %dma_start3A_450] : memref<40x128xi32, #tpu.memory_space<vmem>> -> memref<1x128xi32, #tpu.memory_space<vmem>>
        %dma_start3A_452 = tpu.memref_squeeze %dma_start3A_451 : memref<1x128xi32, #tpu.memory_space<vmem>> -> memref<128xi32, #tpu.memory_space<vmem>>
        %dma_start3A_453 = arith.constant 0 : i32
        %dma_start3A_454 = tpu.memref_slice %arg4[%dma_start3A_453] : memref<10000xf32, #tpu.memory_space<hbm>> -> memref<10000xf32, #tpu.memory_space<hbm>>
        tpu.enqueue_indirect_dma source(%dma_start3A_454 : memref<10000xf32, #tpu.memory_space<hbm>>) target(%arg24 : memref<128xf32, #tpu.memory_space<vmem>>) offsets(%dma_start3A_452 : memref<128xi32, #tpu.memory_space<vmem>>) semaphore(%arg34 : memref<!tpu.dma_semaphore, #tpu.memory_space<semaphore_mem>>)
        %dma_start3A_455 = arith.constant 0 : i32
        %dma_start3A_456 = tpu.memref_slice %arg11[%add3A_438, %dma_start3A_455] : memref<40x128xi32, #tpu.memory_space<vmem>> -> memref<1x128xi32, #tpu.memory_space<vmem>>
        %dma_start3A_457 = tpu.memref_squeeze %dma_start3A_456 : memref<1x128xi32, #tpu.memory_space<vmem>> -> memref<128xi32, #tpu.memory_space<vmem>>
        %dma_start3A_458 = arith.constant 0 : i32
        %dma_start3A_459 = tpu.memref_slice %arg5[%dma_start3A_458] : memref<10000xf32, #tpu.memory_space<hbm>> -> memref<10000xf32, #tpu.memory_space<hbm>>
        tpu.enqueue_indirect_dma source(%dma_start3A_459 : memref<10000xf32, #tpu.memory_space<hbm>>) target(%arg25 : memref<128xf32, #tpu.memory_space<vmem>>) offsets(%dma_start3A_457 : memref<128xi32, #tpu.memory_space<vmem>>) semaphore(%arg34 : memref<!tpu.dma_semaphore, #tpu.memory_space<semaphore_mem>>)
      } else {
      }
      %mul3A_339 = arith.constant 5 : i32
      %mul3A_340 = arith.muli %scan3A_221, %mul3A_339 : i32
      %add3A_341 = arith.constant 3 : i32
      %add3A_342 = arith.addi %mul3A_340, %add3A_341 : i32
      %dma_wait3A_343 = arith.constant 0 : i32
      %dma_wait3A_344 = arith.constant 0 : i32
      %dma_wait3A_345 = tpu.memref_slice %arg2[%dma_wait3A_343, %dma_wait3A_344] : memref<10000x128xf32, #tpu.memory_space<hbm>> -> memref<128x128xf32, #tpu.memory_space<hbm>>
      %dma_wait3A_346 = arith.constant 0 : i32
      %dma_wait3A_347 = arith.constant 0 : i32
      %dma_wait3A_348 = tpu.memref_slice %arg2[%dma_wait3A_346, %dma_wait3A_347] : memref<10000x128xf32, #tpu.memory_space<hbm>> -> memref<128x128xf32, #tpu.memory_space<hbm>>
      tpu.wait_dma2 semaphore(%arg35 : memref<!tpu.dma_semaphore, #tpu.memory_space<semaphore_mem>>) src(%dma_wait3A_348 : memref<128x128xf32, #tpu.memory_space<hbm>>) dst(%arg15 : memref<128x128xf32, #tpu.memory_space<vmem>>)
      %dma_wait3A_349 = arith.constant 0 : i32
      %dma_wait3A_350 = tpu.memref_slice %arg3[%dma_wait3A_349] : memref<10000xf32, #tpu.memory_space<hbm>> -> memref<128xf32, #tpu.memory_space<hbm>>
      %dma_wait3A_351 = arith.constant 0 : i32
      %dma_wait3A_352 = tpu.memref_slice %arg3[%dma_wait3A_351] : memref<10000xf32, #tpu.memory_space<hbm>> -> memref<128xf32, #tpu.memory_space<hbm>>
      tpu.wait_dma2 semaphore(%arg35 : memref<!tpu.dma_semaphore, #tpu.memory_space<semaphore_mem>>) src(%dma_wait3A_352 : memref<128xf32, #tpu.memory_space<hbm>>) dst(%arg26 : memref<128xf32, #tpu.memory_space<vmem>>)
      %dma_wait3A_353 = arith.constant 0 : i32
      %dma_wait3A_354 = tpu.memref_slice %arg4[%dma_wait3A_353] : memref<10000xf32, #tpu.memory_space<hbm>> -> memref<128xf32, #tpu.memory_space<hbm>>
      %dma_wait3A_355 = arith.constant 0 : i32
      %dma_wait3A_356 = tpu.memref_slice %arg4[%dma_wait3A_355] : memref<10000xf32, #tpu.memory_space<hbm>> -> memref<128xf32, #tpu.memory_space<hbm>>
      tpu.wait_dma2 semaphore(%arg35 : memref<!tpu.dma_semaphore, #tpu.memory_space<semaphore_mem>>) src(%dma_wait3A_356 : memref<128xf32, #tpu.memory_space<hbm>>) dst(%arg27 : memref<128xf32, #tpu.memory_space<vmem>>)
      %dma_wait3A_357 = arith.constant 0 : i32
      %dma_wait3A_358 = tpu.memref_slice %arg5[%dma_wait3A_357] : memref<10000xf32, #tpu.memory_space<hbm>> -> memref<128xf32, #tpu.memory_space<hbm>>
      %dma_wait3A_359 = arith.constant 0 : i32
      %dma_wait3A_360 = tpu.memref_slice %arg5[%dma_wait3A_359] : memref<10000xf32, #tpu.memory_space<hbm>> -> memref<128xf32, #tpu.memory_space<hbm>>
      tpu.wait_dma2 semaphore(%arg35 : memref<!tpu.dma_semaphore, #tpu.memory_space<semaphore_mem>>) src(%dma_wait3A_360 : memref<128xf32, #tpu.memory_space<hbm>>) dst(%arg28 : memref<128xf32, #tpu.memory_space<vmem>>)
      %mul3A_361 = arith.constant 128 : i32
      %mul3A_362 = arith.muli %add3A_342, %mul3A_361 : i32
      %add3A_363 = arith.addi %mul3A_2, %mul3A_362 : i32
      %dma_start3A_364 = arith.constant 0 : i32
      %dma_start3A_365 = tpu.memref_slice %arg7[%add3A_363, %dma_start3A_364] : memref<163840x128xf32, #tpu.memory_space<hbm>> -> memref<128x128xf32, #tpu.memory_space<hbm>>
      %dma_start3A_366 = arith.constant 0 : i32
      %dma_start3A_367 = tpu.memref_slice %arg7[%add3A_363, %dma_start3A_366] : memref<163840x128xf32, #tpu.memory_space<hbm>> -> memref<128x128xf32, #tpu.memory_space<hbm>>
      tpu.enqueue_dma source(%arg15 : memref<128x128xf32, #tpu.memory_space<vmem>>) target(%dma_start3A_367 : memref<128x128xf32, #tpu.memory_space<hbm>>) target_semaphore(%arg40 : memref<!tpu.dma_semaphore, #tpu.memory_space<semaphore_mem>>)
      %dma_start3A_368 = tpu.memref_slice %arg8[%add3A_363] : memref<163840xf32, #tpu.memory_space<hbm>> -> memref<128xf32, #tpu.memory_space<hbm>>
      %dma_start3A_369 = tpu.memref_slice %arg8[%add3A_363] : memref<163840xf32, #tpu.memory_space<hbm>> -> memref<128xf32, #tpu.memory_space<hbm>>
      tpu.enqueue_dma source(%arg26 : memref<128xf32, #tpu.memory_space<vmem>>) target(%dma_start3A_369 : memref<128xf32, #tpu.memory_space<hbm>>) target_semaphore(%arg40 : memref<!tpu.dma_semaphore, #tpu.memory_space<semaphore_mem>>)
      %dma_start3A_370 = tpu.memref_slice %arg9[%add3A_363] : memref<163840xf32, #tpu.memory_space<hbm>> -> memref<128xf32, #tpu.memory_space<hbm>>
      %dma_start3A_371 = tpu.memref_slice %arg9[%add3A_363] : memref<163840xf32, #tpu.memory_space<hbm>> -> memref<128xf32, #tpu.memory_space<hbm>>
      tpu.enqueue_dma source(%arg27 : memref<128xf32, #tpu.memory_space<vmem>>) target(%dma_start3A_371 : memref<128xf32, #tpu.memory_space<hbm>>) target_semaphore(%arg40 : memref<!tpu.dma_semaphore, #tpu.memory_space<semaphore_mem>>)
      %dma_start3A_372 = tpu.memref_slice %arg10[%add3A_363] : memref<163840xf32, #tpu.memory_space<hbm>> -> memref<128xf32, #tpu.memory_space<hbm>>
      %dma_start3A_373 = tpu.memref_slice %arg10[%add3A_363] : memref<163840xf32, #tpu.memory_space<hbm>> -> memref<128xf32, #tpu.memory_space<hbm>>
      tpu.enqueue_dma source(%arg28 : memref<128xf32, #tpu.memory_space<vmem>>) target(%dma_start3A_373 : memref<128xf32, #tpu.memory_space<hbm>>) target_semaphore(%arg40 : memref<!tpu.dma_semaphore, #tpu.memory_space<semaphore_mem>>)
      %lt3A_374 = arith.constant 7 : i32
      %lt3A_375 = arith.cmpi slt, %scan3A_221, %lt3A_374 : i32
      %convert_element_type3A_376 = arith.extui %lt3A_375 : i1 to i32
      %cond3A_377 = arith.constant 0 : i32
      %cond3A_378 = arith.cmpi ne, %convert_element_type3A_376, %cond3A_377 : i32
      scf.if %cond3A_378 {
        %dma_wait3A_419 = arith.constant 0 : i32
        %dma_wait3A_420 = arith.constant 0 : i32
        %dma_wait3A_421 = tpu.memref_slice %arg7[%dma_wait3A_419, %dma_wait3A_420] : memref<163840x128xf32, #tpu.memory_space<hbm>> -> memref<128x128xf32, #tpu.memory_space<hbm>>
        %dma_wait3A_422 = arith.constant 0 : i32
        %dma_wait3A_423 = arith.constant 0 : i32
        %dma_wait3A_424 = tpu.memref_slice %arg7[%dma_wait3A_422, %dma_wait3A_423] : memref<163840x128xf32, #tpu.memory_space<hbm>> -> memref<128x128xf32, #tpu.memory_space<hbm>>
        tpu.wait_dma2 semaphore(%arg40 : memref<!tpu.dma_semaphore, #tpu.memory_space<semaphore_mem>>) src(%arg15 : memref<128x128xf32, #tpu.memory_space<vmem>>) dst(%dma_wait3A_424 : memref<128x128xf32, #tpu.memory_space<hbm>>)
        %dma_wait3A_425 = arith.constant 0 : i32
        %dma_wait3A_426 = tpu.memref_slice %arg8[%dma_wait3A_425] : memref<163840xf32, #tpu.memory_space<hbm>> -> memref<128xf32, #tpu.memory_space<hbm>>
        %dma_wait3A_427 = arith.constant 0 : i32
        %dma_wait3A_428 = tpu.memref_slice %arg8[%dma_wait3A_427] : memref<163840xf32, #tpu.memory_space<hbm>> -> memref<128xf32, #tpu.memory_space<hbm>>
        tpu.wait_dma2 semaphore(%arg40 : memref<!tpu.dma_semaphore, #tpu.memory_space<semaphore_mem>>) src(%arg26 : memref<128xf32, #tpu.memory_space<vmem>>) dst(%dma_wait3A_428 : memref<128xf32, #tpu.memory_space<hbm>>)
        %dma_wait3A_429 = arith.constant 0 : i32
        %dma_wait3A_430 = tpu.memref_slice %arg9[%dma_wait3A_429] : memref<163840xf32, #tpu.memory_space<hbm>> -> memref<128xf32, #tpu.memory_space<hbm>>
        %dma_wait3A_431 = arith.constant 0 : i32
        %dma_wait3A_432 = tpu.memref_slice %arg9[%dma_wait3A_431] : memref<163840xf32, #tpu.memory_space<hbm>> -> memref<128xf32, #tpu.memory_space<hbm>>
        tpu.wait_dma2 semaphore(%arg40 : memref<!tpu.dma_semaphore, #tpu.memory_space<semaphore_mem>>) src(%arg27 : memref<128xf32, #tpu.memory_space<vmem>>) dst(%dma_wait3A_432 : memref<128xf32, #tpu.memory_space<hbm>>)
        %dma_wait3A_433 = arith.constant 0 : i32
        %dma_wait3A_434 = tpu.memref_slice %arg10[%dma_wait3A_433] : memref<163840xf32, #tpu.memory_space<hbm>> -> memref<128xf32, #tpu.memory_space<hbm>>
        %dma_wait3A_435 = arith.constant 0 : i32
        %dma_wait3A_436 = tpu.memref_slice %arg10[%dma_wait3A_435] : memref<163840xf32, #tpu.memory_space<hbm>> -> memref<128xf32, #tpu.memory_space<hbm>>
        tpu.wait_dma2 semaphore(%arg40 : memref<!tpu.dma_semaphore, #tpu.memory_space<semaphore_mem>>) src(%arg28 : memref<128xf32, #tpu.memory_space<vmem>>) dst(%dma_wait3A_436 : memref<128xf32, #tpu.memory_space<hbm>>)
        %add3A_437 = arith.constant 5 : i32
        %add3A_438 = arith.addi %add3A_342, %add3A_437 : i32
        %dma_start3A_439 = arith.constant 0 : i32
        %dma_start3A_440 = tpu.memref_slice %arg11[%add3A_438, %dma_start3A_439] : memref<40x128xi32, #tpu.memory_space<vmem>> -> memref<1x128xi32, #tpu.memory_space<vmem>>
        %dma_start3A_441 = tpu.memref_squeeze %dma_start3A_440 : memref<1x128xi32, #tpu.memory_space<vmem>> -> memref<128xi32, #tpu.memory_space<vmem>>
        %dma_start3A_442 = arith.constant 0 : i32
        %dma_start3A_443 = arith.constant 0 : i32
        %dma_start3A_444 = tpu.memref_slice %arg2[%dma_start3A_442, %dma_start3A_443] : memref<10000x128xf32, #tpu.memory_space<hbm>> -> memref<10000x128xf32, #tpu.memory_space<hbm>>
        tpu.enqueue_indirect_dma source(%dma_start3A_444 : memref<10000x128xf32, #tpu.memory_space<hbm>>) target(%arg15 : memref<128x128xf32, #tpu.memory_space<vmem>>) offsets(%dma_start3A_441 : memref<128xi32, #tpu.memory_space<vmem>>) semaphore(%arg35 : memref<!tpu.dma_semaphore, #tpu.memory_space<semaphore_mem>>)
        %dma_start3A_445 = arith.constant 0 : i32
        %dma_start3A_446 = tpu.memref_slice %arg11[%add3A_438, %dma_start3A_445] : memref<40x128xi32, #tpu.memory_space<vmem>> -> memref<1x128xi32, #tpu.memory_space<vmem>>
        %dma_start3A_447 = tpu.memref_squeeze %dma_start3A_446 : memref<1x128xi32, #tpu.memory_space<vmem>> -> memref<128xi32, #tpu.memory_space<vmem>>
        %dma_start3A_448 = arith.constant 0 : i32
        %dma_start3A_449 = tpu.memref_slice %arg3[%dma_start3A_448] : memref<10000xf32, #tpu.memory_space<hbm>> -> memref<10000xf32, #tpu.memory_space<hbm>>
        tpu.enqueue_indirect_dma source(%dma_start3A_449 : memref<10000xf32, #tpu.memory_space<hbm>>) target(%arg26 : memref<128xf32, #tpu.memory_space<vmem>>) offsets(%dma_start3A_447 : memref<128xi32, #tpu.memory_space<vmem>>) semaphore(%arg35 : memref<!tpu.dma_semaphore, #tpu.memory_space<semaphore_mem>>)
        %dma_start3A_450 = arith.constant 0 : i32
        %dma_start3A_451 = tpu.memref_slice %arg11[%add3A_438, %dma_start3A_450] : memref<40x128xi32, #tpu.memory_space<vmem>> -> memref<1x128xi32, #tpu.memory_space<vmem>>
        %dma_start3A_452 = tpu.memref_squeeze %dma_start3A_451 : memref<1x128xi32, #tpu.memory_space<vmem>> -> memref<128xi32, #tpu.memory_space<vmem>>
        %dma_start3A_453 = arith.constant 0 : i32
        %dma_start3A_454 = tpu.memref_slice %arg4[%dma_start3A_453] : memref<10000xf32, #tpu.memory_space<hbm>> -> memref<10000xf32, #tpu.memory_space<hbm>>
        tpu.enqueue_indirect_dma source(%dma_start3A_454 : memref<10000xf32, #tpu.memory_space<hbm>>) target(%arg27 : memref<128xf32, #tpu.memory_space<vmem>>) offsets(%dma_start3A_452 : memref<128xi32, #tpu.memory_space<vmem>>) semaphore(%arg35 : memref<!tpu.dma_semaphore, #tpu.memory_space<semaphore_mem>>)
        %dma_start3A_455 = arith.constant 0 : i32
        %dma_start3A_456 = tpu.memref_slice %arg11[%add3A_438, %dma_start3A_455] : memref<40x128xi32, #tpu.memory_space<vmem>> -> memref<1x128xi32, #tpu.memory_space<vmem>>
        %dma_start3A_457 = tpu.memref_squeeze %dma_start3A_456 : memref<1x128xi32, #tpu.memory_space<vmem>> -> memref<128xi32, #tpu.memory_space<vmem>>
        %dma_start3A_458 = arith.constant 0 : i32
        %dma_start3A_459 = tpu.memref_slice %arg5[%dma_start3A_458] : memref<10000xf32, #tpu.memory_space<hbm>> -> memref<10000xf32, #tpu.memory_space<hbm>>
        tpu.enqueue_indirect_dma source(%dma_start3A_459 : memref<10000xf32, #tpu.memory_space<hbm>>) target(%arg28 : memref<128xf32, #tpu.memory_space<vmem>>) offsets(%dma_start3A_457 : memref<128xi32, #tpu.memory_space<vmem>>) semaphore(%arg35 : memref<!tpu.dma_semaphore, #tpu.memory_space<semaphore_mem>>)
      } else {
      }
      %mul3A_379 = arith.constant 5 : i32
      %mul3A_380 = arith.muli %scan3A_221, %mul3A_379 : i32
      %add3A_381 = arith.constant 4 : i32
      %add3A_382 = arith.addi %mul3A_380, %add3A_381 : i32
      %dma_wait3A_383 = arith.constant 0 : i32
      %dma_wait3A_384 = arith.constant 0 : i32
      %dma_wait3A_385 = tpu.memref_slice %arg2[%dma_wait3A_383, %dma_wait3A_384] : memref<10000x128xf32, #tpu.memory_space<hbm>> -> memref<128x128xf32, #tpu.memory_space<hbm>>
      %dma_wait3A_386 = arith.constant 0 : i32
      %dma_wait3A_387 = arith.constant 0 : i32
      %dma_wait3A_388 = tpu.memref_slice %arg2[%dma_wait3A_386, %dma_wait3A_387] : memref<10000x128xf32, #tpu.memory_space<hbm>> -> memref<128x128xf32, #tpu.memory_space<hbm>>
      tpu.wait_dma2 semaphore(%arg36 : memref<!tpu.dma_semaphore, #tpu.memory_space<semaphore_mem>>) src(%dma_wait3A_388 : memref<128x128xf32, #tpu.memory_space<hbm>>) dst(%arg16 : memref<128x128xf32, #tpu.memory_space<vmem>>)
      %dma_wait3A_389 = arith.constant 0 : i32
      %dma_wait3A_390 = tpu.memref_slice %arg3[%dma_wait3A_389] : memref<10000xf32, #tpu.memory_space<hbm>> -> memref<128xf32, #tpu.memory_space<hbm>>
      %dma_wait3A_391 = arith.constant 0 : i32
      %dma_wait3A_392 = tpu.memref_slice %arg3[%dma_wait3A_391] : memref<10000xf32, #tpu.memory_space<hbm>> -> memref<128xf32, #tpu.memory_space<hbm>>
      tpu.wait_dma2 semaphore(%arg36 : memref<!tpu.dma_semaphore, #tpu.memory_space<semaphore_mem>>) src(%dma_wait3A_392 : memref<128xf32, #tpu.memory_space<hbm>>) dst(%arg29 : memref<128xf32, #tpu.memory_space<vmem>>)
      %dma_wait3A_393 = arith.constant 0 : i32
      %dma_wait3A_394 = tpu.memref_slice %arg4[%dma_wait3A_393] : memref<10000xf32, #tpu.memory_space<hbm>> -> memref<128xf32, #tpu.memory_space<hbm>>
      %dma_wait3A_395 = arith.constant 0 : i32
      %dma_wait3A_396 = tpu.memref_slice %arg4[%dma_wait3A_395] : memref<10000xf32, #tpu.memory_space<hbm>> -> memref<128xf32, #tpu.memory_space<hbm>>
      tpu.wait_dma2 semaphore(%arg36 : memref<!tpu.dma_semaphore, #tpu.memory_space<semaphore_mem>>) src(%dma_wait3A_396 : memref<128xf32, #tpu.memory_space<hbm>>) dst(%arg30 : memref<128xf32, #tpu.memory_space<vmem>>)
      %dma_wait3A_397 = arith.constant 0 : i32
      %dma_wait3A_398 = tpu.memref_slice %arg5[%dma_wait3A_397] : memref<10000xf32, #tpu.memory_space<hbm>> -> memref<128xf32, #tpu.memory_space<hbm>>
      %dma_wait3A_399 = arith.constant 0 : i32
      %dma_wait3A_400 = tpu.memref_slice %arg5[%dma_wait3A_399] : memref<10000xf32, #tpu.memory_space<hbm>> -> memref<128xf32, #tpu.memory_space<hbm>>
      tpu.wait_dma2 semaphore(%arg36 : memref<!tpu.dma_semaphore, #tpu.memory_space<semaphore_mem>>) src(%dma_wait3A_400 : memref<128xf32, #tpu.memory_space<hbm>>) dst(%arg31 : memref<128xf32, #tpu.memory_space<vmem>>)
      %mul3A_401 = arith.constant 128 : i32
      %mul3A_402 = arith.muli %add3A_382, %mul3A_401 : i32
      %add3A_403 = arith.addi %mul3A_2, %mul3A_402 : i32
      %dma_start3A_404 = arith.constant 0 : i32
      %dma_start3A_405 = tpu.memref_slice %arg7[%add3A_403, %dma_start3A_404] : memref<163840x128xf32, #tpu.memory_space<hbm>> -> memref<128x128xf32, #tpu.memory_space<hbm>>
      %dma_start3A_406 = arith.constant 0 : i32
      %dma_start3A_407 = tpu.memref_slice %arg7[%add3A_403, %dma_start3A_406] : memref<163840x128xf32, #tpu.memory_space<hbm>> -> memref<128x128xf32, #tpu.memory_space<hbm>>
      tpu.enqueue_dma source(%arg16 : memref<128x128xf32, #tpu.memory_space<vmem>>) target(%dma_start3A_407 : memref<128x128xf32, #tpu.memory_space<hbm>>) target_semaphore(%arg41 : memref<!tpu.dma_semaphore, #tpu.memory_space<semaphore_mem>>)
      %dma_start3A_408 = tpu.memref_slice %arg8[%add3A_403] : memref<163840xf32, #tpu.memory_space<hbm>> -> memref<128xf32, #tpu.memory_space<hbm>>
      %dma_start3A_409 = tpu.memref_slice %arg8[%add3A_403] : memref<163840xf32, #tpu.memory_space<hbm>> -> memref<128xf32, #tpu.memory_space<hbm>>
      tpu.enqueue_dma source(%arg29 : memref<128xf32, #tpu.memory_space<vmem>>) target(%dma_start3A_409 : memref<128xf32, #tpu.memory_space<hbm>>) target_semaphore(%arg41 : memref<!tpu.dma_semaphore, #tpu.memory_space<semaphore_mem>>)
      %dma_start3A_410 = tpu.memref_slice %arg9[%add3A_403] : memref<163840xf32, #tpu.memory_space<hbm>> -> memref<128xf32, #tpu.memory_space<hbm>>
      %dma_start3A_411 = tpu.memref_slice %arg9[%add3A_403] : memref<163840xf32, #tpu.memory_space<hbm>> -> memref<128xf32, #tpu.memory_space<hbm>>
      tpu.enqueue_dma source(%arg30 : memref<128xf32, #tpu.memory_space<vmem>>) target(%dma_start3A_411 : memref<128xf32, #tpu.memory_space<hbm>>) target_semaphore(%arg41 : memref<!tpu.dma_semaphore, #tpu.memory_space<semaphore_mem>>)
      %dma_start3A_412 = tpu.memref_slice %arg10[%add3A_403] : memref<163840xf32, #tpu.memory_space<hbm>> -> memref<128xf32, #tpu.memory_space<hbm>>
      %dma_start3A_413 = tpu.memref_slice %arg10[%add3A_403] : memref<163840xf32, #tpu.memory_space<hbm>> -> memref<128xf32, #tpu.memory_space<hbm>>
      tpu.enqueue_dma source(%arg31 : memref<128xf32, #tpu.memory_space<vmem>>) target(%dma_start3A_413 : memref<128xf32, #tpu.memory_space<hbm>>) target_semaphore(%arg41 : memref<!tpu.dma_semaphore, #tpu.memory_space<semaphore_mem>>)
      %lt3A_414 = arith.constant 7 : i32
      %lt3A_415 = arith.cmpi slt, %scan3A_221, %lt3A_414 : i32
      %convert_element_type3A_416 = arith.extui %lt3A_415 : i1 to i32
      %cond3A_417 = arith.constant 0 : i32
      %cond3A_418 = arith.cmpi ne, %convert_element_type3A_416, %cond3A_417 : i32
      scf.if %cond3A_418 {
        %dma_wait3A_419 = arith.constant 0 : i32
        %dma_wait3A_420 = arith.constant 0 : i32
        %dma_wait3A_421 = tpu.memref_slice %arg7[%dma_wait3A_419, %dma_wait3A_420] : memref<163840x128xf32, #tpu.memory_space<hbm>> -> memref<128x128xf32, #tpu.memory_space<hbm>>
        %dma_wait3A_422 = arith.constant 0 : i32
        %dma_wait3A_423 = arith.constant 0 : i32
        %dma_wait3A_424 = tpu.memref_slice %arg7[%dma_wait3A_422, %dma_wait3A_423] : memref<163840x128xf32, #tpu.memory_space<hbm>> -> memref<128x128xf32, #tpu.memory_space<hbm>>
        tpu.wait_dma2 semaphore(%arg41 : memref<!tpu.dma_semaphore, #tpu.memory_space<semaphore_mem>>) src(%arg16 : memref<128x128xf32, #tpu.memory_space<vmem>>) dst(%dma_wait3A_424 : memref<128x128xf32, #tpu.memory_space<hbm>>)
        %dma_wait3A_425 = arith.constant 0 : i32
        %dma_wait3A_426 = tpu.memref_slice %arg8[%dma_wait3A_425] : memref<163840xf32, #tpu.memory_space<hbm>> -> memref<128xf32, #tpu.memory_space<hbm>>
        %dma_wait3A_427 = arith.constant 0 : i32
        %dma_wait3A_428 = tpu.memref_slice %arg8[%dma_wait3A_427] : memref<163840xf32, #tpu.memory_space<hbm>> -> memref<128xf32, #tpu.memory_space<hbm>>
        tpu.wait_dma2 semaphore(%arg41 : memref<!tpu.dma_semaphore, #tpu.memory_space<semaphore_mem>>) src(%arg29 : memref<128xf32, #tpu.memory_space<vmem>>) dst(%dma_wait3A_428 : memref<128xf32, #tpu.memory_space<hbm>>)
        %dma_wait3A_429 = arith.constant 0 : i32
        %dma_wait3A_430 = tpu.memref_slice %arg9[%dma_wait3A_429] : memref<163840xf32, #tpu.memory_space<hbm>> -> memref<128xf32, #tpu.memory_space<hbm>>
        %dma_wait3A_431 = arith.constant 0 : i32
        %dma_wait3A_432 = tpu.memref_slice %arg9[%dma_wait3A_431] : memref<163840xf32, #tpu.memory_space<hbm>> -> memref<128xf32, #tpu.memory_space<hbm>>
        tpu.wait_dma2 semaphore(%arg41 : memref<!tpu.dma_semaphore, #tpu.memory_space<semaphore_mem>>) src(%arg30 : memref<128xf32, #tpu.memory_space<vmem>>) dst(%dma_wait3A_432 : memref<128xf32, #tpu.memory_space<hbm>>)
        %dma_wait3A_433 = arith.constant 0 : i32
        %dma_wait3A_434 = tpu.memref_slice %arg10[%dma_wait3A_433] : memref<163840xf32, #tpu.memory_space<hbm>> -> memref<128xf32, #tpu.memory_space<hbm>>
        %dma_wait3A_435 = arith.constant 0 : i32
        %dma_wait3A_436 = tpu.memref_slice %arg10[%dma_wait3A_435] : memref<163840xf32, #tpu.memory_space<hbm>> -> memref<128xf32, #tpu.memory_space<hbm>>
        tpu.wait_dma2 semaphore(%arg41 : memref<!tpu.dma_semaphore, #tpu.memory_space<semaphore_mem>>) src(%arg31 : memref<128xf32, #tpu.memory_space<vmem>>) dst(%dma_wait3A_436 : memref<128xf32, #tpu.memory_space<hbm>>)
        %add3A_437 = arith.constant 5 : i32
        %add3A_438 = arith.addi %add3A_382, %add3A_437 : i32
        %dma_start3A_439 = arith.constant 0 : i32
        %dma_start3A_440 = tpu.memref_slice %arg11[%add3A_438, %dma_start3A_439] : memref<40x128xi32, #tpu.memory_space<vmem>> -> memref<1x128xi32, #tpu.memory_space<vmem>>
        %dma_start3A_441 = tpu.memref_squeeze %dma_start3A_440 : memref<1x128xi32, #tpu.memory_space<vmem>> -> memref<128xi32, #tpu.memory_space<vmem>>
        %dma_start3A_442 = arith.constant 0 : i32
        %dma_start3A_443 = arith.constant 0 : i32
        %dma_start3A_444 = tpu.memref_slice %arg2[%dma_start3A_442, %dma_start3A_443] : memref<10000x128xf32, #tpu.memory_space<hbm>> -> memref<10000x128xf32, #tpu.memory_space<hbm>>
        tpu.enqueue_indirect_dma source(%dma_start3A_444 : memref<10000x128xf32, #tpu.memory_space<hbm>>) target(%arg16 : memref<128x128xf32, #tpu.memory_space<vmem>>) offsets(%dma_start3A_441 : memref<128xi32, #tpu.memory_space<vmem>>) semaphore(%arg36 : memref<!tpu.dma_semaphore, #tpu.memory_space<semaphore_mem>>)
        %dma_start3A_445 = arith.constant 0 : i32
        %dma_start3A_446 = tpu.memref_slice %arg11[%add3A_438, %dma_start3A_445] : memref<40x128xi32, #tpu.memory_space<vmem>> -> memref<1x128xi32, #tpu.memory_space<vmem>>
        %dma_start3A_447 = tpu.memref_squeeze %dma_start3A_446 : memref<1x128xi32, #tpu.memory_space<vmem>> -> memref<128xi32, #tpu.memory_space<vmem>>
        %dma_start3A_448 = arith.constant 0 : i32
        %dma_start3A_449 = tpu.memref_slice %arg3[%dma_start3A_448] : memref<10000xf32, #tpu.memory_space<hbm>> -> memref<10000xf32, #tpu.memory_space<hbm>>
        tpu.enqueue_indirect_dma source(%dma_start3A_449 : memref<10000xf32, #tpu.memory_space<hbm>>) target(%arg29 : memref<128xf32, #tpu.memory_space<vmem>>) offsets(%dma_start3A_447 : memref<128xi32, #tpu.memory_space<vmem>>) semaphore(%arg36 : memref<!tpu.dma_semaphore, #tpu.memory_space<semaphore_mem>>)
        %dma_start3A_450 = arith.constant 0 : i32
        %dma_start3A_451 = tpu.memref_slice %arg11[%add3A_438, %dma_start3A_450] : memref<40x128xi32, #tpu.memory_space<vmem>> -> memref<1x128xi32, #tpu.memory_space<vmem>>
        %dma_start3A_452 = tpu.memref_squeeze %dma_start3A_451 : memref<1x128xi32, #tpu.memory_space<vmem>> -> memref<128xi32, #tpu.memory_space<vmem>>
        %dma_start3A_453 = arith.constant 0 : i32
        %dma_start3A_454 = tpu.memref_slice %arg4[%dma_start3A_453] : memref<10000xf32, #tpu.memory_space<hbm>> -> memref<10000xf32, #tpu.memory_space<hbm>>
        tpu.enqueue_indirect_dma source(%dma_start3A_454 : memref<10000xf32, #tpu.memory_space<hbm>>) target(%arg30 : memref<128xf32, #tpu.memory_space<vmem>>) offsets(%dma_start3A_452 : memref<128xi32, #tpu.memory_space<vmem>>) semaphore(%arg36 : memref<!tpu.dma_semaphore, #tpu.memory_space<semaphore_mem>>)
        %dma_start3A_455 = arith.constant 0 : i32
        %dma_start3A_456 = tpu.memref_slice %arg11[%add3A_438, %dma_start3A_455] : memref<40x128xi32, #tpu.memory_space<vmem>> -> memref<1x128xi32, #tpu.memory_space<vmem>>
        %dma_start3A_457 = tpu.memref_squeeze %dma_start3A_456 : memref<1x128xi32, #tpu.memory_space<vmem>> -> memref<128xi32, #tpu.memory_space<vmem>>
        %dma_start3A_458 = arith.constant 0 : i32
        %dma_start3A_459 = tpu.memref_slice %arg5[%dma_start3A_458] : memref<10000xf32, #tpu.memory_space<hbm>> -> memref<10000xf32, #tpu.memory_space<hbm>>
        tpu.enqueue_indirect_dma source(%dma_start3A_459 : memref<10000xf32, #tpu.memory_space<hbm>>) target(%arg31 : memref<128xf32, #tpu.memory_space<vmem>>) offsets(%dma_start3A_457 : memref<128xi32, #tpu.memory_space<vmem>>) semaphore(%arg36 : memref<!tpu.dma_semaphore, #tpu.memory_space<semaphore_mem>>)
      } else {
      }
    }
    %scan3A_131 = arith.constant 8 : i32
    %dma_wait3A = arith.constant 0 : i32
    %dma_wait3A_132 = arith.constant 0 : i32
    %dma_wait3A_133 = tpu.memref_slice %arg7[%dma_wait3A, %dma_wait3A_132] : memref<163840x128xf32, #tpu.memory_space<hbm>> -> memref<128x128xf32, #tpu.memory_space<hbm>>
    %dma_wait3A_134 = arith.constant 0 : i32
    %dma_wait3A_135 = arith.constant 0 : i32
    %dma_wait3A_136 = tpu.memref_slice %arg7[%dma_wait3A_134, %dma_wait3A_135] : memref<163840x128xf32, #tpu.memory_space<hbm>> -> memref<128x128xf32, #tpu.memory_space<hbm>>
    tpu.wait_dma2 semaphore(%arg37 : memref<!tpu.dma_semaphore, #tpu.memory_space<semaphore_mem>>) src(%arg12 : memref<128x128xf32, #tpu.memory_space<vmem>>) dst(%dma_wait3A_136 : memref<128x128xf32, #tpu.memory_space<hbm>>)
    %dma_wait3A_137 = arith.constant 0 : i32
    %dma_wait3A_138 = tpu.memref_slice %arg8[%dma_wait3A_137] : memref<163840xf32, #tpu.memory_space<hbm>> -> memref<128xf32, #tpu.memory_space<hbm>>
    %dma_wait3A_139 = arith.constant 0 : i32
    %dma_wait3A_140 = tpu.memref_slice %arg8[%dma_wait3A_139] : memref<163840xf32, #tpu.memory_space<hbm>> -> memref<128xf32, #tpu.memory_space<hbm>>
    tpu.wait_dma2 semaphore(%arg37 : memref<!tpu.dma_semaphore, #tpu.memory_space<semaphore_mem>>) src(%arg17 : memref<128xf32, #tpu.memory_space<vmem>>) dst(%dma_wait3A_140 : memref<128xf32, #tpu.memory_space<hbm>>)
    %dma_wait3A_141 = arith.constant 0 : i32
    %dma_wait3A_142 = tpu.memref_slice %arg9[%dma_wait3A_141] : memref<163840xf32, #tpu.memory_space<hbm>> -> memref<128xf32, #tpu.memory_space<hbm>>
    %dma_wait3A_143 = arith.constant 0 : i32
    %dma_wait3A_144 = tpu.memref_slice %arg9[%dma_wait3A_143] : memref<163840xf32, #tpu.memory_space<hbm>> -> memref<128xf32, #tpu.memory_space<hbm>>
    tpu.wait_dma2 semaphore(%arg37 : memref<!tpu.dma_semaphore, #tpu.memory_space<semaphore_mem>>) src(%arg18 : memref<128xf32, #tpu.memory_space<vmem>>) dst(%dma_wait3A_144 : memref<128xf32, #tpu.memory_space<hbm>>)
    %dma_wait3A_145 = arith.constant 0 : i32
    %dma_wait3A_146 = tpu.memref_slice %arg10[%dma_wait3A_145] : memref<163840xf32, #tpu.memory_space<hbm>> -> memref<128xf32, #tpu.memory_space<hbm>>
    %dma_wait3A_147 = arith.constant 0 : i32
    %dma_wait3A_148 = tpu.memref_slice %arg10[%dma_wait3A_147] : memref<163840xf32, #tpu.memory_space<hbm>> -> memref<128xf32, #tpu.memory_space<hbm>>
    tpu.wait_dma2 semaphore(%arg37 : memref<!tpu.dma_semaphore, #tpu.memory_space<semaphore_mem>>) src(%arg19 : memref<128xf32, #tpu.memory_space<vmem>>) dst(%dma_wait3A_148 : memref<128xf32, #tpu.memory_space<hbm>>)
    %dma_wait3A_149 = arith.constant 0 : i32
    %dma_wait3A_150 = arith.constant 0 : i32
    %dma_wait3A_151 = tpu.memref_slice %arg7[%dma_wait3A_149, %dma_wait3A_150] : memref<163840x128xf32, #tpu.memory_space<hbm>> -> memref<128x128xf32, #tpu.memory_space<hbm>>
    %dma_wait3A_152 = arith.constant 0 : i32
    %dma_wait3A_153 = arith.constant 0 : i32
    %dma_wait3A_154 = tpu.memref_slice %arg7[%dma_wait3A_152, %dma_wait3A_153] : memref<163840x128xf32, #tpu.memory_space<hbm>> -> memref<128x128xf32, #tpu.memory_space<hbm>>
    tpu.wait_dma2 semaphore(%arg38 : memref<!tpu.dma_semaphore, #tpu.memory_space<semaphore_mem>>) src(%arg13 : memref<128x128xf32, #tpu.memory_space<vmem>>) dst(%dma_wait3A_154 : memref<128x128xf32, #tpu.memory_space<hbm>>)
    %dma_wait3A_155 = arith.constant 0 : i32
    %dma_wait3A_156 = tpu.memref_slice %arg8[%dma_wait3A_155] : memref<163840xf32, #tpu.memory_space<hbm>> -> memref<128xf32, #tpu.memory_space<hbm>>
    %dma_wait3A_157 = arith.constant 0 : i32
    %dma_wait3A_158 = tpu.memref_slice %arg8[%dma_wait3A_157] : memref<163840xf32, #tpu.memory_space<hbm>> -> memref<128xf32, #tpu.memory_space<hbm>>
    tpu.wait_dma2 semaphore(%arg38 : memref<!tpu.dma_semaphore, #tpu.memory_space<semaphore_mem>>) src(%arg20 : memref<128xf32, #tpu.memory_space<vmem>>) dst(%dma_wait3A_158 : memref<128xf32, #tpu.memory_space<hbm>>)
    %dma_wait3A_159 = arith.constant 0 : i32
    %dma_wait3A_160 = tpu.memref_slice %arg9[%dma_wait3A_159] : memref<163840xf32, #tpu.memory_space<hbm>> -> memref<128xf32, #tpu.memory_space<hbm>>
    %dma_wait3A_161 = arith.constant 0 : i32
    %dma_wait3A_162 = tpu.memref_slice %arg9[%dma_wait3A_161] : memref<163840xf32, #tpu.memory_space<hbm>> -> memref<128xf32, #tpu.memory_space<hbm>>
    tpu.wait_dma2 semaphore(%arg38 : memref<!tpu.dma_semaphore, #tpu.memory_space<semaphore_mem>>) src(%arg21 : memref<128xf32, #tpu.memory_space<vmem>>) dst(%dma_wait3A_162 : memref<128xf32, #tpu.memory_space<hbm>>)
    %dma_wait3A_163 = arith.constant 0 : i32
    %dma_wait3A_164 = tpu.memref_slice %arg10[%dma_wait3A_163] : memref<163840xf32, #tpu.memory_space<hbm>> -> memref<128xf32, #tpu.memory_space<hbm>>
    %dma_wait3A_165 = arith.constant 0 : i32
    %dma_wait3A_166 = tpu.memref_slice %arg10[%dma_wait3A_165] : memref<163840xf32, #tpu.memory_space<hbm>> -> memref<128xf32, #tpu.memory_space<hbm>>
    tpu.wait_dma2 semaphore(%arg38 : memref<!tpu.dma_semaphore, #tpu.memory_space<semaphore_mem>>) src(%arg22 : memref<128xf32, #tpu.memory_space<vmem>>) dst(%dma_wait3A_166 : memref<128xf32, #tpu.memory_space<hbm>>)
    %dma_wait3A_167 = arith.constant 0 : i32
    %dma_wait3A_168 = arith.constant 0 : i32
    %dma_wait3A_169 = tpu.memref_slice %arg7[%dma_wait3A_167, %dma_wait3A_168] : memref<163840x128xf32, #tpu.memory_space<hbm>> -> memref<128x128xf32, #tpu.memory_space<hbm>>
    %dma_wait3A_170 = arith.constant 0 : i32
    %dma_wait3A_171 = arith.constant 0 : i32
    %dma_wait3A_172 = tpu.memref_slice %arg7[%dma_wait3A_170, %dma_wait3A_171] : memref<163840x128xf32, #tpu.memory_space<hbm>> -> memref<128x128xf32, #tpu.memory_space<hbm>>
    tpu.wait_dma2 semaphore(%arg39 : memref<!tpu.dma_semaphore, #tpu.memory_space<semaphore_mem>>) src(%arg14 : memref<128x128xf32, #tpu.memory_space<vmem>>) dst(%dma_wait3A_172 : memref<128x128xf32, #tpu.memory_space<hbm>>)
    %dma_wait3A_173 = arith.constant 0 : i32
    %dma_wait3A_174 = tpu.memref_slice %arg8[%dma_wait3A_173] : memref<163840xf32, #tpu.memory_space<hbm>> -> memref<128xf32, #tpu.memory_space<hbm>>
    %dma_wait3A_175 = arith.constant 0 : i32
    %dma_wait3A_176 = tpu.memref_slice %arg8[%dma_wait3A_175] : memref<163840xf32, #tpu.memory_space<hbm>> -> memref<128xf32, #tpu.memory_space<hbm>>
    tpu.wait_dma2 semaphore(%arg39 : memref<!tpu.dma_semaphore, #tpu.memory_space<semaphore_mem>>) src(%arg23 : memref<128xf32, #tpu.memory_space<vmem>>) dst(%dma_wait3A_176 : memref<128xf32, #tpu.memory_space<hbm>>)
    %dma_wait3A_177 = arith.constant 0 : i32
    %dma_wait3A_178 = tpu.memref_slice %arg9[%dma_wait3A_177] : memref<163840xf32, #tpu.memory_space<hbm>> -> memref<128xf32, #tpu.memory_space<hbm>>
    %dma_wait3A_179 = arith.constant 0 : i32
    %dma_wait3A_180 = tpu.memref_slice %arg9[%dma_wait3A_179] : memref<163840xf32, #tpu.memory_space<hbm>> -> memref<128xf32, #tpu.memory_space<hbm>>
    tpu.wait_dma2 semaphore(%arg39 : memref<!tpu.dma_semaphore, #tpu.memory_space<semaphore_mem>>) src(%arg24 : memref<128xf32, #tpu.memory_space<vmem>>) dst(%dma_wait3A_180 : memref<128xf32, #tpu.memory_space<hbm>>)
    %dma_wait3A_181 = arith.constant 0 : i32
    %dma_wait3A_182 = tpu.memref_slice %arg10[%dma_wait3A_181] : memref<163840xf32, #tpu.memory_space<hbm>> -> memref<128xf32, #tpu.memory_space<hbm>>
    %dma_wait3A_183 = arith.constant 0 : i32
    %dma_wait3A_184 = tpu.memref_slice %arg10[%dma_wait3A_183] : memref<163840xf32, #tpu.memory_space<hbm>> -> memref<128xf32, #tpu.memory_space<hbm>>
    tpu.wait_dma2 semaphore(%arg39 : memref<!tpu.dma_semaphore, #tpu.memory_space<semaphore_mem>>) src(%arg25 : memref<128xf32, #tpu.memory_space<vmem>>) dst(%dma_wait3A_184 : memref<128xf32, #tpu.memory_space<hbm>>)
    %dma_wait3A_185 = arith.constant 0 : i32
    %dma_wait3A_186 = arith.constant 0 : i32
    %dma_wait3A_187 = tpu.memref_slice %arg7[%dma_wait3A_185, %dma_wait3A_186] : memref<163840x128xf32, #tpu.memory_space<hbm>> -> memref<128x128xf32, #tpu.memory_space<hbm>>
    %dma_wait3A_188 = arith.constant 0 : i32
    %dma_wait3A_189 = arith.constant 0 : i32
    %dma_wait3A_190 = tpu.memref_slice %arg7[%dma_wait3A_188, %dma_wait3A_189] : memref<163840x128xf32, #tpu.memory_space<hbm>> -> memref<128x128xf32, #tpu.memory_space<hbm>>
    tpu.wait_dma2 semaphore(%arg40 : memref<!tpu.dma_semaphore, #tpu.memory_space<semaphore_mem>>) src(%arg15 : memref<128x128xf32, #tpu.memory_space<vmem>>) dst(%dma_wait3A_190 : memref<128x128xf32, #tpu.memory_space<hbm>>)
    %dma_wait3A_191 = arith.constant 0 : i32
    %dma_wait3A_192 = tpu.memref_slice %arg8[%dma_wait3A_191] : memref<163840xf32, #tpu.memory_space<hbm>> -> memref<128xf32, #tpu.memory_space<hbm>>
    %dma_wait3A_193 = arith.constant 0 : i32
    %dma_wait3A_194 = tpu.memref_slice %arg8[%dma_wait3A_193] : memref<163840xf32, #tpu.memory_space<hbm>> -> memref<128xf32, #tpu.memory_space<hbm>>
    tpu.wait_dma2 semaphore(%arg40 : memref<!tpu.dma_semaphore, #tpu.memory_space<semaphore_mem>>) src(%arg26 : memref<128xf32, #tpu.memory_space<vmem>>) dst(%dma_wait3A_194 : memref<128xf32, #tpu.memory_space<hbm>>)
    %dma_wait3A_195 = arith.constant 0 : i32
    %dma_wait3A_196 = tpu.memref_slice %arg9[%dma_wait3A_195] : memref<163840xf32, #tpu.memory_space<hbm>> -> memref<128xf32, #tpu.memory_space<hbm>>
    %dma_wait3A_197 = arith.constant 0 : i32
    %dma_wait3A_198 = tpu.memref_slice %arg9[%dma_wait3A_197] : memref<163840xf32, #tpu.memory_space<hbm>> -> memref<128xf32, #tpu.memory_space<hbm>>
    tpu.wait_dma2 semaphore(%arg40 : memref<!tpu.dma_semaphore, #tpu.memory_space<semaphore_mem>>) src(%arg27 : memref<128xf32, #tpu.memory_space<vmem>>) dst(%dma_wait3A_198 : memref<128xf32, #tpu.memory_space<hbm>>)
    %dma_wait3A_199 = arith.constant 0 : i32
    %dma_wait3A_200 = tpu.memref_slice %arg10[%dma_wait3A_199] : memref<163840xf32, #tpu.memory_space<hbm>> -> memref<128xf32, #tpu.memory_space<hbm>>
    %dma_wait3A_201 = arith.constant 0 : i32
    %dma_wait3A_202 = tpu.memref_slice %arg10[%dma_wait3A_201] : memref<163840xf32, #tpu.memory_space<hbm>> -> memref<128xf32, #tpu.memory_space<hbm>>
    tpu.wait_dma2 semaphore(%arg40 : memref<!tpu.dma_semaphore, #tpu.memory_space<semaphore_mem>>) src(%arg28 : memref<128xf32, #tpu.memory_space<vmem>>) dst(%dma_wait3A_202 : memref<128xf32, #tpu.memory_space<hbm>>)
    %dma_wait3A_203 = arith.constant 0 : i32
    %dma_wait3A_204 = arith.constant 0 : i32
    %dma_wait3A_205 = tpu.memref_slice %arg7[%dma_wait3A_203, %dma_wait3A_204] : memref<163840x128xf32, #tpu.memory_space<hbm>> -> memref<128x128xf32, #tpu.memory_space<hbm>>
    %dma_wait3A_206 = arith.constant 0 : i32
    %dma_wait3A_207 = arith.constant 0 : i32
    %dma_wait3A_208 = tpu.memref_slice %arg7[%dma_wait3A_206, %dma_wait3A_207] : memref<163840x128xf32, #tpu.memory_space<hbm>> -> memref<128x128xf32, #tpu.memory_space<hbm>>
    tpu.wait_dma2 semaphore(%arg41 : memref<!tpu.dma_semaphore, #tpu.memory_space<semaphore_mem>>) src(%arg16 : memref<128x128xf32, #tpu.memory_space<vmem>>) dst(%dma_wait3A_208 : memref<128x128xf32, #tpu.memory_space<hbm>>)
    %dma_wait3A_209 = arith.constant 0 : i32
    %dma_wait3A_210 = tpu.memref_slice %arg8[%dma_wait3A_209] : memref<163840xf32, #tpu.memory_space<hbm>> -> memref<128xf32, #tpu.memory_space<hbm>>
    %dma_wait3A_211 = arith.constant 0 : i32
    %dma_wait3A_212 = tpu.memref_slice %arg8[%dma_wait3A_211] : memref<163840xf32, #tpu.memory_space<hbm>> -> memref<128xf32, #tpu.memory_space<hbm>>
    tpu.wait_dma2 semaphore(%arg41 : memref<!tpu.dma_semaphore, #tpu.memory_space<semaphore_mem>>) src(%arg29 : memref<128xf32, #tpu.memory_space<vmem>>) dst(%dma_wait3A_212 : memref<128xf32, #tpu.memory_space<hbm>>)
    %dma_wait3A_213 = arith.constant 0 : i32
    %dma_wait3A_214 = tpu.memref_slice %arg9[%dma_wait3A_213] : memref<163840xf32, #tpu.memory_space<hbm>> -> memref<128xf32, #tpu.memory_space<hbm>>
    %dma_wait3A_215 = arith.constant 0 : i32
    %dma_wait3A_216 = tpu.memref_slice %arg9[%dma_wait3A_215] : memref<163840xf32, #tpu.memory_space<hbm>> -> memref<128xf32, #tpu.memory_space<hbm>>
    tpu.wait_dma2 semaphore(%arg41 : memref<!tpu.dma_semaphore, #tpu.memory_space<semaphore_mem>>) src(%arg30 : memref<128xf32, #tpu.memory_space<vmem>>) dst(%dma_wait3A_216 : memref<128xf32, #tpu.memory_space<hbm>>)
    %dma_wait3A_217 = arith.constant 0 : i32
    %dma_wait3A_218 = tpu.memref_slice %arg10[%dma_wait3A_217] : memref<163840xf32, #tpu.memory_space<hbm>> -> memref<128xf32, #tpu.memory_space<hbm>>
    %dma_wait3A_219 = arith.constant 0 : i32
    %dma_wait3A_220 = tpu.memref_slice %arg10[%dma_wait3A_219] : memref<163840xf32, #tpu.memory_space<hbm>> -> memref<128xf32, #tpu.memory_space<hbm>>
    tpu.wait_dma2 semaphore(%arg41 : memref<!tpu.dma_semaphore, #tpu.memory_space<semaphore_mem>>) src(%arg31 : memref<128xf32, #tpu.memory_space<vmem>>) dst(%dma_wait3A_220 : memref<128xf32, #tpu.memory_space<hbm>>)
    return
  }
}

#map = affine_map<(d0, d1) -> (0, 0)>
#map1 = affine_map<(d0, d1) -> (0)>
#map2 = affine_map<(d0, d1) -> (0, 0, 0)>
module attributes {stable_mosaic.version = 14 : i64} {
  func.func @gather_kernel(%arg0: i32, %arg1: i32, %arg2: memref<10000x128xf32, #tpu.memory_space<hbm>>, %arg3: memref<10000xf32, #tpu.memory_space<hbm>>, %arg4: memref<10000xf32, #tpu.memory_space<hbm>>, %arg5: memref<10000xf32, #tpu.memory_space<hbm>>, %arg6: memref<32x40x128xi32, #tpu.memory_space<hbm>>, %arg7: memref<163840x128xf32, #tpu.memory_space<hbm>>, %arg8: memref<163840xf32, #tpu.memory_space<hbm>>, %arg9: memref<163840xf32, #tpu.memory_space<hbm>>, %arg10: memref<163840xf32, #tpu.memory_space<hbm>>, %arg11: memref<40x128xi32, #tpu.memory_space<vmem>>, %arg12: memref<128x128xf32, #tpu.memory_space<vmem>>, %arg13: memref<128x128xf32, #tpu.memory_space<vmem>>, %arg14: memref<128x128xf32, #tpu.memory_space<vmem>>, %arg15: memref<128x128xf32, #tpu.memory_space<vmem>>, %arg16: memref<128x128xf32, #tpu.memory_space<vmem>>, %arg17: memref<128xf32, #tpu.memory_space<vmem>>, %arg18: memref<128xf32, #tpu.memory_space<vmem>>, %arg19: memref<128xf32, #tpu.memory_space<vmem>>, %arg20: memref<128xf32, #tpu.memory_space<vmem>>, %arg21: memref<128xf32, #tpu.memory_space<vmem>>, %arg22: memref<128xf32, #tpu.memory_space<vmem>>, %arg23: memref<128xf32, #tpu.memory_space<vmem>>, %arg24: memref<128xf32, #tpu.memory_space<vmem>>, %arg25: memref<128xf32, #tpu.memory_space<vmem>>, %arg26: memref<128xf32, #tpu.memory_space<vmem>>, %arg27: memref<128xf32, #tpu.memory_space<vmem>>, %arg28: memref<128xf32, #tpu.memory_space<vmem>>, %arg29: memref<128xf32, #tpu.memory_space<vmem>>, %arg30: memref<128xf32, #tpu.memory_space<vmem>>, %arg31: memref<128xf32, #tpu.memory_space<vmem>>, %arg32: memref<!tpu.dma_semaphore, #tpu.memory_space<semaphore_mem>>, %arg33: memref<!tpu.dma_semaphore, #tpu.memory_space<semaphore_mem>>, %arg34: memref<!tpu.dma_semaphore, #tpu.memory_space<semaphore_mem>>, %arg35: memref<!tpu.dma_semaphore, #tpu.memory_space<semaphore_mem>>, %arg36: memref<!tpu.dma_semaphore, #tpu.memory_space<semaphore_mem>>, %arg37: memref<!tpu.dma_semaphore, #tpu.memory_space<semaphore_mem>>, %arg38: memref<!tpu.dma_semaphore, #tpu.memory_space<semaphore_mem>>, %arg39: memref<!tpu.dma_semaphore, #tpu.memory_space<semaphore_mem>>, %arg40: memref<!tpu.dma_semaphore, #tpu.memory_space<semaphore_mem>>, %arg41: memref<!tpu.dma_semaphore, #tpu.memory_space<semaphore_mem>>) attributes {dimension_semantics = [#tpu.dimension_semantics<core_parallel>, #tpu.dimension_semantics<subcore_parallel>], iteration_bounds = array<i64: 2, 16>, scalar_prefetch = 0 : i64, scratch_operands = 31 : i64, tpu.core_type = #tpu.core_type<sc_vector_subcore>, window_params = [{transform_indices = #map}, {transform_indices = #map1}, {transform_indices = #map1}, {transform_indices = #map1}, {transform_indices = #map2}, {transform_indices = #map}, {transform_indices = #map1}, {transform_indices = #map1}, {transform_indices = #map1}]} {
    %mul3A = arith.constant 2 : i32
    %mul3A_0 = arith.muli %arg1, %mul3A : i32
    %add3A = arith.addi %mul3A_0, %arg0 : i32
    %mul3A_1 = arith.constant 5120 : i32
    %mul3A_2 = arith.muli %add3A, %mul3A_1 : i32
    "tpu.region"() ({
      %run_scoped3A = tpu.sem_alloc : memref<!tpu.dma_semaphore, #tpu.memory_space<semaphore_mem>>
      %dma_start3A_221 = arith.constant 0 : i32
      %dma_start3A_222 = arith.constant 0 : i32
      %dma_start3A_223 = tpu.memref_slice %arg6[%add3A, %dma_start3A_221, %dma_start3A_222] : memref<32x40x128xi32, #tpu.memory_space<hbm>> -> memref<1x40x128xi32, #tpu.memory_space<hbm>>
      %dma_start3A_224 = tpu.memref_squeeze %dma_start3A_223 : memref<1x40x128xi32, #tpu.memory_space<hbm>> -> memref<40x128xi32, #tpu.memory_space<hbm>>
      %dma_start3A_225 = arith.constant 0 : i32
      %dma_start3A_226 = arith.constant 0 : i32
      %dma_start3A_227 = tpu.memref_slice %arg6[%add3A, %dma_start3A_225, %dma_start3A_226] : memref<32x40x128xi32, #tpu.memory_space<hbm>> -> memref<1x40x128xi32, #tpu.memory_space<hbm>>
      %dma_start3A_228 = tpu.memref_squeeze %dma_start3A_227 : memref<1x40x128xi32, #tpu.memory_space<hbm>> -> memref<40x128xi32, #tpu.memory_space<hbm>>
      tpu.enqueue_dma source(%dma_start3A_228 : memref<40x128xi32, #tpu.memory_space<hbm>>) target(%arg11 : memref<40x128xi32, #tpu.memory_space<vmem>>) target_semaphore(%run_scoped3A : memref<!tpu.dma_semaphore, #tpu.memory_space<semaphore_mem>>)
      %dma_wait3A_229 = arith.constant 0 : i32
      %dma_wait3A_230 = arith.constant 0 : i32
      %dma_wait3A_231 = tpu.memref_slice %arg6[%add3A, %dma_wait3A_229, %dma_wait3A_230] : memref<32x40x128xi32, #tpu.memory_space<hbm>> -> memref<1x40x128xi32, #tpu.memory_space<hbm>>
      %dma_wait3A_232 = tpu.memref_squeeze %dma_wait3A_231 : memref<1x40x128xi32, #tpu.memory_space<hbm>> -> memref<40x128xi32, #tpu.memory_space<hbm>>
      %dma_wait3A_233 = arith.constant 0 : i32
      %dma_wait3A_234 = arith.constant 0 : i32
      %dma_wait3A_235 = tpu.memref_slice %arg6[%add3A, %dma_wait3A_233, %dma_wait3A_234] : memref<32x40x128xi32, #tpu.memory_space<hbm>> -> memref<1x40x128xi32, #tpu.memory_space<hbm>>
      %dma_wait3A_236 = tpu.memref_squeeze %dma_wait3A_235 : memref<1x40x128xi32, #tpu.memory_space<hbm>> -> memref<40x128xi32, #tpu.memory_space<hbm>>
      tpu.wait_dma2 semaphore(%run_scoped3A : memref<!tpu.dma_semaphore, #tpu.memory_space<semaphore_mem>>) src(%dma_wait3A_236 : memref<40x128xi32, #tpu.memory_space<hbm>>) dst(%arg11 : memref<40x128xi32, #tpu.memory_space<vmem>>)
      tpu.yield
    }) : () -> ()
    %dma_start3A = arith.constant 0 : i32
    %dma_start3A_3 = arith.constant 0 : i32
    %dma_start3A_4 = tpu.memref_slice %arg11[%dma_start3A, %dma_start3A_3] : memref<40x128xi32, #tpu.memory_space<vmem>> -> memref<1x128xi32, #tpu.memory_space<vmem>>
    %dma_start3A_5 = tpu.memref_squeeze %dma_start3A_4 : memref<1x128xi32, #tpu.memory_space<vmem>> -> memref<128xi32, #tpu.memory_space<vmem>>
    %dma_start3A_6 = arith.constant 0 : i32
    %dma_start3A_7 = arith.constant 0 : i32
    %dma_start3A_8 = tpu.memref_slice %arg2[%dma_start3A_6, %dma_start3A_7] : memref<10000x128xf32, #tpu.memory_space<hbm>> -> memref<10000x128xf32, #tpu.memory_space<hbm>>
    tpu.enqueue_indirect_dma source(%dma_start3A_8 : memref<10000x128xf32, #tpu.memory_space<hbm>>) target(%arg12 : memref<128x128xf32, #tpu.memory_space<vmem>>) offsets(%dma_start3A_5 : memref<128xi32, #tpu.memory_space<vmem>>) semaphore(%arg32 : memref<!tpu.dma_semaphore, #tpu.memory_space<semaphore_mem>>)
    %dma_start3A_9 = arith.constant 0 : i32
    %dma_start3A_10 = arith.constant 0 : i32
    %dma_start3A_11 = tpu.memref_slice %arg11[%dma_start3A_9, %dma_start3A_10] : memref<40x128xi32, #tpu.memory_space<vmem>> -> memref<1x128xi32, #tpu.memory_space<vmem>>
    %dma_start3A_12 = tpu.memref_squeeze %dma_start3A_11 : memref<1x128xi32, #tpu.memory_space<vmem>> -> memref<128xi32, #tpu.memory_space<vmem>>
    %dma_start3A_13 = arith.constant 0 : i32
    %dma_start3A_14 = tpu.memref_slice %arg3[%dma_start3A_13] : memref<10000xf32, #tpu.memory_space<hbm>> -> memref<10000xf32, #tpu.memory_space<hbm>>
    tpu.enqueue_indirect_dma source(%dma_start3A_14 : memref<10000xf32, #tpu.memory_space<hbm>>) target(%arg17 : memref<128xf32, #tpu.memory_space<vmem>>) offsets(%dma_start3A_12 : memref<128xi32, #tpu.memory_space<vmem>>) semaphore(%arg32 : memref<!tpu.dma_semaphore, #tpu.memory_space<semaphore_mem>>)
    %dma_start3A_15 = arith.constant 0 : i32
    %dma_start3A_16 = arith.constant 0 : i32
    %dma_start3A_17 = tpu.memref_slice %arg11[%dma_start3A_15, %dma_start3A_16] : memref<40x128xi32, #tpu.memory_space<vmem>> -> memref<1x128xi32, #tpu.memory_space<vmem>>
    %dma_start3A_18 = tpu.memref_squeeze %dma_start3A_17 : memref<1x128xi32, #tpu.memory_space<vmem>> -> memref<128xi32, #tpu.memory_space<vmem>>
    %dma_start3A_19 = arith.constant 0 : i32
    %dma_start3A_20 = tpu.memref_slice %arg4[%dma_start3A_19] : memref<10000xf32, #tpu.memory_space<hbm>> -> memref<10000xf32, #tpu.memory_space<hbm>>
    tpu.enqueue_indirect_dma source(%dma_start3A_20 : memref<10000xf32, #tpu.memory_space<hbm>>) target(%arg18 : memref<128xf32, #tpu.memory_space<vmem>>) offsets(%dma_start3A_18 : memref<128xi32, #tpu.memory_space<vmem>>) semaphore(%arg32 : memref<!tpu.dma_semaphore, #tpu.memory_space<semaphore_mem>>)
    %dma_start3A_21 = arith.constant 0 : i32
    %dma_start3A_22 = arith.constant 0 : i32
    %dma_start3A_23 = tpu.memref_slice %arg11[%dma_start3A_21, %dma_start3A_22] : memref<40x128xi32, #tpu.memory_space<vmem>> -> memref<1x128xi32, #tpu.memory_space<vmem>>
    %dma_start3A_24 = tpu.memref_squeeze %dma_start3A_23 : memref<1x128xi32, #tpu.memory_space<vmem>> -> memref<128xi32, #tpu.memory_space<vmem>>
    %dma_start3A_25 = arith.constant 0 : i32
    %dma_start3A_26 = tpu.memref_slice %arg5[%dma_start3A_25] : memref<10000xf32, #tpu.memory_space<hbm>> -> memref<10000xf32, #tpu.memory_space<hbm>>
    tpu.enqueue_indirect_dma source(%dma_start3A_26 : memref<10000xf32, #tpu.memory_space<hbm>>) target(%arg19 : memref<128xf32, #tpu.memory_space<vmem>>) offsets(%dma_start3A_24 : memref<128xi32, #tpu.memory_space<vmem>>) semaphore(%arg32 : memref<!tpu.dma_semaphore, #tpu.memory_space<semaphore_mem>>)
    %dma_start3A_27 = arith.constant 1 : i32
    %dma_start3A_28 = arith.constant 0 : i32
    %dma_start3A_29 = tpu.memref_slice %arg11[%dma_start3A_27, %dma_start3A_28] : memref<40x128xi32, #tpu.memory_space<vmem>> -> memref<1x128xi32, #tpu.memory_space<vmem>>
    %dma_start3A_30 = tpu.memref_squeeze %dma_start3A_29 : memref<1x128xi32, #tpu.memory_space<vmem>> -> memref<128xi32, #tpu.memory_space<vmem>>
    %dma_start3A_31 = arith.constant 0 : i32
    %dma_start3A_32 = arith.constant 0 : i32
    %dma_start3A_33 = tpu.memref_slice %arg2[%dma_start3A_31, %dma_start3A_32] : memref<10000x128xf32, #tpu.memory_space<hbm>> -> memref<10000x128xf32, #tpu.memory_space<hbm>>
    tpu.enqueue_indirect_dma source(%dma_start3A_33 : memref<10000x128xf32, #tpu.memory_space<hbm>>) target(%arg13 : memref<128x128xf32, #tpu.memory_space<vmem>>) offsets(%dma_start3A_30 : memref<128xi32, #tpu.memory_space<vmem>>) semaphore(%arg33 : memref<!tpu.dma_semaphore, #tpu.memory_space<semaphore_mem>>)
    %dma_start3A_34 = arith.constant 1 : i32
    %dma_start3A_35 = arith.constant 0 : i32
    %dma_start3A_36 = tpu.memref_slice %arg11[%dma_start3A_34, %dma_start3A_35] : memref<40x128xi32, #tpu.memory_space<vmem>> -> memref<1x128xi32, #tpu.memory_space<vmem>>
    %dma_start3A_37 = tpu.memref_squeeze %dma_start3A_36 : memref<1x128xi32, #tpu.memory_space<vmem>> -> memref<128xi32, #tpu.memory_space<vmem>>
    %dma_start3A_38 = arith.constant 0 : i32
    %dma_start3A_39 = tpu.memref_slice %arg3[%dma_start3A_38] : memref<10000xf32, #tpu.memory_space<hbm>> -> memref<10000xf32, #tpu.memory_space<hbm>>
    tpu.enqueue_indirect_dma source(%dma_start3A_39 : memref<10000xf32, #tpu.memory_space<hbm>>) target(%arg20 : memref<128xf32, #tpu.memory_space<vmem>>) offsets(%dma_start3A_37 : memref<128xi32, #tpu.memory_space<vmem>>) semaphore(%arg33 : memref<!tpu.dma_semaphore, #tpu.memory_space<semaphore_mem>>)
    %dma_start3A_40 = arith.constant 1 : i32
    %dma_start3A_41 = arith.constant 0 : i32
    %dma_start3A_42 = tpu.memref_slice %arg11[%dma_start3A_40, %dma_start3A_41] : memref<40x128xi32, #tpu.memory_space<vmem>> -> memref<1x128xi32, #tpu.memory_space<vmem>>
    %dma_start3A_43 = tpu.memref_squeeze %dma_start3A_42 : memref<1x128xi32, #tpu.memory_space<vmem>> -> memref<128xi32, #tpu.memory_space<vmem>>
    %dma_start3A_44 = arith.constant 0 : i32
    %dma_start3A_45 = tpu.memref_slice %arg4[%dma_start3A_44] : memref<10000xf32, #tpu.memory_space<hbm>> -> memref<10000xf32, #tpu.memory_space<hbm>>
    tpu.enqueue_indirect_dma source(%dma_start3A_45 : memref<10000xf32, #tpu.memory_space<hbm>>) target(%arg21 : memref<128xf32, #tpu.memory_space<vmem>>) offsets(%dma_start3A_43 : memref<128xi32, #tpu.memory_space<vmem>>) semaphore(%arg33 : memref<!tpu.dma_semaphore, #tpu.memory_space<semaphore_mem>>)
    %dma_start3A_46 = arith.constant 1 : i32
    %dma_start3A_47 = arith.constant 0 : i32
    %dma_start3A_48 = tpu.memref_slice %arg11[%dma_start3A_46, %dma_start3A_47] : memref<40x128xi32, #tpu.memory_space<vmem>> -> memref<1x128xi32, #tpu.memory_space<vmem>>
    %dma_start3A_49 = tpu.memref_squeeze %dma_start3A_48 : memref<1x128xi32, #tpu.memory_space<vmem>> -> memref<128xi32, #tpu.memory_space<vmem>>
    %dma_start3A_50 = arith.constant 0 : i32
    %dma_start3A_51 = tpu.memref_slice %arg5[%dma_start3A_50] : memref<10000xf32, #tpu.memory_space<hbm>> -> memref<10000xf32, #tpu.memory_space<hbm>>
    tpu.enqueue_indirect_dma source(%dma_start3A_51 : memref<10000xf32, #tpu.memory_space<hbm>>) target(%arg22 : memref<128xf32, #tpu.memory_space<vmem>>) offsets(%dma_start3A_49 : memref<128xi32, #tpu.memory_space<vmem>>) semaphore(%arg33 : memref<!tpu.dma_semaphore, #tpu.memory_space<semaphore_mem>>)
    %dma_start3A_52 = arith.constant 2 : i32
    %dma_start3A_53 = arith.constant 0 : i32
    %dma_start3A_54 = tpu.memref_slice %arg11[%dma_start3A_52, %dma_start3A_53] : memref<40x128xi32, #tpu.memory_space<vmem>> -> memref<1x128xi32, #tpu.memory_space<vmem>>
    %dma_start3A_55 = tpu.memref_squeeze %dma_start3A_54 : memref<1x128xi32, #tpu.memory_space<vmem>> -> memref<128xi32, #tpu.memory_space<vmem>>
    %dma_start3A_56 = arith.constant 0 : i32
    %dma_start3A_57 = arith.constant 0 : i32
    %dma_start3A_58 = tpu.memref_slice %arg2[%dma_start3A_56, %dma_start3A_57] : memref<10000x128xf32, #tpu.memory_space<hbm>> -> memref<10000x128xf32, #tpu.memory_space<hbm>>
    tpu.enqueue_indirect_dma source(%dma_start3A_58 : memref<10000x128xf32, #tpu.memory_space<hbm>>) target(%arg14 : memref<128x128xf32, #tpu.memory_space<vmem>>) offsets(%dma_start3A_55 : memref<128xi32, #tpu.memory_space<vmem>>) semaphore(%arg34 : memref<!tpu.dma_semaphore, #tpu.memory_space<semaphore_mem>>)
    %dma_start3A_59 = arith.constant 2 : i32
    %dma_start3A_60 = arith.constant 0 : i32
    %dma_start3A_61 = tpu.memref_slice %arg11[%dma_start3A_59, %dma_start3A_60] : memref<40x128xi32, #tpu.memory_space<vmem>> -> memref<1x128xi32, #tpu.memory_space<vmem>>
    %dma_start3A_62 = tpu.memref_squeeze %dma_start3A_61 : memref<1x128xi32, #tpu.memory_space<vmem>> -> memref<128xi32, #tpu.memory_space<vmem>>
    %dma_start3A_63 = arith.constant 0 : i32
    %dma_start3A_64 = tpu.memref_slice %arg3[%dma_start3A_63] : memref<10000xf32, #tpu.memory_space<hbm>> -> memref<10000xf32, #tpu.memory_space<hbm>>
    tpu.enqueue_indirect_dma source(%dma_start3A_64 : memref<10000xf32, #tpu.memory_space<hbm>>) target(%arg23 : memref<128xf32, #tpu.memory_space<vmem>>) offsets(%dma_start3A_62 : memref<128xi32, #tpu.memory_space<vmem>>) semaphore(%arg34 : memref<!tpu.dma_semaphore, #tpu.memory_space<semaphore_mem>>)
    %dma_start3A_65 = arith.constant 2 : i32
    %dma_start3A_66 = arith.constant 0 : i32
    %dma_start3A_67 = tpu.memref_slice %arg11[%dma_start3A_65, %dma_start3A_66] : memref<40x128xi32, #tpu.memory_space<vmem>> -> memref<1x128xi32, #tpu.memory_space<vmem>>
    %dma_start3A_68 = tpu.memref_squeeze %dma_start3A_67 : memref<1x128xi32, #tpu.memory_space<vmem>> -> memref<128xi32, #tpu.memory_space<vmem>>
    %dma_start3A_69 = arith.constant 0 : i32
    %dma_start3A_70 = tpu.memref_slice %arg4[%dma_start3A_69] : memref<10000xf32, #tpu.memory_space<hbm>> -> memref<10000xf32, #tpu.memory_space<hbm>>
    tpu.enqueue_indirect_dma source(%dma_start3A_70 : memref<10000xf32, #tpu.memory_space<hbm>>) target(%arg24 : memref<128xf32, #tpu.memory_space<vmem>>) offsets(%dma_start3A_68 : memref<128xi32, #tpu.memory_space<vmem>>) semaphore(%arg34 : memref<!tpu.dma_semaphore, #tpu.memory_space<semaphore_mem>>)
    %dma_start3A_71 = arith.constant 2 : i32
    %dma_start3A_72 = arith.constant 0 : i32
    %dma_start3A_73 = tpu.memref_slice %arg11[%dma_start3A_71, %dma_start3A_72] : memref<40x128xi32, #tpu.memory_space<vmem>> -> memref<1x128xi32, #tpu.memory_space<vmem>>
    %dma_start3A_74 = tpu.memref_squeeze %dma_start3A_73 : memref<1x128xi32, #tpu.memory_space<vmem>> -> memref<128xi32, #tpu.memory_space<vmem>>
    %dma_start3A_75 = arith.constant 0 : i32
    %dma_start3A_76 = tpu.memref_slice %arg5[%dma_start3A_75] : memref<10000xf32, #tpu.memory_space<hbm>> -> memref<10000xf32, #tpu.memory_space<hbm>>
    tpu.enqueue_indirect_dma source(%dma_start3A_76 : memref<10000xf32, #tpu.memory_space<hbm>>) target(%arg25 : memref<128xf32, #tpu.memory_space<vmem>>) offsets(%dma_start3A_74 : memref<128xi32, #tpu.memory_space<vmem>>) semaphore(%arg34 : memref<!tpu.dma_semaphore, #tpu.memory_space<semaphore_mem>>)
    %dma_start3A_77 = arith.constant 3 : i32
    %dma_start3A_78 = arith.constant 0 : i32
    %dma_start3A_79 = tpu.memref_slice %arg11[%dma_start3A_77, %dma_start3A_78] : memref<40x128xi32, #tpu.memory_space<vmem>> -> memref<1x128xi32, #tpu.memory_space<vmem>>
    %dma_start3A_80 = tpu.memref_squeeze %dma_start3A_79 : memref<1x128xi32, #tpu.memory_space<vmem>> -> memref<128xi32, #tpu.memory_space<vmem>>
    %dma_start3A_81 = arith.constant 0 : i32
    %dma_start3A_82 = arith.constant 0 : i32
    %dma_start3A_83 = tpu.memref_slice %arg2[%dma_start3A_81, %dma_start3A_82] : memref<10000x128xf32, #tpu.memory_space<hbm>> -> memref<10000x128xf32, #tpu.memory_space<hbm>>
    tpu.enqueue_indirect_dma source(%dma_start3A_83 : memref<10000x128xf32, #tpu.memory_space<hbm>>) target(%arg15 : memref<128x128xf32, #tpu.memory_space<vmem>>) offsets(%dma_start3A_80 : memref<128xi32, #tpu.memory_space<vmem>>) semaphore(%arg35 : memref<!tpu.dma_semaphore, #tpu.memory_space<semaphore_mem>>)
    %dma_start3A_84 = arith.constant 3 : i32
    %dma_start3A_85 = arith.constant 0 : i32
    %dma_start3A_86 = tpu.memref_slice %arg11[%dma_start3A_84, %dma_start3A_85] : memref<40x128xi32, #tpu.memory_space<vmem>> -> memref<1x128xi32, #tpu.memory_space<vmem>>
    %dma_start3A_87 = tpu.memref_squeeze %dma_start3A_86 : memref<1x128xi32, #tpu.memory_space<vmem>> -> memref<128xi32, #tpu.memory_space<vmem>>
    %dma_start3A_88 = arith.constant 0 : i32
    %dma_start3A_89 = tpu.memref_slice %arg3[%dma_start3A_88] : memref<10000xf32, #tpu.memory_space<hbm>> -> memref<10000xf32, #tpu.memory_space<hbm>>
    tpu.enqueue_indirect_dma source(%dma_start3A_89 : memref<10000xf32, #tpu.memory_space<hbm>>) target(%arg26 : memref<128xf32, #tpu.memory_space<vmem>>) offsets(%dma_start3A_87 : memref<128xi32, #tpu.memory_space<vmem>>) semaphore(%arg35 : memref<!tpu.dma_semaphore, #tpu.memory_space<semaphore_mem>>)
    %dma_start3A_90 = arith.constant 3 : i32
    %dma_start3A_91 = arith.constant 0 : i32
    %dma_start3A_92 = tpu.memref_slice %arg11[%dma_start3A_90, %dma_start3A_91] : memref<40x128xi32, #tpu.memory_space<vmem>> -> memref<1x128xi32, #tpu.memory_space<vmem>>
    %dma_start3A_93 = tpu.memref_squeeze %dma_start3A_92 : memref<1x128xi32, #tpu.memory_space<vmem>> -> memref<128xi32, #tpu.memory_space<vmem>>
    %dma_start3A_94 = arith.constant 0 : i32
    %dma_start3A_95 = tpu.memref_slice %arg4[%dma_start3A_94] : memref<10000xf32, #tpu.memory_space<hbm>> -> memref<10000xf32, #tpu.memory_space<hbm>>
    tpu.enqueue_indirect_dma source(%dma_start3A_95 : memref<10000xf32, #tpu.memory_space<hbm>>) target(%arg27 : memref<128xf32, #tpu.memory_space<vmem>>) offsets(%dma_start3A_93 : memref<128xi32, #tpu.memory_space<vmem>>) semaphore(%arg35 : memref<!tpu.dma_semaphore, #tpu.memory_space<semaphore_mem>>)
    %dma_start3A_96 = arith.constant 3 : i32
    %dma_start3A_97 = arith.constant 0 : i32
    %dma_start3A_98 = tpu.memref_slice %arg11[%dma_start3A_96, %dma_start3A_97] : memref<40x128xi32, #tpu.memory_space<vmem>> -> memref<1x128xi32, #tpu.memory_space<vmem>>
    %dma_start3A_99 = tpu.memref_squeeze %dma_start3A_98 : memref<1x128xi32, #tpu.memory_space<vmem>> -> memref<128xi32, #tpu.memory_space<vmem>>
    %dma_start3A_100 = arith.constant 0 : i32
    %dma_start3A_101 = tpu.memref_slice %arg5[%dma_start3A_100] : memref<10000xf32, #tpu.memory_space<hbm>> -> memref<10000xf32, #tpu.memory_space<hbm>>
    tpu.enqueue_indirect_dma source(%dma_start3A_101 : memref<10000xf32, #tpu.memory_space<hbm>>) target(%arg28 : memref<128xf32, #tpu.memory_space<vmem>>) offsets(%dma_start3A_99 : memref<128xi32, #tpu.memory_space<vmem>>) semaphore(%arg35 : memref<!tpu.dma_semaphore, #tpu.memory_space<semaphore_mem>>)
    %dma_start3A_102 = arith.constant 4 : i32
    %dma_start3A_103 = arith.constant 0 : i32
    %dma_start3A_104 = tpu.memref_slice %arg11[%dma_start3A_102, %dma_start3A_103] : memref<40x128xi32, #tpu.memory_space<vmem>> -> memref<1x128xi32, #tpu.memory_space<vmem>>
    %dma_start3A_105 = tpu.memref_squeeze %dma_start3A_104 : memref<1x128xi32, #tpu.memory_space<vmem>> -> memref<128xi32, #tpu.memory_space<vmem>>
    %dma_start3A_106 = arith.constant 0 : i32
    %dma_start3A_107 = arith.constant 0 : i32
    %dma_start3A_108 = tpu.memref_slice %arg2[%dma_start3A_106, %dma_start3A_107] : memref<10000x128xf32, #tpu.memory_space<hbm>> -> memref<10000x128xf32, #tpu.memory_space<hbm>>
    tpu.enqueue_indirect_dma source(%dma_start3A_108 : memref<10000x128xf32, #tpu.memory_space<hbm>>) target(%arg16 : memref<128x128xf32, #tpu.memory_space<vmem>>) offsets(%dma_start3A_105 : memref<128xi32, #tpu.memory_space<vmem>>) semaphore(%arg36 : memref<!tpu.dma_semaphore, #tpu.memory_space<semaphore_mem>>)
    %dma_start3A_109 = arith.constant 4 : i32
    %dma_start3A_110 = arith.constant 0 : i32
    %dma_start3A_111 = tpu.memref_slice %arg11[%dma_start3A_109, %dma_start3A_110] : memref<40x128xi32, #tpu.memory_space<vmem>> -> memref<1x128xi32, #tpu.memory_space<vmem>>
    %dma_start3A_112 = tpu.memref_squeeze %dma_start3A_111 : memref<1x128xi32, #tpu.memory_space<vmem>> -> memref<128xi32, #tpu.memory_space<vmem>>
    %dma_start3A_113 = arith.constant 0 : i32
    %dma_start3A_114 = tpu.memref_slice %arg3[%dma_start3A_113] : memref<10000xf32, #tpu.memory_space<hbm>> -> memref<10000xf32, #tpu.memory_space<hbm>>
    tpu.enqueue_indirect_dma source(%dma_start3A_114 : memref<10000xf32, #tpu.memory_space<hbm>>) target(%arg29 : memref<128xf32, #tpu.memory_space<vmem>>) offsets(%dma_start3A_112 : memref<128xi32, #tpu.memory_space<vmem>>) semaphore(%arg36 : memref<!tpu.dma_semaphore, #tpu.memory_space<semaphore_mem>>)
    %dma_start3A_115 = arith.constant 4 : i32
    %dma_start3A_116 = arith.constant 0 : i32
    %dma_start3A_117 = tpu.memref_slice %arg11[%dma_start3A_115, %dma_start3A_116] : memref<40x128xi32, #tpu.memory_space<vmem>> -> memref<1x128xi32, #tpu.memory_space<vmem>>
    %dma_start3A_118 = tpu.memref_squeeze %dma_start3A_117 : memref<1x128xi32, #tpu.memory_space<vmem>> -> memref<128xi32, #tpu.memory_space<vmem>>
    %dma_start3A_119 = arith.constant 0 : i32
    %dma_start3A_120 = tpu.memref_slice %arg4[%dma_start3A_119] : memref<10000xf32, #tpu.memory_space<hbm>> -> memref<10000xf32, #tpu.memory_space<hbm>>
    tpu.enqueue_indirect_dma source(%dma_start3A_120 : memref<10000xf32, #tpu.memory_space<hbm>>) target(%arg30 : memref<128xf32, #tpu.memory_space<vmem>>) offsets(%dma_start3A_118 : memref<128xi32, #tpu.memory_space<vmem>>) semaphore(%arg36 : memref<!tpu.dma_semaphore, #tpu.memory_space<semaphore_mem>>)
    %dma_start3A_121 = arith.constant 4 : i32
    %dma_start3A_122 = arith.constant 0 : i32
    %dma_start3A_123 = tpu.memref_slice %arg11[%dma_start3A_121, %dma_start3A_122] : memref<40x128xi32, #tpu.memory_space<vmem>> -> memref<1x128xi32, #tpu.memory_space<vmem>>
    %dma_start3A_124 = tpu.memref_squeeze %dma_start3A_123 : memref<1x128xi32, #tpu.memory_space<vmem>> -> memref<128xi32, #tpu.memory_space<vmem>>
    %dma_start3A_125 = arith.constant 0 : i32
    %dma_start3A_126 = tpu.memref_slice %arg5[%dma_start3A_125] : memref<10000xf32, #tpu.memory_space<hbm>> -> memref<10000xf32, #tpu.memory_space<hbm>>
    tpu.enqueue_indirect_dma source(%dma_start3A_126 : memref<10000xf32, #tpu.memory_space<hbm>>) target(%arg31 : memref<128xf32, #tpu.memory_space<vmem>>) offsets(%dma_start3A_124 : memref<128xi32, #tpu.memory_space<vmem>>) semaphore(%arg36 : memref<!tpu.dma_semaphore, #tpu.memory_space<semaphore_mem>>)
    %scan3A = arith.constant 0 : i32
    %scan3A_127 = arith.constant 0 : i32
    %scan3A_128 = arith.constant 8 : i32
    %scan3A_129 = arith.addi %scan3A_127, %scan3A_128 : i32
    %scan3A_130 = arith.constant 1 : i32
    scf.for %scan3A_221 = %scan3A_127 to %scan3A_129 step %scan3A_130  : i32 {
      %mul3A_222 = arith.constant 5 : i32
      %mul3A_223 = arith.muli %scan3A_221, %mul3A_222 : i32
      %add3A_224 = arith.constant 0 : i32
      %add3A_225 = arith.addi %mul3A_223, %add3A_224 : i32
      %dma_wait3A_226 = arith.constant 0 : i32
      %dma_wait3A_227 = arith.constant 0 : i32
      %dma_wait3A_228 = tpu.memref_slice %arg2[%dma_wait3A_226, %dma_wait3A_227] : memref<10000x128xf32, #tpu.memory_space<hbm>> -> memref<128x128xf32, #tpu.memory_space<hbm>>
      %dma_wait3A_229 = arith.constant 0 : i32
      %dma_wait3A_230 = arith.constant 0 : i32
      %dma_wait3A_231 = tpu.memref_slice %arg2[%dma_wait3A_229, %dma_wait3A_230] : memref<10000x128xf32, #tpu.memory_space<hbm>> -> memref<128x128xf32, #tpu.memory_space<hbm>>
      tpu.wait_dma2 semaphore(%arg32 : memref<!tpu.dma_semaphore, #tpu.memory_space<semaphore_mem>>) src(%dma_wait3A_231 : memref<128x128xf32, #tpu.memory_space<hbm>>) dst(%arg12 : memref<128x128xf32, #tpu.memory_space<vmem>>)
      %dma_wait3A_232 = arith.constant 0 : i32
      %dma_wait3A_233 = tpu.memref_slice %arg3[%dma_wait3A_232] : memref<10000xf32, #tpu.memory_space<hbm>> -> memref<128xf32, #tpu.memory_space<hbm>>
      %dma_wait3A_234 = arith.constant 0 : i32
      %dma_wait3A_235 = tpu.memref_slice %arg3[%dma_wait3A_234] : memref<10000xf32, #tpu.memory_space<hbm>> -> memref<128xf32, #tpu.memory_space<hbm>>
      tpu.wait_dma2 semaphore(%arg32 : memref<!tpu.dma_semaphore, #tpu.memory_space<semaphore_mem>>) src(%dma_wait3A_235 : memref<128xf32, #tpu.memory_space<hbm>>) dst(%arg17 : memref<128xf32, #tpu.memory_space<vmem>>)
      %dma_wait3A_236 = arith.constant 0 : i32
      %dma_wait3A_237 = tpu.memref_slice %arg4[%dma_wait3A_236] : memref<10000xf32, #tpu.memory_space<hbm>> -> memref<128xf32, #tpu.memory_space<hbm>>
      %dma_wait3A_238 = arith.constant 0 : i32
      %dma_wait3A_239 = tpu.memref_slice %arg4[%dma_wait3A_238] : memref<10000xf32, #tpu.memory_space<hbm>> -> memref<128xf32, #tpu.memory_space<hbm>>
      tpu.wait_dma2 semaphore(%arg32 : memref<!tpu.dma_semaphore, #tpu.memory_space<semaphore_mem>>) src(%dma_wait3A_239 : memref<128xf32, #tpu.memory_space<hbm>>) dst(%arg18 : memref<128xf32, #tpu.memory_space<vmem>>)
      %dma_wait3A_240 = arith.constant 0 : i32
      %dma_wait3A_241 = tpu.memref_slice %arg5[%dma_wait3A_240] : memref<10000xf32, #tpu.memory_space<hbm>> -> memref<128xf32, #tpu.memory_space<hbm>>
      %dma_wait3A_242 = arith.constant 0 : i32
      %dma_wait3A_243 = tpu.memref_slice %arg5[%dma_wait3A_242] : memref<10000xf32, #tpu.memory_space<hbm>> -> memref<128xf32, #tpu.memory_space<hbm>>
      tpu.wait_dma2 semaphore(%arg32 : memref<!tpu.dma_semaphore, #tpu.memory_space<semaphore_mem>>) src(%dma_wait3A_243 : memref<128xf32, #tpu.memory_space<hbm>>) dst(%arg19 : memref<128xf32, #tpu.memory_space<vmem>>)
      %mul3A_244 = arith.constant 128 : i32
      %mul3A_245 = arith.muli %add3A_225, %mul3A_244 : i32
      %add3A_246 = arith.addi %mul3A_2, %mul3A_245 : i32
      %dma_start3A_247 = arith.constant 0 : i32
      %dma_start3A_248 = tpu.memref_slice %arg7[%add3A_246, %dma_start3A_247] : memref<163840x128xf32, #tpu.memory_space<hbm>> -> memref<128x128xf32, #tpu.memory_space<hbm>>
      %dma_start3A_249 = arith.constant 0 : i32
      %dma_start3A_250 = tpu.memref_slice %arg7[%add3A_246, %dma_start3A_249] : memref<163840x128xf32, #tpu.memory_space<hbm>> -> memref<128x128xf32, #tpu.memory_space<hbm>>
      tpu.enqueue_dma source(%arg12 : memref<128x128xf32, #tpu.memory_space<vmem>>) target(%dma_start3A_250 : memref<128x128xf32, #tpu.memory_space<hbm>>) target_semaphore(%arg37 : memref<!tpu.dma_semaphore, #tpu.memory_space<semaphore_mem>>)
      %dma_start3A_251 = tpu.memref_slice %arg8[%add3A_246] : memref<163840xf32, #tpu.memory_space<hbm>> -> memref<128xf32, #tpu.memory_space<hbm>>
      %dma_start3A_252 = tpu.memref_slice %arg8[%add3A_246] : memref<163840xf32, #tpu.memory_space<hbm>> -> memref<128xf32, #tpu.memory_space<hbm>>
      tpu.enqueue_dma source(%arg17 : memref<128xf32, #tpu.memory_space<vmem>>) target(%dma_start3A_252 : memref<128xf32, #tpu.memory_space<hbm>>) target_semaphore(%arg37 : memref<!tpu.dma_semaphore, #tpu.memory_space<semaphore_mem>>)
      %dma_start3A_253 = tpu.memref_slice %arg9[%add3A_246] : memref<163840xf32, #tpu.memory_space<hbm>> -> memref<128xf32, #tpu.memory_space<hbm>>
      %dma_start3A_254 = tpu.memref_slice %arg9[%add3A_246] : memref<163840xf32, #tpu.memory_space<hbm>> -> memref<128xf32, #tpu.memory_space<hbm>>
      tpu.enqueue_dma source(%arg18 : memref<128xf32, #tpu.memory_space<vmem>>) target(%dma_start3A_254 : memref<128xf32, #tpu.memory_space<hbm>>) target_semaphore(%arg37 : memref<!tpu.dma_semaphore, #tpu.memory_space<semaphore_mem>>)
      %dma_start3A_255 = tpu.memref_slice %arg10[%add3A_246] : memref<163840xf32, #tpu.memory_space<hbm>> -> memref<128xf32, #tpu.memory_space<hbm>>
      %dma_start3A_256 = tpu.memref_slice %arg10[%add3A_246] : memref<163840xf32, #tpu.memory_space<hbm>> -> memref<128xf32, #tpu.memory_space<hbm>>
      tpu.enqueue_dma source(%arg19 : memref<128xf32, #tpu.memory_space<vmem>>) target(%dma_start3A_256 : memref<128xf32, #tpu.memory_space<hbm>>) target_semaphore(%arg37 : memref<!tpu.dma_semaphore, #tpu.memory_space<semaphore_mem>>)
      %lt3A = arith.constant 7 : i32
      %lt3A_257 = arith.cmpi slt, %scan3A_221, %lt3A : i32
      %convert_element_type3A = arith.extui %lt3A_257 : i1 to i32
      %cond3A = arith.constant 0 : i32
      %cond3A_258 = arith.cmpi ne, %convert_element_type3A, %cond3A : i32
      scf.if %cond3A_258 {
        %dma_wait3A_419 = arith.constant 0 : i32
        %dma_wait3A_420 = arith.constant 0 : i32
        %dma_wait3A_421 = tpu.memref_slice %arg7[%dma_wait3A_419, %dma_wait3A_420] : memref<163840x128xf32, #tpu.memory_space<hbm>> -> memref<128x128xf32, #tpu.memory_space<hbm>>
        %dma_wait3A_422 = arith.constant 0 : i32
        %dma_wait3A_423 = arith.constant 0 : i32
        %dma_wait3A_424 = tpu.memref_slice %arg7[%dma_wait3A_422, %dma_wait3A_423] : memref<163840x128xf32, #tpu.memory_space<hbm>> -> memref<128x128xf32, #tpu.memory_space<hbm>>
        tpu.wait_dma2 semaphore(%arg37 : memref<!tpu.dma_semaphore, #tpu.memory_space<semaphore_mem>>) src(%arg12 : memref<128x128xf32, #tpu.memory_space<vmem>>) dst(%dma_wait3A_424 : memref<128x128xf32, #tpu.memory_space<hbm>>)
        %dma_wait3A_425 = arith.constant 0 : i32
        %dma_wait3A_426 = tpu.memref_slice %arg8[%dma_wait3A_425] : memref<163840xf32, #tpu.memory_space<hbm>> -> memref<128xf32, #tpu.memory_space<hbm>>
        %dma_wait3A_427 = arith.constant 0 : i32
        %dma_wait3A_428 = tpu.memref_slice %arg8[%dma_wait3A_427] : memref<163840xf32, #tpu.memory_space<hbm>> -> memref<128xf32, #tpu.memory_space<hbm>>
        tpu.wait_dma2 semaphore(%arg37 : memref<!tpu.dma_semaphore, #tpu.memory_space<semaphore_mem>>) src(%arg17 : memref<128xf32, #tpu.memory_space<vmem>>) dst(%dma_wait3A_428 : memref<128xf32, #tpu.memory_space<hbm>>)
        %dma_wait3A_429 = arith.constant 0 : i32
        %dma_wait3A_430 = tpu.memref_slice %arg9[%dma_wait3A_429] : memref<163840xf32, #tpu.memory_space<hbm>> -> memref<128xf32, #tpu.memory_space<hbm>>
        %dma_wait3A_431 = arith.constant 0 : i32
        %dma_wait3A_432 = tpu.memref_slice %arg9[%dma_wait3A_431] : memref<163840xf32, #tpu.memory_space<hbm>> -> memref<128xf32, #tpu.memory_space<hbm>>
        tpu.wait_dma2 semaphore(%arg37 : memref<!tpu.dma_semaphore, #tpu.memory_space<semaphore_mem>>) src(%arg18 : memref<128xf32, #tpu.memory_space<vmem>>) dst(%dma_wait3A_432 : memref<128xf32, #tpu.memory_space<hbm>>)
        %dma_wait3A_433 = arith.constant 0 : i32
        %dma_wait3A_434 = tpu.memref_slice %arg10[%dma_wait3A_433] : memref<163840xf32, #tpu.memory_space<hbm>> -> memref<128xf32, #tpu.memory_space<hbm>>
        %dma_wait3A_435 = arith.constant 0 : i32
        %dma_wait3A_436 = tpu.memref_slice %arg10[%dma_wait3A_435] : memref<163840xf32, #tpu.memory_space<hbm>> -> memref<128xf32, #tpu.memory_space<hbm>>
        tpu.wait_dma2 semaphore(%arg37 : memref<!tpu.dma_semaphore, #tpu.memory_space<semaphore_mem>>) src(%arg19 : memref<128xf32, #tpu.memory_space<vmem>>) dst(%dma_wait3A_436 : memref<128xf32, #tpu.memory_space<hbm>>)
        %add3A_437 = arith.constant 5 : i32
        %add3A_438 = arith.addi %add3A_225, %add3A_437 : i32
        %dma_start3A_439 = arith.constant 0 : i32
        %dma_start3A_440 = tpu.memref_slice %arg11[%add3A_438, %dma_start3A_439] : memref<40x128xi32, #tpu.memory_space<vmem>> -> memref<1x128xi32, #tpu.memory_space<vmem>>
        %dma_start3A_441 = tpu.memref_squeeze %dma_start3A_440 : memref<1x128xi32, #tpu.memory_space<vmem>> -> memref<128xi32, #tpu.memory_space<vmem>>
        %dma_start3A_442 = arith.constant 0 : i32
        %dma_start3A_443 = arith.constant 0 : i32
        %dma_start3A_444 = tpu.memref_slice %arg2[%dma_start3A_442, %dma_start3A_443] : memref<10000x128xf32, #tpu.memory_space<hbm>> -> memref<10000x128xf32, #tpu.memory_space<hbm>>
        tpu.enqueue_indirect_dma source(%dma_start3A_444 : memref<10000x128xf32, #tpu.memory_space<hbm>>) target(%arg12 : memref<128x128xf32, #tpu.memory_space<vmem>>) offsets(%dma_start3A_441 : memref<128xi32, #tpu.memory_space<vmem>>) semaphore(%arg32 : memref<!tpu.dma_semaphore, #tpu.memory_space<semaphore_mem>>)
        %dma_start3A_445 = arith.constant 0 : i32
        %dma_start3A_446 = tpu.memref_slice %arg11[%add3A_438, %dma_start3A_445] : memref<40x128xi32, #tpu.memory_space<vmem>> -> memref<1x128xi32, #tpu.memory_space<vmem>>
        %dma_start3A_447 = tpu.memref_squeeze %dma_start3A_446 : memref<1x128xi32, #tpu.memory_space<vmem>> -> memref<128xi32, #tpu.memory_space<vmem>>
        %dma_start3A_448 = arith.constant 0 : i32
        %dma_start3A_449 = tpu.memref_slice %arg3[%dma_start3A_448] : memref<10000xf32, #tpu.memory_space<hbm>> -> memref<10000xf32, #tpu.memory_space<hbm>>
        tpu.enqueue_indirect_dma source(%dma_start3A_449 : memref<10000xf32, #tpu.memory_space<hbm>>) target(%arg17 : memref<128xf32, #tpu.memory_space<vmem>>) offsets(%dma_start3A_447 : memref<128xi32, #tpu.memory_space<vmem>>) semaphore(%arg32 : memref<!tpu.dma_semaphore, #tpu.memory_space<semaphore_mem>>)
        %dma_start3A_450 = arith.constant 0 : i32
        %dma_start3A_451 = tpu.memref_slice %arg11[%add3A_438, %dma_start3A_450] : memref<40x128xi32, #tpu.memory_space<vmem>> -> memref<1x128xi32, #tpu.memory_space<vmem>>
        %dma_start3A_452 = tpu.memref_squeeze %dma_start3A_451 : memref<1x128xi32, #tpu.memory_space<vmem>> -> memref<128xi32, #tpu.memory_space<vmem>>
        %dma_start3A_453 = arith.constant 0 : i32
        %dma_start3A_454 = tpu.memref_slice %arg4[%dma_start3A_453] : memref<10000xf32, #tpu.memory_space<hbm>> -> memref<10000xf32, #tpu.memory_space<hbm>>
        tpu.enqueue_indirect_dma source(%dma_start3A_454 : memref<10000xf32, #tpu.memory_space<hbm>>) target(%arg18 : memref<128xf32, #tpu.memory_space<vmem>>) offsets(%dma_start3A_452 : memref<128xi32, #tpu.memory_space<vmem>>) semaphore(%arg32 : memref<!tpu.dma_semaphore, #tpu.memory_space<semaphore_mem>>)
        %dma_start3A_455 = arith.constant 0 : i32
        %dma_start3A_456 = tpu.memref_slice %arg11[%add3A_438, %dma_start3A_455] : memref<40x128xi32, #tpu.memory_space<vmem>> -> memref<1x128xi32, #tpu.memory_space<vmem>>
        %dma_start3A_457 = tpu.memref_squeeze %dma_start3A_456 : memref<1x128xi32, #tpu.memory_space<vmem>> -> memref<128xi32, #tpu.memory_space<vmem>>
        %dma_start3A_458 = arith.constant 0 : i32
        %dma_start3A_459 = tpu.memref_slice %arg5[%dma_start3A_458] : memref<10000xf32, #tpu.memory_space<hbm>> -> memref<10000xf32, #tpu.memory_space<hbm>>
        tpu.enqueue_indirect_dma source(%dma_start3A_459 : memref<10000xf32, #tpu.memory_space<hbm>>) target(%arg19 : memref<128xf32, #tpu.memory_space<vmem>>) offsets(%dma_start3A_457 : memref<128xi32, #tpu.memory_space<vmem>>) semaphore(%arg32 : memref<!tpu.dma_semaphore, #tpu.memory_space<semaphore_mem>>)
      } else {
      }
      %mul3A_259 = arith.constant 5 : i32
      %mul3A_260 = arith.muli %scan3A_221, %mul3A_259 : i32
      %add3A_261 = arith.constant 1 : i32
      %add3A_262 = arith.addi %mul3A_260, %add3A_261 : i32
      %dma_wait3A_263 = arith.constant 0 : i32
      %dma_wait3A_264 = arith.constant 0 : i32
      %dma_wait3A_265 = tpu.memref_slice %arg2[%dma_wait3A_263, %dma_wait3A_264] : memref<10000x128xf32, #tpu.memory_space<hbm>> -> memref<128x128xf32, #tpu.memory_space<hbm>>
      %dma_wait3A_266 = arith.constant 0 : i32
      %dma_wait3A_267 = arith.constant 0 : i32
      %dma_wait3A_268 = tpu.memref_slice %arg2[%dma_wait3A_266, %dma_wait3A_267] : memref<10000x128xf32, #tpu.memory_space<hbm>> -> memref<128x128xf32, #tpu.memory_space<hbm>>
      tpu.wait_dma2 semaphore(%arg33 : memref<!tpu.dma_semaphore, #tpu.memory_space<semaphore_mem>>) src(%dma_wait3A_268 : memref<128x128xf32, #tpu.memory_space<hbm>>) dst(%arg13 : memref<128x128xf32, #tpu.memory_space<vmem>>)
      %dma_wait3A_269 = arith.constant 0 : i32
      %dma_wait3A_270 = tpu.memref_slice %arg3[%dma_wait3A_269] : memref<10000xf32, #tpu.memory_space<hbm>> -> memref<128xf32, #tpu.memory_space<hbm>>
      %dma_wait3A_271 = arith.constant 0 : i32
      %dma_wait3A_272 = tpu.memref_slice %arg3[%dma_wait3A_271] : memref<10000xf32, #tpu.memory_space<hbm>> -> memref<128xf32, #tpu.memory_space<hbm>>
      tpu.wait_dma2 semaphore(%arg33 : memref<!tpu.dma_semaphore, #tpu.memory_space<semaphore_mem>>) src(%dma_wait3A_272 : memref<128xf32, #tpu.memory_space<hbm>>) dst(%arg20 : memref<128xf32, #tpu.memory_space<vmem>>)
      %dma_wait3A_273 = arith.constant 0 : i32
      %dma_wait3A_274 = tpu.memref_slice %arg4[%dma_wait3A_273] : memref<10000xf32, #tpu.memory_space<hbm>> -> memref<128xf32, #tpu.memory_space<hbm>>
      %dma_wait3A_275 = arith.constant 0 : i32
      %dma_wait3A_276 = tpu.memref_slice %arg4[%dma_wait3A_275] : memref<10000xf32, #tpu.memory_space<hbm>> -> memref<128xf32, #tpu.memory_space<hbm>>
      tpu.wait_dma2 semaphore(%arg33 : memref<!tpu.dma_semaphore, #tpu.memory_space<semaphore_mem>>) src(%dma_wait3A_276 : memref<128xf32, #tpu.memory_space<hbm>>) dst(%arg21 : memref<128xf32, #tpu.memory_space<vmem>>)
      %dma_wait3A_277 = arith.constant 0 : i32
      %dma_wait3A_278 = tpu.memref_slice %arg5[%dma_wait3A_277] : memref<10000xf32, #tpu.memory_space<hbm>> -> memref<128xf32, #tpu.memory_space<hbm>>
      %dma_wait3A_279 = arith.constant 0 : i32
      %dma_wait3A_280 = tpu.memref_slice %arg5[%dma_wait3A_279] : memref<10000xf32, #tpu.memory_space<hbm>> -> memref<128xf32, #tpu.memory_space<hbm>>
      tpu.wait_dma2 semaphore(%arg33 : memref<!tpu.dma_semaphore, #tpu.memory_space<semaphore_mem>>) src(%dma_wait3A_280 : memref<128xf32, #tpu.memory_space<hbm>>) dst(%arg22 : memref<128xf32, #tpu.memory_space<vmem>>)
      %mul3A_281 = arith.constant 128 : i32
      %mul3A_282 = arith.muli %add3A_262, %mul3A_281 : i32
      %add3A_283 = arith.addi %mul3A_2, %mul3A_282 : i32
      %dma_start3A_284 = arith.constant 0 : i32
      %dma_start3A_285 = tpu.memref_slice %arg7[%add3A_283, %dma_start3A_284] : memref<163840x128xf32, #tpu.memory_space<hbm>> -> memref<128x128xf32, #tpu.memory_space<hbm>>
      %dma_start3A_286 = arith.constant 0 : i32
      %dma_start3A_287 = tpu.memref_slice %arg7[%add3A_283, %dma_start3A_286] : memref<163840x128xf32, #tpu.memory_space<hbm>> -> memref<128x128xf32, #tpu.memory_space<hbm>>
      tpu.enqueue_dma source(%arg13 : memref<128x128xf32, #tpu.memory_space<vmem>>) target(%dma_start3A_287 : memref<128x128xf32, #tpu.memory_space<hbm>>) target_semaphore(%arg38 : memref<!tpu.dma_semaphore, #tpu.memory_space<semaphore_mem>>)
      %dma_start3A_288 = tpu.memref_slice %arg8[%add3A_283] : memref<163840xf32, #tpu.memory_space<hbm>> -> memref<128xf32, #tpu.memory_space<hbm>>
      %dma_start3A_289 = tpu.memref_slice %arg8[%add3A_283] : memref<163840xf32, #tpu.memory_space<hbm>> -> memref<128xf32, #tpu.memory_space<hbm>>
      tpu.enqueue_dma source(%arg20 : memref<128xf32, #tpu.memory_space<vmem>>) target(%dma_start3A_289 : memref<128xf32, #tpu.memory_space<hbm>>) target_semaphore(%arg38 : memref<!tpu.dma_semaphore, #tpu.memory_space<semaphore_mem>>)
      %dma_start3A_290 = tpu.memref_slice %arg9[%add3A_283] : memref<163840xf32, #tpu.memory_space<hbm>> -> memref<128xf32, #tpu.memory_space<hbm>>
      %dma_start3A_291 = tpu.memref_slice %arg9[%add3A_283] : memref<163840xf32, #tpu.memory_space<hbm>> -> memref<128xf32, #tpu.memory_space<hbm>>
      tpu.enqueue_dma source(%arg21 : memref<128xf32, #tpu.memory_space<vmem>>) target(%dma_start3A_291 : memref<128xf32, #tpu.memory_space<hbm>>) target_semaphore(%arg38 : memref<!tpu.dma_semaphore, #tpu.memory_space<semaphore_mem>>)
      %dma_start3A_292 = tpu.memref_slice %arg10[%add3A_283] : memref<163840xf32, #tpu.memory_space<hbm>> -> memref<128xf32, #tpu.memory_space<hbm>>
      %dma_start3A_293 = tpu.memref_slice %arg10[%add3A_283] : memref<163840xf32, #tpu.memory_space<hbm>> -> memref<128xf32, #tpu.memory_space<hbm>>
      tpu.enqueue_dma source(%arg22 : memref<128xf32, #tpu.memory_space<vmem>>) target(%dma_start3A_293 : memref<128xf32, #tpu.memory_space<hbm>>) target_semaphore(%arg38 : memref<!tpu.dma_semaphore, #tpu.memory_space<semaphore_mem>>)
      %lt3A_294 = arith.constant 7 : i32
      %lt3A_295 = arith.cmpi slt, %scan3A_221, %lt3A_294 : i32
      %convert_element_type3A_296 = arith.extui %lt3A_295 : i1 to i32
      %cond3A_297 = arith.constant 0 : i32
      %cond3A_298 = arith.cmpi ne, %convert_element_type3A_296, %cond3A_297 : i32
      scf.if %cond3A_298 {
        %dma_wait3A_419 = arith.constant 0 : i32
        %dma_wait3A_420 = arith.constant 0 : i32
        %dma_wait3A_421 = tpu.memref_slice %arg7[%dma_wait3A_419, %dma_wait3A_420] : memref<163840x128xf32, #tpu.memory_space<hbm>> -> memref<128x128xf32, #tpu.memory_space<hbm>>
        %dma_wait3A_422 = arith.constant 0 : i32
        %dma_wait3A_423 = arith.constant 0 : i32
        %dma_wait3A_424 = tpu.memref_slice %arg7[%dma_wait3A_422, %dma_wait3A_423] : memref<163840x128xf32, #tpu.memory_space<hbm>> -> memref<128x128xf32, #tpu.memory_space<hbm>>
        tpu.wait_dma2 semaphore(%arg38 : memref<!tpu.dma_semaphore, #tpu.memory_space<semaphore_mem>>) src(%arg13 : memref<128x128xf32, #tpu.memory_space<vmem>>) dst(%dma_wait3A_424 : memref<128x128xf32, #tpu.memory_space<hbm>>)
        %dma_wait3A_425 = arith.constant 0 : i32
        %dma_wait3A_426 = tpu.memref_slice %arg8[%dma_wait3A_425] : memref<163840xf32, #tpu.memory_space<hbm>> -> memref<128xf32, #tpu.memory_space<hbm>>
        %dma_wait3A_427 = arith.constant 0 : i32
        %dma_wait3A_428 = tpu.memref_slice %arg8[%dma_wait3A_427] : memref<163840xf32, #tpu.memory_space<hbm>> -> memref<128xf32, #tpu.memory_space<hbm>>
        tpu.wait_dma2 semaphore(%arg38 : memref<!tpu.dma_semaphore, #tpu.memory_space<semaphore_mem>>) src(%arg20 : memref<128xf32, #tpu.memory_space<vmem>>) dst(%dma_wait3A_428 : memref<128xf32, #tpu.memory_space<hbm>>)
        %dma_wait3A_429 = arith.constant 0 : i32
        %dma_wait3A_430 = tpu.memref_slice %arg9[%dma_wait3A_429] : memref<163840xf32, #tpu.memory_space<hbm>> -> memref<128xf32, #tpu.memory_space<hbm>>
        %dma_wait3A_431 = arith.constant 0 : i32
        %dma_wait3A_432 = tpu.memref_slice %arg9[%dma_wait3A_431] : memref<163840xf32, #tpu.memory_space<hbm>> -> memref<128xf32, #tpu.memory_space<hbm>>
        tpu.wait_dma2 semaphore(%arg38 : memref<!tpu.dma_semaphore, #tpu.memory_space<semaphore_mem>>) src(%arg21 : memref<128xf32, #tpu.memory_space<vmem>>) dst(%dma_wait3A_432 : memref<128xf32, #tpu.memory_space<hbm>>)
        %dma_wait3A_433 = arith.constant 0 : i32
        %dma_wait3A_434 = tpu.memref_slice %arg10[%dma_wait3A_433] : memref<163840xf32, #tpu.memory_space<hbm>> -> memref<128xf32, #tpu.memory_space<hbm>>
        %dma_wait3A_435 = arith.constant 0 : i32
        %dma_wait3A_436 = tpu.memref_slice %arg10[%dma_wait3A_435] : memref<163840xf32, #tpu.memory_space<hbm>> -> memref<128xf32, #tpu.memory_space<hbm>>
        tpu.wait_dma2 semaphore(%arg38 : memref<!tpu.dma_semaphore, #tpu.memory_space<semaphore_mem>>) src(%arg22 : memref<128xf32, #tpu.memory_space<vmem>>) dst(%dma_wait3A_436 : memref<128xf32, #tpu.memory_space<hbm>>)
        %add3A_437 = arith.constant 5 : i32
        %add3A_438 = arith.addi %add3A_262, %add3A_437 : i32
        %dma_start3A_439 = arith.constant 0 : i32
        %dma_start3A_440 = tpu.memref_slice %arg11[%add3A_438, %dma_start3A_439] : memref<40x128xi32, #tpu.memory_space<vmem>> -> memref<1x128xi32, #tpu.memory_space<vmem>>
        %dma_start3A_441 = tpu.memref_squeeze %dma_start3A_440 : memref<1x128xi32, #tpu.memory_space<vmem>> -> memref<128xi32, #tpu.memory_space<vmem>>
        %dma_start3A_442 = arith.constant 0 : i32
        %dma_start3A_443 = arith.constant 0 : i32
        %dma_start3A_444 = tpu.memref_slice %arg2[%dma_start3A_442, %dma_start3A_443] : memref<10000x128xf32, #tpu.memory_space<hbm>> -> memref<10000x128xf32, #tpu.memory_space<hbm>>
        tpu.enqueue_indirect_dma source(%dma_start3A_444 : memref<10000x128xf32, #tpu.memory_space<hbm>>) target(%arg13 : memref<128x128xf32, #tpu.memory_space<vmem>>) offsets(%dma_start3A_441 : memref<128xi32, #tpu.memory_space<vmem>>) semaphore(%arg33 : memref<!tpu.dma_semaphore, #tpu.memory_space<semaphore_mem>>)
        %dma_start3A_445 = arith.constant 0 : i32
        %dma_start3A_446 = tpu.memref_slice %arg11[%add3A_438, %dma_start3A_445] : memref<40x128xi32, #tpu.memory_space<vmem>> -> memref<1x128xi32, #tpu.memory_space<vmem>>
        %dma_start3A_447 = tpu.memref_squeeze %dma_start3A_446 : memref<1x128xi32, #tpu.memory_space<vmem>> -> memref<128xi32, #tpu.memory_space<vmem>>
        %dma_start3A_448 = arith.constant 0 : i32
        %dma_start3A_449 = tpu.memref_slice %arg3[%dma_start3A_448] : memref<10000xf32, #tpu.memory_space<hbm>> -> memref<10000xf32, #tpu.memory_space<hbm>>
        tpu.enqueue_indirect_dma source(%dma_start3A_449 : memref<10000xf32, #tpu.memory_space<hbm>>) target(%arg20 : memref<128xf32, #tpu.memory_space<vmem>>) offsets(%dma_start3A_447 : memref<128xi32, #tpu.memory_space<vmem>>) semaphore(%arg33 : memref<!tpu.dma_semaphore, #tpu.memory_space<semaphore_mem>>)
        %dma_start3A_450 = arith.constant 0 : i32
        %dma_start3A_451 = tpu.memref_slice %arg11[%add3A_438, %dma_start3A_450] : memref<40x128xi32, #tpu.memory_space<vmem>> -> memref<1x128xi32, #tpu.memory_space<vmem>>
        %dma_start3A_452 = tpu.memref_squeeze %dma_start3A_451 : memref<1x128xi32, #tpu.memory_space<vmem>> -> memref<128xi32, #tpu.memory_space<vmem>>
        %dma_start3A_453 = arith.constant 0 : i32
        %dma_start3A_454 = tpu.memref_slice %arg4[%dma_start3A_453] : memref<10000xf32, #tpu.memory_space<hbm>> -> memref<10000xf32, #tpu.memory_space<hbm>>
        tpu.enqueue_indirect_dma source(%dma_start3A_454 : memref<10000xf32, #tpu.memory_space<hbm>>) target(%arg21 : memref<128xf32, #tpu.memory_space<vmem>>) offsets(%dma_start3A_452 : memref<128xi32, #tpu.memory_space<vmem>>) semaphore(%arg33 : memref<!tpu.dma_semaphore, #tpu.memory_space<semaphore_mem>>)
        %dma_start3A_455 = arith.constant 0 : i32
        %dma_start3A_456 = tpu.memref_slice %arg11[%add3A_438, %dma_start3A_455] : memref<40x128xi32, #tpu.memory_space<vmem>> -> memref<1x128xi32, #tpu.memory_space<vmem>>
        %dma_start3A_457 = tpu.memref_squeeze %dma_start3A_456 : memref<1x128xi32, #tpu.memory_space<vmem>> -> memref<128xi32, #tpu.memory_space<vmem>>
        %dma_start3A_458 = arith.constant 0 : i32
        %dma_start3A_459 = tpu.memref_slice %arg5[%dma_start3A_458] : memref<10000xf32, #tpu.memory_space<hbm>> -> memref<10000xf32, #tpu.memory_space<hbm>>
        tpu.enqueue_indirect_dma source(%dma_start3A_459 : memref<10000xf32, #tpu.memory_space<hbm>>) target(%arg22 : memref<128xf32, #tpu.memory_space<vmem>>) offsets(%dma_start3A_457 : memref<128xi32, #tpu.memory_space<vmem>>) semaphore(%arg33 : memref<!tpu.dma_semaphore, #tpu.memory_space<semaphore_mem>>)
      } else {
      }
      %mul3A_299 = arith.constant 5 : i32
      %mul3A_300 = arith.muli %scan3A_221, %mul3A_299 : i32
      %add3A_301 = arith.constant 2 : i32
      %add3A_302 = arith.addi %mul3A_300, %add3A_301 : i32
      %dma_wait3A_303 = arith.constant 0 : i32
      %dma_wait3A_304 = arith.constant 0 : i32
      %dma_wait3A_305 = tpu.memref_slice %arg2[%dma_wait3A_303, %dma_wait3A_304] : memref<10000x128xf32, #tpu.memory_space<hbm>> -> memref<128x128xf32, #tpu.memory_space<hbm>>
      %dma_wait3A_306 = arith.constant 0 : i32
      %dma_wait3A_307 = arith.constant 0 : i32
      %dma_wait3A_308 = tpu.memref_slice %arg2[%dma_wait3A_306, %dma_wait3A_307] : memref<10000x128xf32, #tpu.memory_space<hbm>> -> memref<128x128xf32, #tpu.memory_space<hbm>>
      tpu.wait_dma2 semaphore(%arg34 : memref<!tpu.dma_semaphore, #tpu.memory_space<semaphore_mem>>) src(%dma_wait3A_308 : memref<128x128xf32, #tpu.memory_space<hbm>>) dst(%arg14 : memref<128x128xf32, #tpu.memory_space<vmem>>)
      %dma_wait3A_309 = arith.constant 0 : i32
      %dma_wait3A_310 = tpu.memref_slice %arg3[%dma_wait3A_309] : memref<10000xf32, #tpu.memory_space<hbm>> -> memref<128xf32, #tpu.memory_space<hbm>>
      %dma_wait3A_311 = arith.constant 0 : i32
      %dma_wait3A_312 = tpu.memref_slice %arg3[%dma_wait3A_311] : memref<10000xf32, #tpu.memory_space<hbm>> -> memref<128xf32, #tpu.memory_space<hbm>>
      tpu.wait_dma2 semaphore(%arg34 : memref<!tpu.dma_semaphore, #tpu.memory_space<semaphore_mem>>) src(%dma_wait3A_312 : memref<128xf32, #tpu.memory_space<hbm>>) dst(%arg23 : memref<128xf32, #tpu.memory_space<vmem>>)
      %dma_wait3A_313 = arith.constant 0 : i32
      %dma_wait3A_314 = tpu.memref_slice %arg4[%dma_wait3A_313] : memref<10000xf32, #tpu.memory_space<hbm>> -> memref<128xf32, #tpu.memory_space<hbm>>
      %dma_wait3A_315 = arith.constant 0 : i32
      %dma_wait3A_316 = tpu.memref_slice %arg4[%dma_wait3A_315] : memref<10000xf32, #tpu.memory_space<hbm>> -> memref<128xf32, #tpu.memory_space<hbm>>
      tpu.wait_dma2 semaphore(%arg34 : memref<!tpu.dma_semaphore, #tpu.memory_space<semaphore_mem>>) src(%dma_wait3A_316 : memref<128xf32, #tpu.memory_space<hbm>>) dst(%arg24 : memref<128xf32, #tpu.memory_space<vmem>>)
      %dma_wait3A_317 = arith.constant 0 : i32
      %dma_wait3A_318 = tpu.memref_slice %arg5[%dma_wait3A_317] : memref<10000xf32, #tpu.memory_space<hbm>> -> memref<128xf32, #tpu.memory_space<hbm>>
      %dma_wait3A_319 = arith.constant 0 : i32
      %dma_wait3A_320 = tpu.memref_slice %arg5[%dma_wait3A_319] : memref<10000xf32, #tpu.memory_space<hbm>> -> memref<128xf32, #tpu.memory_space<hbm>>
      tpu.wait_dma2 semaphore(%arg34 : memref<!tpu.dma_semaphore, #tpu.memory_space<semaphore_mem>>) src(%dma_wait3A_320 : memref<128xf32, #tpu.memory_space<hbm>>) dst(%arg25 : memref<128xf32, #tpu.memory_space<vmem>>)
      %mul3A_321 = arith.constant 128 : i32
      %mul3A_322 = arith.muli %add3A_302, %mul3A_321 : i32
      %add3A_323 = arith.addi %mul3A_2, %mul3A_322 : i32
      %dma_start3A_324 = arith.constant 0 : i32
      %dma_start3A_325 = tpu.memref_slice %arg7[%add3A_323, %dma_start3A_324] : memref<163840x128xf32, #tpu.memory_space<hbm>> -> memref<128x128xf32, #tpu.memory_space<hbm>>
      %dma_start3A_326 = arith.constant 0 : i32
      %dma_start3A_327 = tpu.memref_slice %arg7[%add3A_323, %dma_start3A_326] : memref<163840x128xf32, #tpu.memory_space<hbm>> -> memref<128x128xf32, #tpu.memory_space<hbm>>
      tpu.enqueue_dma source(%arg14 : memref<128x128xf32, #tpu.memory_space<vmem>>) target(%dma_start3A_327 : memref<128x128xf32, #tpu.memory_space<hbm>>) target_semaphore(%arg39 : memref<!tpu.dma_semaphore, #tpu.memory_space<semaphore_mem>>)
      %dma_start3A_328 = tpu.memref_slice %arg8[%add3A_323] : memref<163840xf32, #tpu.memory_space<hbm>> -> memref<128xf32, #tpu.memory_space<hbm>>
      %dma_start3A_329 = tpu.memref_slice %arg8[%add3A_323] : memref<163840xf32, #tpu.memory_space<hbm>> -> memref<128xf32, #tpu.memory_space<hbm>>
      tpu.enqueue_dma source(%arg23 : memref<128xf32, #tpu.memory_space<vmem>>) target(%dma_start3A_329 : memref<128xf32, #tpu.memory_space<hbm>>) target_semaphore(%arg39 : memref<!tpu.dma_semaphore, #tpu.memory_space<semaphore_mem>>)
      %dma_start3A_330 = tpu.memref_slice %arg9[%add3A_323] : memref<163840xf32, #tpu.memory_space<hbm>> -> memref<128xf32, #tpu.memory_space<hbm>>
      %dma_start3A_331 = tpu.memref_slice %arg9[%add3A_323] : memref<163840xf32, #tpu.memory_space<hbm>> -> memref<128xf32, #tpu.memory_space<hbm>>
      tpu.enqueue_dma source(%arg24 : memref<128xf32, #tpu.memory_space<vmem>>) target(%dma_start3A_331 : memref<128xf32, #tpu.memory_space<hbm>>) target_semaphore(%arg39 : memref<!tpu.dma_semaphore, #tpu.memory_space<semaphore_mem>>)
      %dma_start3A_332 = tpu.memref_slice %arg10[%add3A_323] : memref<163840xf32, #tpu.memory_space<hbm>> -> memref<128xf32, #tpu.memory_space<hbm>>
      %dma_start3A_333 = tpu.memref_slice %arg10[%add3A_323] : memref<163840xf32, #tpu.memory_space<hbm>> -> memref<128xf32, #tpu.memory_space<hbm>>
      tpu.enqueue_dma source(%arg25 : memref<128xf32, #tpu.memory_space<vmem>>) target(%dma_start3A_333 : memref<128xf32, #tpu.memory_space<hbm>>) target_semaphore(%arg39 : memref<!tpu.dma_semaphore, #tpu.memory_space<semaphore_mem>>)
      %lt3A_334 = arith.constant 7 : i32
      %lt3A_335 = arith.cmpi slt, %scan3A_221, %lt3A_334 : i32
      %convert_element_type3A_336 = arith.extui %lt3A_335 : i1 to i32
      %cond3A_337 = arith.constant 0 : i32
      %cond3A_338 = arith.cmpi ne, %convert_element_type3A_336, %cond3A_337 : i32
      scf.if %cond3A_338 {
        %dma_wait3A_419 = arith.constant 0 : i32
        %dma_wait3A_420 = arith.constant 0 : i32
        %dma_wait3A_421 = tpu.memref_slice %arg7[%dma_wait3A_419, %dma_wait3A_420] : memref<163840x128xf32, #tpu.memory_space<hbm>> -> memref<128x128xf32, #tpu.memory_space<hbm>>
        %dma_wait3A_422 = arith.constant 0 : i32
        %dma_wait3A_423 = arith.constant 0 : i32
        %dma_wait3A_424 = tpu.memref_slice %arg7[%dma_wait3A_422, %dma_wait3A_423] : memref<163840x128xf32, #tpu.memory_space<hbm>> -> memref<128x128xf32, #tpu.memory_space<hbm>>
        tpu.wait_dma2 semaphore(%arg39 : memref<!tpu.dma_semaphore, #tpu.memory_space<semaphore_mem>>) src(%arg14 : memref<128x128xf32, #tpu.memory_space<vmem>>) dst(%dma_wait3A_424 : memref<128x128xf32, #tpu.memory_space<hbm>>)
        %dma_wait3A_425 = arith.constant 0 : i32
        %dma_wait3A_426 = tpu.memref_slice %arg8[%dma_wait3A_425] : memref<163840xf32, #tpu.memory_space<hbm>> -> memref<128xf32, #tpu.memory_space<hbm>>
        %dma_wait3A_427 = arith.constant 0 : i32
        %dma_wait3A_428 = tpu.memref_slice %arg8[%dma_wait3A_427] : memref<163840xf32, #tpu.memory_space<hbm>> -> memref<128xf32, #tpu.memory_space<hbm>>
        tpu.wait_dma2 semaphore(%arg39 : memref<!tpu.dma_semaphore, #tpu.memory_space<semaphore_mem>>) src(%arg23 : memref<128xf32, #tpu.memory_space<vmem>>) dst(%dma_wait3A_428 : memref<128xf32, #tpu.memory_space<hbm>>)
        %dma_wait3A_429 = arith.constant 0 : i32
        %dma_wait3A_430 = tpu.memref_slice %arg9[%dma_wait3A_429] : memref<163840xf32, #tpu.memory_space<hbm>> -> memref<128xf32, #tpu.memory_space<hbm>>
        %dma_wait3A_431 = arith.constant 0 : i32
        %dma_wait3A_432 = tpu.memref_slice %arg9[%dma_wait3A_431] : memref<163840xf32, #tpu.memory_space<hbm>> -> memref<128xf32, #tpu.memory_space<hbm>>
        tpu.wait_dma2 semaphore(%arg39 : memref<!tpu.dma_semaphore, #tpu.memory_space<semaphore_mem>>) src(%arg24 : memref<128xf32, #tpu.memory_space<vmem>>) dst(%dma_wait3A_432 : memref<128xf32, #tpu.memory_space<hbm>>)
        %dma_wait3A_433 = arith.constant 0 : i32
        %dma_wait3A_434 = tpu.memref_slice %arg10[%dma_wait3A_433] : memref<163840xf32, #tpu.memory_space<hbm>> -> memref<128xf32, #tpu.memory_space<hbm>>
        %dma_wait3A_435 = arith.constant 0 : i32
        %dma_wait3A_436 = tpu.memref_slice %arg10[%dma_wait3A_435] : memref<163840xf32, #tpu.memory_space<hbm>> -> memref<128xf32, #tpu.memory_space<hbm>>
        tpu.wait_dma2 semaphore(%arg39 : memref<!tpu.dma_semaphore, #tpu.memory_space<semaphore_mem>>) src(%arg25 : memref<128xf32, #tpu.memory_space<vmem>>) dst(%dma_wait3A_436 : memref<128xf32, #tpu.memory_space<hbm>>)
        %add3A_437 = arith.constant 5 : i32
        %add3A_438 = arith.addi %add3A_302, %add3A_437 : i32
        %dma_start3A_439 = arith.constant 0 : i32
        %dma_start3A_440 = tpu.memref_slice %arg11[%add3A_438, %dma_start3A_439] : memref<40x128xi32, #tpu.memory_space<vmem>> -> memref<1x128xi32, #tpu.memory_space<vmem>>
        %dma_start3A_441 = tpu.memref_squeeze %dma_start3A_440 : memref<1x128xi32, #tpu.memory_space<vmem>> -> memref<128xi32, #tpu.memory_space<vmem>>
        %dma_start3A_442 = arith.constant 0 : i32
        %dma_start3A_443 = arith.constant 0 : i32
        %dma_start3A_444 = tpu.memref_slice %arg2[%dma_start3A_442, %dma_start3A_443] : memref<10000x128xf32, #tpu.memory_space<hbm>> -> memref<10000x128xf32, #tpu.memory_space<hbm>>
        tpu.enqueue_indirect_dma source(%dma_start3A_444 : memref<10000x128xf32, #tpu.memory_space<hbm>>) target(%arg14 : memref<128x128xf32, #tpu.memory_space<vmem>>) offsets(%dma_start3A_441 : memref<128xi32, #tpu.memory_space<vmem>>) semaphore(%arg34 : memref<!tpu.dma_semaphore, #tpu.memory_space<semaphore_mem>>)
        %dma_start3A_445 = arith.constant 0 : i32
        %dma_start3A_446 = tpu.memref_slice %arg11[%add3A_438, %dma_start3A_445] : memref<40x128xi32, #tpu.memory_space<vmem>> -> memref<1x128xi32, #tpu.memory_space<vmem>>
        %dma_start3A_447 = tpu.memref_squeeze %dma_start3A_446 : memref<1x128xi32, #tpu.memory_space<vmem>> -> memref<128xi32, #tpu.memory_space<vmem>>
        %dma_start3A_448 = arith.constant 0 : i32
        %dma_start3A_449 = tpu.memref_slice %arg3[%dma_start3A_448] : memref<10000xf32, #tpu.memory_space<hbm>> -> memref<10000xf32, #tpu.memory_space<hbm>>
        tpu.enqueue_indirect_dma source(%dma_start3A_449 : memref<10000xf32, #tpu.memory_space<hbm>>) target(%arg23 : memref<128xf32, #tpu.memory_space<vmem>>) offsets(%dma_start3A_447 : memref<128xi32, #tpu.memory_space<vmem>>) semaphore(%arg34 : memref<!tpu.dma_semaphore, #tpu.memory_space<semaphore_mem>>)
        %dma_start3A_450 = arith.constant 0 : i32
        %dma_start3A_451 = tpu.memref_slice %arg11[%add3A_438, %dma_start3A_450] : memref<40x128xi32, #tpu.memory_space<vmem>> -> memref<1x128xi32, #tpu.memory_space<vmem>>
        %dma_start3A_452 = tpu.memref_squeeze %dma_start3A_451 : memref<1x128xi32, #tpu.memory_space<vmem>> -> memref<128xi32, #tpu.memory_space<vmem>>
        %dma_start3A_453 = arith.constant 0 : i32
        %dma_start3A_454 = tpu.memref_slice %arg4[%dma_start3A_453] : memref<10000xf32, #tpu.memory_space<hbm>> -> memref<10000xf32, #tpu.memory_space<hbm>>
        tpu.enqueue_indirect_dma source(%dma_start3A_454 : memref<10000xf32, #tpu.memory_space<hbm>>) target(%arg24 : memref<128xf32, #tpu.memory_space<vmem>>) offsets(%dma_start3A_452 : memref<128xi32, #tpu.memory_space<vmem>>) semaphore(%arg34 : memref<!tpu.dma_semaphore, #tpu.memory_space<semaphore_mem>>)
        %dma_start3A_455 = arith.constant 0 : i32
        %dma_start3A_456 = tpu.memref_slice %arg11[%add3A_438, %dma_start3A_455] : memref<40x128xi32, #tpu.memory_space<vmem>> -> memref<1x128xi32, #tpu.memory_space<vmem>>
        %dma_start3A_457 = tpu.memref_squeeze %dma_start3A_456 : memref<1x128xi32, #tpu.memory_space<vmem>> -> memref<128xi32, #tpu.memory_space<vmem>>
        %dma_start3A_458 = arith.constant 0 : i32
        %dma_start3A_459 = tpu.memref_slice %arg5[%dma_start3A_458] : memref<10000xf32, #tpu.memory_space<hbm>> -> memref<10000xf32, #tpu.memory_space<hbm>>
        tpu.enqueue_indirect_dma source(%dma_start3A_459 : memref<10000xf32, #tpu.memory_space<hbm>>) target(%arg25 : memref<128xf32, #tpu.memory_space<vmem>>) offsets(%dma_start3A_457 : memref<128xi32, #tpu.memory_space<vmem>>) semaphore(%arg34 : memref<!tpu.dma_semaphore, #tpu.memory_space<semaphore_mem>>)
      } else {
      }
      %mul3A_339 = arith.constant 5 : i32
      %mul3A_340 = arith.muli %scan3A_221, %mul3A_339 : i32
      %add3A_341 = arith.constant 3 : i32
      %add3A_342 = arith.addi %mul3A_340, %add3A_341 : i32
      %dma_wait3A_343 = arith.constant 0 : i32
      %dma_wait3A_344 = arith.constant 0 : i32
      %dma_wait3A_345 = tpu.memref_slice %arg2[%dma_wait3A_343, %dma_wait3A_344] : memref<10000x128xf32, #tpu.memory_space<hbm>> -> memref<128x128xf32, #tpu.memory_space<hbm>>
      %dma_wait3A_346 = arith.constant 0 : i32
      %dma_wait3A_347 = arith.constant 0 : i32
      %dma_wait3A_348 = tpu.memref_slice %arg2[%dma_wait3A_346, %dma_wait3A_347] : memref<10000x128xf32, #tpu.memory_space<hbm>> -> memref<128x128xf32, #tpu.memory_space<hbm>>
      tpu.wait_dma2 semaphore(%arg35 : memref<!tpu.dma_semaphore, #tpu.memory_space<semaphore_mem>>) src(%dma_wait3A_348 : memref<128x128xf32, #tpu.memory_space<hbm>>) dst(%arg15 : memref<128x128xf32, #tpu.memory_space<vmem>>)
      %dma_wait3A_349 = arith.constant 0 : i32
      %dma_wait3A_350 = tpu.memref_slice %arg3[%dma_wait3A_349] : memref<10000xf32, #tpu.memory_space<hbm>> -> memref<128xf32, #tpu.memory_space<hbm>>
      %dma_wait3A_351 = arith.constant 0 : i32
      %dma_wait3A_352 = tpu.memref_slice %arg3[%dma_wait3A_351] : memref<10000xf32, #tpu.memory_space<hbm>> -> memref<128xf32, #tpu.memory_space<hbm>>
      tpu.wait_dma2 semaphore(%arg35 : memref<!tpu.dma_semaphore, #tpu.memory_space<semaphore_mem>>) src(%dma_wait3A_352 : memref<128xf32, #tpu.memory_space<hbm>>) dst(%arg26 : memref<128xf32, #tpu.memory_space<vmem>>)
      %dma_wait3A_353 = arith.constant 0 : i32
      %dma_wait3A_354 = tpu.memref_slice %arg4[%dma_wait3A_353] : memref<10000xf32, #tpu.memory_space<hbm>> -> memref<128xf32, #tpu.memory_space<hbm>>
      %dma_wait3A_355 = arith.constant 0 : i32
      %dma_wait3A_356 = tpu.memref_slice %arg4[%dma_wait3A_355] : memref<10000xf32, #tpu.memory_space<hbm>> -> memref<128xf32, #tpu.memory_space<hbm>>
      tpu.wait_dma2 semaphore(%arg35 : memref<!tpu.dma_semaphore, #tpu.memory_space<semaphore_mem>>) src(%dma_wait3A_356 : memref<128xf32, #tpu.memory_space<hbm>>) dst(%arg27 : memref<128xf32, #tpu.memory_space<vmem>>)
      %dma_wait3A_357 = arith.constant 0 : i32
      %dma_wait3A_358 = tpu.memref_slice %arg5[%dma_wait3A_357] : memref<10000xf32, #tpu.memory_space<hbm>> -> memref<128xf32, #tpu.memory_space<hbm>>
      %dma_wait3A_359 = arith.constant 0 : i32
      %dma_wait3A_360 = tpu.memref_slice %arg5[%dma_wait3A_359] : memref<10000xf32, #tpu.memory_space<hbm>> -> memref<128xf32, #tpu.memory_space<hbm>>
      tpu.wait_dma2 semaphore(%arg35 : memref<!tpu.dma_semaphore, #tpu.memory_space<semaphore_mem>>) src(%dma_wait3A_360 : memref<128xf32, #tpu.memory_space<hbm>>) dst(%arg28 : memref<128xf32, #tpu.memory_space<vmem>>)
      %mul3A_361 = arith.constant 128 : i32
      %mul3A_362 = arith.muli %add3A_342, %mul3A_361 : i32
      %add3A_363 = arith.addi %mul3A_2, %mul3A_362 : i32
      %dma_start3A_364 = arith.constant 0 : i32
      %dma_start3A_365 = tpu.memref_slice %arg7[%add3A_363, %dma_start3A_364] : memref<163840x128xf32, #tpu.memory_space<hbm>> -> memref<128x128xf32, #tpu.memory_space<hbm>>
      %dma_start3A_366 = arith.constant 0 : i32
      %dma_start3A_367 = tpu.memref_slice %arg7[%add3A_363, %dma_start3A_366] : memref<163840x128xf32, #tpu.memory_space<hbm>> -> memref<128x128xf32, #tpu.memory_space<hbm>>
      tpu.enqueue_dma source(%arg15 : memref<128x128xf32, #tpu.memory_space<vmem>>) target(%dma_start3A_367 : memref<128x128xf32, #tpu.memory_space<hbm>>) target_semaphore(%arg40 : memref<!tpu.dma_semaphore, #tpu.memory_space<semaphore_mem>>)
      %dma_start3A_368 = tpu.memref_slice %arg8[%add3A_363] : memref<163840xf32, #tpu.memory_space<hbm>> -> memref<128xf32, #tpu.memory_space<hbm>>
      %dma_start3A_369 = tpu.memref_slice %arg8[%add3A_363] : memref<163840xf32, #tpu.memory_space<hbm>> -> memref<128xf32, #tpu.memory_space<hbm>>
      tpu.enqueue_dma source(%arg26 : memref<128xf32, #tpu.memory_space<vmem>>) target(%dma_start3A_369 : memref<128xf32, #tpu.memory_space<hbm>>) target_semaphore(%arg40 : memref<!tpu.dma_semaphore, #tpu.memory_space<semaphore_mem>>)
      %dma_start3A_370 = tpu.memref_slice %arg9[%add3A_363] : memref<163840xf32, #tpu.memory_space<hbm>> -> memref<128xf32, #tpu.memory_space<hbm>>
      %dma_start3A_371 = tpu.memref_slice %arg9[%add3A_363] : memref<163840xf32, #tpu.memory_space<hbm>> -> memref<128xf32, #tpu.memory_space<hbm>>
      tpu.enqueue_dma source(%arg27 : memref<128xf32, #tpu.memory_space<vmem>>) target(%dma_start3A_371 : memref<128xf32, #tpu.memory_space<hbm>>) target_semaphore(%arg40 : memref<!tpu.dma_semaphore, #tpu.memory_space<semaphore_mem>>)
      %dma_start3A_372 = tpu.memref_slice %arg10[%add3A_363] : memref<163840xf32, #tpu.memory_space<hbm>> -> memref<128xf32, #tpu.memory_space<hbm>>
      %dma_start3A_373 = tpu.memref_slice %arg10[%add3A_363] : memref<163840xf32, #tpu.memory_space<hbm>> -> memref<128xf32, #tpu.memory_space<hbm>>
      tpu.enqueue_dma source(%arg28 : memref<128xf32, #tpu.memory_space<vmem>>) target(%dma_start3A_373 : memref<128xf32, #tpu.memory_space<hbm>>) target_semaphore(%arg40 : memref<!tpu.dma_semaphore, #tpu.memory_space<semaphore_mem>>)
      %lt3A_374 = arith.constant 7 : i32
      %lt3A_375 = arith.cmpi slt, %scan3A_221, %lt3A_374 : i32
      %convert_element_type3A_376 = arith.extui %lt3A_375 : i1 to i32
      %cond3A_377 = arith.constant 0 : i32
      %cond3A_378 = arith.cmpi ne, %convert_element_type3A_376, %cond3A_377 : i32
      scf.if %cond3A_378 {
        %dma_wait3A_419 = arith.constant 0 : i32
        %dma_wait3A_420 = arith.constant 0 : i32
        %dma_wait3A_421 = tpu.memref_slice %arg7[%dma_wait3A_419, %dma_wait3A_420] : memref<163840x128xf32, #tpu.memory_space<hbm>> -> memref<128x128xf32, #tpu.memory_space<hbm>>
        %dma_wait3A_422 = arith.constant 0 : i32
        %dma_wait3A_423 = arith.constant 0 : i32
        %dma_wait3A_424 = tpu.memref_slice %arg7[%dma_wait3A_422, %dma_wait3A_423] : memref<163840x128xf32, #tpu.memory_space<hbm>> -> memref<128x128xf32, #tpu.memory_space<hbm>>
        tpu.wait_dma2 semaphore(%arg40 : memref<!tpu.dma_semaphore, #tpu.memory_space<semaphore_mem>>) src(%arg15 : memref<128x128xf32, #tpu.memory_space<vmem>>) dst(%dma_wait3A_424 : memref<128x128xf32, #tpu.memory_space<hbm>>)
        %dma_wait3A_425 = arith.constant 0 : i32
        %dma_wait3A_426 = tpu.memref_slice %arg8[%dma_wait3A_425] : memref<163840xf32, #tpu.memory_space<hbm>> -> memref<128xf32, #tpu.memory_space<hbm>>
        %dma_wait3A_427 = arith.constant 0 : i32
        %dma_wait3A_428 = tpu.memref_slice %arg8[%dma_wait3A_427] : memref<163840xf32, #tpu.memory_space<hbm>> -> memref<128xf32, #tpu.memory_space<hbm>>
        tpu.wait_dma2 semaphore(%arg40 : memref<!tpu.dma_semaphore, #tpu.memory_space<semaphore_mem>>) src(%arg26 : memref<128xf32, #tpu.memory_space<vmem>>) dst(%dma_wait3A_428 : memref<128xf32, #tpu.memory_space<hbm>>)
        %dma_wait3A_429 = arith.constant 0 : i32
        %dma_wait3A_430 = tpu.memref_slice %arg9[%dma_wait3A_429] : memref<163840xf32, #tpu.memory_space<hbm>> -> memref<128xf32, #tpu.memory_space<hbm>>
        %dma_wait3A_431 = arith.constant 0 : i32
        %dma_wait3A_432 = tpu.memref_slice %arg9[%dma_wait3A_431] : memref<163840xf32, #tpu.memory_space<hbm>> -> memref<128xf32, #tpu.memory_space<hbm>>
        tpu.wait_dma2 semaphore(%arg40 : memref<!tpu.dma_semaphore, #tpu.memory_space<semaphore_mem>>) src(%arg27 : memref<128xf32, #tpu.memory_space<vmem>>) dst(%dma_wait3A_432 : memref<128xf32, #tpu.memory_space<hbm>>)
        %dma_wait3A_433 = arith.constant 0 : i32
        %dma_wait3A_434 = tpu.memref_slice %arg10[%dma_wait3A_433] : memref<163840xf32, #tpu.memory_space<hbm>> -> memref<128xf32, #tpu.memory_space<hbm>>
        %dma_wait3A_435 = arith.constant 0 : i32
        %dma_wait3A_436 = tpu.memref_slice %arg10[%dma_wait3A_435] : memref<163840xf32, #tpu.memory_space<hbm>> -> memref<128xf32, #tpu.memory_space<hbm>>
        tpu.wait_dma2 semaphore(%arg40 : memref<!tpu.dma_semaphore, #tpu.memory_space<semaphore_mem>>) src(%arg28 : memref<128xf32, #tpu.memory_space<vmem>>) dst(%dma_wait3A_436 : memref<128xf32, #tpu.memory_space<hbm>>)
        %add3A_437 = arith.constant 5 : i32
        %add3A_438 = arith.addi %add3A_342, %add3A_437 : i32
        %dma_start3A_439 = arith.constant 0 : i32
        %dma_start3A_440 = tpu.memref_slice %arg11[%add3A_438, %dma_start3A_439] : memref<40x128xi32, #tpu.memory_space<vmem>> -> memref<1x128xi32, #tpu.memory_space<vmem>>
        %dma_start3A_441 = tpu.memref_squeeze %dma_start3A_440 : memref<1x128xi32, #tpu.memory_space<vmem>> -> memref<128xi32, #tpu.memory_space<vmem>>
        %dma_start3A_442 = arith.constant 0 : i32
        %dma_start3A_443 = arith.constant 0 : i32
        %dma_start3A_444 = tpu.memref_slice %arg2[%dma_start3A_442, %dma_start3A_443] : memref<10000x128xf32, #tpu.memory_space<hbm>> -> memref<10000x128xf32, #tpu.memory_space<hbm>>
        tpu.enqueue_indirect_dma source(%dma_start3A_444 : memref<10000x128xf32, #tpu.memory_space<hbm>>) target(%arg15 : memref<128x128xf32, #tpu.memory_space<vmem>>) offsets(%dma_start3A_441 : memref<128xi32, #tpu.memory_space<vmem>>) semaphore(%arg35 : memref<!tpu.dma_semaphore, #tpu.memory_space<semaphore_mem>>)
        %dma_start3A_445 = arith.constant 0 : i32
        %dma_start3A_446 = tpu.memref_slice %arg11[%add3A_438, %dma_start3A_445] : memref<40x128xi32, #tpu.memory_space<vmem>> -> memref<1x128xi32, #tpu.memory_space<vmem>>
        %dma_start3A_447 = tpu.memref_squeeze %dma_start3A_446 : memref<1x128xi32, #tpu.memory_space<vmem>> -> memref<128xi32, #tpu.memory_space<vmem>>
        %dma_start3A_448 = arith.constant 0 : i32
        %dma_start3A_449 = tpu.memref_slice %arg3[%dma_start3A_448] : memref<10000xf32, #tpu.memory_space<hbm>> -> memref<10000xf32, #tpu.memory_space<hbm>>
        tpu.enqueue_indirect_dma source(%dma_start3A_449 : memref<10000xf32, #tpu.memory_space<hbm>>) target(%arg26 : memref<128xf32, #tpu.memory_space<vmem>>) offsets(%dma_start3A_447 : memref<128xi32, #tpu.memory_space<vmem>>) semaphore(%arg35 : memref<!tpu.dma_semaphore, #tpu.memory_space<semaphore_mem>>)
        %dma_start3A_450 = arith.constant 0 : i32
        %dma_start3A_451 = tpu.memref_slice %arg11[%add3A_438, %dma_start3A_450] : memref<40x128xi32, #tpu.memory_space<vmem>> -> memref<1x128xi32, #tpu.memory_space<vmem>>
        %dma_start3A_452 = tpu.memref_squeeze %dma_start3A_451 : memref<1x128xi32, #tpu.memory_space<vmem>> -> memref<128xi32, #tpu.memory_space<vmem>>
        %dma_start3A_453 = arith.constant 0 : i32
        %dma_start3A_454 = tpu.memref_slice %arg4[%dma_start3A_453] : memref<10000xf32, #tpu.memory_space<hbm>> -> memref<10000xf32, #tpu.memory_space<hbm>>
        tpu.enqueue_indirect_dma source(%dma_start3A_454 : memref<10000xf32, #tpu.memory_space<hbm>>) target(%arg27 : memref<128xf32, #tpu.memory_space<vmem>>) offsets(%dma_start3A_452 : memref<128xi32, #tpu.memory_space<vmem>>) semaphore(%arg35 : memref<!tpu.dma_semaphore, #tpu.memory_space<semaphore_mem>>)
        %dma_start3A_455 = arith.constant 0 : i32
        %dma_start3A_456 = tpu.memref_slice %arg11[%add3A_438, %dma_start3A_455] : memref<40x128xi32, #tpu.memory_space<vmem>> -> memref<1x128xi32, #tpu.memory_space<vmem>>
        %dma_start3A_457 = tpu.memref_squeeze %dma_start3A_456 : memref<1x128xi32, #tpu.memory_space<vmem>> -> memref<128xi32, #tpu.memory_space<vmem>>
        %dma_start3A_458 = arith.constant 0 : i32
        %dma_start3A_459 = tpu.memref_slice %arg5[%dma_start3A_458] : memref<10000xf32, #tpu.memory_space<hbm>> -> memref<10000xf32, #tpu.memory_space<hbm>>
        tpu.enqueue_indirect_dma source(%dma_start3A_459 : memref<10000xf32, #tpu.memory_space<hbm>>) target(%arg28 : memref<128xf32, #tpu.memory_space<vmem>>) offsets(%dma_start3A_457 : memref<128xi32, #tpu.memory_space<vmem>>) semaphore(%arg35 : memref<!tpu.dma_semaphore, #tpu.memory_space<semaphore_mem>>)
      } else {
      }
      %mul3A_379 = arith.constant 5 : i32
      %mul3A_380 = arith.muli %scan3A_221, %mul3A_379 : i32
      %add3A_381 = arith.constant 4 : i32
      %add3A_382 = arith.addi %mul3A_380, %add3A_381 : i32
      %dma_wait3A_383 = arith.constant 0 : i32
      %dma_wait3A_384 = arith.constant 0 : i32
      %dma_wait3A_385 = tpu.memref_slice %arg2[%dma_wait3A_383, %dma_wait3A_384] : memref<10000x128xf32, #tpu.memory_space<hbm>> -> memref<128x128xf32, #tpu.memory_space<hbm>>
      %dma_wait3A_386 = arith.constant 0 : i32
      %dma_wait3A_387 = arith.constant 0 : i32
      %dma_wait3A_388 = tpu.memref_slice %arg2[%dma_wait3A_386, %dma_wait3A_387] : memref<10000x128xf32, #tpu.memory_space<hbm>> -> memref<128x128xf32, #tpu.memory_space<hbm>>
      tpu.wait_dma2 semaphore(%arg36 : memref<!tpu.dma_semaphore, #tpu.memory_space<semaphore_mem>>) src(%dma_wait3A_388 : memref<128x128xf32, #tpu.memory_space<hbm>>) dst(%arg16 : memref<128x128xf32, #tpu.memory_space<vmem>>)
      %dma_wait3A_389 = arith.constant 0 : i32
      %dma_wait3A_390 = tpu.memref_slice %arg3[%dma_wait3A_389] : memref<10000xf32, #tpu.memory_space<hbm>> -> memref<128xf32, #tpu.memory_space<hbm>>
      %dma_wait3A_391 = arith.constant 0 : i32
      %dma_wait3A_392 = tpu.memref_slice %arg3[%dma_wait3A_391] : memref<10000xf32, #tpu.memory_space<hbm>> -> memref<128xf32, #tpu.memory_space<hbm>>
      tpu.wait_dma2 semaphore(%arg36 : memref<!tpu.dma_semaphore, #tpu.memory_space<semaphore_mem>>) src(%dma_wait3A_392 : memref<128xf32, #tpu.memory_space<hbm>>) dst(%arg29 : memref<128xf32, #tpu.memory_space<vmem>>)
      %dma_wait3A_393 = arith.constant 0 : i32
      %dma_wait3A_394 = tpu.memref_slice %arg4[%dma_wait3A_393] : memref<10000xf32, #tpu.memory_space<hbm>> -> memref<128xf32, #tpu.memory_space<hbm>>
      %dma_wait3A_395 = arith.constant 0 : i32
      %dma_wait3A_396 = tpu.memref_slice %arg4[%dma_wait3A_395] : memref<10000xf32, #tpu.memory_space<hbm>> -> memref<128xf32, #tpu.memory_space<hbm>>
      tpu.wait_dma2 semaphore(%arg36 : memref<!tpu.dma_semaphore, #tpu.memory_space<semaphore_mem>>) src(%dma_wait3A_396 : memref<128xf32, #tpu.memory_space<hbm>>) dst(%arg30 : memref<128xf32, #tpu.memory_space<vmem>>)
      %dma_wait3A_397 = arith.constant 0 : i32
      %dma_wait3A_398 = tpu.memref_slice %arg5[%dma_wait3A_397] : memref<10000xf32, #tpu.memory_space<hbm>> -> memref<128xf32, #tpu.memory_space<hbm>>
      %dma_wait3A_399 = arith.constant 0 : i32
      %dma_wait3A_400 = tpu.memref_slice %arg5[%dma_wait3A_399] : memref<10000xf32, #tpu.memory_space<hbm>> -> memref<128xf32, #tpu.memory_space<hbm>>
      tpu.wait_dma2 semaphore(%arg36 : memref<!tpu.dma_semaphore, #tpu.memory_space<semaphore_mem>>) src(%dma_wait3A_400 : memref<128xf32, #tpu.memory_space<hbm>>) dst(%arg31 : memref<128xf32, #tpu.memory_space<vmem>>)
      %mul3A_401 = arith.constant 128 : i32
      %mul3A_402 = arith.muli %add3A_382, %mul3A_401 : i32
      %add3A_403 = arith.addi %mul3A_2, %mul3A_402 : i32
      %dma_start3A_404 = arith.constant 0 : i32
      %dma_start3A_405 = tpu.memref_slice %arg7[%add3A_403, %dma_start3A_404] : memref<163840x128xf32, #tpu.memory_space<hbm>> -> memref<128x128xf32, #tpu.memory_space<hbm>>
      %dma_start3A_406 = arith.constant 0 : i32
      %dma_start3A_407 = tpu.memref_slice %arg7[%add3A_403, %dma_start3A_406] : memref<163840x128xf32, #tpu.memory_space<hbm>> -> memref<128x128xf32, #tpu.memory_space<hbm>>
      tpu.enqueue_dma source(%arg16 : memref<128x128xf32, #tpu.memory_space<vmem>>) target(%dma_start3A_407 : memref<128x128xf32, #tpu.memory_space<hbm>>) target_semaphore(%arg41 : memref<!tpu.dma_semaphore, #tpu.memory_space<semaphore_mem>>)
      %dma_start3A_408 = tpu.memref_slice %arg8[%add3A_403] : memref<163840xf32, #tpu.memory_space<hbm>> -> memref<128xf32, #tpu.memory_space<hbm>>
      %dma_start3A_409 = tpu.memref_slice %arg8[%add3A_403] : memref<163840xf32, #tpu.memory_space<hbm>> -> memref<128xf32, #tpu.memory_space<hbm>>
      tpu.enqueue_dma source(%arg29 : memref<128xf32, #tpu.memory_space<vmem>>) target(%dma_start3A_409 : memref<128xf32, #tpu.memory_space<hbm>>) target_semaphore(%arg41 : memref<!tpu.dma_semaphore, #tpu.memory_space<semaphore_mem>>)
      %dma_start3A_410 = tpu.memref_slice %arg9[%add3A_403] : memref<163840xf32, #tpu.memory_space<hbm>> -> memref<128xf32, #tpu.memory_space<hbm>>
      %dma_start3A_411 = tpu.memref_slice %arg9[%add3A_403] : memref<163840xf32, #tpu.memory_space<hbm>> -> memref<128xf32, #tpu.memory_space<hbm>>
      tpu.enqueue_dma source(%arg30 : memref<128xf32, #tpu.memory_space<vmem>>) target(%dma_start3A_411 : memref<128xf32, #tpu.memory_space<hbm>>) target_semaphore(%arg41 : memref<!tpu.dma_semaphore, #tpu.memory_space<semaphore_mem>>)
      %dma_start3A_412 = tpu.memref_slice %arg10[%add3A_403] : memref<163840xf32, #tpu.memory_space<hbm>> -> memref<128xf32, #tpu.memory_space<hbm>>
      %dma_start3A_413 = tpu.memref_slice %arg10[%add3A_403] : memref<163840xf32, #tpu.memory_space<hbm>> -> memref<128xf32, #tpu.memory_space<hbm>>
      tpu.enqueue_dma source(%arg31 : memref<128xf32, #tpu.memory_space<vmem>>) target(%dma_start3A_413 : memref<128xf32, #tpu.memory_space<hbm>>) target_semaphore(%arg41 : memref<!tpu.dma_semaphore, #tpu.memory_space<semaphore_mem>>)
      %lt3A_414 = arith.constant 7 : i32
      %lt3A_415 = arith.cmpi slt, %scan3A_221, %lt3A_414 : i32
      %convert_element_type3A_416 = arith.extui %lt3A_415 : i1 to i32
      %cond3A_417 = arith.constant 0 : i32
      %cond3A_418 = arith.cmpi ne, %convert_element_type3A_416, %cond3A_417 : i32
      scf.if %cond3A_418 {
        %dma_wait3A_419 = arith.constant 0 : i32
        %dma_wait3A_420 = arith.constant 0 : i32
        %dma_wait3A_421 = tpu.memref_slice %arg7[%dma_wait3A_419, %dma_wait3A_420] : memref<163840x128xf32, #tpu.memory_space<hbm>> -> memref<128x128xf32, #tpu.memory_space<hbm>>
        %dma_wait3A_422 = arith.constant 0 : i32
        %dma_wait3A_423 = arith.constant 0 : i32
        %dma_wait3A_424 = tpu.memref_slice %arg7[%dma_wait3A_422, %dma_wait3A_423] : memref<163840x128xf32, #tpu.memory_space<hbm>> -> memref<128x128xf32, #tpu.memory_space<hbm>>
        tpu.wait_dma2 semaphore(%arg41 : memref<!tpu.dma_semaphore, #tpu.memory_space<semaphore_mem>>) src(%arg16 : memref<128x128xf32, #tpu.memory_space<vmem>>) dst(%dma_wait3A_424 : memref<128x128xf32, #tpu.memory_space<hbm>>)
        %dma_wait3A_425 = arith.constant 0 : i32
        %dma_wait3A_426 = tpu.memref_slice %arg8[%dma_wait3A_425] : memref<163840xf32, #tpu.memory_space<hbm>> -> memref<128xf32, #tpu.memory_space<hbm>>
        %dma_wait3A_427 = arith.constant 0 : i32
        %dma_wait3A_428 = tpu.memref_slice %arg8[%dma_wait3A_427] : memref<163840xf32, #tpu.memory_space<hbm>> -> memref<128xf32, #tpu.memory_space<hbm>>
        tpu.wait_dma2 semaphore(%arg41 : memref<!tpu.dma_semaphore, #tpu.memory_space<semaphore_mem>>) src(%arg29 : memref<128xf32, #tpu.memory_space<vmem>>) dst(%dma_wait3A_428 : memref<128xf32, #tpu.memory_space<hbm>>)
        %dma_wait3A_429 = arith.constant 0 : i32
        %dma_wait3A_430 = tpu.memref_slice %arg9[%dma_wait3A_429] : memref<163840xf32, #tpu.memory_space<hbm>> -> memref<128xf32, #tpu.memory_space<hbm>>
        %dma_wait3A_431 = arith.constant 0 : i32
        %dma_wait3A_432 = tpu.memref_slice %arg9[%dma_wait3A_431] : memref<163840xf32, #tpu.memory_space<hbm>> -> memref<128xf32, #tpu.memory_space<hbm>>
        tpu.wait_dma2 semaphore(%arg41 : memref<!tpu.dma_semaphore, #tpu.memory_space<semaphore_mem>>) src(%arg30 : memref<128xf32, #tpu.memory_space<vmem>>) dst(%dma_wait3A_432 : memref<128xf32, #tpu.memory_space<hbm>>)
        %dma_wait3A_433 = arith.constant 0 : i32
        %dma_wait3A_434 = tpu.memref_slice %arg10[%dma_wait3A_433] : memref<163840xf32, #tpu.memory_space<hbm>> -> memref<128xf32, #tpu.memory_space<hbm>>
        %dma_wait3A_435 = arith.constant 0 : i32
        %dma_wait3A_436 = tpu.memref_slice %arg10[%dma_wait3A_435] : memref<163840xf32, #tpu.memory_space<hbm>> -> memref<128xf32, #tpu.memory_space<hbm>>
        tpu.wait_dma2 semaphore(%arg41 : memref<!tpu.dma_semaphore, #tpu.memory_space<semaphore_mem>>) src(%arg31 : memref<128xf32, #tpu.memory_space<vmem>>) dst(%dma_wait3A_436 : memref<128xf32, #tpu.memory_space<hbm>>)
        %add3A_437 = arith.constant 5 : i32
        %add3A_438 = arith.addi %add3A_382, %add3A_437 : i32
        %dma_start3A_439 = arith.constant 0 : i32
        %dma_start3A_440 = tpu.memref_slice %arg11[%add3A_438, %dma_start3A_439] : memref<40x128xi32, #tpu.memory_space<vmem>> -> memref<1x128xi32, #tpu.memory_space<vmem>>
        %dma_start3A_441 = tpu.memref_squeeze %dma_start3A_440 : memref<1x128xi32, #tpu.memory_space<vmem>> -> memref<128xi32, #tpu.memory_space<vmem>>
        %dma_start3A_442 = arith.constant 0 : i32
        %dma_start3A_443 = arith.constant 0 : i32
        %dma_start3A_444 = tpu.memref_slice %arg2[%dma_start3A_442, %dma_start3A_443] : memref<10000x128xf32, #tpu.memory_space<hbm>> -> memref<10000x128xf32, #tpu.memory_space<hbm>>
        tpu.enqueue_indirect_dma source(%dma_start3A_444 : memref<10000x128xf32, #tpu.memory_space<hbm>>) target(%arg16 : memref<128x128xf32, #tpu.memory_space<vmem>>) offsets(%dma_start3A_441 : memref<128xi32, #tpu.memory_space<vmem>>) semaphore(%arg36 : memref<!tpu.dma_semaphore, #tpu.memory_space<semaphore_mem>>)
        %dma_start3A_445 = arith.constant 0 : i32
        %dma_start3A_446 = tpu.memref_slice %arg11[%add3A_438, %dma_start3A_445] : memref<40x128xi32, #tpu.memory_space<vmem>> -> memref<1x128xi32, #tpu.memory_space<vmem>>
        %dma_start3A_447 = tpu.memref_squeeze %dma_start3A_446 : memref<1x128xi32, #tpu.memory_space<vmem>> -> memref<128xi32, #tpu.memory_space<vmem>>
        %dma_start3A_448 = arith.constant 0 : i32
        %dma_start3A_449 = tpu.memref_slice %arg3[%dma_start3A_448] : memref<10000xf32, #tpu.memory_space<hbm>> -> memref<10000xf32, #tpu.memory_space<hbm>>
        tpu.enqueue_indirect_dma source(%dma_start3A_449 : memref<10000xf32, #tpu.memory_space<hbm>>) target(%arg29 : memref<128xf32, #tpu.memory_space<vmem>>) offsets(%dma_start3A_447 : memref<128xi32, #tpu.memory_space<vmem>>) semaphore(%arg36 : memref<!tpu.dma_semaphore, #tpu.memory_space<semaphore_mem>>)
        %dma_start3A_450 = arith.constant 0 : i32
        %dma_start3A_451 = tpu.memref_slice %arg11[%add3A_438, %dma_start3A_450] : memref<40x128xi32, #tpu.memory_space<vmem>> -> memref<1x128xi32, #tpu.memory_space<vmem>>
        %dma_start3A_452 = tpu.memref_squeeze %dma_start3A_451 : memref<1x128xi32, #tpu.memory_space<vmem>> -> memref<128xi32, #tpu.memory_space<vmem>>
        %dma_start3A_453 = arith.constant 0 : i32
        %dma_start3A_454 = tpu.memref_slice %arg4[%dma_start3A_453] : memref<10000xf32, #tpu.memory_space<hbm>> -> memref<10000xf32, #tpu.memory_space<hbm>>
        tpu.enqueue_indirect_dma source(%dma_start3A_454 : memref<10000xf32, #tpu.memory_space<hbm>>) target(%arg30 : memref<128xf32, #tpu.memory_space<vmem>>) offsets(%dma_start3A_452 : memref<128xi32, #tpu.memory_space<vmem>>) semaphore(%arg36 : memref<!tpu.dma_semaphore, #tpu.memory_space<semaphore_mem>>)
        %dma_start3A_455 = arith.constant 0 : i32
        %dma_start3A_456 = tpu.memref_slice %arg11[%add3A_438, %dma_start3A_455] : memref<40x128xi32, #tpu.memory_space<vmem>> -> memref<1x128xi32, #tpu.memory_space<vmem>>
        %dma_start3A_457 = tpu.memref_squeeze %dma_start3A_456 : memref<1x128xi32, #tpu.memory_space<vmem>> -> memref<128xi32, #tpu.memory_space<vmem>>
        %dma_start3A_458 = arith.constant 0 : i32
        %dma_start3A_459 = tpu.memref_slice %arg5[%dma_start3A_458] : memref<10000xf32, #tpu.memory_space<hbm>> -> memref<10000xf32, #tpu.memory_space<hbm>>
        tpu.enqueue_indirect_dma source(%dma_start3A_459 : memref<10000xf32, #tpu.memory_space<hbm>>) target(%arg31 : memref<128xf32, #tpu.memory_space<vmem>>) offsets(%dma_start3A_457 : memref<128xi32, #tpu.memory_space<vmem>>) semaphore(%arg36 : memref<!tpu.dma_semaphore, #tpu.memory_space<semaphore_mem>>)
      } else {
      }
    }
    %scan3A_131 = arith.constant 8 : i32
    %dma_wait3A = arith.constant 0 : i32
    %dma_wait3A_132 = arith.constant 0 : i32
    %dma_wait3A_133 = tpu.memref_slice %arg7[%dma_wait3A, %dma_wait3A_132] : memref<163840x128xf32, #tpu.memory_space<hbm>> -> memref<128x128xf32, #tpu.memory_space<hbm>>
    %dma_wait3A_134 = arith.constant 0 : i32
    %dma_wait3A_135 = arith.constant 0 : i32
    %dma_wait3A_136 = tpu.memref_slice %arg7[%dma_wait3A_134, %dma_wait3A_135] : memref<163840x128xf32, #tpu.memory_space<hbm>> -> memref<128x128xf32, #tpu.memory_space<hbm>>
    tpu.wait_dma2 semaphore(%arg37 : memref<!tpu.dma_semaphore, #tpu.memory_space<semaphore_mem>>) src(%arg12 : memref<128x128xf32, #tpu.memory_space<vmem>>) dst(%dma_wait3A_136 : memref<128x128xf32, #tpu.memory_space<hbm>>)
    %dma_wait3A_137 = arith.constant 0 : i32
    %dma_wait3A_138 = tpu.memref_slice %arg8[%dma_wait3A_137] : memref<163840xf32, #tpu.memory_space<hbm>> -> memref<128xf32, #tpu.memory_space<hbm>>
    %dma_wait3A_139 = arith.constant 0 : i32
    %dma_wait3A_140 = tpu.memref_slice %arg8[%dma_wait3A_139] : memref<163840xf32, #tpu.memory_space<hbm>> -> memref<128xf32, #tpu.memory_space<hbm>>
    tpu.wait_dma2 semaphore(%arg37 : memref<!tpu.dma_semaphore, #tpu.memory_space<semaphore_mem>>) src(%arg17 : memref<128xf32, #tpu.memory_space<vmem>>) dst(%dma_wait3A_140 : memref<128xf32, #tpu.memory_space<hbm>>)
    %dma_wait3A_141 = arith.constant 0 : i32
    %dma_wait3A_142 = tpu.memref_slice %arg9[%dma_wait3A_141] : memref<163840xf32, #tpu.memory_space<hbm>> -> memref<128xf32, #tpu.memory_space<hbm>>
    %dma_wait3A_143 = arith.constant 0 : i32
    %dma_wait3A_144 = tpu.memref_slice %arg9[%dma_wait3A_143] : memref<163840xf32, #tpu.memory_space<hbm>> -> memref<128xf32, #tpu.memory_space<hbm>>
    tpu.wait_dma2 semaphore(%arg37 : memref<!tpu.dma_semaphore, #tpu.memory_space<semaphore_mem>>) src(%arg18 : memref<128xf32, #tpu.memory_space<vmem>>) dst(%dma_wait3A_144 : memref<128xf32, #tpu.memory_space<hbm>>)
    %dma_wait3A_145 = arith.constant 0 : i32
    %dma_wait3A_146 = tpu.memref_slice %arg10[%dma_wait3A_145] : memref<163840xf32, #tpu.memory_space<hbm>> -> memref<128xf32, #tpu.memory_space<hbm>>
    %dma_wait3A_147 = arith.constant 0 : i32
    %dma_wait3A_148 = tpu.memref_slice %arg10[%dma_wait3A_147] : memref<163840xf32, #tpu.memory_space<hbm>> -> memref<128xf32, #tpu.memory_space<hbm>>
    tpu.wait_dma2 semaphore(%arg37 : memref<!tpu.dma_semaphore, #tpu.memory_space<semaphore_mem>>) src(%arg19 : memref<128xf32, #tpu.memory_space<vmem>>) dst(%dma_wait3A_148 : memref<128xf32, #tpu.memory_space<hbm>>)
    %dma_wait3A_149 = arith.constant 0 : i32
    %dma_wait3A_150 = arith.constant 0 : i32
    %dma_wait3A_151 = tpu.memref_slice %arg7[%dma_wait3A_149, %dma_wait3A_150] : memref<163840x128xf32, #tpu.memory_space<hbm>> -> memref<128x128xf32, #tpu.memory_space<hbm>>
    %dma_wait3A_152 = arith.constant 0 : i32
    %dma_wait3A_153 = arith.constant 0 : i32
    %dma_wait3A_154 = tpu.memref_slice %arg7[%dma_wait3A_152, %dma_wait3A_153] : memref<163840x128xf32, #tpu.memory_space<hbm>> -> memref<128x128xf32, #tpu.memory_space<hbm>>
    tpu.wait_dma2 semaphore(%arg38 : memref<!tpu.dma_semaphore, #tpu.memory_space<semaphore_mem>>) src(%arg13 : memref<128x128xf32, #tpu.memory_space<vmem>>) dst(%dma_wait3A_154 : memref<128x128xf32, #tpu.memory_space<hbm>>)
    %dma_wait3A_155 = arith.constant 0 : i32
    %dma_wait3A_156 = tpu.memref_slice %arg8[%dma_wait3A_155] : memref<163840xf32, #tpu.memory_space<hbm>> -> memref<128xf32, #tpu.memory_space<hbm>>
    %dma_wait3A_157 = arith.constant 0 : i32
    %dma_wait3A_158 = tpu.memref_slice %arg8[%dma_wait3A_157] : memref<163840xf32, #tpu.memory_space<hbm>> -> memref<128xf32, #tpu.memory_space<hbm>>
    tpu.wait_dma2 semaphore(%arg38 : memref<!tpu.dma_semaphore, #tpu.memory_space<semaphore_mem>>) src(%arg20 : memref<128xf32, #tpu.memory_space<vmem>>) dst(%dma_wait3A_158 : memref<128xf32, #tpu.memory_space<hbm>>)
    %dma_wait3A_159 = arith.constant 0 : i32
    %dma_wait3A_160 = tpu.memref_slice %arg9[%dma_wait3A_159] : memref<163840xf32, #tpu.memory_space<hbm>> -> memref<128xf32, #tpu.memory_space<hbm>>
    %dma_wait3A_161 = arith.constant 0 : i32
    %dma_wait3A_162 = tpu.memref_slice %arg9[%dma_wait3A_161] : memref<163840xf32, #tpu.memory_space<hbm>> -> memref<128xf32, #tpu.memory_space<hbm>>
    tpu.wait_dma2 semaphore(%arg38 : memref<!tpu.dma_semaphore, #tpu.memory_space<semaphore_mem>>) src(%arg21 : memref<128xf32, #tpu.memory_space<vmem>>) dst(%dma_wait3A_162 : memref<128xf32, #tpu.memory_space<hbm>>)
    %dma_wait3A_163 = arith.constant 0 : i32
    %dma_wait3A_164 = tpu.memref_slice %arg10[%dma_wait3A_163] : memref<163840xf32, #tpu.memory_space<hbm>> -> memref<128xf32, #tpu.memory_space<hbm>>
    %dma_wait3A_165 = arith.constant 0 : i32
    %dma_wait3A_166 = tpu.memref_slice %arg10[%dma_wait3A_165] : memref<163840xf32, #tpu.memory_space<hbm>> -> memref<128xf32, #tpu.memory_space<hbm>>
    tpu.wait_dma2 semaphore(%arg38 : memref<!tpu.dma_semaphore, #tpu.memory_space<semaphore_mem>>) src(%arg22 : memref<128xf32, #tpu.memory_space<vmem>>) dst(%dma_wait3A_166 : memref<128xf32, #tpu.memory_space<hbm>>)
    %dma_wait3A_167 = arith.constant 0 : i32
    %dma_wait3A_168 = arith.constant 0 : i32
    %dma_wait3A_169 = tpu.memref_slice %arg7[%dma_wait3A_167, %dma_wait3A_168] : memref<163840x128xf32, #tpu.memory_space<hbm>> -> memref<128x128xf32, #tpu.memory_space<hbm>>
    %dma_wait3A_170 = arith.constant 0 : i32
    %dma_wait3A_171 = arith.constant 0 : i32
    %dma_wait3A_172 = tpu.memref_slice %arg7[%dma_wait3A_170, %dma_wait3A_171] : memref<163840x128xf32, #tpu.memory_space<hbm>> -> memref<128x128xf32, #tpu.memory_space<hbm>>
    tpu.wait_dma2 semaphore(%arg39 : memref<!tpu.dma_semaphore, #tpu.memory_space<semaphore_mem>>) src(%arg14 : memref<128x128xf32, #tpu.memory_space<vmem>>) dst(%dma_wait3A_172 : memref<128x128xf32, #tpu.memory_space<hbm>>)
    %dma_wait3A_173 = arith.constant 0 : i32
    %dma_wait3A_174 = tpu.memref_slice %arg8[%dma_wait3A_173] : memref<163840xf32, #tpu.memory_space<hbm>> -> memref<128xf32, #tpu.memory_space<hbm>>
    %dma_wait3A_175 = arith.constant 0 : i32
    %dma_wait3A_176 = tpu.memref_slice %arg8[%dma_wait3A_175] : memref<163840xf32, #tpu.memory_space<hbm>> -> memref<128xf32, #tpu.memory_space<hbm>>
    tpu.wait_dma2 semaphore(%arg39 : memref<!tpu.dma_semaphore, #tpu.memory_space<semaphore_mem>>) src(%arg23 : memref<128xf32, #tpu.memory_space<vmem>>) dst(%dma_wait3A_176 : memref<128xf32, #tpu.memory_space<hbm>>)
    %dma_wait3A_177 = arith.constant 0 : i32
    %dma_wait3A_178 = tpu.memref_slice %arg9[%dma_wait3A_177] : memref<163840xf32, #tpu.memory_space<hbm>> -> memref<128xf32, #tpu.memory_space<hbm>>
    %dma_wait3A_179 = arith.constant 0 : i32
    %dma_wait3A_180 = tpu.memref_slice %arg9[%dma_wait3A_179] : memref<163840xf32, #tpu.memory_space<hbm>> -> memref<128xf32, #tpu.memory_space<hbm>>
    tpu.wait_dma2 semaphore(%arg39 : memref<!tpu.dma_semaphore, #tpu.memory_space<semaphore_mem>>) src(%arg24 : memref<128xf32, #tpu.memory_space<vmem>>) dst(%dma_wait3A_180 : memref<128xf32, #tpu.memory_space<hbm>>)
    %dma_wait3A_181 = arith.constant 0 : i32
    %dma_wait3A_182 = tpu.memref_slice %arg10[%dma_wait3A_181] : memref<163840xf32, #tpu.memory_space<hbm>> -> memref<128xf32, #tpu.memory_space<hbm>>
    %dma_wait3A_183 = arith.constant 0 : i32
    %dma_wait3A_184 = tpu.memref_slice %arg10[%dma_wait3A_183] : memref<163840xf32, #tpu.memory_space<hbm>> -> memref<128xf32, #tpu.memory_space<hbm>>
    tpu.wait_dma2 semaphore(%arg39 : memref<!tpu.dma_semaphore, #tpu.memory_space<semaphore_mem>>) src(%arg25 : memref<128xf32, #tpu.memory_space<vmem>>) dst(%dma_wait3A_184 : memref<128xf32, #tpu.memory_space<hbm>>)
    %dma_wait3A_185 = arith.constant 0 : i32
    %dma_wait3A_186 = arith.constant 0 : i32
    %dma_wait3A_187 = tpu.memref_slice %arg7[%dma_wait3A_185, %dma_wait3A_186] : memref<163840x128xf32, #tpu.memory_space<hbm>> -> memref<128x128xf32, #tpu.memory_space<hbm>>
    %dma_wait3A_188 = arith.constant 0 : i32
    %dma_wait3A_189 = arith.constant 0 : i32
    %dma_wait3A_190 = tpu.memref_slice %arg7[%dma_wait3A_188, %dma_wait3A_189] : memref<163840x128xf32, #tpu.memory_space<hbm>> -> memref<128x128xf32, #tpu.memory_space<hbm>>
    tpu.wait_dma2 semaphore(%arg40 : memref<!tpu.dma_semaphore, #tpu.memory_space<semaphore_mem>>) src(%arg15 : memref<128x128xf32, #tpu.memory_space<vmem>>) dst(%dma_wait3A_190 : memref<128x128xf32, #tpu.memory_space<hbm>>)
    %dma_wait3A_191 = arith.constant 0 : i32
    %dma_wait3A_192 = tpu.memref_slice %arg8[%dma_wait3A_191] : memref<163840xf32, #tpu.memory_space<hbm>> -> memref<128xf32, #tpu.memory_space<hbm>>
    %dma_wait3A_193 = arith.constant 0 : i32
    %dma_wait3A_194 = tpu.memref_slice %arg8[%dma_wait3A_193] : memref<163840xf32, #tpu.memory_space<hbm>> -> memref<128xf32, #tpu.memory_space<hbm>>
    tpu.wait_dma2 semaphore(%arg40 : memref<!tpu.dma_semaphore, #tpu.memory_space<semaphore_mem>>) src(%arg26 : memref<128xf32, #tpu.memory_space<vmem>>) dst(%dma_wait3A_194 : memref<128xf32, #tpu.memory_space<hbm>>)
    %dma_wait3A_195 = arith.constant 0 : i32
    %dma_wait3A_196 = tpu.memref_slice %arg9[%dma_wait3A_195] : memref<163840xf32, #tpu.memory_space<hbm>> -> memref<128xf32, #tpu.memory_space<hbm>>
    %dma_wait3A_197 = arith.constant 0 : i32
    %dma_wait3A_198 = tpu.memref_slice %arg9[%dma_wait3A_197] : memref<163840xf32, #tpu.memory_space<hbm>> -> memref<128xf32, #tpu.memory_space<hbm>>
    tpu.wait_dma2 semaphore(%arg40 : memref<!tpu.dma_semaphore, #tpu.memory_space<semaphore_mem>>) src(%arg27 : memref<128xf32, #tpu.memory_space<vmem>>) dst(%dma_wait3A_198 : memref<128xf32, #tpu.memory_space<hbm>>)
    %dma_wait3A_199 = arith.constant 0 : i32
    %dma_wait3A_200 = tpu.memref_slice %arg10[%dma_wait3A_199] : memref<163840xf32, #tpu.memory_space<hbm>> -> memref<128xf32, #tpu.memory_space<hbm>>
    %dma_wait3A_201 = arith.constant 0 : i32
    %dma_wait3A_202 = tpu.memref_slice %arg10[%dma_wait3A_201] : memref<163840xf32, #tpu.memory_space<hbm>> -> memref<128xf32, #tpu.memory_space<hbm>>
    tpu.wait_dma2 semaphore(%arg40 : memref<!tpu.dma_semaphore, #tpu.memory_space<semaphore_mem>>) src(%arg28 : memref<128xf32, #tpu.memory_space<vmem>>) dst(%dma_wait3A_202 : memref<128xf32, #tpu.memory_space<hbm>>)
    %dma_wait3A_203 = arith.constant 0 : i32
    %dma_wait3A_204 = arith.constant 0 : i32
    %dma_wait3A_205 = tpu.memref_slice %arg7[%dma_wait3A_203, %dma_wait3A_204] : memref<163840x128xf32, #tpu.memory_space<hbm>> -> memref<128x128xf32, #tpu.memory_space<hbm>>
    %dma_wait3A_206 = arith.constant 0 : i32
    %dma_wait3A_207 = arith.constant 0 : i32
    %dma_wait3A_208 = tpu.memref_slice %arg7[%dma_wait3A_206, %dma_wait3A_207] : memref<163840x128xf32, #tpu.memory_space<hbm>> -> memref<128x128xf32, #tpu.memory_space<hbm>>
    tpu.wait_dma2 semaphore(%arg41 : memref<!tpu.dma_semaphore, #tpu.memory_space<semaphore_mem>>) src(%arg16 : memref<128x128xf32, #tpu.memory_space<vmem>>) dst(%dma_wait3A_208 : memref<128x128xf32, #tpu.memory_space<hbm>>)
    %dma_wait3A_209 = arith.constant 0 : i32
    %dma_wait3A_210 = tpu.memref_slice %arg8[%dma_wait3A_209] : memref<163840xf32, #tpu.memory_space<hbm>> -> memref<128xf32, #tpu.memory_space<hbm>>
    %dma_wait3A_211 = arith.constant 0 : i32
    %dma_wait3A_212 = tpu.memref_slice %arg8[%dma_wait3A_211] : memref<163840xf32, #tpu.memory_space<hbm>> -> memref<128xf32, #tpu.memory_space<hbm>>
    tpu.wait_dma2 semaphore(%arg41 : memref<!tpu.dma_semaphore, #tpu.memory_space<semaphore_mem>>) src(%arg29 : memref<128xf32, #tpu.memory_space<vmem>>) dst(%dma_wait3A_212 : memref<128xf32, #tpu.memory_space<hbm>>)
    %dma_wait3A_213 = arith.constant 0 : i32
    %dma_wait3A_214 = tpu.memref_slice %arg9[%dma_wait3A_213] : memref<163840xf32, #tpu.memory_space<hbm>> -> memref<128xf32, #tpu.memory_space<hbm>>
    %dma_wait3A_215 = arith.constant 0 : i32
    %dma_wait3A_216 = tpu.memref_slice %arg9[%dma_wait3A_215] : memref<163840xf32, #tpu.memory_space<hbm>> -> memref<128xf32, #tpu.memory_space<hbm>>
    tpu.wait_dma2 semaphore(%arg41 : memref<!tpu.dma_semaphore, #tpu.memory_space<semaphore_mem>>) src(%arg30 : memref<128xf32, #tpu.memory_space<vmem>>) dst(%dma_wait3A_216 : memref<128xf32, #tpu.memory_space<hbm>>)
    %dma_wait3A_217 = arith.constant 0 : i32
    %dma_wait3A_218 = tpu.memref_slice %arg10[%dma_wait3A_217] : memref<163840xf32, #tpu.memory_space<hbm>> -> memref<128xf32, #tpu.memory_space<hbm>>
    %dma_wait3A_219 = arith.constant 0 : i32
    %dma_wait3A_220 = tpu.memref_slice %arg10[%dma_wait3A_219] : memref<163840xf32, #tpu.memory_space<hbm>> -> memref<128xf32, #tpu.memory_space<hbm>>
    tpu.wait_dma2 semaphore(%arg41 : memref<!tpu.dma_semaphore, #tpu.memory_space<semaphore_mem>>) src(%arg31 : memref<128xf32, #tpu.memory_space<vmem>>) dst(%dma_wait3A_220 : memref<128xf32, #tpu.memory_space<hbm>>)
    return
  }
}

module attributes {stable_mosaic.version = 14 : i64} {
  func.func @_tc_body(%arg0: i32, %arg1: memref<10240x128xf32, #tpu.memory_space<vmem>>, %arg2: memref<10240xf32, #tpu.memory_space<vmem>>, %arg3: memref<10240xf32, #tpu.memory_space<vmem>>, %arg4: memref<10240xf32, #tpu.memory_space<vmem>>, %arg5: memref<10240xf32, #tpu.memory_space<vmem>>, %arg6: memref<10240xf32, #tpu.memory_space<vmem>>, %arg7: memref<10240xf32, #tpu.memory_space<vmem>>, %arg8: memref<16x4xf32, #tpu.memory_space<vmem>>, %arg9: memref<16x128x128xbf16, #tpu.memory_space<vmem>>, %arg10: memref<320x128xf32, #tpu.memory_space<vmem>>, %arg11: memref<16x320x128xbf16, #tpu.memory_space<vmem>>) attributes {dimension_semantics = [#tpu.dimension_semantics<arbitrary>], iteration_bounds = array<i64: 16>, scalar_prefetch = 0 : i64, scratch_operands = 1 : i64, tpu.core_type = #tpu.core_type<tc>, window_params = [{transform_indices = @transform_0, window_bounds = array<i64: 10240, 128>}, {transform_indices = @transform_1, window_bounds = array<i64: 10240>}, {transform_indices = @transform_2, window_bounds = array<i64: 10240>}, {transform_indices = @transform_3, window_bounds = array<i64: 10240>}, {transform_indices = @transform_4, window_bounds = array<i64: 10240>}, {transform_indices = @transform_5, window_bounds = array<i64: 10240>}, {transform_indices = @transform_6, window_bounds = array<i64: 10240>}, {pipeline_mode = #tpu.pipeline_mode<synchronous>, transform_indices = @transform_7, window_bounds = array<i64: 16, 4>}, {pipeline_mode = #tpu.pipeline_mode<synchronous>, transform_indices = @transform_8, window_bounds = array<i64: 16, 128, 128>}, {transform_indices = @transform_9, window_bounds = array<i64: 320, 128>}]} {
    %get3A = arith.constant 0 : index
    %get3A_0 = vector.load %arg2[%get3A] : memref<10240xf32, #tpu.memory_space<vmem>>, vector<10240xf32>
    %get3A_1 = arith.constant 0 : index
    %get3A_2 = vector.load %arg5[%get3A_1] : memref<10240xf32, #tpu.memory_space<vmem>>, vector<10240xf32>
    %sub3A = arith.subf %get3A_0, %get3A_2 : vector<10240xf32>
    %reshape3A = vector.shape_cast %sub3A : vector<10240xf32> to vector<1x10240xf32>
    %get3A_3 = arith.constant 0 : index
    %get3A_4 = vector.load %arg3[%get3A_3] : memref<10240xf32, #tpu.memory_space<vmem>>, vector<10240xf32>
    %get3A_5 = arith.constant 0 : index
    %get3A_6 = vector.load %arg6[%get3A_5] : memref<10240xf32, #tpu.memory_space<vmem>>, vector<10240xf32>
    %sub3A_7 = arith.subf %get3A_4, %get3A_6 : vector<10240xf32>
    %reshape3A_8 = vector.shape_cast %sub3A_7 : vector<10240xf32> to vector<1x10240xf32>
    %get3A_9 = arith.constant 0 : index
    %get3A_10 = vector.load %arg4[%get3A_9] : memref<10240xf32, #tpu.memory_space<vmem>>, vector<10240xf32>
    %get3A_11 = arith.constant 0 : index
    %get3A_12 = vector.load %arg7[%get3A_11] : memref<10240xf32, #tpu.memory_space<vmem>>, vector<10240xf32>
    %sub3A_13 = arith.subf %get3A_10, %get3A_12 : vector<10240xf32>
    %reshape3A_14 = vector.shape_cast %sub3A_13 : vector<10240xf32> to vector<1x10240xf32>
    %get3A_15 = arith.constant 0 : index
    %get3A_16 = arith.constant 0 : index
    %get3A_17 = vector.load %arg8[%get3A_15, %get3A_16] : memref<16x4xf32, #tpu.memory_space<vmem>>, vector<16x1xf32>
    %sub3A_18 = vector.broadcast %reshape3A : vector<1x10240xf32> to vector<16x10240xf32>
    %sub3A_19 = vector.broadcast %get3A_17 : vector<16x1xf32> to vector<16x10240xf32>
    %sub3A_20 = arith.subf %sub3A_18, %sub3A_19 : vector<16x10240xf32>
    %get3A_21 = arith.constant 0 : index
    %get3A_22 = arith.constant 1 : index
    %get3A_23 = vector.load %arg8[%get3A_21, %get3A_22] : memref<16x4xf32, #tpu.memory_space<vmem>>, vector<16x1xf32>
    %sub3A_24 = vector.broadcast %reshape3A_8 : vector<1x10240xf32> to vector<16x10240xf32>
    %sub3A_25 = vector.broadcast %get3A_23 : vector<16x1xf32> to vector<16x10240xf32>
    %sub3A_26 = arith.subf %sub3A_24, %sub3A_25 : vector<16x10240xf32>
    %get3A_27 = arith.constant 0 : index
    %get3A_28 = arith.constant 2 : index
    %get3A_29 = vector.load %arg8[%get3A_27, %get3A_28] : memref<16x4xf32, #tpu.memory_space<vmem>>, vector<16x1xf32>
    %sub3A_30 = vector.broadcast %reshape3A_14 : vector<1x10240xf32> to vector<16x10240xf32>
    %sub3A_31 = vector.broadcast %get3A_29 : vector<16x1xf32> to vector<16x10240xf32>
    %sub3A_32 = arith.subf %sub3A_30, %sub3A_31 : vector<16x10240xf32>
    %mul3A = arith.mulf %sub3A_20, %sub3A_20 : vector<16x10240xf32>
    %mul3A_33 = arith.mulf %sub3A_26, %sub3A_26 : vector<16x10240xf32>
    %add3A = arith.addf %mul3A, %mul3A_33 : vector<16x10240xf32>
    %mul3A_34 = arith.mulf %sub3A_32, %sub3A_32 : vector<16x10240xf32>
    %add3A_35 = arith.addf %add3A, %mul3A_34 : vector<16x10240xf32>
    %sqrt3A = math.sqrt %add3A_35 : vector<16x10240xf32>
    %mul3A_36 = arith.constant 1.000000e+01 : f32
    %mul3A_37 = vector.broadcast %mul3A_36 : f32 to vector<16x10240xf32>
    %mul3A_38 = arith.mulf %sqrt3A, %mul3A_37 : vector<16x10240xf32>
    %sub3A_39 = arith.constant 1.000000e+00 : f32
    %sub3A_40 = vector.broadcast %sub3A_39 : f32 to vector<16x10240xf32>
    %sub3A_41 = arith.subf %sub3A_40, %mul3A_38 : vector<16x10240xf32>
    %max3A = arith.constant 0.000000e+00 : f32
    %max3A_42 = vector.broadcast %max3A : f32 to vector<16x10240xf32>
    %max3A_43 = arith.maximumf %sub3A_41, %max3A_42 : vector<16x10240xf32>
    %iota3A = tpu.iota {dimensions = array<i32: 0>} : vector<128x256xi32>
    %iota3A_44 = tpu.iota {dimensions = array<i32: 1>} : vector<128x256xi32>
    %jit3A = arith.constant 8 : i32
    %eq3A = arith.constant 0 : i32
    %eq3A_45 = arith.cmpi eq, %jit3A, %eq3A : i32
    %jit3A_46 = arith.constant 1 : i32
    %select_n3A = arith.select %eq3A_45, %jit3A_46, %jit3A : i32
    %rem3A = vector.broadcast %select_n3A : i32 to vector<128x256xi32>
    %rem3A_47 = arith.remsi %iota3A, %rem3A : vector<128x256xi32>
    %ne3A = arith.constant 0 : i32
    %ne3A_48 = vector.broadcast %ne3A : i32 to vector<128x256xi32>
    %ne3A_49 = arith.cmpi ne, %rem3A_47, %ne3A_48 : vector<128x256xi32>
    %lt3A = arith.constant 0 : i32
    %lt3A_50 = vector.broadcast %lt3A : i32 to vector<128x256xi32>
    %lt3A_51 = arith.cmpi slt, %rem3A_47, %lt3A_50 : vector<128x256xi32>
    %lt3A_52 = arith.constant 0 : i32
    %lt3A_53 = arith.cmpi slt, %select_n3A, %lt3A_52 : i32
    %ne3A_54 = vector.broadcast %lt3A_53 : i1 to vector<128x256xi1>
    %ne3A_55 = vector.broadcast %ne3A_54 : vector<128x256xi1> to vector<128x256xi1>
    %ne3A_56 = arith.xori %lt3A_51, %ne3A_55 : vector<128x256xi1>
    %and3A = arith.andi %ne3A_56, %ne3A_49 : vector<128x256xi1>
    %add3A_57 = vector.broadcast %select_n3A : i32 to vector<128x256xi32>
    %add3A_58 = arith.addi %rem3A_47, %add3A_57 : vector<128x256xi32>
    %select_n3A_59 = arith.select %and3A, %add3A_58, %rem3A_47 : vector<128x256xi1>, vector<128x256xi32>
    %jit3A_60 = arith.constant 32 : i32
    %div3A = vector.broadcast %jit3A_60 : i32 to vector<128x256xi32>
    %div3A_61 = arith.divsi %iota3A_44, %div3A : vector<128x256xi32>
    %sign3A = arith.constant 0 : i32
    %sign3A_62 = vector.broadcast %sign3A : i32 to vector<128x256xi32>
    %sign3A_63 = arith.cmpi sgt, %iota3A_44, %sign3A_62 : vector<128x256xi32>
    %sign3A_64 = arith.extui %sign3A_63 : vector<128x256xi1> to vector<128x256xi32>
    %sign3A_65 = arith.constant 0 : i32
    %sign3A_66 = vector.broadcast %sign3A_65 : i32 to vector<128x256xi32>
    %sign3A_67 = arith.cmpi slt, %iota3A_44, %sign3A_66 : vector<128x256xi32>
    %sign3A_68 = arith.extui %sign3A_67 : vector<128x256xi1> to vector<128x256xi32>
    %sign3A_69 = arith.subi %sign3A_64, %sign3A_68 : vector<128x256xi32>
    %sign3A_70 = arith.constant 0 : i32
    %sign3A_71 = arith.cmpi sgt, %jit3A_60, %sign3A_70 : i32
    %sign3A_72 = arith.extui %sign3A_71 : i1 to i32
    %sign3A_73 = arith.constant 0 : i32
    %sign3A_74 = arith.cmpi slt, %jit3A_60, %sign3A_73 : i32
    %sign3A_75 = arith.extui %sign3A_74 : i1 to i32
    %sign3A_76 = arith.subi %sign3A_72, %sign3A_75 : i32
    %ne3A_77 = vector.broadcast %sign3A_76 : i32 to vector<128x256xi32>
    %ne3A_78 = arith.cmpi ne, %sign3A_69, %ne3A_77 : vector<128x256xi32>
    %rem3A_79 = vector.broadcast %jit3A_60 : i32 to vector<128x256xi32>
    %rem3A_80 = arith.remsi %iota3A_44, %rem3A_79 : vector<128x256xi32>
    %ne3A_81 = arith.constant 0 : i32
    %ne3A_82 = vector.broadcast %ne3A_81 : i32 to vector<128x256xi32>
    %ne3A_83 = arith.cmpi ne, %rem3A_80, %ne3A_82 : vector<128x256xi32>
    %and3A_84 = arith.andi %ne3A_78, %ne3A_83 : vector<128x256xi1>
    %sub3A_85 = arith.constant 1 : i32
    %sub3A_86 = vector.broadcast %sub3A_85 : i32 to vector<128x256xi32>
    %sub3A_87 = arith.subi %div3A_61, %sub3A_86 : vector<128x256xi32>
    %select_n3A_88 = arith.select %and3A_84, %sub3A_87, %div3A_61 : vector<128x256xi1>, vector<128x256xi32>
    %eq3A_89 = arith.cmpi eq, %select_n3A_59, %select_n3A_88 : vector<128x256xi32>
    %convert_element_type3A = arith.extui %eq3A_89 : vector<128x256xi1> to vector<128x256xi32>
    %convert_element_type3A_90 = arith.sitofp %convert_element_type3A : vector<128x256xi32> to vector<128x256xf32>
    %slice3A = vector.extract_strided_slice %max3A_43 {offsets = [0, 0], sizes = [16, 256], strides = [1, 1]} : vector<16x10240xf32> to vector<16x256xf32>
    %broadcast_in_dim3A = vector.shape_cast %slice3A : vector<16x256xf32> to vector<16x1x256xf32>
    %broadcast_in_dim3A_91 = vector.shape_cast %broadcast_in_dim3A : vector<16x1x256xf32> to vector<16x1x256xf32>
    %broadcast_in_dim3A_92 = vector.broadcast %broadcast_in_dim3A_91 : vector<16x1x256xf32> to vector<16x8x256xf32>
    %reshape3A_93 = vector.shape_cast %broadcast_in_dim3A_92 : vector<16x8x256xf32> to vector<128x256xf32>
    %mul3A_94 = arith.mulf %reshape3A_93, %convert_element_type3A_90 : vector<128x256xf32>
    %get3A_95 = arith.constant 0 : index
    %get3A_96 = arith.constant 0 : index
    %get3A_97 = vector.load %arg1[%get3A_95, %get3A_96] : memref<10240x128xf32, #tpu.memory_space<vmem>>, vector<256x128xf32>
    %dot_general3A = arith.constant dense<0.000000e+00> : vector<128x128xf32>
    %dot_general3A_98 = tpu.matmul %mul3A_94, %get3A_97, %dot_general3A {dimension_numbers = #tpu.dot_dimension_numbers<[1], [0], [0], [1], [0, 0, 1, 1], [], []>, transpose_lhs_hint = false} : vector<128x256xf32>, vector<256x128xf32>, vector<128x128xf32> -> vector<128x128xf32>
    %convert_element_type3A_99 = arith.truncf %dot_general3A_98 : vector<128x128xf32> to vector<128x128xbf16>
    %reshape3A_100 = vector.shape_cast %convert_element_type3A_99 : vector<128x128xbf16> to vector<16x8x128xbf16>
    %swap3A = arith.constant 0 : index
    %swap3A_101 = arith.constant 0 : index
    %swap3A_102 = arith.constant 0 : index
    %swap3A_103 = vector.load %arg11[%swap3A, %swap3A_101, %swap3A_102] : memref<16x320x128xbf16, #tpu.memory_space<vmem>>, vector<16x8x128xbf16>
    tpu.vector_store %arg11[%swap3A, %swap3A_101, %swap3A_102], %reshape3A_100 {strides = array<i32>} : memref<16x320x128xbf16, #tpu.memory_space<vmem>>, vector<16x8x128xbf16>,
    %slice3A_104 = vector.extract_strided_slice %max3A_43 {offsets = [0, 256], sizes = [16, 256], strides = [1, 1]} : vector<16x10240xf32> to vector<16x256xf32>
    %broadcast_in_dim3A_105 = vector.shape_cast %slice3A_104 : vector<16x256xf32> to vector<16x1x256xf32>
    %broadcast_in_dim3A_106 = vector.shape_cast %broadcast_in_dim3A_105 : vector<16x1x256xf32> to vector<16x1x256xf32>
    %broadcast_in_dim3A_107 = vector.broadcast %broadcast_in_dim3A_106 : vector<16x1x256xf32> to vector<16x8x256xf32>
    %reshape3A_108 = vector.shape_cast %broadcast_in_dim3A_107 : vector<16x8x256xf32> to vector<128x256xf32>
    %mul3A_109 = arith.mulf %reshape3A_108, %convert_element_type3A_90 : vector<128x256xf32>
    %get3A_110 = arith.constant 256 : index
    %get3A_111 = arith.constant 0 : index
    %get3A_112 = vector.load %arg1[%get3A_110, %get3A_111] : memref<10240x128xf32, #tpu.memory_space<vmem>>, vector<256x128xf32>
    %dot_general3A_113 = arith.constant dense<0.000000e+00> : vector<128x128xf32>
    %dot_general3A_114 = tpu.matmul %mul3A_109, %get3A_112, %dot_general3A_113 {dimension_numbers = #tpu.dot_dimension_numbers<[1], [0], [0], [1], [0, 0, 1, 1], [], []>, transpose_lhs_hint = false} : vector<128x256xf32>, vector<256x128xf32>, vector<128x128xf32> -> vector<128x128xf32>
    %convert_element_type3A_115 = arith.truncf %dot_general3A_114 : vector<128x128xf32> to vector<128x128xbf16>
    %reshape3A_116 = vector.shape_cast %convert_element_type3A_115 : vector<128x128xbf16> to vector<16x8x128xbf16>
    %swap3A_117 = arith.constant 0 : index
    %swap3A_118 = arith.constant 8 : index
    %swap3A_119 = arith.constant 0 : index
    %swap3A_120 = vector.load %arg11[%swap3A_117, %swap3A_118, %swap3A_119] : memref<16x320x128xbf16, #tpu.memory_space<vmem>>, vector<16x8x128xbf16>
    tpu.vector_store %arg11[%swap3A_117, %swap3A_118, %swap3A_119], %reshape3A_116 {strides = array<i32>} : memref<16x320x128xbf16, #tpu.memory_space<vmem>>, vector<16x8x128xbf16>,
    %slice3A_121 = vector.extract_strided_slice %max3A_43 {offsets = [0, 512], sizes = [16, 256], strides = [1, 1]} : vector<16x10240xf32> to vector<16x256xf32>
    %broadcast_in_dim3A_122 = vector.shape_cast %slice3A_121 : vector<16x256xf32> to vector<16x1x256xf32>
    %broadcast_in_dim3A_123 = vector.shape_cast %broadcast_in_dim3A_122 : vector<16x1x256xf32> to vector<16x1x256xf32>
    %broadcast_in_dim3A_124 = vector.broadcast %broadcast_in_dim3A_123 : vector<16x1x256xf32> to vector<16x8x256xf32>
    %reshape3A_125 = vector.shape_cast %broadcast_in_dim3A_124 : vector<16x8x256xf32> to vector<128x256xf32>
    %mul3A_126 = arith.mulf %reshape3A_125, %convert_element_type3A_90 : vector<128x256xf32>
    %get3A_127 = arith.constant 512 : index
    %get3A_128 = arith.constant 0 : index
    %get3A_129 = vector.load %arg1[%get3A_127, %get3A_128] : memref<10240x128xf32, #tpu.memory_space<vmem>>, vector<256x128xf32>
    %dot_general3A_130 = arith.constant dense<0.000000e+00> : vector<128x128xf32>
    %dot_general3A_131 = tpu.matmul %mul3A_126, %get3A_129, %dot_general3A_130 {dimension_numbers = #tpu.dot_dimension_numbers<[1], [0], [0], [1], [0, 0, 1, 1], [], []>, transpose_lhs_hint = false} : vector<128x256xf32>, vector<256x128xf32>, vector<128x128xf32> -> vector<128x128xf32>
    %convert_element_type3A_132 = arith.truncf %dot_general3A_131 : vector<128x128xf32> to vector<128x128xbf16>
    %reshape3A_133 = vector.shape_cast %convert_element_type3A_132 : vector<128x128xbf16> to vector<16x8x128xbf16>
    %swap3A_134 = arith.constant 0 : index
    %swap3A_135 = arith.constant 16 : index
    %swap3A_136 = arith.constant 0 : index
    %swap3A_137 = vector.load %arg11[%swap3A_134, %swap3A_135, %swap3A_136] : memref<16x320x128xbf16, #tpu.memory_space<vmem>>, vector<16x8x128xbf16>
    tpu.vector_store %arg11[%swap3A_134, %swap3A_135, %swap3A_136], %reshape3A_133 {strides = array<i32>} : memref<16x320x128xbf16, #tpu.memory_space<vmem>>, vector<16x8x128xbf16>,
    %slice3A_138 = vector.extract_strided_slice %max3A_43 {offsets = [0, 768], sizes = [16, 256], strides = [1, 1]} : vector<16x10240xf32> to vector<16x256xf32>
    %broadcast_in_dim3A_139 = vector.shape_cast %slice3A_138 : vector<16x256xf32> to vector<16x1x256xf32>
    %broadcast_in_dim3A_140 = vector.shape_cast %broadcast_in_dim3A_139 : vector<16x1x256xf32> to vector<16x1x256xf32>
    %broadcast_in_dim3A_141 = vector.broadcast %broadcast_in_dim3A_140 : vector<16x1x256xf32> to vector<16x8x256xf32>
    %reshape3A_142 = vector.shape_cast %broadcast_in_dim3A_141 : vector<16x8x256xf32> to vector<128x256xf32>
    %mul3A_143 = arith.mulf %reshape3A_142, %convert_element_type3A_90 : vector<128x256xf32>
    %get3A_144 = arith.constant 768 : index
    %get3A_145 = arith.constant 0 : index
    %get3A_146 = vector.load %arg1[%get3A_144, %get3A_145] : memref<10240x128xf32, #tpu.memory_space<vmem>>, vector<256x128xf32>
    %dot_general3A_147 = arith.constant dense<0.000000e+00> : vector<128x128xf32>
    %dot_general3A_148 = tpu.matmul %mul3A_143, %get3A_146, %dot_general3A_147 {dimension_numbers = #tpu.dot_dimension_numbers<[1], [0], [0], [1], [0, 0, 1, 1], [], []>, transpose_lhs_hint = false} : vector<128x256xf32>, vector<256x128xf32>, vector<128x128xf32> -> vector<128x128xf32>
    %convert_element_type3A_149 = arith.truncf %dot_general3A_148 : vector<128x128xf32> to vector<128x128xbf16>
    %reshape3A_150 = vector.shape_cast %convert_element_type3A_149 : vector<128x128xbf16> to vector<16x8x128xbf16>
    %swap3A_151 = arith.constant 0 : index
    %swap3A_152 = arith.constant 24 : index
    %swap3A_153 = arith.constant 0 : index
    %swap3A_154 = vector.load %arg11[%swap3A_151, %swap3A_152, %swap3A_153] : memref<16x320x128xbf16, #tpu.memory_space<vmem>>, vector<16x8x128xbf16>
    tpu.vector_store %arg11[%swap3A_151, %swap3A_152, %swap3A_153], %reshape3A_150 {strides = array<i32>} : memref<16x320x128xbf16, #tpu.memory_space<vmem>>, vector<16x8x128xbf16>,
    %slice3A_155 = vector.extract_strided_slice %max3A_43 {offsets = [0, 1024], sizes = [16, 256], strides = [1, 1]} : vector<16x10240xf32> to vector<16x256xf32>
    %broadcast_in_dim3A_156 = vector.shape_cast %slice3A_155 : vector<16x256xf32> to vector<16x1x256xf32>
    %broadcast_in_dim3A_157 = vector.shape_cast %broadcast_in_dim3A_156 : vector<16x1x256xf32> to vector<16x1x256xf32>
    %broadcast_in_dim3A_158 = vector.broadcast %broadcast_in_dim3A_157 : vector<16x1x256xf32> to vector<16x8x256xf32>
    %reshape3A_159 = vector.shape_cast %broadcast_in_dim3A_158 : vector<16x8x256xf32> to vector<128x256xf32>
    %mul3A_160 = arith.mulf %reshape3A_159, %convert_element_type3A_90 : vector<128x256xf32>
    %get3A_161 = arith.constant 1024 : index
    %get3A_162 = arith.constant 0 : index
    %get3A_163 = vector.load %arg1[%get3A_161, %get3A_162] : memref<10240x128xf32, #tpu.memory_space<vmem>>, vector<256x128xf32>
    %dot_general3A_164 = arith.constant dense<0.000000e+00> : vector<128x128xf32>
    %dot_general3A_165 = tpu.matmul %mul3A_160, %get3A_163, %dot_general3A_164 {dimension_numbers = #tpu.dot_dimension_numbers<[1], [0], [0], [1], [0, 0, 1, 1], [], []>, transpose_lhs_hint = false} : vector<128x256xf32>, vector<256x128xf32>, vector<128x128xf32> -> vector<128x128xf32>
    %convert_element_type3A_166 = arith.truncf %dot_general3A_165 : vector<128x128xf32> to vector<128x128xbf16>
    %reshape3A_167 = vector.shape_cast %convert_element_type3A_166 : vector<128x128xbf16> to vector<16x8x128xbf16>
    %swap3A_168 = arith.constant 0 : index
    %swap3A_169 = arith.constant 32 : index
    %swap3A_170 = arith.constant 0 : index
    %swap3A_171 = vector.load %arg11[%swap3A_168, %swap3A_169, %swap3A_170] : memref<16x320x128xbf16, #tpu.memory_space<vmem>>, vector<16x8x128xbf16>
    tpu.vector_store %arg11[%swap3A_168, %swap3A_169, %swap3A_170], %reshape3A_167 {strides = array<i32>} : memref<16x320x128xbf16, #tpu.memory_space<vmem>>, vector<16x8x128xbf16>,
    %slice3A_172 = vector.extract_strided_slice %max3A_43 {offsets = [0, 1280], sizes = [16, 256], strides = [1, 1]} : vector<16x10240xf32> to vector<16x256xf32>
    %broadcast_in_dim3A_173 = vector.shape_cast %slice3A_172 : vector<16x256xf32> to vector<16x1x256xf32>
    %broadcast_in_dim3A_174 = vector.shape_cast %broadcast_in_dim3A_173 : vector<16x1x256xf32> to vector<16x1x256xf32>
    %broadcast_in_dim3A_175 = vector.broadcast %broadcast_in_dim3A_174 : vector<16x1x256xf32> to vector<16x8x256xf32>
    %reshape3A_176 = vector.shape_cast %broadcast_in_dim3A_175 : vector<16x8x256xf32> to vector<128x256xf32>
    %mul3A_177 = arith.mulf %reshape3A_176, %convert_element_type3A_90 : vector<128x256xf32>
    %get3A_178 = arith.constant 1280 : index
    %get3A_179 = arith.constant 0 : index
    %get3A_180 = vector.load %arg1[%get3A_178, %get3A_179] : memref<10240x128xf32, #tpu.memory_space<vmem>>, vector<256x128xf32>
    %dot_general3A_181 = arith.constant dense<0.000000e+00> : vector<128x128xf32>
    %dot_general3A_182 = tpu.matmul %mul3A_177, %get3A_180, %dot_general3A_181 {dimension_numbers = #tpu.dot_dimension_numbers<[1], [0], [0], [1], [0, 0, 1, 1], [], []>, transpose_lhs_hint = false} : vector<128x256xf32>, vector<256x128xf32>, vector<128x128xf32> -> vector<128x128xf32>
    %convert_element_type3A_183 = arith.truncf %dot_general3A_182 : vector<128x128xf32> to vector<128x128xbf16>
    %reshape3A_184 = vector.shape_cast %convert_element_type3A_183 : vector<128x128xbf16> to vector<16x8x128xbf16>
    %swap3A_185 = arith.constant 0 : index
    %swap3A_186 = arith.constant 40 : index
    %swap3A_187 = arith.constant 0 : index
    %swap3A_188 = vector.load %arg11[%swap3A_185, %swap3A_186, %swap3A_187] : memref<16x320x128xbf16, #tpu.memory_space<vmem>>, vector<16x8x128xbf16>
    tpu.vector_store %arg11[%swap3A_185, %swap3A_186, %swap3A_187], %reshape3A_184 {strides = array<i32>} : memref<16x320x128xbf16, #tpu.memory_space<vmem>>, vector<16x8x128xbf16>,
    %slice3A_189 = vector.extract_strided_slice %max3A_43 {offsets = [0, 1536], sizes = [16, 256], strides = [1, 1]} : vector<16x10240xf32> to vector<16x256xf32>
    %broadcast_in_dim3A_190 = vector.shape_cast %slice3A_189 : vector<16x256xf32> to vector<16x1x256xf32>
    %broadcast_in_dim3A_191 = vector.shape_cast %broadcast_in_dim3A_190 : vector<16x1x256xf32> to vector<16x1x256xf32>
    %broadcast_in_dim3A_192 = vector.broadcast %broadcast_in_dim3A_191 : vector<16x1x256xf32> to vector<16x8x256xf32>
    %reshape3A_193 = vector.shape_cast %broadcast_in_dim3A_192 : vector<16x8x256xf32> to vector<128x256xf32>
    %mul3A_194 = arith.mulf %reshape3A_193, %convert_element_type3A_90 : vector<128x256xf32>
    %get3A_195 = arith.constant 1536 : index
    %get3A_196 = arith.constant 0 : index
    %get3A_197 = vector.load %arg1[%get3A_195, %get3A_196] : memref<10240x128xf32, #tpu.memory_space<vmem>>, vector<256x128xf32>
    %dot_general3A_198 = arith.constant dense<0.000000e+00> : vector<128x128xf32>
    %dot_general3A_199 = tpu.matmul %mul3A_194, %get3A_197, %dot_general3A_198 {dimension_numbers = #tpu.dot_dimension_numbers<[1], [0], [0], [1], [0, 0, 1, 1], [], []>, transpose_lhs_hint = false} : vector<128x256xf32>, vector<256x128xf32>, vector<128x128xf32> -> vector<128x128xf32>
    %convert_element_type3A_200 = arith.truncf %dot_general3A_199 : vector<128x128xf32> to vector<128x128xbf16>
    %reshape3A_201 = vector.shape_cast %convert_element_type3A_200 : vector<128x128xbf16> to vector<16x8x128xbf16>
    %swap3A_202 = arith.constant 0 : index
    %swap3A_203 = arith.constant 48 : index
    %swap3A_204 = arith.constant 0 : index
    %swap3A_205 = vector.load %arg11[%swap3A_202, %swap3A_203, %swap3A_204] : memref<16x320x128xbf16, #tpu.memory_space<vmem>>, vector<16x8x128xbf16>
    tpu.vector_store %arg11[%swap3A_202, %swap3A_203, %swap3A_204], %reshape3A_201 {strides = array<i32>} : memref<16x320x128xbf16, #tpu.memory_space<vmem>>, vector<16x8x128xbf16>,
    %slice3A_206 = vector.extract_strided_slice %max3A_43 {offsets = [0, 1792], sizes = [16, 256], strides = [1, 1]} : vector<16x10240xf32> to vector<16x256xf32>
    %broadcast_in_dim3A_207 = vector.shape_cast %slice3A_206 : vector<16x256xf32> to vector<16x1x256xf32>
    %broadcast_in_dim3A_208 = vector.shape_cast %broadcast_in_dim3A_207 : vector<16x1x256xf32> to vector<16x1x256xf32>
    %broadcast_in_dim3A_209 = vector.broadcast %broadcast_in_dim3A_208 : vector<16x1x256xf32> to vector<16x8x256xf32>
    %reshape3A_210 = vector.shape_cast %broadcast_in_dim3A_209 : vector<16x8x256xf32> to vector<128x256xf32>
    %mul3A_211 = arith.mulf %reshape3A_210, %convert_element_type3A_90 : vector<128x256xf32>
    %get3A_212 = arith.constant 1792 : index
    %get3A_213 = arith.constant 0 : index
    %get3A_214 = vector.load %arg1[%get3A_212, %get3A_213] : memref<10240x128xf32, #tpu.memory_space<vmem>>, vector<256x128xf32>
    %dot_general3A_215 = arith.constant dense<0.000000e+00> : vector<128x128xf32>
    %dot_general3A_216 = tpu.matmul %mul3A_211, %get3A_214, %dot_general3A_215 {dimension_numbers = #tpu.dot_dimension_numbers<[1], [0], [0], [1], [0, 0, 1, 1], [], []>, transpose_lhs_hint = false} : vector<128x256xf32>, vector<256x128xf32>, vector<128x128xf32> -> vector<128x128xf32>
    %convert_element_type3A_217 = arith.truncf %dot_general3A_216 : vector<128x128xf32> to vector<128x128xbf16>
    %reshape3A_218 = vector.shape_cast %convert_element_type3A_217 : vector<128x128xbf16> to vector<16x8x128xbf16>
    %swap3A_219 = arith.constant 0 : index
    %swap3A_220 = arith.constant 56 : index
    %swap3A_221 = arith.constant 0 : index
    %swap3A_222 = vector.load %arg11[%swap3A_219, %swap3A_220, %swap3A_221] : memref<16x320x128xbf16, #tpu.memory_space<vmem>>, vector<16x8x128xbf16>
    tpu.vector_store %arg11[%swap3A_219, %swap3A_220, %swap3A_221], %reshape3A_218 {strides = array<i32>} : memref<16x320x128xbf16, #tpu.memory_space<vmem>>, vector<16x8x128xbf16>,
    %slice3A_223 = vector.extract_strided_slice %max3A_43 {offsets = [0, 2048], sizes = [16, 256], strides = [1, 1]} : vector<16x10240xf32> to vector<16x256xf32>
    %broadcast_in_dim3A_224 = vector.shape_cast %slice3A_223 : vector<16x256xf32> to vector<16x1x256xf32>
    %broadcast_in_dim3A_225 = vector.shape_cast %broadcast_in_dim3A_224 : vector<16x1x256xf32> to vector<16x1x256xf32>
    %broadcast_in_dim3A_226 = vector.broadcast %broadcast_in_dim3A_225 : vector<16x1x256xf32> to vector<16x8x256xf32>
    %reshape3A_227 = vector.shape_cast %broadcast_in_dim3A_226 : vector<16x8x256xf32> to vector<128x256xf32>
    %mul3A_228 = arith.mulf %reshape3A_227, %convert_element_type3A_90 : vector<128x256xf32>
    %get3A_229 = arith.constant 2048 : index
    %get3A_230 = arith.constant 0 : index
    %get3A_231 = vector.load %arg1[%get3A_229, %get3A_230] : memref<10240x128xf32, #tpu.memory_space<vmem>>, vector<256x128xf32>
    %dot_general3A_232 = arith.constant dense<0.000000e+00> : vector<128x128xf32>
    %dot_general3A_233 = tpu.matmul %mul3A_228, %get3A_231, %dot_general3A_232 {dimension_numbers = #tpu.dot_dimension_numbers<[1], [0], [0], [1], [0, 0, 1, 1], [], []>, transpose_lhs_hint = false} : vector<128x256xf32>, vector<256x128xf32>, vector<128x128xf32> -> vector<128x128xf32>
    %convert_element_type3A_234 = arith.truncf %dot_general3A_233 : vector<128x128xf32> to vector<128x128xbf16>
    %reshape3A_235 = vector.shape_cast %convert_element_type3A_234 : vector<128x128xbf16> to vector<16x8x128xbf16>
    %swap3A_236 = arith.constant 0 : index
    %swap3A_237 = arith.constant 64 : index
    %swap3A_238 = arith.constant 0 : index
    %swap3A_239 = vector.load %arg11[%swap3A_236, %swap3A_237, %swap3A_238] : memref<16x320x128xbf16, #tpu.memory_space<vmem>>, vector<16x8x128xbf16>
    tpu.vector_store %arg11[%swap3A_236, %swap3A_237, %swap3A_238], %reshape3A_235 {strides = array<i32>} : memref<16x320x128xbf16, #tpu.memory_space<vmem>>, vector<16x8x128xbf16>,
    %slice3A_240 = vector.extract_strided_slice %max3A_43 {offsets = [0, 2304], sizes = [16, 256], strides = [1, 1]} : vector<16x10240xf32> to vector<16x256xf32>
    %broadcast_in_dim3A_241 = vector.shape_cast %slice3A_240 : vector<16x256xf32> to vector<16x1x256xf32>
    %broadcast_in_dim3A_242 = vector.shape_cast %broadcast_in_dim3A_241 : vector<16x1x256xf32> to vector<16x1x256xf32>
    %broadcast_in_dim3A_243 = vector.broadcast %broadcast_in_dim3A_242 : vector<16x1x256xf32> to vector<16x8x256xf32>
    %reshape3A_244 = vector.shape_cast %broadcast_in_dim3A_243 : vector<16x8x256xf32> to vector<128x256xf32>
    %mul3A_245 = arith.mulf %reshape3A_244, %convert_element_type3A_90 : vector<128x256xf32>
    %get3A_246 = arith.constant 2304 : index
    %get3A_247 = arith.constant 0 : index
    %get3A_248 = vector.load %arg1[%get3A_246, %get3A_247] : memref<10240x128xf32, #tpu.memory_space<vmem>>, vector<256x128xf32>
    %dot_general3A_249 = arith.constant dense<0.000000e+00> : vector<128x128xf32>
    %dot_general3A_250 = tpu.matmul %mul3A_245, %get3A_248, %dot_general3A_249 {dimension_numbers = #tpu.dot_dimension_numbers<[1], [0], [0], [1], [0, 0, 1, 1], [], []>, transpose_lhs_hint = false} : vector<128x256xf32>, vector<256x128xf32>, vector<128x128xf32> -> vector<128x128xf32>
    %convert_element_type3A_251 = arith.truncf %dot_general3A_250 : vector<128x128xf32> to vector<128x128xbf16>
    %reshape3A_252 = vector.shape_cast %convert_element_type3A_251 : vector<128x128xbf16> to vector<16x8x128xbf16>
    %swap3A_253 = arith.constant 0 : index
    %swap3A_254 = arith.constant 72 : index
    %swap3A_255 = arith.constant 0 : index
    %swap3A_256 = vector.load %arg11[%swap3A_253, %swap3A_254, %swap3A_255] : memref<16x320x128xbf16, #tpu.memory_space<vmem>>, vector<16x8x128xbf16>
    tpu.vector_store %arg11[%swap3A_253, %swap3A_254, %swap3A_255], %reshape3A_252 {strides = array<i32>} : memref<16x320x128xbf16, #tpu.memory_space<vmem>>, vector<16x8x128xbf16>,
    %slice3A_257 = vector.extract_strided_slice %max3A_43 {offsets = [0, 2560], sizes = [16, 256], strides = [1, 1]} : vector<16x10240xf32> to vector<16x256xf32>
    %broadcast_in_dim3A_258 = vector.shape_cast %slice3A_257 : vector<16x256xf32> to vector<16x1x256xf32>
    %broadcast_in_dim3A_259 = vector.shape_cast %broadcast_in_dim3A_258 : vector<16x1x256xf32> to vector<16x1x256xf32>
    %broadcast_in_dim3A_260 = vector.broadcast %broadcast_in_dim3A_259 : vector<16x1x256xf32> to vector<16x8x256xf32>
    %reshape3A_261 = vector.shape_cast %broadcast_in_dim3A_260 : vector<16x8x256xf32> to vector<128x256xf32>
    %mul3A_262 = arith.mulf %reshape3A_261, %convert_element_type3A_90 : vector<128x256xf32>
    %get3A_263 = arith.constant 2560 : index
    %get3A_264 = arith.constant 0 : index
    %get3A_265 = vector.load %arg1[%get3A_263, %get3A_264] : memref<10240x128xf32, #tpu.memory_space<vmem>>, vector<256x128xf32>
    %dot_general3A_266 = arith.constant dense<0.000000e+00> : vector<128x128xf32>
    %dot_general3A_267 = tpu.matmul %mul3A_262, %get3A_265, %dot_general3A_266 {dimension_numbers = #tpu.dot_dimension_numbers<[1], [0], [0], [1], [0, 0, 1, 1], [], []>, transpose_lhs_hint = false} : vector<128x256xf32>, vector<256x128xf32>, vector<128x128xf32> -> vector<128x128xf32>
    %convert_element_type3A_268 = arith.truncf %dot_general3A_267 : vector<128x128xf32> to vector<128x128xbf16>
    %reshape3A_269 = vector.shape_cast %convert_element_type3A_268 : vector<128x128xbf16> to vector<16x8x128xbf16>
    %swap3A_270 = arith.constant 0 : index
    %swap3A_271 = arith.constant 80 : index
    %swap3A_272 = arith.constant 0 : index
    %swap3A_273 = vector.load %arg11[%swap3A_270, %swap3A_271, %swap3A_272] : memref<16x320x128xbf16, #tpu.memory_space<vmem>>, vector<16x8x128xbf16>
    tpu.vector_store %arg11[%swap3A_270, %swap3A_271, %swap3A_272], %reshape3A_269 {strides = array<i32>} : memref<16x320x128xbf16, #tpu.memory_space<vmem>>, vector<16x8x128xbf16>,
    %slice3A_274 = vector.extract_strided_slice %max3A_43 {offsets = [0, 2816], sizes = [16, 256], strides = [1, 1]} : vector<16x10240xf32> to vector<16x256xf32>
    %broadcast_in_dim3A_275 = vector.shape_cast %slice3A_274 : vector<16x256xf32> to vector<16x1x256xf32>
    %broadcast_in_dim3A_276 = vector.shape_cast %broadcast_in_dim3A_275 : vector<16x1x256xf32> to vector<16x1x256xf32>
    %broadcast_in_dim3A_277 = vector.broadcast %broadcast_in_dim3A_276 : vector<16x1x256xf32> to vector<16x8x256xf32>
    %reshape3A_278 = vector.shape_cast %broadcast_in_dim3A_277 : vector<16x8x256xf32> to vector<128x256xf32>
    %mul3A_279 = arith.mulf %reshape3A_278, %convert_element_type3A_90 : vector<128x256xf32>
    %get3A_280 = arith.constant 2816 : index
    %get3A_281 = arith.constant 0 : index
    %get3A_282 = vector.load %arg1[%get3A_280, %get3A_281] : memref<10240x128xf32, #tpu.memory_space<vmem>>, vector<256x128xf32>
    %dot_general3A_283 = arith.constant dense<0.000000e+00> : vector<128x128xf32>
    %dot_general3A_284 = tpu.matmul %mul3A_279, %get3A_282, %dot_general3A_283 {dimension_numbers = #tpu.dot_dimension_numbers<[1], [0], [0], [1], [0, 0, 1, 1], [], []>, transpose_lhs_hint = false} : vector<128x256xf32>, vector<256x128xf32>, vector<128x128xf32> -> vector<128x128xf32>
    %convert_element_type3A_285 = arith.truncf %dot_general3A_284 : vector<128x128xf32> to vector<128x128xbf16>
    %reshape3A_286 = vector.shape_cast %convert_element_type3A_285 : vector<128x128xbf16> to vector<16x8x128xbf16>
    %swap3A_287 = arith.constant 0 : index
    %swap3A_288 = arith.constant 88 : index
    %swap3A_289 = arith.constant 0 : index
    %swap3A_290 = vector.load %arg11[%swap3A_287, %swap3A_288, %swap3A_289] : memref<16x320x128xbf16, #tpu.memory_space<vmem>>, vector<16x8x128xbf16>
    tpu.vector_store %arg11[%swap3A_287, %swap3A_288, %swap3A_289], %reshape3A_286 {strides = array<i32>} : memref<16x320x128xbf16, #tpu.memory_space<vmem>>, vector<16x8x128xbf16>,
    %slice3A_291 = vector.extract_strided_slice %max3A_43 {offsets = [0, 3072], sizes = [16, 256], strides = [1, 1]} : vector<16x10240xf32> to vector<16x256xf32>
    %broadcast_in_dim3A_292 = vector.shape_cast %slice3A_291 : vector<16x256xf32> to vector<16x1x256xf32>
    %broadcast_in_dim3A_293 = vector.shape_cast %broadcast_in_dim3A_292 : vector<16x1x256xf32> to vector<16x1x256xf32>
    %broadcast_in_dim3A_294 = vector.broadcast %broadcast_in_dim3A_293 : vector<16x1x256xf32> to vector<16x8x256xf32>
    %reshape3A_295 = vector.shape_cast %broadcast_in_dim3A_294 : vector<16x8x256xf32> to vector<128x256xf32>
    %mul3A_296 = arith.mulf %reshape3A_295, %convert_element_type3A_90 : vector<128x256xf32>
    %get3A_297 = arith.constant 3072 : index
    %get3A_298 = arith.constant 0 : index
    %get3A_299 = vector.load %arg1[%get3A_297, %get3A_298] : memref<10240x128xf32, #tpu.memory_space<vmem>>, vector<256x128xf32>
    %dot_general3A_300 = arith.constant dense<0.000000e+00> : vector<128x128xf32>
    %dot_general3A_301 = tpu.matmul %mul3A_296, %get3A_299, %dot_general3A_300 {dimension_numbers = #tpu.dot_dimension_numbers<[1], [0], [0], [1], [0, 0, 1, 1], [], []>, transpose_lhs_hint = false} : vector<128x256xf32>, vector<256x128xf32>, vector<128x128xf32> -> vector<128x128xf32>
    %convert_element_type3A_302 = arith.truncf %dot_general3A_301 : vector<128x128xf32> to vector<128x128xbf16>
    %reshape3A_303 = vector.shape_cast %convert_element_type3A_302 : vector<128x128xbf16> to vector<16x8x128xbf16>
    %swap3A_304 = arith.constant 0 : index
    %swap3A_305 = arith.constant 96 : index
    %swap3A_306 = arith.constant 0 : index
    %swap3A_307 = vector.load %arg11[%swap3A_304, %swap3A_305, %swap3A_306] : memref<16x320x128xbf16, #tpu.memory_space<vmem>>, vector<16x8x128xbf16>
    tpu.vector_store %arg11[%swap3A_304, %swap3A_305, %swap3A_306], %reshape3A_303 {strides = array<i32>} : memref<16x320x128xbf16, #tpu.memory_space<vmem>>, vector<16x8x128xbf16>,
    %slice3A_308 = vector.extract_strided_slice %max3A_43 {offsets = [0, 3328], sizes = [16, 256], strides = [1, 1]} : vector<16x10240xf32> to vector<16x256xf32>
    %broadcast_in_dim3A_309 = vector.shape_cast %slice3A_308 : vector<16x256xf32> to vector<16x1x256xf32>
    %broadcast_in_dim3A_310 = vector.shape_cast %broadcast_in_dim3A_309 : vector<16x1x256xf32> to vector<16x1x256xf32>
    %broadcast_in_dim3A_311 = vector.broadcast %broadcast_in_dim3A_310 : vector<16x1x256xf32> to vector<16x8x256xf32>
    %reshape3A_312 = vector.shape_cast %broadcast_in_dim3A_311 : vector<16x8x256xf32> to vector<128x256xf32>
    %mul3A_313 = arith.mulf %reshape3A_312, %convert_element_type3A_90 : vector<128x256xf32>
    %get3A_314 = arith.constant 3328 : index
    %get3A_315 = arith.constant 0 : index
    %get3A_316 = vector.load %arg1[%get3A_314, %get3A_315] : memref<10240x128xf32, #tpu.memory_space<vmem>>, vector<256x128xf32>
    %dot_general3A_317 = arith.constant dense<0.000000e+00> : vector<128x128xf32>
    %dot_general3A_318 = tpu.matmul %mul3A_313, %get3A_316, %dot_general3A_317 {dimension_numbers = #tpu.dot_dimension_numbers<[1], [0], [0], [1], [0, 0, 1, 1], [], []>, transpose_lhs_hint = false} : vector<128x256xf32>, vector<256x128xf32>, vector<128x128xf32> -> vector<128x128xf32>
    %convert_element_type3A_319 = arith.truncf %dot_general3A_318 : vector<128x128xf32> to vector<128x128xbf16>
    %reshape3A_320 = vector.shape_cast %convert_element_type3A_319 : vector<128x128xbf16> to vector<16x8x128xbf16>
    %swap3A_321 = arith.constant 0 : index
    %swap3A_322 = arith.constant 104 : index
    %swap3A_323 = arith.constant 0 : index
    %swap3A_324 = vector.load %arg11[%swap3A_321, %swap3A_322, %swap3A_323] : memref<16x320x128xbf16, #tpu.memory_space<vmem>>, vector<16x8x128xbf16>
    tpu.vector_store %arg11[%swap3A_321, %swap3A_322, %swap3A_323], %reshape3A_320 {strides = array<i32>} : memref<16x320x128xbf16, #tpu.memory_space<vmem>>, vector<16x8x128xbf16>,
    %slice3A_325 = vector.extract_strided_slice %max3A_43 {offsets = [0, 3584], sizes = [16, 256], strides = [1, 1]} : vector<16x10240xf32> to vector<16x256xf32>
    %broadcast_in_dim3A_326 = vector.shape_cast %slice3A_325 : vector<16x256xf32> to vector<16x1x256xf32>
    %broadcast_in_dim3A_327 = vector.shape_cast %broadcast_in_dim3A_326 : vector<16x1x256xf32> to vector<16x1x256xf32>
    %broadcast_in_dim3A_328 = vector.broadcast %broadcast_in_dim3A_327 : vector<16x1x256xf32> to vector<16x8x256xf32>
    %reshape3A_329 = vector.shape_cast %broadcast_in_dim3A_328 : vector<16x8x256xf32> to vector<128x256xf32>
    %mul3A_330 = arith.mulf %reshape3A_329, %convert_element_type3A_90 : vector<128x256xf32>
    %get3A_331 = arith.constant 3584 : index
    %get3A_332 = arith.constant 0 : index
    %get3A_333 = vector.load %arg1[%get3A_331, %get3A_332] : memref<10240x128xf32, #tpu.memory_space<vmem>>, vector<256x128xf32>
    %dot_general3A_334 = arith.constant dense<0.000000e+00> : vector<128x128xf32>
    %dot_general3A_335 = tpu.matmul %mul3A_330, %get3A_333, %dot_general3A_334 {dimension_numbers = #tpu.dot_dimension_numbers<[1], [0], [0], [1], [0, 0, 1, 1], [], []>, transpose_lhs_hint = false} : vector<128x256xf32>, vector<256x128xf32>, vector<128x128xf32> -> vector<128x128xf32>
    %convert_element_type3A_336 = arith.truncf %dot_general3A_335 : vector<128x128xf32> to vector<128x128xbf16>
    %reshape3A_337 = vector.shape_cast %convert_element_type3A_336 : vector<128x128xbf16> to vector<16x8x128xbf16>
    %swap3A_338 = arith.constant 0 : index
    %swap3A_339 = arith.constant 112 : index
    %swap3A_340 = arith.constant 0 : index
    %swap3A_341 = vector.load %arg11[%swap3A_338, %swap3A_339, %swap3A_340] : memref<16x320x128xbf16, #tpu.memory_space<vmem>>, vector<16x8x128xbf16>
    tpu.vector_store %arg11[%swap3A_338, %swap3A_339, %swap3A_340], %reshape3A_337 {strides = array<i32>} : memref<16x320x128xbf16, #tpu.memory_space<vmem>>, vector<16x8x128xbf16>,
    %slice3A_342 = vector.extract_strided_slice %max3A_43 {offsets = [0, 3840], sizes = [16, 256], strides = [1, 1]} : vector<16x10240xf32> to vector<16x256xf32>
    %broadcast_in_dim3A_343 = vector.shape_cast %slice3A_342 : vector<16x256xf32> to vector<16x1x256xf32>
    %broadcast_in_dim3A_344 = vector.shape_cast %broadcast_in_dim3A_343 : vector<16x1x256xf32> to vector<16x1x256xf32>
    %broadcast_in_dim3A_345 = vector.broadcast %broadcast_in_dim3A_344 : vector<16x1x256xf32> to vector<16x8x256xf32>
    %reshape3A_346 = vector.shape_cast %broadcast_in_dim3A_345 : vector<16x8x256xf32> to vector<128x256xf32>
    %mul3A_347 = arith.mulf %reshape3A_346, %convert_element_type3A_90 : vector<128x256xf32>
    %get3A_348 = arith.constant 3840 : index
    %get3A_349 = arith.constant 0 : index
    %get3A_350 = vector.load %arg1[%get3A_348, %get3A_349] : memref<10240x128xf32, #tpu.memory_space<vmem>>, vector<256x128xf32>
    %dot_general3A_351 = arith.constant dense<0.000000e+00> : vector<128x128xf32>
    %dot_general3A_352 = tpu.matmul %mul3A_347, %get3A_350, %dot_general3A_351 {dimension_numbers = #tpu.dot_dimension_numbers<[1], [0], [0], [1], [0, 0, 1, 1], [], []>, transpose_lhs_hint = false} : vector<128x256xf32>, vector<256x128xf32>, vector<128x128xf32> -> vector<128x128xf32>
    %convert_element_type3A_353 = arith.truncf %dot_general3A_352 : vector<128x128xf32> to vector<128x128xbf16>
    %reshape3A_354 = vector.shape_cast %convert_element_type3A_353 : vector<128x128xbf16> to vector<16x8x128xbf16>
    %swap3A_355 = arith.constant 0 : index
    %swap3A_356 = arith.constant 120 : index
    %swap3A_357 = arith.constant 0 : index
    %swap3A_358 = vector.load %arg11[%swap3A_355, %swap3A_356, %swap3A_357] : memref<16x320x128xbf16, #tpu.memory_space<vmem>>, vector<16x8x128xbf16>
    tpu.vector_store %arg11[%swap3A_355, %swap3A_356, %swap3A_357], %reshape3A_354 {strides = array<i32>} : memref<16x320x128xbf16, #tpu.memory_space<vmem>>, vector<16x8x128xbf16>,
    %slice3A_359 = vector.extract_strided_slice %max3A_43 {offsets = [0, 4096], sizes = [16, 256], strides = [1, 1]} : vector<16x10240xf32> to vector<16x256xf32>
    %broadcast_in_dim3A_360 = vector.shape_cast %slice3A_359 : vector<16x256xf32> to vector<16x1x256xf32>
    %broadcast_in_dim3A_361 = vector.shape_cast %broadcast_in_dim3A_360 : vector<16x1x256xf32> to vector<16x1x256xf32>
    %broadcast_in_dim3A_362 = vector.broadcast %broadcast_in_dim3A_361 : vector<16x1x256xf32> to vector<16x8x256xf32>
    %reshape3A_363 = vector.shape_cast %broadcast_in_dim3A_362 : vector<16x8x256xf32> to vector<128x256xf32>
    %mul3A_364 = arith.mulf %reshape3A_363, %convert_element_type3A_90 : vector<128x256xf32>
    %get3A_365 = arith.constant 4096 : index
    %get3A_366 = arith.constant 0 : index
    %get3A_367 = vector.load %arg1[%get3A_365, %get3A_366] : memref<10240x128xf32, #tpu.memory_space<vmem>>, vector<256x128xf32>
    %dot_general3A_368 = arith.constant dense<0.000000e+00> : vector<128x128xf32>
    %dot_general3A_369 = tpu.matmul %mul3A_364, %get3A_367, %dot_general3A_368 {dimension_numbers = #tpu.dot_dimension_numbers<[1], [0], [0], [1], [0, 0, 1, 1], [], []>, transpose_lhs_hint = false} : vector<128x256xf32>, vector<256x128xf32>, vector<128x128xf32> -> vector<128x128xf32>
    %convert_element_type3A_370 = arith.truncf %dot_general3A_369 : vector<128x128xf32> to vector<128x128xbf16>
    %reshape3A_371 = vector.shape_cast %convert_element_type3A_370 : vector<128x128xbf16> to vector<16x8x128xbf16>
    %swap3A_372 = arith.constant 0 : index
    %swap3A_373 = arith.constant 128 : index
    %swap3A_374 = arith.constant 0 : index
    %swap3A_375 = vector.load %arg11[%swap3A_372, %swap3A_373, %swap3A_374] : memref<16x320x128xbf16, #tpu.memory_space<vmem>>, vector<16x8x128xbf16>
    tpu.vector_store %arg11[%swap3A_372, %swap3A_373, %swap3A_374], %reshape3A_371 {strides = array<i32>} : memref<16x320x128xbf16, #tpu.memory_space<vmem>>, vector<16x8x128xbf16>,
    %slice3A_376 = vector.extract_strided_slice %max3A_43 {offsets = [0, 4352], sizes = [16, 256], strides = [1, 1]} : vector<16x10240xf32> to vector<16x256xf32>
    %broadcast_in_dim3A_377 = vector.shape_cast %slice3A_376 : vector<16x256xf32> to vector<16x1x256xf32>
    %broadcast_in_dim3A_378 = vector.shape_cast %broadcast_in_dim3A_377 : vector<16x1x256xf32> to vector<16x1x256xf32>
    %broadcast_in_dim3A_379 = vector.broadcast %broadcast_in_dim3A_378 : vector<16x1x256xf32> to vector<16x8x256xf32>
    %reshape3A_380 = vector.shape_cast %broadcast_in_dim3A_379 : vector<16x8x256xf32> to vector<128x256xf32>
    %mul3A_381 = arith.mulf %reshape3A_380, %convert_element_type3A_90 : vector<128x256xf32>
    %get3A_382 = arith.constant 4352 : index
    %get3A_383 = arith.constant 0 : index
    %get3A_384 = vector.load %arg1[%get3A_382, %get3A_383] : memref<10240x128xf32, #tpu.memory_space<vmem>>, vector<256x128xf32>
    %dot_general3A_385 = arith.constant dense<0.000000e+00> : vector<128x128xf32>
    %dot_general3A_386 = tpu.matmul %mul3A_381, %get3A_384, %dot_general3A_385 {dimension_numbers = #tpu.dot_dimension_numbers<[1], [0], [0], [1], [0, 0, 1, 1], [], []>, transpose_lhs_hint = false} : vector<128x256xf32>, vector<256x128xf32>, vector<128x128xf32> -> vector<128x128xf32>
    %convert_element_type3A_387 = arith.truncf %dot_general3A_386 : vector<128x128xf32> to vector<128x128xbf16>
    %reshape3A_388 = vector.shape_cast %convert_element_type3A_387 : vector<128x128xbf16> to vector<16x8x128xbf16>
    %swap3A_389 = arith.constant 0 : index
    %swap3A_390 = arith.constant 136 : index
    %swap3A_391 = arith.constant 0 : index
    %swap3A_392 = vector.load %arg11[%swap3A_389, %swap3A_390, %swap3A_391] : memref<16x320x128xbf16, #tpu.memory_space<vmem>>, vector<16x8x128xbf16>
    tpu.vector_store %arg11[%swap3A_389, %swap3A_390, %swap3A_391], %reshape3A_388 {strides = array<i32>} : memref<16x320x128xbf16, #tpu.memory_space<vmem>>, vector<16x8x128xbf16>,
    %slice3A_393 = vector.extract_strided_slice %max3A_43 {offsets = [0, 4608], sizes = [16, 256], strides = [1, 1]} : vector<16x10240xf32> to vector<16x256xf32>
    %broadcast_in_dim3A_394 = vector.shape_cast %slice3A_393 : vector<16x256xf32> to vector<16x1x256xf32>
    %broadcast_in_dim3A_395 = vector.shape_cast %broadcast_in_dim3A_394 : vector<16x1x256xf32> to vector<16x1x256xf32>
    %broadcast_in_dim3A_396 = vector.broadcast %broadcast_in_dim3A_395 : vector<16x1x256xf32> to vector<16x8x256xf32>
    %reshape3A_397 = vector.shape_cast %broadcast_in_dim3A_396 : vector<16x8x256xf32> to vector<128x256xf32>
    %mul3A_398 = arith.mulf %reshape3A_397, %convert_element_type3A_90 : vector<128x256xf32>
    %get3A_399 = arith.constant 4608 : index
    %get3A_400 = arith.constant 0 : index
    %get3A_401 = vector.load %arg1[%get3A_399, %get3A_400] : memref<10240x128xf32, #tpu.memory_space<vmem>>, vector<256x128xf32>
    %dot_general3A_402 = arith.constant dense<0.000000e+00> : vector<128x128xf32>
    %dot_general3A_403 = tpu.matmul %mul3A_398, %get3A_401, %dot_general3A_402 {dimension_numbers = #tpu.dot_dimension_numbers<[1], [0], [0], [1], [0, 0, 1, 1], [], []>, transpose_lhs_hint = false} : vector<128x256xf32>, vector<256x128xf32>, vector<128x128xf32> -> vector<128x128xf32>
    %convert_element_type3A_404 = arith.truncf %dot_general3A_403 : vector<128x128xf32> to vector<128x128xbf16>
    %reshape3A_405 = vector.shape_cast %convert_element_type3A_404 : vector<128x128xbf16> to vector<16x8x128xbf16>
    %swap3A_406 = arith.constant 0 : index
    %swap3A_407 = arith.constant 144 : index
    %swap3A_408 = arith.constant 0 : index
    %swap3A_409 = vector.load %arg11[%swap3A_406, %swap3A_407, %swap3A_408] : memref<16x320x128xbf16, #tpu.memory_space<vmem>>, vector<16x8x128xbf16>
    tpu.vector_store %arg11[%swap3A_406, %swap3A_407, %swap3A_408], %reshape3A_405 {strides = array<i32>} : memref<16x320x128xbf16, #tpu.memory_space<vmem>>, vector<16x8x128xbf16>,
    %slice3A_410 = vector.extract_strided_slice %max3A_43 {offsets = [0, 4864], sizes = [16, 256], strides = [1, 1]} : vector<16x10240xf32> to vector<16x256xf32>
    %broadcast_in_dim3A_411 = vector.shape_cast %slice3A_410 : vector<16x256xf32> to vector<16x1x256xf32>
    %broadcast_in_dim3A_412 = vector.shape_cast %broadcast_in_dim3A_411 : vector<16x1x256xf32> to vector<16x1x256xf32>
    %broadcast_in_dim3A_413 = vector.broadcast %broadcast_in_dim3A_412 : vector<16x1x256xf32> to vector<16x8x256xf32>
    %reshape3A_414 = vector.shape_cast %broadcast_in_dim3A_413 : vector<16x8x256xf32> to vector<128x256xf32>
    %mul3A_415 = arith.mulf %reshape3A_414, %convert_element_type3A_90 : vector<128x256xf32>
    %get3A_416 = arith.constant 4864 : index
    %get3A_417 = arith.constant 0 : index
    %get3A_418 = vector.load %arg1[%get3A_416, %get3A_417] : memref<10240x128xf32, #tpu.memory_space<vmem>>, vector<256x128xf32>
    %dot_general3A_419 = arith.constant dense<0.000000e+00> : vector<128x128xf32>
    %dot_general3A_420 = tpu.matmul %mul3A_415, %get3A_418, %dot_general3A_419 {dimension_numbers = #tpu.dot_dimension_numbers<[1], [0], [0], [1], [0, 0, 1, 1], [], []>, transpose_lhs_hint = false} : vector<128x256xf32>, vector<256x128xf32>, vector<128x128xf32> -> vector<128x128xf32>
    %convert_element_type3A_421 = arith.truncf %dot_general3A_420 : vector<128x128xf32> to vector<128x128xbf16>
    %reshape3A_422 = vector.shape_cast %convert_element_type3A_421 : vector<128x128xbf16> to vector<16x8x128xbf16>
    %swap3A_423 = arith.constant 0 : index
    %swap3A_424 = arith.constant 152 : index
    %swap3A_425 = arith.constant 0 : index
    %swap3A_426 = vector.load %arg11[%swap3A_423, %swap3A_424, %swap3A_425] : memref<16x320x128xbf16, #tpu.memory_space<vmem>>, vector<16x8x128xbf16>
    tpu.vector_store %arg11[%swap3A_423, %swap3A_424, %swap3A_425], %reshape3A_422 {strides = array<i32>} : memref<16x320x128xbf16, #tpu.memory_space<vmem>>, vector<16x8x128xbf16>,
    %slice3A_427 = vector.extract_strided_slice %max3A_43 {offsets = [0, 5120], sizes = [16, 256], strides = [1, 1]} : vector<16x10240xf32> to vector<16x256xf32>
    %broadcast_in_dim3A_428 = vector.shape_cast %slice3A_427 : vector<16x256xf32> to vector<16x1x256xf32>
    %broadcast_in_dim3A_429 = vector.shape_cast %broadcast_in_dim3A_428 : vector<16x1x256xf32> to vector<16x1x256xf32>
    %broadcast_in_dim3A_430 = vector.broadcast %broadcast_in_dim3A_429 : vector<16x1x256xf32> to vector<16x8x256xf32>
    %reshape3A_431 = vector.shape_cast %broadcast_in_dim3A_430 : vector<16x8x256xf32> to vector<128x256xf32>
    %mul3A_432 = arith.mulf %reshape3A_431, %convert_element_type3A_90 : vector<128x256xf32>
    %get3A_433 = arith.constant 5120 : index
    %get3A_434 = arith.constant 0 : index
    %get3A_435 = vector.load %arg1[%get3A_433, %get3A_434] : memref<10240x128xf32, #tpu.memory_space<vmem>>, vector<256x128xf32>
    %dot_general3A_436 = arith.constant dense<0.000000e+00> : vector<128x128xf32>
    %dot_general3A_437 = tpu.matmul %mul3A_432, %get3A_435, %dot_general3A_436 {dimension_numbers = #tpu.dot_dimension_numbers<[1], [0], [0], [1], [0, 0, 1, 1], [], []>, transpose_lhs_hint = false} : vector<128x256xf32>, vector<256x128xf32>, vector<128x128xf32> -> vector<128x128xf32>
    %convert_element_type3A_438 = arith.truncf %dot_general3A_437 : vector<128x128xf32> to vector<128x128xbf16>
    %reshape3A_439 = vector.shape_cast %convert_element_type3A_438 : vector<128x128xbf16> to vector<16x8x128xbf16>
    %swap3A_440 = arith.constant 0 : index
    %swap3A_441 = arith.constant 160 : index
    %swap3A_442 = arith.constant 0 : index
    %swap3A_443 = vector.load %arg11[%swap3A_440, %swap3A_441, %swap3A_442] : memref<16x320x128xbf16, #tpu.memory_space<vmem>>, vector<16x8x128xbf16>
    tpu.vector_store %arg11[%swap3A_440, %swap3A_441, %swap3A_442], %reshape3A_439 {strides = array<i32>} : memref<16x320x128xbf16, #tpu.memory_space<vmem>>, vector<16x8x128xbf16>,
    %slice3A_444 = vector.extract_strided_slice %max3A_43 {offsets = [0, 5376], sizes = [16, 256], strides = [1, 1]} : vector<16x10240xf32> to vector<16x256xf32>
    %broadcast_in_dim3A_445 = vector.shape_cast %slice3A_444 : vector<16x256xf32> to vector<16x1x256xf32>
    %broadcast_in_dim3A_446 = vector.shape_cast %broadcast_in_dim3A_445 : vector<16x1x256xf32> to vector<16x1x256xf32>
    %broadcast_in_dim3A_447 = vector.broadcast %broadcast_in_dim3A_446 : vector<16x1x256xf32> to vector<16x8x256xf32>
    %reshape3A_448 = vector.shape_cast %broadcast_in_dim3A_447 : vector<16x8x256xf32> to vector<128x256xf32>
    %mul3A_449 = arith.mulf %reshape3A_448, %convert_element_type3A_90 : vector<128x256xf32>
    %get3A_450 = arith.constant 5376 : index
    %get3A_451 = arith.constant 0 : index
    %get3A_452 = vector.load %arg1[%get3A_450, %get3A_451] : memref<10240x128xf32, #tpu.memory_space<vmem>>, vector<256x128xf32>
    %dot_general3A_453 = arith.constant dense<0.000000e+00> : vector<128x128xf32>
    %dot_general3A_454 = tpu.matmul %mul3A_449, %get3A_452, %dot_general3A_453 {dimension_numbers = #tpu.dot_dimension_numbers<[1], [0], [0], [1], [0, 0, 1, 1], [], []>, transpose_lhs_hint = false} : vector<128x256xf32>, vector<256x128xf32>, vector<128x128xf32> -> vector<128x128xf32>
    %convert_element_type3A_455 = arith.truncf %dot_general3A_454 : vector<128x128xf32> to vector<128x128xbf16>
    %reshape3A_456 = vector.shape_cast %convert_element_type3A_455 : vector<128x128xbf16> to vector<16x8x128xbf16>
    %swap3A_457 = arith.constant 0 : index
    %swap3A_458 = arith.constant 168 : index
    %swap3A_459 = arith.constant 0 : index
    %swap3A_460 = vector.load %arg11[%swap3A_457, %swap3A_458, %swap3A_459] : memref<16x320x128xbf16, #tpu.memory_space<vmem>>, vector<16x8x128xbf16>
    tpu.vector_store %arg11[%swap3A_457, %swap3A_458, %swap3A_459], %reshape3A_456 {strides = array<i32>} : memref<16x320x128xbf16, #tpu.memory_space<vmem>>, vector<16x8x128xbf16>,
    %slice3A_461 = vector.extract_strided_slice %max3A_43 {offsets = [0, 5632], sizes = [16, 256], strides = [1, 1]} : vector<16x10240xf32> to vector<16x256xf32>
    %broadcast_in_dim3A_462 = vector.shape_cast %slice3A_461 : vector<16x256xf32> to vector<16x1x256xf32>
    %broadcast_in_dim3A_463 = vector.shape_cast %broadcast_in_dim3A_462 : vector<16x1x256xf32> to vector<16x1x256xf32>
    %broadcast_in_dim3A_464 = vector.broadcast %broadcast_in_dim3A_463 : vector<16x1x256xf32> to vector<16x8x256xf32>
    %reshape3A_465 = vector.shape_cast %broadcast_in_dim3A_464 : vector<16x8x256xf32> to vector<128x256xf32>
    %mul3A_466 = arith.mulf %reshape3A_465, %convert_element_type3A_90 : vector<128x256xf32>
    %get3A_467 = arith.constant 5632 : index
    %get3A_468 = arith.constant 0 : index
    %get3A_469 = vector.load %arg1[%get3A_467, %get3A_468] : memref<10240x128xf32, #tpu.memory_space<vmem>>, vector<256x128xf32>
    %dot_general3A_470 = arith.constant dense<0.000000e+00> : vector<128x128xf32>
    %dot_general3A_471 = tpu.matmul %mul3A_466, %get3A_469, %dot_general3A_470 {dimension_numbers = #tpu.dot_dimension_numbers<[1], [0], [0], [1], [0, 0, 1, 1], [], []>, transpose_lhs_hint = false} : vector<128x256xf32>, vector<256x128xf32>, vector<128x128xf32> -> vector<128x128xf32>
    %convert_element_type3A_472 = arith.truncf %dot_general3A_471 : vector<128x128xf32> to vector<128x128xbf16>
    %reshape3A_473 = vector.shape_cast %convert_element_type3A_472 : vector<128x128xbf16> to vector<16x8x128xbf16>
    %swap3A_474 = arith.constant 0 : index
    %swap3A_475 = arith.constant 176 : index
    %swap3A_476 = arith.constant 0 : index
    %swap3A_477 = vector.load %arg11[%swap3A_474, %swap3A_475, %swap3A_476] : memref<16x320x128xbf16, #tpu.memory_space<vmem>>, vector<16x8x128xbf16>
    tpu.vector_store %arg11[%swap3A_474, %swap3A_475, %swap3A_476], %reshape3A_473 {strides = array<i32>} : memref<16x320x128xbf16, #tpu.memory_space<vmem>>, vector<16x8x128xbf16>,
    %slice3A_478 = vector.extract_strided_slice %max3A_43 {offsets = [0, 5888], sizes = [16, 256], strides = [1, 1]} : vector<16x10240xf32> to vector<16x256xf32>
    %broadcast_in_dim3A_479 = vector.shape_cast %slice3A_478 : vector<16x256xf32> to vector<16x1x256xf32>
    %broadcast_in_dim3A_480 = vector.shape_cast %broadcast_in_dim3A_479 : vector<16x1x256xf32> to vector<16x1x256xf32>
    %broadcast_in_dim3A_481 = vector.broadcast %broadcast_in_dim3A_480 : vector<16x1x256xf32> to vector<16x8x256xf32>
    %reshape3A_482 = vector.shape_cast %broadcast_in_dim3A_481 : vector<16x8x256xf32> to vector<128x256xf32>
    %mul3A_483 = arith.mulf %reshape3A_482, %convert_element_type3A_90 : vector<128x256xf32>
    %get3A_484 = arith.constant 5888 : index
    %get3A_485 = arith.constant 0 : index
    %get3A_486 = vector.load %arg1[%get3A_484, %get3A_485] : memref<10240x128xf32, #tpu.memory_space<vmem>>, vector<256x128xf32>
    %dot_general3A_487 = arith.constant dense<0.000000e+00> : vector<128x128xf32>
    %dot_general3A_488 = tpu.matmul %mul3A_483, %get3A_486, %dot_general3A_487 {dimension_numbers = #tpu.dot_dimension_numbers<[1], [0], [0], [1], [0, 0, 1, 1], [], []>, transpose_lhs_hint = false} : vector<128x256xf32>, vector<256x128xf32>, vector<128x128xf32> -> vector<128x128xf32>
    %convert_element_type3A_489 = arith.truncf %dot_general3A_488 : vector<128x128xf32> to vector<128x128xbf16>
    %reshape3A_490 = vector.shape_cast %convert_element_type3A_489 : vector<128x128xbf16> to vector<16x8x128xbf16>
    %swap3A_491 = arith.constant 0 : index
    %swap3A_492 = arith.constant 184 : index
    %swap3A_493 = arith.constant 0 : index
    %swap3A_494 = vector.load %arg11[%swap3A_491, %swap3A_492, %swap3A_493] : memref<16x320x128xbf16, #tpu.memory_space<vmem>>, vector<16x8x128xbf16>
    tpu.vector_store %arg11[%swap3A_491, %swap3A_492, %swap3A_493], %reshape3A_490 {strides = array<i32>} : memref<16x320x128xbf16, #tpu.memory_space<vmem>>, vector<16x8x128xbf16>,
    %slice3A_495 = vector.extract_strided_slice %max3A_43 {offsets = [0, 6144], sizes = [16, 256], strides = [1, 1]} : vector<16x10240xf32> to vector<16x256xf32>
    %broadcast_in_dim3A_496 = vector.shape_cast %slice3A_495 : vector<16x256xf32> to vector<16x1x256xf32>
    %broadcast_in_dim3A_497 = vector.shape_cast %broadcast_in_dim3A_496 : vector<16x1x256xf32> to vector<16x1x256xf32>
    %broadcast_in_dim3A_498 = vector.broadcast %broadcast_in_dim3A_497 : vector<16x1x256xf32> to vector<16x8x256xf32>
    %reshape3A_499 = vector.shape_cast %broadcast_in_dim3A_498 : vector<16x8x256xf32> to vector<128x256xf32>
    %mul3A_500 = arith.mulf %reshape3A_499, %convert_element_type3A_90 : vector<128x256xf32>
    %get3A_501 = arith.constant 6144 : index
    %get3A_502 = arith.constant 0 : index
    %get3A_503 = vector.load %arg1[%get3A_501, %get3A_502] : memref<10240x128xf32, #tpu.memory_space<vmem>>, vector<256x128xf32>
    %dot_general3A_504 = arith.constant dense<0.000000e+00> : vector<128x128xf32>
    %dot_general3A_505 = tpu.matmul %mul3A_500, %get3A_503, %dot_general3A_504 {dimension_numbers = #tpu.dot_dimension_numbers<[1], [0], [0], [1], [0, 0, 1, 1], [], []>, transpose_lhs_hint = false} : vector<128x256xf32>, vector<256x128xf32>, vector<128x128xf32> -> vector<128x128xf32>
    %convert_element_type3A_506 = arith.truncf %dot_general3A_505 : vector<128x128xf32> to vector<128x128xbf16>
    %reshape3A_507 = vector.shape_cast %convert_element_type3A_506 : vector<128x128xbf16> to vector<16x8x128xbf16>
    %swap3A_508 = arith.constant 0 : index
    %swap3A_509 = arith.constant 192 : index
    %swap3A_510 = arith.constant 0 : index
    %swap3A_511 = vector.load %arg11[%swap3A_508, %swap3A_509, %swap3A_510] : memref<16x320x128xbf16, #tpu.memory_space<vmem>>, vector<16x8x128xbf16>
    tpu.vector_store %arg11[%swap3A_508, %swap3A_509, %swap3A_510], %reshape3A_507 {strides = array<i32>} : memref<16x320x128xbf16, #tpu.memory_space<vmem>>, vector<16x8x128xbf16>,
    %slice3A_512 = vector.extract_strided_slice %max3A_43 {offsets = [0, 6400], sizes = [16, 256], strides = [1, 1]} : vector<16x10240xf32> to vector<16x256xf32>
    %broadcast_in_dim3A_513 = vector.shape_cast %slice3A_512 : vector<16x256xf32> to vector<16x1x256xf32>
    %broadcast_in_dim3A_514 = vector.shape_cast %broadcast_in_dim3A_513 : vector<16x1x256xf32> to vector<16x1x256xf32>
    %broadcast_in_dim3A_515 = vector.broadcast %broadcast_in_dim3A_514 : vector<16x1x256xf32> to vector<16x8x256xf32>
    %reshape3A_516 = vector.shape_cast %broadcast_in_dim3A_515 : vector<16x8x256xf32> to vector<128x256xf32>
    %mul3A_517 = arith.mulf %reshape3A_516, %convert_element_type3A_90 : vector<128x256xf32>
    %get3A_518 = arith.constant 6400 : index
    %get3A_519 = arith.constant 0 : index
    %get3A_520 = vector.load %arg1[%get3A_518, %get3A_519] : memref<10240x128xf32, #tpu.memory_space<vmem>>, vector<256x128xf32>
    %dot_general3A_521 = arith.constant dense<0.000000e+00> : vector<128x128xf32>
    %dot_general3A_522 = tpu.matmul %mul3A_517, %get3A_520, %dot_general3A_521 {dimension_numbers = #tpu.dot_dimension_numbers<[1], [0], [0], [1], [0, 0, 1, 1], [], []>, transpose_lhs_hint = false} : vector<128x256xf32>, vector<256x128xf32>, vector<128x128xf32> -> vector<128x128xf32>
    %convert_element_type3A_523 = arith.truncf %dot_general3A_522 : vector<128x128xf32> to vector<128x128xbf16>
    %reshape3A_524 = vector.shape_cast %convert_element_type3A_523 : vector<128x128xbf16> to vector<16x8x128xbf16>
    %swap3A_525 = arith.constant 0 : index
    %swap3A_526 = arith.constant 200 : index
    %swap3A_527 = arith.constant 0 : index
    %swap3A_528 = vector.load %arg11[%swap3A_525, %swap3A_526, %swap3A_527] : memref<16x320x128xbf16, #tpu.memory_space<vmem>>, vector<16x8x128xbf16>
    tpu.vector_store %arg11[%swap3A_525, %swap3A_526, %swap3A_527], %reshape3A_524 {strides = array<i32>} : memref<16x320x128xbf16, #tpu.memory_space<vmem>>, vector<16x8x128xbf16>,
    %slice3A_529 = vector.extract_strided_slice %max3A_43 {offsets = [0, 6656], sizes = [16, 256], strides = [1, 1]} : vector<16x10240xf32> to vector<16x256xf32>
    %broadcast_in_dim3A_530 = vector.shape_cast %slice3A_529 : vector<16x256xf32> to vector<16x1x256xf32>
    %broadcast_in_dim3A_531 = vector.shape_cast %broadcast_in_dim3A_530 : vector<16x1x256xf32> to vector<16x1x256xf32>
    %broadcast_in_dim3A_532 = vector.broadcast %broadcast_in_dim3A_531 : vector<16x1x256xf32> to vector<16x8x256xf32>
    %reshape3A_533 = vector.shape_cast %broadcast_in_dim3A_532 : vector<16x8x256xf32> to vector<128x256xf32>
    %mul3A_534 = arith.mulf %reshape3A_533, %convert_element_type3A_90 : vector<128x256xf32>
    %get3A_535 = arith.constant 6656 : index
    %get3A_536 = arith.constant 0 : index
    %get3A_537 = vector.load %arg1[%get3A_535, %get3A_536] : memref<10240x128xf32, #tpu.memory_space<vmem>>, vector<256x128xf32>
    %dot_general3A_538 = arith.constant dense<0.000000e+00> : vector<128x128xf32>
    %dot_general3A_539 = tpu.matmul %mul3A_534, %get3A_537, %dot_general3A_538 {dimension_numbers = #tpu.dot_dimension_numbers<[1], [0], [0], [1], [0, 0, 1, 1], [], []>, transpose_lhs_hint = false} : vector<128x256xf32>, vector<256x128xf32>, vector<128x128xf32> -> vector<128x128xf32>
    %convert_element_type3A_540 = arith.truncf %dot_general3A_539 : vector<128x128xf32> to vector<128x128xbf16>
    %reshape3A_541 = vector.shape_cast %convert_element_type3A_540 : vector<128x128xbf16> to vector<16x8x128xbf16>
    %swap3A_542 = arith.constant 0 : index
    %swap3A_543 = arith.constant 208 : index
    %swap3A_544 = arith.constant 0 : index
    %swap3A_545 = vector.load %arg11[%swap3A_542, %swap3A_543, %swap3A_544] : memref<16x320x128xbf16, #tpu.memory_space<vmem>>, vector<16x8x128xbf16>
    tpu.vector_store %arg11[%swap3A_542, %swap3A_543, %swap3A_544], %reshape3A_541 {strides = array<i32>} : memref<16x320x128xbf16, #tpu.memory_space<vmem>>, vector<16x8x128xbf16>,
    %slice3A_546 = vector.extract_strided_slice %max3A_43 {offsets = [0, 6912], sizes = [16, 256], strides = [1, 1]} : vector<16x10240xf32> to vector<16x256xf32>
    %broadcast_in_dim3A_547 = vector.shape_cast %slice3A_546 : vector<16x256xf32> to vector<16x1x256xf32>
    %broadcast_in_dim3A_548 = vector.shape_cast %broadcast_in_dim3A_547 : vector<16x1x256xf32> to vector<16x1x256xf32>
    %broadcast_in_dim3A_549 = vector.broadcast %broadcast_in_dim3A_548 : vector<16x1x256xf32> to vector<16x8x256xf32>
    %reshape3A_550 = vector.shape_cast %broadcast_in_dim3A_549 : vector<16x8x256xf32> to vector<128x256xf32>
    %mul3A_551 = arith.mulf %reshape3A_550, %convert_element_type3A_90 : vector<128x256xf32>
    %get3A_552 = arith.constant 6912 : index
    %get3A_553 = arith.constant 0 : index
    %get3A_554 = vector.load %arg1[%get3A_552, %get3A_553] : memref<10240x128xf32, #tpu.memory_space<vmem>>, vector<256x128xf32>
    %dot_general3A_555 = arith.constant dense<0.000000e+00> : vector<128x128xf32>
    %dot_general3A_556 = tpu.matmul %mul3A_551, %get3A_554, %dot_general3A_555 {dimension_numbers = #tpu.dot_dimension_numbers<[1], [0], [0], [1], [0, 0, 1, 1], [], []>, transpose_lhs_hint = false} : vector<128x256xf32>, vector<256x128xf32>, vector<128x128xf32> -> vector<128x128xf32>
    %convert_element_type3A_557 = arith.truncf %dot_general3A_556 : vector<128x128xf32> to vector<128x128xbf16>
    %reshape3A_558 = vector.shape_cast %convert_element_type3A_557 : vector<128x128xbf16> to vector<16x8x128xbf16>
    %swap3A_559 = arith.constant 0 : index
    %swap3A_560 = arith.constant 216 : index
    %swap3A_561 = arith.constant 0 : index
    %swap3A_562 = vector.load %arg11[%swap3A_559, %swap3A_560, %swap3A_561] : memref<16x320x128xbf16, #tpu.memory_space<vmem>>, vector<16x8x128xbf16>
    tpu.vector_store %arg11[%swap3A_559, %swap3A_560, %swap3A_561], %reshape3A_558 {strides = array<i32>} : memref<16x320x128xbf16, #tpu.memory_space<vmem>>, vector<16x8x128xbf16>,
    %slice3A_563 = vector.extract_strided_slice %max3A_43 {offsets = [0, 7168], sizes = [16, 256], strides = [1, 1]} : vector<16x10240xf32> to vector<16x256xf32>
    %broadcast_in_dim3A_564 = vector.shape_cast %slice3A_563 : vector<16x256xf32> to vector<16x1x256xf32>
    %broadcast_in_dim3A_565 = vector.shape_cast %broadcast_in_dim3A_564 : vector<16x1x256xf32> to vector<16x1x256xf32>
    %broadcast_in_dim3A_566 = vector.broadcast %broadcast_in_dim3A_565 : vector<16x1x256xf32> to vector<16x8x256xf32>
    %reshape3A_567 = vector.shape_cast %broadcast_in_dim3A_566 : vector<16x8x256xf32> to vector<128x256xf32>
    %mul3A_568 = arith.mulf %reshape3A_567, %convert_element_type3A_90 : vector<128x256xf32>
    %get3A_569 = arith.constant 7168 : index
    %get3A_570 = arith.constant 0 : index
    %get3A_571 = vector.load %arg1[%get3A_569, %get3A_570] : memref<10240x128xf32, #tpu.memory_space<vmem>>, vector<256x128xf32>
    %dot_general3A_572 = arith.constant dense<0.000000e+00> : vector<128x128xf32>
    %dot_general3A_573 = tpu.matmul %mul3A_568, %get3A_571, %dot_general3A_572 {dimension_numbers = #tpu.dot_dimension_numbers<[1], [0], [0], [1], [0, 0, 1, 1], [], []>, transpose_lhs_hint = false} : vector<128x256xf32>, vector<256x128xf32>, vector<128x128xf32> -> vector<128x128xf32>
    %convert_element_type3A_574 = arith.truncf %dot_general3A_573 : vector<128x128xf32> to vector<128x128xbf16>
    %reshape3A_575 = vector.shape_cast %convert_element_type3A_574 : vector<128x128xbf16> to vector<16x8x128xbf16>
    %swap3A_576 = arith.constant 0 : index
    %swap3A_577 = arith.constant 224 : index
    %swap3A_578 = arith.constant 0 : index
    %swap3A_579 = vector.load %arg11[%swap3A_576, %swap3A_577, %swap3A_578] : memref<16x320x128xbf16, #tpu.memory_space<vmem>>, vector<16x8x128xbf16>
    tpu.vector_store %arg11[%swap3A_576, %swap3A_577, %swap3A_578], %reshape3A_575 {strides = array<i32>} : memref<16x320x128xbf16, #tpu.memory_space<vmem>>, vector<16x8x128xbf16>,
    %slice3A_580 = vector.extract_strided_slice %max3A_43 {offsets = [0, 7424], sizes = [16, 256], strides = [1, 1]} : vector<16x10240xf32> to vector<16x256xf32>
    %broadcast_in_dim3A_581 = vector.shape_cast %slice3A_580 : vector<16x256xf32> to vector<16x1x256xf32>
    %broadcast_in_dim3A_582 = vector.shape_cast %broadcast_in_dim3A_581 : vector<16x1x256xf32> to vector<16x1x256xf32>
    %broadcast_in_dim3A_583 = vector.broadcast %broadcast_in_dim3A_582 : vector<16x1x256xf32> to vector<16x8x256xf32>
    %reshape3A_584 = vector.shape_cast %broadcast_in_dim3A_583 : vector<16x8x256xf32> to vector<128x256xf32>
    %mul3A_585 = arith.mulf %reshape3A_584, %convert_element_type3A_90 : vector<128x256xf32>
    %get3A_586 = arith.constant 7424 : index
    %get3A_587 = arith.constant 0 : index
    %get3A_588 = vector.load %arg1[%get3A_586, %get3A_587] : memref<10240x128xf32, #tpu.memory_space<vmem>>, vector<256x128xf32>
    %dot_general3A_589 = arith.constant dense<0.000000e+00> : vector<128x128xf32>
    %dot_general3A_590 = tpu.matmul %mul3A_585, %get3A_588, %dot_general3A_589 {dimension_numbers = #tpu.dot_dimension_numbers<[1], [0], [0], [1], [0, 0, 1, 1], [], []>, transpose_lhs_hint = false} : vector<128x256xf32>, vector<256x128xf32>, vector<128x128xf32> -> vector<128x128xf32>
    %convert_element_type3A_591 = arith.truncf %dot_general3A_590 : vector<128x128xf32> to vector<128x128xbf16>
    %reshape3A_592 = vector.shape_cast %convert_element_type3A_591 : vector<128x128xbf16> to vector<16x8x128xbf16>
    %swap3A_593 = arith.constant 0 : index
    %swap3A_594 = arith.constant 232 : index
    %swap3A_595 = arith.constant 0 : index
    %swap3A_596 = vector.load %arg11[%swap3A_593, %swap3A_594, %swap3A_595] : memref<16x320x128xbf16, #tpu.memory_space<vmem>>, vector<16x8x128xbf16>
    tpu.vector_store %arg11[%swap3A_593, %swap3A_594, %swap3A_595], %reshape3A_592 {strides = array<i32>} : memref<16x320x128xbf16, #tpu.memory_space<vmem>>, vector<16x8x128xbf16>,
    %slice3A_597 = vector.extract_strided_slice %max3A_43 {offsets = [0, 7680], sizes = [16, 256], strides = [1, 1]} : vector<16x10240xf32> to vector<16x256xf32>
    %broadcast_in_dim3A_598 = vector.shape_cast %slice3A_597 : vector<16x256xf32> to vector<16x1x256xf32>
    %broadcast_in_dim3A_599 = vector.shape_cast %broadcast_in_dim3A_598 : vector<16x1x256xf32> to vector<16x1x256xf32>
    %broadcast_in_dim3A_600 = vector.broadcast %broadcast_in_dim3A_599 : vector<16x1x256xf32> to vector<16x8x256xf32>
    %reshape3A_601 = vector.shape_cast %broadcast_in_dim3A_600 : vector<16x8x256xf32> to vector<128x256xf32>
    %mul3A_602 = arith.mulf %reshape3A_601, %convert_element_type3A_90 : vector<128x256xf32>
    %get3A_603 = arith.constant 7680 : index
    %get3A_604 = arith.constant 0 : index
    %get3A_605 = vector.load %arg1[%get3A_603, %get3A_604] : memref<10240x128xf32, #tpu.memory_space<vmem>>, vector<256x128xf32>
    %dot_general3A_606 = arith.constant dense<0.000000e+00> : vector<128x128xf32>
    %dot_general3A_607 = tpu.matmul %mul3A_602, %get3A_605, %dot_general3A_606 {dimension_numbers = #tpu.dot_dimension_numbers<[1], [0], [0], [1], [0, 0, 1, 1], [], []>, transpose_lhs_hint = false} : vector<128x256xf32>, vector<256x128xf32>, vector<128x128xf32> -> vector<128x128xf32>
    %convert_element_type3A_608 = arith.truncf %dot_general3A_607 : vector<128x128xf32> to vector<128x128xbf16>
    %reshape3A_609 = vector.shape_cast %convert_element_type3A_608 : vector<128x128xbf16> to vector<16x8x128xbf16>
    %swap3A_610 = arith.constant 0 : index
    %swap3A_611 = arith.constant 240 : index
    %swap3A_612 = arith.constant 0 : index
    %swap3A_613 = vector.load %arg11[%swap3A_610, %swap3A_611, %swap3A_612] : memref<16x320x128xbf16, #tpu.memory_space<vmem>>, vector<16x8x128xbf16>
    tpu.vector_store %arg11[%swap3A_610, %swap3A_611, %swap3A_612], %reshape3A_609 {strides = array<i32>} : memref<16x320x128xbf16, #tpu.memory_space<vmem>>, vector<16x8x128xbf16>,
    %slice3A_614 = vector.extract_strided_slice %max3A_43 {offsets = [0, 7936], sizes = [16, 256], strides = [1, 1]} : vector<16x10240xf32> to vector<16x256xf32>
    %broadcast_in_dim3A_615 = vector.shape_cast %slice3A_614 : vector<16x256xf32> to vector<16x1x256xf32>
    %broadcast_in_dim3A_616 = vector.shape_cast %broadcast_in_dim3A_615 : vector<16x1x256xf32> to vector<16x1x256xf32>
    %broadcast_in_dim3A_617 = vector.broadcast %broadcast_in_dim3A_616 : vector<16x1x256xf32> to vector<16x8x256xf32>
    %reshape3A_618 = vector.shape_cast %broadcast_in_dim3A_617 : vector<16x8x256xf32> to vector<128x256xf32>
    %mul3A_619 = arith.mulf %reshape3A_618, %convert_element_type3A_90 : vector<128x256xf32>
    %get3A_620 = arith.constant 7936 : index
    %get3A_621 = arith.constant 0 : index
    %get3A_622 = vector.load %arg1[%get3A_620, %get3A_621] : memref<10240x128xf32, #tpu.memory_space<vmem>>, vector<256x128xf32>
    %dot_general3A_623 = arith.constant dense<0.000000e+00> : vector<128x128xf32>
    %dot_general3A_624 = tpu.matmul %mul3A_619, %get3A_622, %dot_general3A_623 {dimension_numbers = #tpu.dot_dimension_numbers<[1], [0], [0], [1], [0, 0, 1, 1], [], []>, transpose_lhs_hint = false} : vector<128x256xf32>, vector<256x128xf32>, vector<128x128xf32> -> vector<128x128xf32>
    %convert_element_type3A_625 = arith.truncf %dot_general3A_624 : vector<128x128xf32> to vector<128x128xbf16>
    %reshape3A_626 = vector.shape_cast %convert_element_type3A_625 : vector<128x128xbf16> to vector<16x8x128xbf16>
    %swap3A_627 = arith.constant 0 : index
    %swap3A_628 = arith.constant 248 : index
    %swap3A_629 = arith.constant 0 : index
    %swap3A_630 = vector.load %arg11[%swap3A_627, %swap3A_628, %swap3A_629] : memref<16x320x128xbf16, #tpu.memory_space<vmem>>, vector<16x8x128xbf16>
    tpu.vector_store %arg11[%swap3A_627, %swap3A_628, %swap3A_629], %reshape3A_626 {strides = array<i32>} : memref<16x320x128xbf16, #tpu.memory_space<vmem>>, vector<16x8x128xbf16>,
    %slice3A_631 = vector.extract_strided_slice %max3A_43 {offsets = [0, 8192], sizes = [16, 256], strides = [1, 1]} : vector<16x10240xf32> to vector<16x256xf32>
    %broadcast_in_dim3A_632 = vector.shape_cast %slice3A_631 : vector<16x256xf32> to vector<16x1x256xf32>
    %broadcast_in_dim3A_633 = vector.shape_cast %broadcast_in_dim3A_632 : vector<16x1x256xf32> to vector<16x1x256xf32>
    %broadcast_in_dim3A_634 = vector.broadcast %broadcast_in_dim3A_633 : vector<16x1x256xf32> to vector<16x8x256xf32>
    %reshape3A_635 = vector.shape_cast %broadcast_in_dim3A_634 : vector<16x8x256xf32> to vector<128x256xf32>
    %mul3A_636 = arith.mulf %reshape3A_635, %convert_element_type3A_90 : vector<128x256xf32>
    %get3A_637 = arith.constant 8192 : index
    %get3A_638 = arith.constant 0 : index
    %get3A_639 = vector.load %arg1[%get3A_637, %get3A_638] : memref<10240x128xf32, #tpu.memory_space<vmem>>, vector<256x128xf32>
    %dot_general3A_640 = arith.constant dense<0.000000e+00> : vector<128x128xf32>
    %dot_general3A_641 = tpu.matmul %mul3A_636, %get3A_639, %dot_general3A_640 {dimension_numbers = #tpu.dot_dimension_numbers<[1], [0], [0], [1], [0, 0, 1, 1], [], []>, transpose_lhs_hint = false} : vector<128x256xf32>, vector<256x128xf32>, vector<128x128xf32> -> vector<128x128xf32>
    %convert_element_type3A_642 = arith.truncf %dot_general3A_641 : vector<128x128xf32> to vector<128x128xbf16>
    %reshape3A_643 = vector.shape_cast %convert_element_type3A_642 : vector<128x128xbf16> to vector<16x8x128xbf16>
    %swap3A_644 = arith.constant 0 : index
    %swap3A_645 = arith.constant 256 : index
    %swap3A_646 = arith.constant 0 : index
    %swap3A_647 = vector.load %arg11[%swap3A_644, %swap3A_645, %swap3A_646] : memref<16x320x128xbf16, #tpu.memory_space<vmem>>, vector<16x8x128xbf16>
    tpu.vector_store %arg11[%swap3A_644, %swap3A_645, %swap3A_646], %reshape3A_643 {strides = array<i32>} : memref<16x320x128xbf16, #tpu.memory_space<vmem>>, vector<16x8x128xbf16>,
    %slice3A_648 = vector.extract_strided_slice %max3A_43 {offsets = [0, 8448], sizes = [16, 256], strides = [1, 1]} : vector<16x10240xf32> to vector<16x256xf32>
    %broadcast_in_dim3A_649 = vector.shape_cast %slice3A_648 : vector<16x256xf32> to vector<16x1x256xf32>
    %broadcast_in_dim3A_650 = vector.shape_cast %broadcast_in_dim3A_649 : vector<16x1x256xf32> to vector<16x1x256xf32>
    %broadcast_in_dim3A_651 = vector.broadcast %broadcast_in_dim3A_650 : vector<16x1x256xf32> to vector<16x8x256xf32>
    %reshape3A_652 = vector.shape_cast %broadcast_in_dim3A_651 : vector<16x8x256xf32> to vector<128x256xf32>
    %mul3A_653 = arith.mulf %reshape3A_652, %convert_element_type3A_90 : vector<128x256xf32>
    %get3A_654 = arith.constant 8448 : index
    %get3A_655 = arith.constant 0 : index
    %get3A_656 = vector.load %arg1[%get3A_654, %get3A_655] : memref<10240x128xf32, #tpu.memory_space<vmem>>, vector<256x128xf32>
    %dot_general3A_657 = arith.constant dense<0.000000e+00> : vector<128x128xf32>
    %dot_general3A_658 = tpu.matmul %mul3A_653, %get3A_656, %dot_general3A_657 {dimension_numbers = #tpu.dot_dimension_numbers<[1], [0], [0], [1], [0, 0, 1, 1], [], []>, transpose_lhs_hint = false} : vector<128x256xf32>, vector<256x128xf32>, vector<128x128xf32> -> vector<128x128xf32>
    %convert_element_type3A_659 = arith.truncf %dot_general3A_658 : vector<128x128xf32> to vector<128x128xbf16>
    %reshape3A_660 = vector.shape_cast %convert_element_type3A_659 : vector<128x128xbf16> to vector<16x8x128xbf16>
    %swap3A_661 = arith.constant 0 : index
    %swap3A_662 = arith.constant 264 : index
    %swap3A_663 = arith.constant 0 : index
    %swap3A_664 = vector.load %arg11[%swap3A_661, %swap3A_662, %swap3A_663] : memref<16x320x128xbf16, #tpu.memory_space<vmem>>, vector<16x8x128xbf16>
    tpu.vector_store %arg11[%swap3A_661, %swap3A_662, %swap3A_663], %reshape3A_660 {strides = array<i32>} : memref<16x320x128xbf16, #tpu.memory_space<vmem>>, vector<16x8x128xbf16>,
    %slice3A_665 = vector.extract_strided_slice %max3A_43 {offsets = [0, 8704], sizes = [16, 256], strides = [1, 1]} : vector<16x10240xf32> to vector<16x256xf32>
    %broadcast_in_dim3A_666 = vector.shape_cast %slice3A_665 : vector<16x256xf32> to vector<16x1x256xf32>
    %broadcast_in_dim3A_667 = vector.shape_cast %broadcast_in_dim3A_666 : vector<16x1x256xf32> to vector<16x1x256xf32>
    %broadcast_in_dim3A_668 = vector.broadcast %broadcast_in_dim3A_667 : vector<16x1x256xf32> to vector<16x8x256xf32>
    %reshape3A_669 = vector.shape_cast %broadcast_in_dim3A_668 : vector<16x8x256xf32> to vector<128x256xf32>
    %mul3A_670 = arith.mulf %reshape3A_669, %convert_element_type3A_90 : vector<128x256xf32>
    %get3A_671 = arith.constant 8704 : index
    %get3A_672 = arith.constant 0 : index
    %get3A_673 = vector.load %arg1[%get3A_671, %get3A_672] : memref<10240x128xf32, #tpu.memory_space<vmem>>, vector<256x128xf32>
    %dot_general3A_674 = arith.constant dense<0.000000e+00> : vector<128x128xf32>
    %dot_general3A_675 = tpu.matmul %mul3A_670, %get3A_673, %dot_general3A_674 {dimension_numbers = #tpu.dot_dimension_numbers<[1], [0], [0], [1], [0, 0, 1, 1], [], []>, transpose_lhs_hint = false} : vector<128x256xf32>, vector<256x128xf32>, vector<128x128xf32> -> vector<128x128xf32>
    %convert_element_type3A_676 = arith.truncf %dot_general3A_675 : vector<128x128xf32> to vector<128x128xbf16>
    %reshape3A_677 = vector.shape_cast %convert_element_type3A_676 : vector<128x128xbf16> to vector<16x8x128xbf16>
    %swap3A_678 = arith.constant 0 : index
    %swap3A_679 = arith.constant 272 : index
    %swap3A_680 = arith.constant 0 : index
    %swap3A_681 = vector.load %arg11[%swap3A_678, %swap3A_679, %swap3A_680] : memref<16x320x128xbf16, #tpu.memory_space<vmem>>, vector<16x8x128xbf16>
    tpu.vector_store %arg11[%swap3A_678, %swap3A_679, %swap3A_680], %reshape3A_677 {strides = array<i32>} : memref<16x320x128xbf16, #tpu.memory_space<vmem>>, vector<16x8x128xbf16>,
    %slice3A_682 = vector.extract_strided_slice %max3A_43 {offsets = [0, 8960], sizes = [16, 256], strides = [1, 1]} : vector<16x10240xf32> to vector<16x256xf32>
    %broadcast_in_dim3A_683 = vector.shape_cast %slice3A_682 : vector<16x256xf32> to vector<16x1x256xf32>
    %broadcast_in_dim3A_684 = vector.shape_cast %broadcast_in_dim3A_683 : vector<16x1x256xf32> to vector<16x1x256xf32>
    %broadcast_in_dim3A_685 = vector.broadcast %broadcast_in_dim3A_684 : vector<16x1x256xf32> to vector<16x8x256xf32>
    %reshape3A_686 = vector.shape_cast %broadcast_in_dim3A_685 : vector<16x8x256xf32> to vector<128x256xf32>
    %mul3A_687 = arith.mulf %reshape3A_686, %convert_element_type3A_90 : vector<128x256xf32>
    %get3A_688 = arith.constant 8960 : index
    %get3A_689 = arith.constant 0 : index
    %get3A_690 = vector.load %arg1[%get3A_688, %get3A_689] : memref<10240x128xf32, #tpu.memory_space<vmem>>, vector<256x128xf32>
    %dot_general3A_691 = arith.constant dense<0.000000e+00> : vector<128x128xf32>
    %dot_general3A_692 = tpu.matmul %mul3A_687, %get3A_690, %dot_general3A_691 {dimension_numbers = #tpu.dot_dimension_numbers<[1], [0], [0], [1], [0, 0, 1, 1], [], []>, transpose_lhs_hint = false} : vector<128x256xf32>, vector<256x128xf32>, vector<128x128xf32> -> vector<128x128xf32>
    %convert_element_type3A_693 = arith.truncf %dot_general3A_692 : vector<128x128xf32> to vector<128x128xbf16>
    %reshape3A_694 = vector.shape_cast %convert_element_type3A_693 : vector<128x128xbf16> to vector<16x8x128xbf16>
    %swap3A_695 = arith.constant 0 : index
    %swap3A_696 = arith.constant 280 : index
    %swap3A_697 = arith.constant 0 : index
    %swap3A_698 = vector.load %arg11[%swap3A_695, %swap3A_696, %swap3A_697] : memref<16x320x128xbf16, #tpu.memory_space<vmem>>, vector<16x8x128xbf16>
    tpu.vector_store %arg11[%swap3A_695, %swap3A_696, %swap3A_697], %reshape3A_694 {strides = array<i32>} : memref<16x320x128xbf16, #tpu.memory_space<vmem>>, vector<16x8x128xbf16>,
    %slice3A_699 = vector.extract_strided_slice %max3A_43 {offsets = [0, 9216], sizes = [16, 256], strides = [1, 1]} : vector<16x10240xf32> to vector<16x256xf32>
    %broadcast_in_dim3A_700 = vector.shape_cast %slice3A_699 : vector<16x256xf32> to vector<16x1x256xf32>
    %broadcast_in_dim3A_701 = vector.shape_cast %broadcast_in_dim3A_700 : vector<16x1x256xf32> to vector<16x1x256xf32>
    %broadcast_in_dim3A_702 = vector.broadcast %broadcast_in_dim3A_701 : vector<16x1x256xf32> to vector<16x8x256xf32>
    %reshape3A_703 = vector.shape_cast %broadcast_in_dim3A_702 : vector<16x8x256xf32> to vector<128x256xf32>
    %mul3A_704 = arith.mulf %reshape3A_703, %convert_element_type3A_90 : vector<128x256xf32>
    %get3A_705 = arith.constant 9216 : index
    %get3A_706 = arith.constant 0 : index
    %get3A_707 = vector.load %arg1[%get3A_705, %get3A_706] : memref<10240x128xf32, #tpu.memory_space<vmem>>, vector<256x128xf32>
    %dot_general3A_708 = arith.constant dense<0.000000e+00> : vector<128x128xf32>
    %dot_general3A_709 = tpu.matmul %mul3A_704, %get3A_707, %dot_general3A_708 {dimension_numbers = #tpu.dot_dimension_numbers<[1], [0], [0], [1], [0, 0, 1, 1], [], []>, transpose_lhs_hint = false} : vector<128x256xf32>, vector<256x128xf32>, vector<128x128xf32> -> vector<128x128xf32>
    %convert_element_type3A_710 = arith.truncf %dot_general3A_709 : vector<128x128xf32> to vector<128x128xbf16>
    %reshape3A_711 = vector.shape_cast %convert_element_type3A_710 : vector<128x128xbf16> to vector<16x8x128xbf16>
    %swap3A_712 = arith.constant 0 : index
    %swap3A_713 = arith.constant 288 : index
    %swap3A_714 = arith.constant 0 : index
    %swap3A_715 = vector.load %arg11[%swap3A_712, %swap3A_713, %swap3A_714] : memref<16x320x128xbf16, #tpu.memory_space<vmem>>, vector<16x8x128xbf16>
    tpu.vector_store %arg11[%swap3A_712, %swap3A_713, %swap3A_714], %reshape3A_711 {strides = array<i32>} : memref<16x320x128xbf16, #tpu.memory_space<vmem>>, vector<16x8x128xbf16>,
    %slice3A_716 = vector.extract_strided_slice %max3A_43 {offsets = [0, 9472], sizes = [16, 256], strides = [1, 1]} : vector<16x10240xf32> to vector<16x256xf32>
    %broadcast_in_dim3A_717 = vector.shape_cast %slice3A_716 : vector<16x256xf32> to vector<16x1x256xf32>
    %broadcast_in_dim3A_718 = vector.shape_cast %broadcast_in_dim3A_717 : vector<16x1x256xf32> to vector<16x1x256xf32>
    %broadcast_in_dim3A_719 = vector.broadcast %broadcast_in_dim3A_718 : vector<16x1x256xf32> to vector<16x8x256xf32>
    %reshape3A_720 = vector.shape_cast %broadcast_in_dim3A_719 : vector<16x8x256xf32> to vector<128x256xf32>
    %mul3A_721 = arith.mulf %reshape3A_720, %convert_element_type3A_90 : vector<128x256xf32>
    %get3A_722 = arith.constant 9472 : index
    %get3A_723 = arith.constant 0 : index
    %get3A_724 = vector.load %arg1[%get3A_722, %get3A_723] : memref<10240x128xf32, #tpu.memory_space<vmem>>, vector<256x128xf32>
    %dot_general3A_725 = arith.constant dense<0.000000e+00> : vector<128x128xf32>
    %dot_general3A_726 = tpu.matmul %mul3A_721, %get3A_724, %dot_general3A_725 {dimension_numbers = #tpu.dot_dimension_numbers<[1], [0], [0], [1], [0, 0, 1, 1], [], []>, transpose_lhs_hint = false} : vector<128x256xf32>, vector<256x128xf32>, vector<128x128xf32> -> vector<128x128xf32>
    %convert_element_type3A_727 = arith.truncf %dot_general3A_726 : vector<128x128xf32> to vector<128x128xbf16>
    %reshape3A_728 = vector.shape_cast %convert_element_type3A_727 : vector<128x128xbf16> to vector<16x8x128xbf16>
    %swap3A_729 = arith.constant 0 : index
    %swap3A_730 = arith.constant 296 : index
    %swap3A_731 = arith.constant 0 : index
    %swap3A_732 = vector.load %arg11[%swap3A_729, %swap3A_730, %swap3A_731] : memref<16x320x128xbf16, #tpu.memory_space<vmem>>, vector<16x8x128xbf16>
    tpu.vector_store %arg11[%swap3A_729, %swap3A_730, %swap3A_731], %reshape3A_728 {strides = array<i32>} : memref<16x320x128xbf16, #tpu.memory_space<vmem>>, vector<16x8x128xbf16>,
    %slice3A_733 = vector.extract_strided_slice %max3A_43 {offsets = [0, 9728], sizes = [16, 256], strides = [1, 1]} : vector<16x10240xf32> to vector<16x256xf32>
    %broadcast_in_dim3A_734 = vector.shape_cast %slice3A_733 : vector<16x256xf32> to vector<16x1x256xf32>
    %broadcast_in_dim3A_735 = vector.shape_cast %broadcast_in_dim3A_734 : vector<16x1x256xf32> to vector<16x1x256xf32>
    %broadcast_in_dim3A_736 = vector.broadcast %broadcast_in_dim3A_735 : vector<16x1x256xf32> to vector<16x8x256xf32>
    %reshape3A_737 = vector.shape_cast %broadcast_in_dim3A_736 : vector<16x8x256xf32> to vector<128x256xf32>
    %mul3A_738 = arith.mulf %reshape3A_737, %convert_element_type3A_90 : vector<128x256xf32>
    %get3A_739 = arith.constant 9728 : index
    %get3A_740 = arith.constant 0 : index
    %get3A_741 = vector.load %arg1[%get3A_739, %get3A_740] : memref<10240x128xf32, #tpu.memory_space<vmem>>, vector<256x128xf32>
    %dot_general3A_742 = arith.constant dense<0.000000e+00> : vector<128x128xf32>
    %dot_general3A_743 = tpu.matmul %mul3A_738, %get3A_741, %dot_general3A_742 {dimension_numbers = #tpu.dot_dimension_numbers<[1], [0], [0], [1], [0, 0, 1, 1], [], []>, transpose_lhs_hint = false} : vector<128x256xf32>, vector<256x128xf32>, vector<128x128xf32> -> vector<128x128xf32>
    %convert_element_type3A_744 = arith.truncf %dot_general3A_743 : vector<128x128xf32> to vector<128x128xbf16>
    %reshape3A_745 = vector.shape_cast %convert_element_type3A_744 : vector<128x128xbf16> to vector<16x8x128xbf16>
    %swap3A_746 = arith.constant 0 : index
    %swap3A_747 = arith.constant 304 : index
    %swap3A_748 = arith.constant 0 : index
    %swap3A_749 = vector.load %arg11[%swap3A_746, %swap3A_747, %swap3A_748] : memref<16x320x128xbf16, #tpu.memory_space<vmem>>, vector<16x8x128xbf16>
    tpu.vector_store %arg11[%swap3A_746, %swap3A_747, %swap3A_748], %reshape3A_745 {strides = array<i32>} : memref<16x320x128xbf16, #tpu.memory_space<vmem>>, vector<16x8x128xbf16>,
    %slice3A_750 = vector.extract_strided_slice %max3A_43 {offsets = [0, 9984], sizes = [16, 256], strides = [1, 1]} : vector<16x10240xf32> to vector<16x256xf32>
    %broadcast_in_dim3A_751 = vector.shape_cast %slice3A_750 : vector<16x256xf32> to vector<16x1x256xf32>
    %broadcast_in_dim3A_752 = vector.shape_cast %broadcast_in_dim3A_751 : vector<16x1x256xf32> to vector<16x1x256xf32>
    %broadcast_in_dim3A_753 = vector.broadcast %broadcast_in_dim3A_752 : vector<16x1x256xf32> to vector<16x8x256xf32>
    %reshape3A_754 = vector.shape_cast %broadcast_in_dim3A_753 : vector<16x8x256xf32> to vector<128x256xf32>
    %mul3A_755 = arith.mulf %reshape3A_754, %convert_element_type3A_90 : vector<128x256xf32>
    %get3A_756 = arith.constant 9984 : index
    %get3A_757 = arith.constant 0 : index
    %get3A_758 = vector.load %arg1[%get3A_756, %get3A_757] : memref<10240x128xf32, #tpu.memory_space<vmem>>, vector<256x128xf32>
    %dot_general3A_759 = arith.constant dense<0.000000e+00> : vector<128x128xf32>
    %dot_general3A_760 = tpu.matmul %mul3A_755, %get3A_758, %dot_general3A_759 {dimension_numbers = #tpu.dot_dimension_numbers<[1], [0], [0], [1], [0, 0, 1, 1], [], []>, transpose_lhs_hint = false} : vector<128x256xf32>, vector<256x128xf32>, vector<128x128xf32> -> vector<128x128xf32>
    %convert_element_type3A_761 = arith.truncf %dot_general3A_760 : vector<128x128xf32> to vector<128x128xbf16>
    %reshape3A_762 = vector.shape_cast %convert_element_type3A_761 : vector<128x128xbf16> to vector<16x8x128xbf16>
    %swap3A_763 = arith.constant 0 : index
    %swap3A_764 = arith.constant 312 : index
    %swap3A_765 = arith.constant 0 : index
    %swap3A_766 = vector.load %arg11[%swap3A_763, %swap3A_764, %swap3A_765] : memref<16x320x128xbf16, #tpu.memory_space<vmem>>, vector<16x8x128xbf16>
    tpu.vector_store %arg11[%swap3A_763, %swap3A_764, %swap3A_765], %reshape3A_762 {strides = array<i32>} : memref<16x320x128xbf16, #tpu.memory_space<vmem>>, vector<16x8x128xbf16>,
    %broadcast_in_dim3A_767 = arith.constant 0.000000e+00 : f32
    %broadcast_in_dim3A_768 = vector.broadcast %broadcast_in_dim3A_767 : f32 to vector<320x128xf32>
    %get3A_769 = arith.constant 0 : index
    %get3A_770 = arith.constant 0 : index
    %get3A_771 = arith.constant 0 : index
    %get3A_772 = vector.load %arg11[%get3A_769, %get3A_770, %get3A_771] : memref<16x320x128xbf16, #tpu.memory_space<vmem>>, vector<1x320x128xbf16>
    %get3A_773 = vector.shape_cast %get3A_772 : vector<1x320x128xbf16> to vector<320x128xbf16>
    %get3A_774 = arith.constant 0 : index
    %get3A_775 = arith.constant 0 : index
    %get3A_776 = arith.constant 0 : index
    %get3A_777 = vector.load %arg9[%get3A_774, %get3A_775, %get3A_776] : memref<16x128x128xbf16, #tpu.memory_space<vmem>>, vector<1x128x128xbf16>
    %get3A_778 = vector.shape_cast %get3A_777 : vector<1x128x128xbf16> to vector<128x128xbf16>
    %dot_general3A_779 = arith.constant dense<0.000000e+00> : vector<320x128xf32>
    %dot_general3A_780 = tpu.matmul %get3A_773, %get3A_778, %dot_general3A_779 {dimension_numbers = #tpu.dot_dimension_numbers<[1], [0], [0], [1], [0, 0, 1, 1], [], []>, transpose_lhs_hint = false} : vector<320x128xbf16>, vector<128x128xbf16>, vector<320x128xf32> -> vector<320x128xf32>
    %add3A_781 = arith.addf %broadcast_in_dim3A_768, %dot_general3A_780 : vector<320x128xf32>
    %get3A_782 = arith.constant 1 : index
    %get3A_783 = arith.constant 0 : index
    %get3A_784 = arith.constant 0 : index
    %get3A_785 = vector.load %arg11[%get3A_782, %get3A_783, %get3A_784] : memref<16x320x128xbf16, #tpu.memory_space<vmem>>, vector<1x320x128xbf16>
    %get3A_786 = vector.shape_cast %get3A_785 : vector<1x320x128xbf16> to vector<320x128xbf16>
    %get3A_787 = arith.constant 1 : index
    %get3A_788 = arith.constant 0 : index
    %get3A_789 = arith.constant 0 : index
    %get3A_790 = vector.load %arg9[%get3A_787, %get3A_788, %get3A_789] : memref<16x128x128xbf16, #tpu.memory_space<vmem>>, vector<1x128x128xbf16>
    %get3A_791 = vector.shape_cast %get3A_790 : vector<1x128x128xbf16> to vector<128x128xbf16>
    %dot_general3A_792 = arith.constant dense<0.000000e+00> : vector<320x128xf32>
    %dot_general3A_793 = tpu.matmul %get3A_786, %get3A_791, %dot_general3A_792 {dimension_numbers = #tpu.dot_dimension_numbers<[1], [0], [0], [1], [0, 0, 1, 1], [], []>, transpose_lhs_hint = false} : vector<320x128xbf16>, vector<128x128xbf16>, vector<320x128xf32> -> vector<320x128xf32>
    %add3A_794 = arith.addf %add3A_781, %dot_general3A_793 : vector<320x128xf32>
    %get3A_795 = arith.constant 2 : index
    %get3A_796 = arith.constant 0 : index
    %get3A_797 = arith.constant 0 : index
    %get3A_798 = vector.load %arg11[%get3A_795, %get3A_796, %get3A_797] : memref<16x320x128xbf16, #tpu.memory_space<vmem>>, vector<1x320x128xbf16>
    %get3A_799 = vector.shape_cast %get3A_798 : vector<1x320x128xbf16> to vector<320x128xbf16>
    %get3A_800 = arith.constant 2 : index
    %get3A_801 = arith.constant 0 : index
    %get3A_802 = arith.constant 0 : index
    %get3A_803 = vector.load %arg9[%get3A_800, %get3A_801, %get3A_802] : memref<16x128x128xbf16, #tpu.memory_space<vmem>>, vector<1x128x128xbf16>
    %get3A_804 = vector.shape_cast %get3A_803 : vector<1x128x128xbf16> to vector<128x128xbf16>
    %dot_general3A_805 = arith.constant dense<0.000000e+00> : vector<320x128xf32>
    %dot_general3A_806 = tpu.matmul %get3A_799, %get3A_804, %dot_general3A_805 {dimension_numbers = #tpu.dot_dimension_numbers<[1], [0], [0], [1], [0, 0, 1, 1], [], []>, transpose_lhs_hint = false} : vector<320x128xbf16>, vector<128x128xbf16>, vector<320x128xf32> -> vector<320x128xf32>
    %add3A_807 = arith.addf %add3A_794, %dot_general3A_806 : vector<320x128xf32>
    %get3A_808 = arith.constant 3 : index
    %get3A_809 = arith.constant 0 : index
    %get3A_810 = arith.constant 0 : index
    %get3A_811 = vector.load %arg11[%get3A_808, %get3A_809, %get3A_810] : memref<16x320x128xbf16, #tpu.memory_space<vmem>>, vector<1x320x128xbf16>
    %get3A_812 = vector.shape_cast %get3A_811 : vector<1x320x128xbf16> to vector<320x128xbf16>
    %get3A_813 = arith.constant 3 : index
    %get3A_814 = arith.constant 0 : index
    %get3A_815 = arith.constant 0 : index
    %get3A_816 = vector.load %arg9[%get3A_813, %get3A_814, %get3A_815] : memref<16x128x128xbf16, #tpu.memory_space<vmem>>, vector<1x128x128xbf16>
    %get3A_817 = vector.shape_cast %get3A_816 : vector<1x128x128xbf16> to vector<128x128xbf16>
    %dot_general3A_818 = arith.constant dense<0.000000e+00> : vector<320x128xf32>
    %dot_general3A_819 = tpu.matmul %get3A_812, %get3A_817, %dot_general3A_818 {dimension_numbers = #tpu.dot_dimension_numbers<[1], [0], [0], [1], [0, 0, 1, 1], [], []>, transpose_lhs_hint = false} : vector<320x128xbf16>, vector<128x128xbf16>, vector<320x128xf32> -> vector<320x128xf32>
    %add3A_820 = arith.addf %add3A_807, %dot_general3A_819 : vector<320x128xf32>
    %get3A_821 = arith.constant 4 : index
    %get3A_822 = arith.constant 0 : index
    %get3A_823 = arith.constant 0 : index
    %get3A_824 = vector.load %arg11[%get3A_821, %get3A_822, %get3A_823] : memref<16x320x128xbf16, #tpu.memory_space<vmem>>, vector<1x320x128xbf16>
    %get3A_825 = vector.shape_cast %get3A_824 : vector<1x320x128xbf16> to vector<320x128xbf16>
    %get3A_826 = arith.constant 4 : index
    %get3A_827 = arith.constant 0 : index
    %get3A_828 = arith.constant 0 : index
    %get3A_829 = vector.load %arg9[%get3A_826, %get3A_827, %get3A_828] : memref<16x128x128xbf16, #tpu.memory_space<vmem>>, vector<1x128x128xbf16>
    %get3A_830 = vector.shape_cast %get3A_829 : vector<1x128x128xbf16> to vector<128x128xbf16>
    %dot_general3A_831 = arith.constant dense<0.000000e+00> : vector<320x128xf32>
    %dot_general3A_832 = tpu.matmul %get3A_825, %get3A_830, %dot_general3A_831 {dimension_numbers = #tpu.dot_dimension_numbers<[1], [0], [0], [1], [0, 0, 1, 1], [], []>, transpose_lhs_hint = false} : vector<320x128xbf16>, vector<128x128xbf16>, vector<320x128xf32> -> vector<320x128xf32>
    %add3A_833 = arith.addf %add3A_820, %dot_general3A_832 : vector<320x128xf32>
    %get3A_834 = arith.constant 5 : index
    %get3A_835 = arith.constant 0 : index
    %get3A_836 = arith.constant 0 : index
    %get3A_837 = vector.load %arg11[%get3A_834, %get3A_835, %get3A_836] : memref<16x320x128xbf16, #tpu.memory_space<vmem>>, vector<1x320x128xbf16>
    %get3A_838 = vector.shape_cast %get3A_837 : vector<1x320x128xbf16> to vector<320x128xbf16>
    %get3A_839 = arith.constant 5 : index
    %get3A_840 = arith.constant 0 : index
    %get3A_841 = arith.constant 0 : index
    %get3A_842 = vector.load %arg9[%get3A_839, %get3A_840, %get3A_841] : memref<16x128x128xbf16, #tpu.memory_space<vmem>>, vector<1x128x128xbf16>
    %get3A_843 = vector.shape_cast %get3A_842 : vector<1x128x128xbf16> to vector<128x128xbf16>
    %dot_general3A_844 = arith.constant dense<0.000000e+00> : vector<320x128xf32>
    %dot_general3A_845 = tpu.matmul %get3A_838, %get3A_843, %dot_general3A_844 {dimension_numbers = #tpu.dot_dimension_numbers<[1], [0], [0], [1], [0, 0, 1, 1], [], []>, transpose_lhs_hint = false} : vector<320x128xbf16>, vector<128x128xbf16>, vector<320x128xf32> -> vector<320x128xf32>
    %add3A_846 = arith.addf %add3A_833, %dot_general3A_845 : vector<320x128xf32>
    %get3A_847 = arith.constant 6 : index
    %get3A_848 = arith.constant 0 : index
    %get3A_849 = arith.constant 0 : index
    %get3A_850 = vector.load %arg11[%get3A_847, %get3A_848, %get3A_849] : memref<16x320x128xbf16, #tpu.memory_space<vmem>>, vector<1x320x128xbf16>
    %get3A_851 = vector.shape_cast %get3A_850 : vector<1x320x128xbf16> to vector<320x128xbf16>
    %get3A_852 = arith.constant 6 : index
    %get3A_853 = arith.constant 0 : index
    %get3A_854 = arith.constant 0 : index
    %get3A_855 = vector.load %arg9[%get3A_852, %get3A_853, %get3A_854] : memref<16x128x128xbf16, #tpu.memory_space<vmem>>, vector<1x128x128xbf16>
    %get3A_856 = vector.shape_cast %get3A_855 : vector<1x128x128xbf16> to vector<128x128xbf16>
    %dot_general3A_857 = arith.constant dense<0.000000e+00> : vector<320x128xf32>
    %dot_general3A_858 = tpu.matmul %get3A_851, %get3A_856, %dot_general3A_857 {dimension_numbers = #tpu.dot_dimension_numbers<[1], [0], [0], [1], [0, 0, 1, 1], [], []>, transpose_lhs_hint = false} : vector<320x128xbf16>, vector<128x128xbf16>, vector<320x128xf32> -> vector<320x128xf32>
    %add3A_859 = arith.addf %add3A_846, %dot_general3A_858 : vector<320x128xf32>
    %get3A_860 = arith.constant 7 : index
    %get3A_861 = arith.constant 0 : index
    %get3A_862 = arith.constant 0 : index
    %get3A_863 = vector.load %arg11[%get3A_860, %get3A_861, %get3A_862] : memref<16x320x128xbf16, #tpu.memory_space<vmem>>, vector<1x320x128xbf16>
    %get3A_864 = vector.shape_cast %get3A_863 : vector<1x320x128xbf16> to vector<320x128xbf16>
    %get3A_865 = arith.constant 7 : index
    %get3A_866 = arith.constant 0 : index
    %get3A_867 = arith.constant 0 : index
    %get3A_868 = vector.load %arg9[%get3A_865, %get3A_866, %get3A_867] : memref<16x128x128xbf16, #tpu.memory_space<vmem>>, vector<1x128x128xbf16>
    %get3A_869 = vector.shape_cast %get3A_868 : vector<1x128x128xbf16> to vector<128x128xbf16>
    %dot_general3A_870 = arith.constant dense<0.000000e+00> : vector<320x128xf32>
    %dot_general3A_871 = tpu.matmul %get3A_864, %get3A_869, %dot_general3A_870 {dimension_numbers = #tpu.dot_dimension_numbers<[1], [0], [0], [1], [0, 0, 1, 1], [], []>, transpose_lhs_hint = false} : vector<320x128xbf16>, vector<128x128xbf16>, vector<320x128xf32> -> vector<320x128xf32>
    %add3A_872 = arith.addf %add3A_859, %dot_general3A_871 : vector<320x128xf32>
    %get3A_873 = arith.constant 8 : index
    %get3A_874 = arith.constant 0 : index
    %get3A_875 = arith.constant 0 : index
    %get3A_876 = vector.load %arg11[%get3A_873, %get3A_874, %get3A_875] : memref<16x320x128xbf16, #tpu.memory_space<vmem>>, vector<1x320x128xbf16>
    %get3A_877 = vector.shape_cast %get3A_876 : vector<1x320x128xbf16> to vector<320x128xbf16>
    %get3A_878 = arith.constant 8 : index
    %get3A_879 = arith.constant 0 : index
    %get3A_880 = arith.constant 0 : index
    %get3A_881 = vector.load %arg9[%get3A_878, %get3A_879, %get3A_880] : memref<16x128x128xbf16, #tpu.memory_space<vmem>>, vector<1x128x128xbf16>
    %get3A_882 = vector.shape_cast %get3A_881 : vector<1x128x128xbf16> to vector<128x128xbf16>
    %dot_general3A_883 = arith.constant dense<0.000000e+00> : vector<320x128xf32>
    %dot_general3A_884 = tpu.matmul %get3A_877, %get3A_882, %dot_general3A_883 {dimension_numbers = #tpu.dot_dimension_numbers<[1], [0], [0], [1], [0, 0, 1, 1], [], []>, transpose_lhs_hint = false} : vector<320x128xbf16>, vector<128x128xbf16>, vector<320x128xf32> -> vector<320x128xf32>
    %add3A_885 = arith.addf %add3A_872, %dot_general3A_884 : vector<320x128xf32>
    %get3A_886 = arith.constant 9 : index
    %get3A_887 = arith.constant 0 : index
    %get3A_888 = arith.constant 0 : index
    %get3A_889 = vector.load %arg11[%get3A_886, %get3A_887, %get3A_888] : memref<16x320x128xbf16, #tpu.memory_space<vmem>>, vector<1x320x128xbf16>
    %get3A_890 = vector.shape_cast %get3A_889 : vector<1x320x128xbf16> to vector<320x128xbf16>
    %get3A_891 = arith.constant 9 : index
    %get3A_892 = arith.constant 0 : index
    %get3A_893 = arith.constant 0 : index
    %get3A_894 = vector.load %arg9[%get3A_891, %get3A_892, %get3A_893] : memref<16x128x128xbf16, #tpu.memory_space<vmem>>, vector<1x128x128xbf16>
    %get3A_895 = vector.shape_cast %get3A_894 : vector<1x128x128xbf16> to vector<128x128xbf16>
    %dot_general3A_896 = arith.constant dense<0.000000e+00> : vector<320x128xf32>
    %dot_general3A_897 = tpu.matmul %get3A_890, %get3A_895, %dot_general3A_896 {dimension_numbers = #tpu.dot_dimension_numbers<[1], [0], [0], [1], [0, 0, 1, 1], [], []>, transpose_lhs_hint = false} : vector<320x128xbf16>, vector<128x128xbf16>, vector<320x128xf32> -> vector<320x128xf32>
    %add3A_898 = arith.addf %add3A_885, %dot_general3A_897 : vector<320x128xf32>
    %get3A_899 = arith.constant 10 : index
    %get3A_900 = arith.constant 0 : index
    %get3A_901 = arith.constant 0 : index
    %get3A_902 = vector.load %arg11[%get3A_899, %get3A_900, %get3A_901] : memref<16x320x128xbf16, #tpu.memory_space<vmem>>, vector<1x320x128xbf16>
    %get3A_903 = vector.shape_cast %get3A_902 : vector<1x320x128xbf16> to vector<320x128xbf16>
    %get3A_904 = arith.constant 10 : index
    %get3A_905 = arith.constant 0 : index
    %get3A_906 = arith.constant 0 : index
    %get3A_907 = vector.load %arg9[%get3A_904, %get3A_905, %get3A_906] : memref<16x128x128xbf16, #tpu.memory_space<vmem>>, vector<1x128x128xbf16>
    %get3A_908 = vector.shape_cast %get3A_907 : vector<1x128x128xbf16> to vector<128x128xbf16>
    %dot_general3A_909 = arith.constant dense<0.000000e+00> : vector<320x128xf32>
    %dot_general3A_910 = tpu.matmul %get3A_903, %get3A_908, %dot_general3A_909 {dimension_numbers = #tpu.dot_dimension_numbers<[1], [0], [0], [1], [0, 0, 1, 1], [], []>, transpose_lhs_hint = false} : vector<320x128xbf16>, vector<128x128xbf16>, vector<320x128xf32> -> vector<320x128xf32>
    %add3A_911 = arith.addf %add3A_898, %dot_general3A_910 : vector<320x128xf32>
    %get3A_912 = arith.constant 11 : index
    %get3A_913 = arith.constant 0 : index
    %get3A_914 = arith.constant 0 : index
    %get3A_915 = vector.load %arg11[%get3A_912, %get3A_913, %get3A_914] : memref<16x320x128xbf16, #tpu.memory_space<vmem>>, vector<1x320x128xbf16>
    %get3A_916 = vector.shape_cast %get3A_915 : vector<1x320x128xbf16> to vector<320x128xbf16>
    %get3A_917 = arith.constant 11 : index
    %get3A_918 = arith.constant 0 : index
    %get3A_919 = arith.constant 0 : index
    %get3A_920 = vector.load %arg9[%get3A_917, %get3A_918, %get3A_919] : memref<16x128x128xbf16, #tpu.memory_space<vmem>>, vector<1x128x128xbf16>
    %get3A_921 = vector.shape_cast %get3A_920 : vector<1x128x128xbf16> to vector<128x128xbf16>
    %dot_general3A_922 = arith.constant dense<0.000000e+00> : vector<320x128xf32>
    %dot_general3A_923 = tpu.matmul %get3A_916, %get3A_921, %dot_general3A_922 {dimension_numbers = #tpu.dot_dimension_numbers<[1], [0], [0], [1], [0, 0, 1, 1], [], []>, transpose_lhs_hint = false} : vector<320x128xbf16>, vector<128x128xbf16>, vector<320x128xf32> -> vector<320x128xf32>
    %add3A_924 = arith.addf %add3A_911, %dot_general3A_923 : vector<320x128xf32>
    %get3A_925 = arith.constant 12 : index
    %get3A_926 = arith.constant 0 : index
    %get3A_927 = arith.constant 0 : index
    %get3A_928 = vector.load %arg11[%get3A_925, %get3A_926, %get3A_927] : memref<16x320x128xbf16, #tpu.memory_space<vmem>>, vector<1x320x128xbf16>
    %get3A_929 = vector.shape_cast %get3A_928 : vector<1x320x128xbf16> to vector<320x128xbf16>
    %get3A_930 = arith.constant 12 : index
    %get3A_931 = arith.constant 0 : index
    %get3A_932 = arith.constant 0 : index
    %get3A_933 = vector.load %arg9[%get3A_930, %get3A_931, %get3A_932] : memref<16x128x128xbf16, #tpu.memory_space<vmem>>, vector<1x128x128xbf16>
    %get3A_934 = vector.shape_cast %get3A_933 : vector<1x128x128xbf16> to vector<128x128xbf16>
    %dot_general3A_935 = arith.constant dense<0.000000e+00> : vector<320x128xf32>
    %dot_general3A_936 = tpu.matmul %get3A_929, %get3A_934, %dot_general3A_935 {dimension_numbers = #tpu.dot_dimension_numbers<[1], [0], [0], [1], [0, 0, 1, 1], [], []>, transpose_lhs_hint = false} : vector<320x128xbf16>, vector<128x128xbf16>, vector<320x128xf32> -> vector<320x128xf32>
    %add3A_937 = arith.addf %add3A_924, %dot_general3A_936 : vector<320x128xf32>
    %get3A_938 = arith.constant 13 : index
    %get3A_939 = arith.constant 0 : index
    %get3A_940 = arith.constant 0 : index
    %get3A_941 = vector.load %arg11[%get3A_938, %get3A_939, %get3A_940] : memref<16x320x128xbf16, #tpu.memory_space<vmem>>, vector<1x320x128xbf16>
    %get3A_942 = vector.shape_cast %get3A_941 : vector<1x320x128xbf16> to vector<320x128xbf16>
    %get3A_943 = arith.constant 13 : index
    %get3A_944 = arith.constant 0 : index
    %get3A_945 = arith.constant 0 : index
    %get3A_946 = vector.load %arg9[%get3A_943, %get3A_944, %get3A_945] : memref<16x128x128xbf16, #tpu.memory_space<vmem>>, vector<1x128x128xbf16>
    %get3A_947 = vector.shape_cast %get3A_946 : vector<1x128x128xbf16> to vector<128x128xbf16>
    %dot_general3A_948 = arith.constant dense<0.000000e+00> : vector<320x128xf32>
    %dot_general3A_949 = tpu.matmul %get3A_942, %get3A_947, %dot_general3A_948 {dimension_numbers = #tpu.dot_dimension_numbers<[1], [0], [0], [1], [0, 0, 1, 1], [], []>, transpose_lhs_hint = false} : vector<320x128xbf16>, vector<128x128xbf16>, vector<320x128xf32> -> vector<320x128xf32>
    %add3A_950 = arith.addf %add3A_937, %dot_general3A_949 : vector<320x128xf32>
    %get3A_951 = arith.constant 14 : index
    %get3A_952 = arith.constant 0 : index
    %get3A_953 = arith.constant 0 : index
    %get3A_954 = vector.load %arg11[%get3A_951, %get3A_952, %get3A_953] : memref<16x320x128xbf16, #tpu.memory_space<vmem>>, vector<1x320x128xbf16>
    %get3A_955 = vector.shape_cast %get3A_954 : vector<1x320x128xbf16> to vector<320x128xbf16>
    %get3A_956 = arith.constant 14 : index
    %get3A_957 = arith.constant 0 : index
    %get3A_958 = arith.constant 0 : index
    %get3A_959 = vector.load %arg9[%get3A_956, %get3A_957, %get3A_958] : memref<16x128x128xbf16, #tpu.memory_space<vmem>>, vector<1x128x128xbf16>
    %get3A_960 = vector.shape_cast %get3A_959 : vector<1x128x128xbf16> to vector<128x128xbf16>
    %dot_general3A_961 = arith.constant dense<0.000000e+00> : vector<320x128xf32>
    %dot_general3A_962 = tpu.matmul %get3A_955, %get3A_960, %dot_general3A_961 {dimension_numbers = #tpu.dot_dimension_numbers<[1], [0], [0], [1], [0, 0, 1, 1], [], []>, transpose_lhs_hint = false} : vector<320x128xbf16>, vector<128x128xbf16>, vector<320x128xf32> -> vector<320x128xf32>
    %add3A_963 = arith.addf %add3A_950, %dot_general3A_962 : vector<320x128xf32>
    %get3A_964 = arith.constant 15 : index
    %get3A_965 = arith.constant 0 : index
    %get3A_966 = arith.constant 0 : index
    %get3A_967 = vector.load %arg11[%get3A_964, %get3A_965, %get3A_966] : memref<16x320x128xbf16, #tpu.memory_space<vmem>>, vector<1x320x128xbf16>
    %get3A_968 = vector.shape_cast %get3A_967 : vector<1x320x128xbf16> to vector<320x128xbf16>
    %get3A_969 = arith.constant 15 : index
    %get3A_970 = arith.constant 0 : index
    %get3A_971 = arith.constant 0 : index
    %get3A_972 = vector.load %arg9[%get3A_969, %get3A_970, %get3A_971] : memref<16x128x128xbf16, #tpu.memory_space<vmem>>, vector<1x128x128xbf16>
    %get3A_973 = vector.shape_cast %get3A_972 : vector<1x128x128xbf16> to vector<128x128xbf16>
    %dot_general3A_974 = arith.constant dense<0.000000e+00> : vector<320x128xf32>
    %dot_general3A_975 = tpu.matmul %get3A_968, %get3A_973, %dot_general3A_974 {dimension_numbers = #tpu.dot_dimension_numbers<[1], [0], [0], [1], [0, 0, 1, 1], [], []>, transpose_lhs_hint = false} : vector<320x128xbf16>, vector<128x128xbf16>, vector<320x128xf32> -> vector<320x128xf32>
    %add3A_976 = arith.addf %add3A_963, %dot_general3A_975 : vector<320x128xf32>
    %swap3A_977 = arith.constant 0 : index
    %swap3A_978 = arith.constant 0 : index
    %swap3A_979 = vector.load %arg10[%swap3A_977, %swap3A_978] : memref<320x128xf32, #tpu.memory_space<vmem>>, vector<320x128xf32>
    tpu.vector_store %arg10[%swap3A_977, %swap3A_978], %add3A_976 {strides = array<i32>} : memref<320x128xf32, #tpu.memory_space<vmem>>, vector<320x128xf32>,
    return
  }
  func.func @transform_0(%arg0: i32) -> (i32, i32) {
    %c0_i32 = arith.constant 0 : i32
    %c0_i32_0 = arith.constant 0 : i32
    return %arg0, %c0_i32 : i32, i32
  }
  func.func @transform_1(%arg0: i32) -> i32 {
    %c0_i32 = arith.constant 0 : i32
    return %arg0 : i32
  }
  func.func @transform_2(%arg0: i32) -> i32 {
    %c0_i32 = arith.constant 0 : i32
    return %arg0 : i32
  }
  func.func @transform_3(%arg0: i32) -> i32 {
    %c0_i32 = arith.constant 0 : i32
    return %arg0 : i32
  }
  func.func @transform_4(%arg0: i32) -> i32 {
    %c0_i32 = arith.constant 0 : i32
    return %arg0 : i32
  }
  func.func @transform_5(%arg0: i32) -> i32 {
    %c0_i32 = arith.constant 0 : i32
    return %arg0 : i32
  }
  func.func @transform_6(%arg0: i32) -> i32 {
    %c0_i32 = arith.constant 0 : i32
    return %arg0 : i32
  }
  func.func @transform_7(%arg0: i32) -> (i32, i32) {
    %c0_i32 = arith.constant 0 : i32
    %c0_i32_0 = arith.constant 0 : i32
    %c0_i32_1 = arith.constant 0 : i32
    return %c0_i32, %c0_i32_0 : i32, i32
  }
  func.func @transform_8(%arg0: i32) -> (i32, i32, i32) {
    %c0_i32 = arith.constant 0 : i32
    %c0_i32_0 = arith.constant 0 : i32
    %c0_i32_1 = arith.constant 0 : i32
    %c0_i32_2 = arith.constant 0 : i32
    return %c0_i32, %c0_i32_0, %c0_i32_1 : i32, i32, i32
  }
  func.func @transform_9(%arg0: i32) -> (i32, i32) {
    %c0_i32 = arith.constant 0 : i32
    %c0_i32_0 = arith.constant 0 : i32
    return %arg0, %c0_i32 : i32, i32
  }
}

</mosaic_0001>

<sc_bundles>
// kernel: kernel.6.cloned.1.call-start
scs
__scs_entry_jumppad:
0x0: {  	(pc) =	sbr.rel $0x88, $3  }
0x1: {  	(tag) =	ssettag $0x0;
	lr =	simm.s32 $0x1  }
0x2: {  	[smem:$0x3F9B] =	sst lr;
	_ =	strace $0xD0000000  }
0x3: {  	_ = 	snop  }
0x4: {  	_ = 	snop  }
0x5: {  	_ = 	snop  }
0x6: {  	_ = 	snop  }
0x7: {  	_ = 	snop  }
__scs_overlays_trampoline_lowered:
0x8: {  	[smem:$0x3FAA] =	sst s0  }
0x9: {  	[smem:$0x3FAB] =	sst s1  }
0xa: {  	[smem:$0x3FAC] =	sst s2  }
0xb: {  	[smem:$0x3FAD] =	sst s3  }
0xc: {  	[smem:$0x3FAE] =	sst s4  }
0xd: {  	[smem:$0x3FAF] =	sst s5  }
0xe: {  	[smem:$0x3FB0] =	sst s6  }
0xf: {  	[smem:$0x3FB1] =	sst s7  }
0x10: {  	[smem:$0x3FB2] =	sst s8  }
0x11: {  	[smem:$0x3FB3] =	sst s9;
	s0 =	simm.s32 @!p0 $0x0  }
0x12: {  	s1 =	sld [smem:$0x3F99];
	s0 =	simm.s32 @p0 $0x1  }
0x13: {  	[smem:$0x3FB4] =	sst s0;
	s0 =	simm.s32 @!p1 $0x0  }
0x14: {  	s2 =	sld [smem:$0x3F98];
	s0 =	simm.s32 @p1 $0x1  }
0x15: {  	[smem:$0x3FB5] =	sst s0;
	s0 =	simm.s32 @!p2 $0x0  }
0x16: {  	s3 =	sld [smem:$0x3FDB];
	s0 =	simm.s32 @p2 $0x1  }
0x17: {  	s4 =	simm.s32 $0x1BF5;
	[smem:$0x3FB7] =	sst s0  }
0x18: {  	s0 =	sld [smem:$0x3F9A];
	_ =	swait.ge [sflag:s4], $0x0  }
0x19: {  	s7 =	sld [smem:$0x3F9B]  }
0x1a: {  	s8 =	sadd.s32 $0xFFFFE003, lr  }
0x1b: {  	s9 =	sadd.s32 $0xFFFFFEF7, lr;
	s5 =	simm.s32 $0xFFFFFFFF;
	p2 =	slt.u32 s8, $0xFFFFF086  }
0x1c: {  	p1 =	slt.u32 s9, $0xF7A;
	s5 =	simm.s32 @!p2 $0x0  }
0x1d: {  	s5 =	simm.s32 @p1 $0x1;
	p0 =	seq.s32 s7, s2  }
0x1e: {  	s7 =	smul.u32 @!p0 $0xF7A, s2;
	p2 =	seq.s32 @!p0 s5, $0x0  }
0x1f: {  	s9 =	smul.u32 $0xF7A, s1;
	s8 =	simm.s32 @!p0 $0x1BF5;
	p2 =	por !p2, p0  }
0x20: {  	[sflag:s8] =	ssyncset.s32 @!p0 $0xFFFFF086;
	s6 =	sadd.s32 @!p0 s3, s7;
	s7 =	simm.s32 @!p0 $0x108  }
0x21: {  	s3 =	sadd.s32 s3, s9;
	s6 =	sadd.s32 @!p0 $0x88, s6;
	s7 =	simm.s32 @p2 $0x1082  }
0x22: {  	[simem:s7], [sflag:s8] =	dma.local @!p0 [hbm:s6], $0xF7A  }
0x23: {  	s9 =	sor.u32 $0xD0000000, s2;
	s6 =	simm.s32 $0x108;
	_ =	swait.ge @!p0 [sflag:s8], $0x0  }
0x24: {  	s3 =	sadd.s32 $0x88, s3;
	s6 =	simm.s32 @!p1 $0x1082;
	[sflag:s4] =	ssyncset.s32 $0xFFFFF086  }
0x25: {  	[simem:s6], [sflag:s4] =	dma.local [hbm:s3], $0xF7A  }
0x26: {  	[smem:$0x3F9B] =	sst s1;
	(tag) =	ssettag s2;
	_ =	strace s9  }
0x27: {  	s1 =	sld [smem:$0x3FAB]  }
0x28: {  	s2 =	sld [smem:$0x3FAC]  }
0x29: {  	s4 =	sld [smem:$0x3FAE]  }
0x2a: {  	p0 =	seq.s32 s5, $0x0;
	s5 =	sld [smem:$0x3FAF]  }
0x2b: {  	s6 =	sld [smem:$0x3FB0]  }
0x2c: {  	s7 =	sld [smem:$0x3FB1]  }
0x2d: {  	s3 =	simm.s32 $0x108;
	s8 =	sld [smem:$0x3FB2]  }
0x2e: {  	s3 =	simm.s32 @!p0 $0x1082;
	s9 =	sld [smem:$0x3FB3]  }
0x2f: {  	lr =	sadd.s32 s0, s3;
	s0 =	sld [smem:$0x3FAA]  }
0x30: {  	s3 =	sld [smem:$0x3FAD]  }
0x31: {  	[smem:$0x3FB6] =	sst s10  }
0x32: {  	s10 =	sld [smem:$0x3FB4];
	_ =	sdelay $0x3  }
0x33: {  	p0 =	seq.s32 s10, $0x1;
	s10 =	sld [smem:$0x3FB6];
	_ =	sdelay $0x3  }
0x34: {  	[smem:$0x3FB6] =	sst s10  }
0x35: {  	s10 =	sld [smem:$0x3FB5];
	_ =	sdelay $0x3  }
0x36: {  	p1 =	seq.s32 s10, $0x1;
	s10 =	sld [smem:$0x3FB6];
	_ =	sdelay $0x3  }
0x37: {  	[smem:$0x3FB6] =	sst s10  }
0x38: {  	s10 =	sld [smem:$0x3FB7]  }
0x39: {  	_ = 	snop;
	(pc) =	sbr.ind lr, $3  }
0x3a: {  	_ = 	snop  }
0x3b: {  	_ = 	snop  }
0x3c: {  	p2 =	seq.s32 s10, $0x1;
	s10 =	sld [smem:$0x3FB6]  }
0x3d: {  	_ =	shalt  }
0x3e: {  	_ =	shalt  }
0x3f: {  	_ =	shalt  }
0x40: {  	_ =	shalt  }
0x41: {  	_ =	shalt  }
0x42: {  	_ =	shalt  }
0x43: {  	_ =	shalt  }
0x44: {  	_ =	shalt  }
0x45: {  	_ =	shalt  }
0x46: {  	_ =	shalt  }
0x47: {  	_ =	shalt  }
0x48: {  	_ =	shalt  }
0x49: {  	_ =	shalt  }
0x4a: {  	_ =	shalt  }
0x4b: {  	_ =	shalt  }
0x4c: {  	_ =	shalt  }
0x4d: {  	_ =	shalt  }
0x4e: {  	_ =	shalt  }
0x4f: {  	_ =	shalt  }
0x50: {  	_ =	shalt  }
0x51: {  	_ =	shalt  }
0x52: {  	_ =	shalt  }
0x53: {  	_ =	shalt  }
0x54: {  	_ =	shalt  }
0x55: {  	_ =	shalt  }
0x56: {  	_ =	shalt  }
0x57: {  	_ =	shalt  }
0x58: {  	_ =	shalt  }
0x59: {  	_ =	shalt  }
0x5a: {  	_ =	shalt  }
0x5b: {  	_ =	shalt  }
0x5c: {  	_ =	shalt  }
0x5d: {  	_ =	shalt  }
0x5e: {  	_ =	shalt  }
0x5f: {  	_ =	shalt  }
0x60: {  	_ =	shalt  }
0x61: {  	_ =	shalt  }
0x62: {  	_ =	shalt  }
0x63: {  	_ =	shalt  }
0x64: {  	_ =	shalt  }
0x65: {  	_ =	shalt  }
0x66: {  	_ =	shalt  }
0x67: {  	_ =	shalt  }
0x68: {  	_ =	shalt  }
0x69: {  	_ =	shalt  }
0x6a: {  	_ =	shalt  }
0x6b: {  	_ =	shalt  }
0x6c: {  	_ =	shalt  }
0x6d: {  	_ =	shalt  }
0x6e: {  	_ =	shalt  }
0x6f: {  	_ =	shalt  }
0x70: {  	_ =	shalt  }
0x71: {  	_ =	shalt  }
0x72: {  	_ =	shalt  }
0x73: {  	_ =	shalt  }
0x74: {  	_ =	shalt  }
0x75: {  	_ =	shalt  }
0x76: {  	_ =	shalt  }
0x77: {  	_ =	shalt  }
0x78: {  	_ =	shalt  }
0x79: {  	_ =	shalt  }
0x7a: {  	_ =	shalt  }
0x7b: {  	_ =	shalt  }
0x7c: {  	_ =	shalt  }
0x7d: {  	_ =	shalt  }
0x7e: {  	_ =	shalt  }
0x7f: {  	_ =	shalt  }
0x80: {  	_ =	shalt  }
0x81: {  	_ =	shalt  }
0x82: {  	_ =	shalt  }
0x83: {  	_ =	shalt  }
0x84: {  	_ =	shalt  }
0x85: {  	_ =	shalt  }
0x86: {  	_ =	shalt  }
0x87: {  	_ =	shalt  }
.Lfunc_end0:
.L_simem_size_0:
called_computation_lowered:
.L_overlay_start_0:
0x88: {  	s2 =	sld [smem:$0x3FD9]  }
0x89: {  	s3 =	sld [smem:$0x3FFE];
	_ =	sdelay $0x1  }
0x8a: {  	s1 =	srdreg.scid  }
0x8b: {  	s0 =	sand.u32 $0x1, s1  }
0x8c: {  	s17 =	sshll.u32 s0, $0xA;
	s2 =	sadd.s32 s3, s2  }
0x8d: {  	s2 =	sadd.s32 s2, s17  }
0x8e: {  	[smem:$0x3FC2] =	sst s2  }
0x8f: {  	_ = 	snop  }
0x90: {  	s18 =	sld [smem:$0x3FC6];
	(tm) =	ssettm $0x1  }
0x91: {  	s19 =	sld [smem:$0x3FFB];
	_ =	sdelay $0x3  }
0x92: {  	_ =	strace s19  }
0x93: {  	s2 =	sld [smem:$0x3FFC];
	_ =	sdelay $0x3  }
0x94: {  	_ =	strace s2  }
0x95: {  	s2 =	sld [smem:$0x3FFD];
	_ =	sdelay $0x3  }
0x96: {  	_ =	strace s2  }
0x97: {  	_ =	strace $0x8FFFFFFF  }
0x98: {  	s20 =	sld [smem:$0x3FDB];
	_ =	sdelay $0x1  }
0x99: {  	s4 =	simm.s32 $_scs_section_size  }
0x9a: {  	s5 =	simm.s32 $_size__tile_overlayer_lowered;
	s6 =	simm.s32 $_tile_overlayer_lowered  }
0x9b: {  	s7 =	simm.s32 $0x1BFF;
	s21 =	sshll.u32 s6, $0x1;
	s4 =	sadd.s32 s4, s20  }
0x9c: {  	s22 =	simm.s32 $0x0;
	s5 =	sshll.u32 s5, $0x1;
	s6 =	sadd.s32 s21, s4  }
0x9d: {  	[timem:s22], [sflag:s7] =	dma.local [hbm:s6], s5  }
0x9e: {  	_ =	swait.ge [sflag:s7], s5  }
0x9f: {  	s5 =	ssub.s32 $0x0, s5;
	[sflag:s7] =	ssyncset.done $0x0  }
0xa0: {  	[sflag:s7] =	ssyncadd.s32 s5;
	_ =	sdelay $0x1  }
0xa1: {  	s23 =	simm.s32 $0x1B8B  }
0xa2: {  	_ =	swait.ge [sflag:s23], $0x1  }
0xa3: {  	[sflag:s23] =	ssyncset.done $0x0  }
0xa4: {  	[sflag:s23] =	ssyncadd.s32 $0xFFFFFFFF  }
0xa5: {  	s5 =	sld [smem:$0x0]  }
0xa6: {  	s6 =	sand.u32 $0xFFFFFFFE, s1  }
0xa7: {  	p0 =	sne.s32 s1, s6  }
0xa8: {  	s6 =	sshll.u32 @p0 s6, $0xE  }
0xa9: {  	s6 =	sadd.s32 @p0 $0x11B8D, s6;
	s7 =	sshll.u32 @p0 s5, $0x11  }
0xaa: {  	s6 =	sor.u32 @p0 s7, s6  }
0xab: {  	[sflag:s6] =	ssyncadd.remote.s32 @p0 $0x1;
	_ =	sdelay $0x1  }
0xac: {  	s6 =	simm.s32 @p0 $0x1B8D  }
0xad: {  	_ =	swait.eq @p0 [sflag:s6], $0x1  }
0xae: {  	[sflag:s6] =	ssyncadd.s32 @p0 $0xFFFFFFFF  }
0xaf: {  	s7 =	sshll.u32 @!p0 s1, $0xE  }
0xb0: {  	s7 =	sor.u32 @!p0 $0x4000, s7;
	s6 =	simm.s32 @!p0 $0x1B8D  }
0xb1: {  	s5 =	sshll.u32 @!p0 s5, $0x11;
	s7 =	sadd.s32 @!p0 $0x11B8D, s7;
	_ =	swait.eq @!p0 [sflag:s6], $0x1  }
0xb2: {  	s5 =	sor.u32 @!p0 s5, s7;
	[sflag:s6] =	ssyncadd.s32 @!p0 $0xFFFFFFFF  }
0xb3: {  	s25 =	simm.s32 $0x1B8E;
	s24 =	sld [smem:$0x3FFE];
	[sflag:s5] =	ssyncadd.remote.s32 @!p0 $0x1  }
0xb4: {  	s26 =	simm.s32 $execute0_lowered;
	[smem:$0x3FD2] =	sst s25  }
0xb5: {  	s6 =	sshll.u32 s26, $0x1;
	_ =	strace $0x80000049;
	[dreg:$0x1] =	wrdreg $0xFFFFFFFF  }
0xb6: {  	s28 =	simm.s32 $_size_execute0_lowered;
	s4 =	sadd.s32 s4, s6;
	[dreg:$0x0] =	wrdreg $0x0  }
0xb7: {  	s6 =	sshll.u32 s28, $0x1;
	[dreg:$0x2] =	wrdreg s4  }
0xb8: {  	[dreg:$0x3] =	wrdreg s6  }
0xb9: {  	[dreg:$0x4] =	wrdreg $0xC0  }
0xba: {  	_ =	task [dreg:s22], $0x5FFFF  }
0xbb: {  	[dreg:$0x1] =	wrdreg $0xFFFFFFFF  }
0xbc: {  	[dreg:$0x0] =	wrdreg $0x60  }
0xbd: {  	[dreg:$0x2] =	wrdreg s18  }
0xbe: {  	[dreg:$0x3] =	wrdreg s24  }
0xbf: {  	[dreg:$0x4] =	wrdreg $0x9  }
0xc0: {  	_ =	task.clear_ibuf [dreg:s22], $0x5FFFF;
	_ =	strace $0x90000049  }
0xc1: {  	s29 =	simm.s32 $0x9;
	_ =	strace $0x8000004B  }
0xc2: {  	_ =	swait.ge [sflag:s29], $0x1  }
0xc3: {  	[sflag:s29] =	ssyncadd.s32 $0xFFFFFFFF  }
0xc4: {  	_ =	strace $0x9000004B  }
0xc5: {  	_ =	sfence  }
0xc6: {  	s30 =	sld [smem:$0x0];
	_ =	sdelay $0x2  }
0xc7: {  	s31 =	sshll.u32 s1, $0xD;
	s1 =	sshrl.u32 s1, $0x2  }
0xc8: {  	s4 =	sand.u32 $0x4000, s31;
	s1 =	sadd.s32 s1, s30  }
0xc9: {  	s0 =	sor.u32 s4, s0;
	s1 =	sshll.u32 s1, $0x11  }
0xca: {  	s0 =	sor.u32 s1, s0  }
0xcb: {  	s0 =	sadd.s32 $0x8F2B, s0  }
0xcc: {  	[sflag:s0] =	ssyncadd.remote.s32 $0x1  }
0xcd: {  	_ =	sfence.sel $0xFFFF  }
0xce: {  	[dreg:$0x0] =	wrdreg $0xFFFFFFFF;
	(pc) =	sbr.abs _section_cstart, $3  }
0xcf: {  	[dreg:$0x1] =	wrdreg $0xFFFFFFFF  }
0xd0: {  	_ =	task.clear_ibuf [dreg:s22], $0x2FFFF;
	_ =	strace $0x9FFFFFFF  }
0xd1: {  	(tm) =	ssettm $0x7FFFFFFF  }
tec
execute0_lowered:
.L_overlay_start_1:
0x0: {  	(tag) =	ssettag $0x1  }
0x1: {  	s0 =	rddreg [dreg:$0x1]  }
0x2: {  	s1 =	srdreg.scid;
	s11 =	stileid.u32;
	s31 =	simm.s32 $0x80  }
0x3: {  	s28 =	simm.s32 $0x15A00;
	s30 =	simm.s32 $0x15A80;
	s29 =	simm.s32 $0x15B00  }
0x4: {  	s2 =	sand.u32 $0x1, s1;
	s4 =	smul.u32 $0x2800, s11;
	s6 =	sadd.s32 $0x296E00, s0  }
0x5: {  	s3 =	sshll.u32 s11, $0x1;
	s15 =	sadd.s32 $0x29BE00, s0;
	s5 =	smul.u32 $0x1400, s2  }
0x6: {  	s1 =	simm.s32 $0x0;
	s14 =	sadd.s32 $0x2A0E00, s0;
	s26 =	sadd.s32 $0x2A5E00, s0  }
0x7: {  	s3 =	sor.u32 s2, s3;
	[smem:$0x7FF] =	sst s1;
	s4 =	sadd.s32 s5, s4  }
0x8: {  	s7 =	ssub.s32 $0x2, s2;
	s2 =	smul.u32 $0x14000, s2;
	s9 =	sor.u32 $0x200, s4  }
0x9: {  	s3 =	smul.u32 $0x1400, s3;
	s8 =	sshrl.u32 s7, $0x1;
	s16 =	sshrl.u32 s9, $0x3  }
0xa: {  	s7 =	ssub.s32 s7, s8;
	s17 =	sor.u32 $0x180, s4;
	s10 =	sadd.s32 s16, s14  }
0xb: {  	s24 =	sor.u32 $0x80, s4;
	s18 =	sadd.s32 s16, s15;
	[dreg:$0x3] =	wrdreg s10  }
0xc: {  	s19 =	sshrl.u32 s17, $0x3;
	s8 =	sadd.s32 s16, s6;
	[dreg:$0x4] =	wrdreg s18  }
0xd: {  	s13 =	sshrl.u32 s24, $0x3;
	s20 =	sadd.s32 s19, s14;
	[dreg:$0x5] =	wrdreg s8  }
0xe: {  	s21 =	sadd.s32 s19, s15;
	s25 =	sadd.s32 s13, s14;
	[dreg:$0x6] =	wrdreg s20  }
0xf: {  	s18 =	sor.u32 $0x100, s4;
	[dreg:$0x7] =	wrdreg s21;
	s8 =	sadd.s32 s19, s6  }
0x10: {  	[dreg:$0xc] =	wrdreg s25;
	s4 =	sshrl.u32 s4, $0x3;
	s19 =	sshll.u32 s24, $0x4  }
0x11: {  	s21 =	rddreg [dreg:$0x0];
	s20 =	sshrl.u32 s3, $0x3;
	s22 =	sshrl.u32 s18, $0x3  }
0x12: {  	s24 =	sadd.s32 $0x2800, s0;
	[dreg:$0x8] =	wrdreg s8;
	s23 =	sadd.s32 s22, s14  }
0x13: {  	s25 =	sadd.s32 $0x2200, s0;
	s12 =	sadd.s32 s22, s15;
	[dreg:$0x9] =	wrdreg s23  }
0x14: {  	s3 =	simm.s32 $0x0;
	s10 =	sadd.s32 s22, s6;
	[dreg:$0xa] =	wrdreg s12  }
0x15: {  	s16 =	sadd.s32 s4, s6;
	s14 =	sadd.s32 s4, s14;
	[dreg:$0xb] =	wrdreg s10  }
0x16: {  	s12 =	sadd.s32 s13, s15;
	s13 =	sadd.s32 s13, s6;
	s15 =	sadd.s32 s4, s15  }
0x17: {  	s6 =	sshll.u32 s9, $0x4;
	s9 =	sshll.u32 s17, $0x4;
	s10 =	sshll.u32 s18, $0x4  }
0x18: {  	s18 =	smul.u32 $0x28000, s11;
	s23 =	smax.u32 s7, $0x1;
	s5 =	sadd.s32 s6, s26  }
0x19: {  	s17 =	sadd.s32 s10, s26;
	s6 =	sadd.s32 s19, s26;
	[dreg:$0xd] =	wrdreg s5  }
0x1a: {  	s19 =	simm.s32 $0x5;
	s5 =	sadd.s32 s9, s26;
	[dreg:$0xf] =	wrdreg s17  }
0x1b: {  	[dreg:$0x10] =	wrdreg s6;
	s4 =	sadd.s32 s18, s26;
	s26 =	sadd.s32 $0x1C00, s0  }
.Ltmp0:
0x1c: {  	[dreg:$0xe] =	wrdreg s5;
	s2 =	sadd.s32 s2, s4;
	(pc) =	sbr.rel .LBB2_1-.Ltmp0, $4  }
0x1d: {  	s17 =	simm.s32 $0x3;
	s18 =	simm.s32 $0x4;
	[dreg:$0x11] =	wrdreg s2  }
0x1e: {  	s2 =	sadd.s32 s20, s0;
	s20 =	simm.s32 $0x1;
	s0 =	simm.s32 $0x2  }
0x1f: {  	_ =	strace $0x8000004A;
	s22 =	sadd.s32 $0x291E00, s2;
	[dreg:$0x13] =	wrdreg s23  }
0x20: {  	s23 =	simm.s32 $0x11400;
	[dreg:$0x12] =	wrdreg s22;
	s22 =	simm.s32 $0xA  }
.LBB2_4:
0x21: {  	s2 =	simm.s32 $0x6  }
0x22: {  	_ =	swait.ge [sflag:s2], $0x4000  }
0x23: {  	[sflag:s2] =	ssyncset.done $0x0  }
0x24: {  	[sflag:s2] =	ssyncadd.s32 $0xFFFFC000  }
0x25: {  	_ =	swait.ge [sflag:s2], $0x80  }
0x26: {  	[sflag:s2] =	ssyncset.done $0x0  }
0x27: {  	[sflag:s2] =	ssyncadd.s32 $0xFFFFFF80  }
0x28: {  	_ =	swait.ge [sflag:s2], $0x80  }
0x29: {  	[sflag:s2] =	ssyncset.done $0x0  }
0x2a: {  	[sflag:s2] =	ssyncadd.s32 $0xFFFFFF80  }
0x2b: {  	_ =	swait.ge [sflag:s2], $0x80  }
0x2c: {  	[sflag:s2] =	ssyncset.done $0x0  }
0x2d: {  	s8 =	simm.s32 $0x7;
	[sflag:s2] =	ssyncadd.s32 $0xFFFFFF80  }
0x2e: {  	_ =	swait.ge [sflag:s8], $0x4000  }
0x2f: {  	[sflag:s8] =	ssyncset.done $0x0  }
0x30: {  	[sflag:s8] =	ssyncadd.s32 $0xFFFFC000  }
0x31: {  	_ =	swait.ge [sflag:s8], $0x80  }
0x32: {  	[sflag:s8] =	ssyncset.done $0x0  }
0x33: {  	[sflag:s8] =	ssyncadd.s32 $0xFFFFFF80  }
0x34: {  	_ =	swait.ge [sflag:s8], $0x80  }
0x35: {  	[sflag:s8] =	ssyncset.done $0x0  }
0x36: {  	[sflag:s8] =	ssyncadd.s32 $0xFFFFFF80  }
0x37: {  	_ =	swait.ge [sflag:s8], $0x80  }
0x38: {  	[sflag:s8] =	ssyncset.done $0x0  }
0x39: {  	s9 =	simm.s32 $0x8;
	[sflag:s8] =	ssyncadd.s32 $0xFFFFFF80  }
0x3a: {  	_ =	swait.ge [sflag:s9], $0x4000  }
0x3b: {  	[sflag:s9] =	ssyncset.done $0x0  }
0x3c: {  	[sflag:s9] =	ssyncadd.s32 $0xFFFFC000  }
0x3d: {  	_ =	swait.ge [sflag:s9], $0x80  }
0x3e: {  	[sflag:s9] =	ssyncset.done $0x0  }
0x3f: {  	[sflag:s9] =	ssyncadd.s32 $0xFFFFFF80  }
0x40: {  	_ =	swait.ge [sflag:s9], $0x80  }
0x41: {  	[sflag:s9] =	ssyncset.done $0x0  }
0x42: {  	[sflag:s9] =	ssyncadd.s32 $0xFFFFFF80  }
0x43: {  	_ =	swait.ge [sflag:s9], $0x80  }
0x44: {  	[sflag:s9] =	ssyncset.done $0x0  }
0x45: {  	s10 =	simm.s32 $0x9;
	[sflag:s9] =	ssyncadd.s32 $0xFFFFFF80  }
0x46: {  	_ =	swait.ge [sflag:s10], $0x4000  }
0x47: {  	[sflag:s10] =	ssyncset.done $0x0  }
0x48: {  	[sflag:s10] =	ssyncadd.s32 $0xFFFFC000  }
0x49: {  	_ =	swait.ge [sflag:s10], $0x80  }
0x4a: {  	[sflag:s10] =	ssyncset.done $0x0  }
0x4b: {  	[sflag:s10] =	ssyncadd.s32 $0xFFFFFF80  }
0x4c: {  	_ =	swait.ge [sflag:s10], $0x80  }
0x4d: {  	[sflag:s10] =	ssyncset.done $0x0  }
0x4e: {  	[sflag:s10] =	ssyncadd.s32 $0xFFFFFF80  }
0x4f: {  	_ =	swait.ge [sflag:s10], $0x80  }
0x50: {  	[sflag:s10] =	ssyncset.done $0x0  }
0x51: {  	[sflag:s10] =	ssyncadd.s32 $0xFFFFFF80  }
0x52: {  	_ =	swait.ge [sflag:s22], $0x4000  }
0x53: {  	[sflag:s22] =	ssyncset.done $0x0  }
0x54: {  	[sflag:s22] =	ssyncadd.s32 $0xFFFFC000  }
0x55: {  	_ =	swait.ge [sflag:s22], $0x80  }
0x56: {  	[sflag:s22] =	ssyncset.done $0x0  }
0x57: {  	[sflag:s22] =	ssyncadd.s32 $0xFFFFFF80  }
0x58: {  	_ =	swait.ge [sflag:s22], $0x80  }
0x59: {  	[sflag:s22] =	ssyncset.done $0x0  }
0x5a: {  	[sflag:s22] =	ssyncadd.s32 $0xFFFFFF80  }
0x5b: {  	_ =	swait.ge [sflag:s22], $0x80  }
0x5c: {  	s3 =	rddreg [dreg:$0x14]  }
0x5d: {  	s11 =	rddreg [dreg:$0x13];
	s3 =	sadd.s32 $0x1, s3  }
0x5e: {  	p0 =	sne.s32 s3, s11  }
.Ltmp1:
0x5f: {  	_ = 	snop;
	(pc) =	sbr.rel @!p0 .LBB2_5-.Ltmp1, $3  }
0x60: {  	_ =	sdelay $0x1  }
0x61: {  	[sflag:s22] =	ssyncset.done $0x0  }
0x62: {  	[sflag:s22] =	ssyncadd.s32 $0xFFFFFF80  }
.LBB2_1:
0x63: {  	[dreg:$0x14] =	wrdreg s3  }
0x64: {  	s2 =	rddreg [dreg:$0x12];
	s9 =	simm.s32 $0xB  }
0x65: {  	[tilespmem:s1], [sflag:$0xB] =	stream.linear.gather [hbm4b:s2+s1], $0x1400, $0x38;
	[tilespmem:$0x15B80] =	vst v63  }
0x66: {  	_ =	swait.ge [sflag:s9], $0x1400  }
0x67: {  	[sflag:s9] =	ssyncset.done $0x0  }
0x68: {  	s10 =	simm.s32 $0x1400;
	[sflag:s9] =	ssyncadd.s32 $0xFFFFEC00  }
0x69: {  	[tilespmem:s10], [sflag:$0x1] =	stream.indirect.gather [hbm4b:s21+s31], $0x80, s1, s31, $0xb8;
	[tilespmem:$0x15B80] =	vst v63  }
0x6a: {  	s11 =	simm.s32 $0x15400  }
0x6b: {  	[tilespmem:s11], [sflag:$0x1] =	stream.indirect.gather [hbm4b:s24+s31], $0x1, s1, s31, $0xb8;
	[tilespmem:$0x15B80] =	vst v63  }
0x6c: {  	s3 =	simm.s32 $0x15480  }
0x6d: {  	[tilespmem:s3], [sflag:$0x1] =	stream.indirect.gather [hbm4b:s25+s31], $0x1, s1, s31, $0xb8;
	[tilespmem:$0x15B80] =	vst v63  }
0x6e: {  	s4 =	simm.s32 $0x15500  }
0x6f: {  	[tilespmem:s4], [sflag:$0x1] =	stream.indirect.gather [hbm4b:s26+s31], $0x1, s1, s31, $0xb8;
	[tilespmem:$0x15B80] =	vst v63  }
0x70: {  	s5 =	simm.s32 $0x5400  }
0x71: {  	[tilespmem:s5], [sflag:$0x2] =	stream.indirect.gather [hbm4b:s21+s31], $0x80, s31, s31, $0xb8;
	[tilespmem:$0x15B80] =	vst v63  }
0x72: {  	s6 =	simm.s32 $0x15580  }
0x73: {  	[tilespmem:s6], [sflag:$0x2] =	stream.indirect.gather [hbm4b:s24+s31], $0x1, s31, s31, $0xb8;
	[tilespmem:$0x15B80] =	vst v63  }
0x74: {  	s7 =	simm.s32 $0x15600  }
0x75: {  	[tilespmem:s7], [sflag:$0x2] =	stream.indirect.gather [hbm4b:s25+s31], $0x1, s31, s31, $0xb8;
	[tilespmem:$0x15B80] =	vst v63  }
0x76: {  	s8 =	simm.s32 $0x15680  }
0x77: {  	[tilespmem:s8], [sflag:$0x2] =	stream.indirect.gather [hbm4b:s26+s31], $0x1, s31, s31, $0xb8;
	[tilespmem:$0x15B80] =	vst v63  }
0x78: {  	s9 =	simm.s32 $0x100;
	s10 =	simm.s32 $0x9400  }
0x79: {  	[tilespmem:s10], [sflag:$0x3] =	stream.indirect.gather [hbm4b:s21+s31], $0x80, s9, s31, $0xb8;
	[tilespmem:$0x15B80] =	vst v63  }
0x7a: {  	s11 =	simm.s32 $0x15700  }
0x7b: {  	[tilespmem:s11], [sflag:$0x3] =	stream.indirect.gather [hbm4b:s24+s31], $0x1, s9, s31, $0xb8;
	[tilespmem:$0x15B80] =	vst v63  }
0x7c: {  	s4 =	simm.s32 $0x15780  }
0x7d: {  	[tilespmem:s4], [sflag:$0x3] =	stream.indirect.gather [hbm4b:s25+s31], $0x1, s9, s31, $0xb8;
	[tilespmem:$0x15B80] =	vst v63  }
0x7e: {  	s5 =	simm.s32 $0x15800  }
0x7f: {  	[tilespmem:s5], [sflag:$0x3] =	stream.indirect.gather [hbm4b:s26+s31], $0x1, s9, s31, $0xb8;
	[tilespmem:$0x15B80] =	vst v63  }
0x80: {  	s6 =	simm.s32 $0x180;
	s7 =	simm.s32 $0xD400  }
0x81: {  	[tilespmem:s7], [sflag:$0x4] =	stream.indirect.gather [hbm4b:s21+s31], $0x80, s6, s31, $0xb8;
	[tilespmem:$0x15B80] =	vst v63  }
0x82: {  	s8 =	simm.s32 $0x15880  }
0x83: {  	[tilespmem:s8], [sflag:$0x4] =	stream.indirect.gather [hbm4b:s24+s31], $0x1, s6, s31, $0xb8;
	[tilespmem:$0x15B80] =	vst v63  }
0x84: {  	s9 =	simm.s32 $0x15900  }
0x85: {  	[tilespmem:s9], [sflag:$0x4] =	stream.indirect.gather [hbm4b:s25+s31], $0x1, s6, s31, $0xb8;
	[tilespmem:$0x15B80] =	vst v63  }
0x86: {  	s3 =	rddreg [dreg:$0x11];
	s10 =	simm.s32 $0x15980  }
0x87: {  	[tilespmem:s10], [sflag:$0x4] =	stream.indirect.gather [hbm4b:s26+s31], $0x1, s6, s31, $0xb8;
	[tilespmem:$0x15B80] =	vst v63  }
0x88: {  	s11 =	simm.s32 $0x200;
	s4 =	rddreg [dreg:$0x10]  }
0x89: {  	[tilespmem:s23], [sflag:$0x5] =	stream.indirect.gather [hbm4b:s21+s31], $0x80, s11, s31, $0xb8;
	[tilespmem:$0x15B80] =	vst v63  }
0x8a: {  	s5 =	rddreg [dreg:$0xf]  }
0x8b: {  	[tilespmem:s28], [sflag:$0x5] =	stream.indirect.gather [hbm4b:s24+s31], $0x1, s11, s31, $0xb8;
	[tilespmem:$0x15B80] =	vst v63  }
0x8c: {  	s7 =	rddreg [dreg:$0xd]  }
0x8d: {  	[tilespmem:s30], [sflag:$0x5] =	stream.indirect.gather [hbm4b:s25+s31], $0x1, s11, s31, $0xb8;
	[tilespmem:$0x15B80] =	vst v63  }
0x8e: {  	s2 =	simm.s32 $0x480;
	s8 =	simm.s32 $0x0;
	s6 =	rddreg [dreg:$0xe]  }
0x8f: {  	[tilespmem:s29], [sflag:$0x5] =	stream.indirect.gather [hbm4b:s26+s31], $0x1, s11, s31, $0xb8;
	[tilespmem:$0x15B80] =	vst v63  }
.LBB2_2:
0x90: {  	_ =	swait.ge [sflag:s20], $0x4000  }
0x91: {  	[sflag:s20] =	ssyncset.done $0x0  }
0x92: {  	[sflag:s20] =	ssyncadd.s32 $0xFFFFC000  }
0x93: {  	_ =	swait.ge [sflag:s20], $0x80  }
0x94: {  	[sflag:s20] =	ssyncset.done $0x0  }
0x95: {  	[sflag:s20] =	ssyncadd.s32 $0xFFFFFF80  }
0x96: {  	_ =	swait.ge [sflag:s20], $0x80  }
0x97: {  	[sflag:s20] =	ssyncset.done $0x0  }
0x98: {  	[sflag:s20] =	ssyncadd.s32 $0xFFFFFF80  }
0x99: {  	_ =	swait.ge [sflag:s20], $0x80  }
0x9a: {  	[sflag:s20] =	ssyncset.done $0x0  }
0x9b: {  	s9 =	simm.s32 $0x1400;
	[sflag:s20] =	ssyncadd.s32 $0xFFFFFF80  }
0x9c: {  	[hbm4b:s3+s1] =	stream.linear.scatter [tilespmem:s9], [sflag:$0x6], $0x4000, $0x38;
	[tilespmem:$0x15B80] =	vst v63  }
0x9d: {  	s11 =	sadd.s32 s8, s16;
	s10 =	simm.s32 $0x15400  }
0x9e: {  	[hbm4b:s11+s1] =	stream.linear.scatter [tilespmem:s10], [sflag:$0x6], $0x80, $0x38;
	[tilespmem:$0x15B80] =	vst v63  }
0x9f: {  	p0 =	seq.s32 s8, $0x230;
	s10 =	sadd.s32 s8, s15;
	s11 =	simm.s32 $0x15480  }
0xa0: {  	[hbm4b:s10+s1] =	stream.linear.scatter [tilespmem:s11], [sflag:$0x6], $0x80, $0x38;
	[tilespmem:$0x15B80] =	vst v63  }
0xa1: {  	s9 =	simm.s32 @!p0 $0x6;
	s10 =	sadd.s32 s8, s14;
	s11 =	simm.s32 $0x15500  }
0xa2: {  	[hbm4b:s10+s1] =	stream.linear.scatter [tilespmem:s11], [sflag:$0x6], $0x80, $0x38;
	[tilespmem:$0x15B80] =	vst v63  }
0xa3: {  	_ =	swait.ge @!p0 [sflag:s9], $0x4000  }
0xa4: {  	[sflag:s9] =	ssyncset.done @!p0 $0x0  }
0xa5: {  	[sflag:s9] =	ssyncadd.s32 @!p0 $0xFFFFC000  }
0xa6: {  	_ =	swait.ge @!p0 [sflag:s9], $0x80  }
0xa7: {  	[sflag:s9] =	ssyncset.done @!p0 $0x0  }
0xa8: {  	[sflag:s9] =	ssyncadd.s32 @!p0 $0xFFFFFF80  }
0xa9: {  	_ =	swait.ge @!p0 [sflag:s9], $0x80  }
0xaa: {  	[sflag:s9] =	ssyncset.done @!p0 $0x0  }
0xab: {  	[sflag:s9] =	ssyncadd.s32 @!p0 $0xFFFFFF80  }
0xac: {  	_ =	swait.ge @!p0 [sflag:s9], $0x80  }
0xad: {  	s10 =	sadd.s32 @!p0 $0xFFFFFE00, s2;
	[sflag:s9] =	ssyncset.done @!p0 $0x0  }
0xae: {  	s11 =	simm.s32 @!p0 $0x1400;
	[sflag:s9] =	ssyncadd.s32 @!p0 $0xFFFFFF80;
	s9 =	simm.s32 @!p0 $0x80  }
0xaf: {  	[tilespmem:s11], [sflag:$0x1] =	stream.indirect.gather @!p0 [hbm4b:s21+s9], $0x80, s10, s9, $0xb8;
	[tilespmem:$0x15B80] =	vst v63  }
0xb0: {  	s11 =	simm.s32 @!p0 $0x15400  }
0xb1: {  	[tilespmem:s11], [sflag:$0x1] =	stream.indirect.gather @!p0 [hbm4b:s24+s9], $0x1, s10, s9, $0xb8;
	[tilespmem:$0x15B80] =	vst v63  }
0xb2: {  	s11 =	simm.s32 @!p0 $0x15480  }
0xb3: {  	[tilespmem:s11], [sflag:$0x1] =	stream.indirect.gather @!p0 [hbm4b:s25+s9], $0x1, s10, s9, $0xb8;
	[tilespmem:$0x15B80] =	vst v63  }
0xb4: {  	s11 =	simm.s32 @!p0 $0x15500  }
0xb5: {  	[tilespmem:s11], [sflag:$0x1] =	stream.indirect.gather @!p0 [hbm4b:s26+s9], $0x1, s10, s9, $0xb8;
	[tilespmem:$0x15B80] =	vst v63  }
0xb6: {  	_ =	swait.ge [sflag:s0], $0x4000  }
0xb7: {  	[sflag:s0] =	ssyncset.done $0x0  }
0xb8: {  	[sflag:s0] =	ssyncadd.s32 $0xFFFFC000  }
0xb9: {  	_ =	swait.ge [sflag:s0], $0x80  }
0xba: {  	[sflag:s0] =	ssyncset.done $0x0  }
0xbb: {  	[sflag:s0] =	ssyncadd.s32 $0xFFFFFF80  }
0xbc: {  	_ =	swait.ge [sflag:s0], $0x80  }
0xbd: {  	[sflag:s0] =	ssyncset.done $0x0  }
0xbe: {  	[sflag:s0] =	ssyncadd.s32 $0xFFFFFF80  }
0xbf: {  	_ =	swait.ge [sflag:s0], $0x80  }
0xc0: {  	[sflag:s0] =	ssyncset.done $0x0  }
0xc1: {  	s11 =	simm.s32 $0x5400;
	[sflag:s0] =	ssyncadd.s32 $0xFFFFFF80  }
0xc2: {  	[hbm4b:s4+s1] =	stream.linear.scatter [tilespmem:s11], [sflag:$0x7], $0x4000, $0x38;
	[tilespmem:$0x15B80] =	vst v63  }
0xc3: {  	s10 =	sadd.s32 s8, s13;
	s11 =	simm.s32 $0x15580  }
0xc4: {  	[hbm4b:s10+s1] =	stream.linear.scatter [tilespmem:s11], [sflag:$0x7], $0x80, $0x38;
	[tilespmem:$0x15B80] =	vst v63  }
0xc5: {  	s10 =	sadd.s32 s8, s12;
	s11 =	simm.s32 $0x15600  }
0xc6: {  	[hbm4b:s10+s1] =	stream.linear.scatter [tilespmem:s11], [sflag:$0x7], $0x80, $0x38;
	[tilespmem:$0x15B80] =	vst v63  }
0xc7: {  	s11 =	rddreg [dreg:$0xc]  }
0xc8: {  	s10 =	sadd.s32 s8, s11;
	s11 =	simm.s32 $0x15680  }
0xc9: {  	[hbm4b:s10+s1] =	stream.linear.scatter [tilespmem:s11], [sflag:$0x7], $0x80, $0x38;
	[tilespmem:$0x15B80] =	vst v63  }
0xca: {  	s10 =	simm.s32 @!p0 $0x7  }
0xcb: {  	_ =	swait.ge @!p0 [sflag:s10], $0x4000  }
0xcc: {  	[sflag:s10] =	ssyncset.done @!p0 $0x0  }
0xcd: {  	[sflag:s10] =	ssyncadd.s32 @!p0 $0xFFFFC000  }
0xce: {  	_ =	swait.ge @!p0 [sflag:s10], $0x80  }
0xcf: {  	[sflag:s10] =	ssyncset.done @!p0 $0x0  }
0xd0: {  	[sflag:s10] =	ssyncadd.s32 @!p0 $0xFFFFFF80  }
0xd1: {  	_ =	swait.ge @!p0 [sflag:s10], $0x80  }
0xd2: {  	[sflag:s10] =	ssyncset.done @!p0 $0x0  }
0xd3: {  	[sflag:s10] =	ssyncadd.s32 @!p0 $0xFFFFFF80  }
0xd4: {  	_ =	swait.ge @!p0 [sflag:s10], $0x80  }
0xd5: {  	[sflag:s10] =	ssyncset.done @!p0 $0x0  }
0xd6: {  	s11 =	simm.s32 @!p0 $0x5400;
	[sflag:s10] =	ssyncadd.s32 @!p0 $0xFFFFFF80;
	s10 =	sadd.s32 @!p0 $0xFFFFFE80, s2  }
0xd7: {  	[tilespmem:s11], [sflag:$0x2] =	stream.indirect.gather @!p0 [hbm4b:s21+s9], $0x80, s10, s9, $0xb8;
	[tilespmem:$0x15B80] =	vst v63  }
0xd8: {  	s11 =	simm.s32 @!p0 $0x15580  }
0xd9: {  	[tilespmem:s11], [sflag:$0x2] =	stream.indirect.gather @!p0 [hbm4b:s24+s9], $0x1, s10, s9, $0xb8;
	[tilespmem:$0x15B80] =	vst v63  }
0xda: {  	s11 =	simm.s32 @!p0 $0x15600  }
0xdb: {  	[tilespmem:s11], [sflag:$0x2] =	stream.indirect.gather @!p0 [hbm4b:s25+s9], $0x1, s10, s9, $0xb8;
	[tilespmem:$0x15B80] =	vst v63  }
0xdc: {  	s11 =	simm.s32 @!p0 $0x15680  }
0xdd: {  	[tilespmem:s11], [sflag:$0x2] =	stream.indirect.gather @!p0 [hbm4b:s26+s9], $0x1, s10, s9, $0xb8;
	[tilespmem:$0x15B80] =	vst v63  }
0xde: {  	_ =	swait.ge [sflag:s17], $0x4000  }
0xdf: {  	[sflag:s17] =	ssyncset.done $0x0  }
0xe0: {  	[sflag:s17] =	ssyncadd.s32 $0xFFFFC000  }
0xe1: {  	_ =	swait.ge [sflag:s17], $0x80  }
0xe2: {  	[sflag:s17] =	ssyncset.done $0x0  }
0xe3: {  	[sflag:s17] =	ssyncadd.s32 $0xFFFFFF80  }
0xe4: {  	_ =	swait.ge [sflag:s17], $0x80  }
0xe5: {  	[sflag:s17] =	ssyncset.done $0x0  }
0xe6: {  	[sflag:s17] =	ssyncadd.s32 $0xFFFFFF80  }
0xe7: {  	_ =	swait.ge [sflag:s17], $0x80  }
0xe8: {  	[sflag:s17] =	ssyncset.done $0x0  }
0xe9: {  	s11 =	simm.s32 $0x9400;
	[sflag:s17] =	ssyncadd.s32 $0xFFFFFF80  }
0xea: {  	[hbm4b:s5+s1] =	stream.linear.scatter [tilespmem:s11], [sflag:$0x8], $0x4000, $0x38;
	[tilespmem:$0x15B80] =	vst v63  }
0xeb: {  	s11 =	rddreg [dreg:$0xb]  }
0xec: {  	s10 =	sadd.s32 s8, s11;
	s11 =	simm.s32 $0x15700  }
0xed: {  	[hbm4b:s10+s1] =	stream.linear.scatter [tilespmem:s11], [sflag:$0x8], $0x80, $0x38;
	[tilespmem:$0x15B80] =	vst v63  }
0xee: {  	s11 =	rddreg [dreg:$0xa]  }
0xef: {  	s10 =	sadd.s32 s8, s11;
	s11 =	simm.s32 $0x15780  }
0xf0: {  	[hbm4b:s10+s1] =	stream.linear.scatter [tilespmem:s11], [sflag:$0x8], $0x80, $0x38;
	[tilespmem:$0x15B80] =	vst v63  }
0xf1: {  	s11 =	rddreg [dreg:$0x9]  }
0xf2: {  	s10 =	sadd.s32 s8, s11;
	s11 =	simm.s32 $0x15800  }
0xf3: {  	[hbm4b:s10+s1] =	stream.linear.scatter [tilespmem:s11], [sflag:$0x8], $0x80, $0x38;
	[tilespmem:$0x15B80] =	vst v63  }
0xf4: {  	s10 =	simm.s32 @!p0 $0x8  }
0xf5: {  	_ =	swait.ge @!p0 [sflag:s10], $0x4000  }
0xf6: {  	[sflag:s10] =	ssyncset.done @!p0 $0x0  }
0xf7: {  	[sflag:s10] =	ssyncadd.s32 @!p0 $0xFFFFC000  }
0xf8: {  	_ =	swait.ge @!p0 [sflag:s10], $0x80  }
0xf9: {  	[sflag:s10] =	ssyncset.done @!p0 $0x0  }
0xfa: {  	[sflag:s10] =	ssyncadd.s32 @!p0 $0xFFFFFF80  }
0xfb: {  	_ =	swait.ge @!p0 [sflag:s10], $0x80  }
0xfc: {  	[sflag:s10] =	ssyncset.done @!p0 $0x0  }
0xfd: {  	[sflag:s10] =	ssyncadd.s32 @!p0 $0xFFFFFF80  }
0xfe: {  	_ =	swait.ge @!p0 [sflag:s10], $0x80  }
0xff: {  	[sflag:s10] =	ssyncset.done @!p0 $0x0  }
0x100: {  	s11 =	simm.s32 @!p0 $0x9400;
	[sflag:s10] =	ssyncadd.s32 @!p0 $0xFFFFFF80;
	s10 =	sadd.s32 @!p0 $0xFFFFFF00, s2  }
0x101: {  	[tilespmem:s11], [sflag:$0x3] =	stream.indirect.gather @!p0 [hbm4b:s21+s9], $0x80, s10, s9, $0xb8;
	[tilespmem:$0x15B80] =	vst v63  }
0x102: {  	s11 =	simm.s32 @!p0 $0x15700  }
0x103: {  	[tilespmem:s11], [sflag:$0x3] =	stream.indirect.gather @!p0 [hbm4b:s24+s9], $0x1, s10, s9, $0xb8;
	[tilespmem:$0x15B80] =	vst v63  }
0x104: {  	s11 =	simm.s32 @!p0 $0x15780  }
0x105: {  	[tilespmem:s11], [sflag:$0x3] =	stream.indirect.gather @!p0 [hbm4b:s25+s9], $0x1, s10, s9, $0xb8;
	[tilespmem:$0x15B80] =	vst v63  }
0x106: {  	s11 =	simm.s32 @!p0 $0x15800  }
0x107: {  	[tilespmem:s11], [sflag:$0x3] =	stream.indirect.gather @!p0 [hbm4b:s26+s9], $0x1, s10, s9, $0xb8;
	[tilespmem:$0x15B80] =	vst v63  }
0x108: {  	_ =	swait.ge [sflag:s18], $0x4000  }
0x109: {  	[sflag:s18] =	ssyncset.done $0x0  }
0x10a: {  	[sflag:s18] =	ssyncadd.s32 $0xFFFFC000  }
0x10b: {  	_ =	swait.ge [sflag:s18], $0x80  }
0x10c: {  	[sflag:s18] =	ssyncset.done $0x0  }
0x10d: {  	[sflag:s18] =	ssyncadd.s32 $0xFFFFFF80  }
0x10e: {  	_ =	swait.ge [sflag:s18], $0x80  }
0x10f: {  	[sflag:s18] =	ssyncset.done $0x0  }
0x110: {  	[sflag:s18] =	ssyncadd.s32 $0xFFFFFF80  }
0x111: {  	_ =	swait.ge [sflag:s18], $0x80  }
0x112: {  	[sflag:s18] =	ssyncset.done $0x0  }
0x113: {  	s11 =	simm.s32 $0xD400;
	[sflag:s18] =	ssyncadd.s32 $0xFFFFFF80  }
0x114: {  	[hbm4b:s6+s1] =	stream.linear.scatter [tilespmem:s11], [sflag:$0x9], $0x4000, $0x38;
	[tilespmem:$0x15B80] =	vst v63  }
0x115: {  	s11 =	rddreg [dreg:$0x8]  }
0x116: {  	s10 =	sadd.s32 s8, s11;
	s11 =	simm.s32 $0x15880  }
0x117: {  	[hbm4b:s10+s1] =	stream.linear.scatter [tilespmem:s11], [sflag:$0x9], $0x80, $0x38;
	[tilespmem:$0x15B80] =	vst v63  }
0x118: {  	s11 =	rddreg [dreg:$0x7]  }
0x119: {  	s10 =	sadd.s32 s8, s11;
	s11 =	simm.s32 $0x15900  }
0x11a: {  	[hbm4b:s10+s1] =	stream.linear.scatter [tilespmem:s11], [sflag:$0x9], $0x80, $0x38;
	[tilespmem:$0x15B80] =	vst v63  }
0x11b: {  	s11 =	rddreg [dreg:$0x6]  }
0x11c: {  	s10 =	sadd.s32 s8, s11;
	s11 =	simm.s32 $0x15980  }
0x11d: {  	[hbm4b:s10+s1] =	stream.linear.scatter [tilespmem:s11], [sflag:$0x9], $0x80, $0x38;
	[tilespmem:$0x15B80] =	vst v63  }
0x11e: {  	s10 =	simm.s32 @!p0 $0x9  }
0x11f: {  	_ =	swait.ge @!p0 [sflag:s10], $0x4000  }
0x120: {  	[sflag:s10] =	ssyncset.done @!p0 $0x0  }
0x121: {  	[sflag:s10] =	ssyncadd.s32 @!p0 $0xFFFFC000  }
0x122: {  	_ =	swait.ge @!p0 [sflag:s10], $0x80  }
0x123: {  	[sflag:s10] =	ssyncset.done @!p0 $0x0  }
0x124: {  	[sflag:s10] =	ssyncadd.s32 @!p0 $0xFFFFFF80  }
0x125: {  	_ =	swait.ge @!p0 [sflag:s10], $0x80  }
0x126: {  	[sflag:s10] =	ssyncset.done @!p0 $0x0  }
0x127: {  	[sflag:s10] =	ssyncadd.s32 @!p0 $0xFFFFFF80  }
0x128: {  	_ =	swait.ge @!p0 [sflag:s10], $0x80  }
0x129: {  	[sflag:s10] =	ssyncset.done @!p0 $0x0  }
0x12a: {  	s11 =	simm.s32 @!p0 $0xD400;
	[sflag:s10] =	ssyncadd.s32 @!p0 $0xFFFFFF80;
	s10 =	sadd.s32 @!p0 $0xFFFFFF80, s2  }
0x12b: {  	[tilespmem:s11], [sflag:$0x4] =	stream.indirect.gather @!p0 [hbm4b:s21+s9], $0x80, s10, s9, $0xb8;
	[tilespmem:$0x15B80] =	vst v63  }
0x12c: {  	s11 =	simm.s32 @!p0 $0x15880  }
0x12d: {  	[tilespmem:s11], [sflag:$0x4] =	stream.indirect.gather @!p0 [hbm4b:s24+s9], $0x1, s10, s9, $0xb8;
	[tilespmem:$0x15B80] =	vst v63  }
0x12e: {  	s11 =	simm.s32 @!p0 $0x15900  }
0x12f: {  	[tilespmem:s11], [sflag:$0x4] =	stream.indirect.gather @!p0 [hbm4b:s25+s9], $0x1, s10, s9, $0xb8;
	[tilespmem:$0x15B80] =	vst v63  }
0x130: {  	s11 =	simm.s32 @!p0 $0x15980  }
0x131: {  	[tilespmem:s11], [sflag:$0x4] =	stream.indirect.gather @!p0 [hbm4b:s26+s9], $0x1, s10, s9, $0xb8;
	[tilespmem:$0x15B80] =	vst v63  }
0x132: {  	_ =	swait.ge [sflag:s19], $0x4000  }
0x133: {  	[sflag:s19] =	ssyncset.done $0x0  }
0x134: {  	[sflag:s19] =	ssyncadd.s32 $0xFFFFC000  }
0x135: {  	_ =	swait.ge [sflag:s19], $0x80  }
0x136: {  	[sflag:s19] =	ssyncset.done $0x0  }
0x137: {  	[sflag:s19] =	ssyncadd.s32 $0xFFFFFF80  }
0x138: {  	_ =	swait.ge [sflag:s19], $0x80  }
0x139: {  	[sflag:s19] =	ssyncset.done $0x0  }
0x13a: {  	[sflag:s19] =	ssyncadd.s32 $0xFFFFFF80  }
0x13b: {  	_ =	swait.ge [sflag:s19], $0x80  }
0x13c: {  	[sflag:s19] =	ssyncset.done $0x0  }
0x13d: {  	s11 =	rddreg [dreg:$0x5];
	[sflag:s19] =	ssyncadd.s32 $0xFFFFFF80  }
0x13e: {  	[hbm4b:s7+s1] =	stream.linear.scatter [tilespmem:s23], [sflag:$0xA], $0x4000, $0x38;
	[tilespmem:$0x15B80] =	vst v63  }
0x13f: {  	s9 =	sadd.s32 s8, s11  }
0x140: {  	[hbm4b:s9+s1] =	stream.linear.scatter [tilespmem:s28], [sflag:$0xA], $0x80, $0x38;
	[tilespmem:$0x15B80] =	vst v63  }
.Ltmp2:
0x141: {  	s10 =	rddreg [dreg:$0x4];
	(pc) =	sbr.rel @p0 .LBB2_4-.Ltmp2, $4  }
0x142: {  	s11 =	rddreg [dreg:$0x3];
	s9 =	sadd.s32 s8, s10  }
0x143: {  	[hbm4b:s9+s1] =	stream.linear.scatter [tilespmem:s30], [sflag:$0xA], $0x80, $0x38;
	[tilespmem:$0x15B80] =	vst v63  }
0x144: {  	s9 =	sadd.s32 s8, s11  }
0x145: {  	[hbm4b:s9+s1] =	stream.linear.scatter [tilespmem:s29], [sflag:$0xA], $0x80, $0x38;
	[tilespmem:$0x15B80] =	vst v63  }
0x146: {  	_ =	swait.ge [sflag:s22], $0x4000  }
0x147: {  	[sflag:s22] =	ssyncset.done $0x0  }
0x148: {  	[sflag:s22] =	ssyncadd.s32 $0xFFFFC000  }
0x149: {  	_ =	swait.ge [sflag:s22], $0x80  }
0x14a: {  	[sflag:s22] =	ssyncset.done $0x0  }
0x14b: {  	[sflag:s22] =	ssyncadd.s32 $0xFFFFFF80  }
0x14c: {  	_ =	swait.ge [sflag:s22], $0x80  }
0x14d: {  	[sflag:s22] =	ssyncset.done $0x0  }
0x14e: {  	[sflag:s22] =	ssyncadd.s32 $0xFFFFFF80  }
0x14f: {  	_ =	swait.ge [sflag:s22], $0x80  }
0x150: {  	[sflag:s22] =	ssyncset.done $0x0  }
0x151: {  	[sflag:s22] =	ssyncadd.s32 $0xFFFFFF80  }
0x152: {  	[tilespmem:s23], [sflag:$0x5] =	stream.indirect.gather [hbm4b:s21+s31], $0x80, s2, s31, $0xb8;
	[tilespmem:$0x15B80] =	vst v63  }
0x153: {  	_ = 	snop  }
0x154: {  	[tilespmem:s28], [sflag:$0x5] =	stream.indirect.gather [hbm4b:s24+s31], $0x1, s2, s31, $0xb8;
	[tilespmem:$0x15B80] =	vst v63  }
.Ltmp3:
0x155: {  	s8 =	sadd.s32 $0x50, s8;
	(pc) =	sbr.rel .LBB2_2-.Ltmp3, $4  }
0x156: {  	[tilespmem:s30], [sflag:$0x5] =	stream.indirect.gather [hbm4b:s25+s31], $0x1, s2, s31, $0xb8;
	[tilespmem:$0x15B80] =	vst v63  }
0x157: {  	s7 =	sadd.s32 $0x2800, s7;
	s6 =	sadd.s32 $0x2800, s6;
	s5 =	sadd.s32 $0x2800, s5  }
0x158: {  	[tilespmem:s29], [sflag:$0x5] =	stream.indirect.gather [hbm4b:s26+s31], $0x1, s2, s31, $0xb8;
	[tilespmem:$0x15B80] =	vst v63  }
0x159: {  	s4 =	sadd.s32 $0x2800, s4;
	s3 =	sadd.s32 $0x2800, s3;
	s2 =	sadd.s32 $0x280, s2  }
.LBB2_5:
0x15a: {  	_ =	sfence.sel $0x180000  }
0x15b: {  	[bflag:$0x0] =	sbarrier.arrive $0xFFFF  }
0x15c: {  	_ =	strace $0x9000004A  }
0x15d: {  	s0 =	stileid.u32;
	[bflag:$0x2] =	sbarrier.arrive $0xFFFF  }
0x15e: {  	p0 =	sne.s32 s0, $0x0;
	s0 =	rddreg [dreg:$0x2]  }
0x15f: {  	s0 =	sadd.s32 @!p0 $0x100000, s0  }
0x160: {  	[sflag:s0] =	ssyncadd.tile.s32 @!p0 $0x1;
	_ =	shalt  }
.Lfunc_end2:
_tile_overlayer_lowered:
.L_overlay_start_2:
0x161: {  	(tag) =	ssettag $0x2  }
0x162: {  	s0 =	rddreg [dreg:$0x0];
	s2 =	stileid.u32  }
0x163: {  	s1 =	rddreg [dreg:$0x1];
	p0 =	sne.s32 s2, $0x0  }
0x164: {  	s3 =	rddreg [dreg:$0x2];
	[bflag:$0x3] =	sbarrier.arrive $0xFFFF;
	s2 =	simm.s32 @!p0 $0x1C0B  }
0x165: {  	[timem:s3], [sflag:s2] =	dma.local @!p0 [hbm:s0], s1  }
0x166: {  	s0 =	simm.s32 @!p0 $0xB  }
0x167: {  	_ =	swait.ge @!p0 [sflag:s0], s1  }
0x168: {  	s1 =	ssub.s32 @!p0 $0x0, s1;
	[sflag:s0] =	ssyncset.done @!p0 $0x0  }
0x169: {  	[sflag:s0] =	ssyncadd.s32 @!p0 s1  }
0x16a: {  	[bflag:$0x3] =	sbarrier.arrive $0xFFFF  }
0x16b: {  	_ =	shalt  }

// kernel: kernel.9.cloned.1.call-start
scs
__scs_entry_jumppad:
0x0: {  	(pc) =	sbr.rel $0x88, $3  }
0x1: {  	(tag) =	ssettag $0x0;
	lr =	simm.s32 $0x1  }
0x2: {  	[smem:$0x3F9B] =	sst lr;
	_ =	strace $0xD0000000  }
0x3: {  	_ = 	snop  }
0x4: {  	_ = 	snop  }
0x5: {  	_ = 	snop  }
0x6: {  	_ = 	snop  }
0x7: {  	_ = 	snop  }
__scs_overlays_trampoline_lowered:
0x8: {  	[smem:$0x3FAA] =	sst s0  }
0x9: {  	[smem:$0x3FAB] =	sst s1  }
0xa: {  	[smem:$0x3FAC] =	sst s2  }
0xb: {  	[smem:$0x3FAD] =	sst s3  }
0xc: {  	[smem:$0x3FAE] =	sst s4  }
0xd: {  	[smem:$0x3FAF] =	sst s5  }
0xe: {  	[smem:$0x3FB0] =	sst s6  }
0xf: {  	[smem:$0x3FB1] =	sst s7  }
0x10: {  	[smem:$0x3FB2] =	sst s8  }
0x11: {  	[smem:$0x3FB3] =	sst s9;
	s0 =	simm.s32 @!p0 $0x0  }
0x12: {  	s1 =	sld [smem:$0x3F99];
	s0 =	simm.s32 @p0 $0x1  }
0x13: {  	[smem:$0x3FB4] =	sst s0;
	s0 =	simm.s32 @!p1 $0x0  }
0x14: {  	s2 =	sld [smem:$0x3F98];
	s0 =	simm.s32 @p1 $0x1  }
0x15: {  	[smem:$0x3FB5] =	sst s0;
	s0 =	simm.s32 @!p2 $0x0  }
0x16: {  	s3 =	sld [smem:$0x3FDB];
	s0 =	simm.s32 @p2 $0x1  }
0x17: {  	s4 =	simm.s32 $0x1BF5;
	[smem:$0x3FB7] =	sst s0  }
0x18: {  	s0 =	sld [smem:$0x3F9A];
	_ =	swait.ge [sflag:s4], $0x0  }
0x19: {  	s7 =	sld [smem:$0x3F9B]  }
0x1a: {  	s8 =	sadd.s32 $0xFFFFE003, lr  }
0x1b: {  	s9 =	sadd.s32 $0xFFFFFEF7, lr;
	s5 =	simm.s32 $0xFFFFFFFF;
	p2 =	slt.u32 s8, $0xFFFFF086  }
0x1c: {  	p1 =	slt.u32 s9, $0xF7A;
	s5 =	simm.s32 @!p2 $0x0  }
0x1d: {  	s5 =	simm.s32 @p1 $0x1;
	p0 =	seq.s32 s7, s2  }
0x1e: {  	s7 =	smul.u32 @!p0 $0xF7A, s2;
	p2 =	seq.s32 @!p0 s5, $0x0  }
0x1f: {  	s9 =	smul.u32 $0xF7A, s1;
	s8 =	simm.s32 @!p0 $0x1BF5;
	p2 =	por !p2, p0  }
0x20: {  	[sflag:s8] =	ssyncset.s32 @!p0 $0xFFFFF086;
	s6 =	sadd.s32 @!p0 s3, s7;
	s7 =	simm.s32 @!p0 $0x108  }
0x21: {  	s3 =	sadd.s32 s3, s9;
	s6 =	sadd.s32 @!p0 $0x88, s6;
	s7 =	simm.s32 @p2 $0x1082  }
0x22: {  	[simem:s7], [sflag:s8] =	dma.local @!p0 [hbm:s6], $0xF7A  }
0x23: {  	s9 =	sor.u32 $0xD0000000, s2;
	s6 =	simm.s32 $0x108;
	_ =	swait.ge @!p0 [sflag:s8], $0x0  }
0x24: {  	s3 =	sadd.s32 $0x88, s3;
	s6 =	simm.s32 @!p1 $0x1082;
	[sflag:s4] =	ssyncset.s32 $0xFFFFF086  }
0x25: {  	[simem:s6], [sflag:s4] =	dma.local [hbm:s3], $0xF7A  }
0x26: {  	[smem:$0x3F9B] =	sst s1;
	(tag) =	ssettag s2;
	_ =	strace s9  }
0x27: {  	s1 =	sld [smem:$0x3FAB]  }
0x28: {  	s2 =	sld [smem:$0x3FAC]  }
0x29: {  	s4 =	sld [smem:$0x3FAE]  }
0x2a: {  	p0 =	seq.s32 s5, $0x0;
	s5 =	sld [smem:$0x3FAF]  }
0x2b: {  	s6 =	sld [smem:$0x3FB0]  }
0x2c: {  	s7 =	sld [smem:$0x3FB1]  }
0x2d: {  	s3 =	simm.s32 $0x108;
	s8 =	sld [smem:$0x3FB2]  }
0x2e: {  	s3 =	simm.s32 @!p0 $0x1082;
	s9 =	sld [smem:$0x3FB3]  }
0x2f: {  	lr =	sadd.s32 s0, s3;
	s0 =	sld [smem:$0x3FAA]  }
0x30: {  	s3 =	sld [smem:$0x3FAD]  }
0x31: {  	[smem:$0x3FB6] =	sst s10  }
0x32: {  	s10 =	sld [smem:$0x3FB4];
	_ =	sdelay $0x3  }
0x33: {  	p0 =	seq.s32 s10, $0x1;
	s10 =	sld [smem:$0x3FB6];
	_ =	sdelay $0x3  }
0x34: {  	[smem:$0x3FB6] =	sst s10  }
0x35: {  	s10 =	sld [smem:$0x3FB5];
	_ =	sdelay $0x3  }
0x36: {  	p1 =	seq.s32 s10, $0x1;
	s10 =	sld [smem:$0x3FB6];
	_ =	sdelay $0x3  }
0x37: {  	[smem:$0x3FB6] =	sst s10  }
0x38: {  	s10 =	sld [smem:$0x3FB7]  }
0x39: {  	_ = 	snop;
	(pc) =	sbr.ind lr, $3  }
0x3a: {  	_ = 	snop  }
0x3b: {  	_ = 	snop  }
0x3c: {  	p2 =	seq.s32 s10, $0x1;
	s10 =	sld [smem:$0x3FB6]  }
0x3d: {  	_ =	shalt  }
0x3e: {  	_ =	shalt  }
0x3f: {  	_ =	shalt  }
0x40: {  	_ =	shalt  }
0x41: {  	_ =	shalt  }
0x42: {  	_ =	shalt  }
0x43: {  	_ =	shalt  }
0x44: {  	_ =	shalt  }
0x45: {  	_ =	shalt  }
0x46: {  	_ =	shalt  }
0x47: {  	_ =	shalt  }
0x48: {  	_ =	shalt  }
0x49: {  	_ =	shalt  }
0x4a: {  	_ =	shalt  }
0x4b: {  	_ =	shalt  }
0x4c: {  	_ =	shalt  }
0x4d: {  	_ =	shalt  }
0x4e: {  	_ =	shalt  }
0x4f: {  	_ =	shalt  }
0x50: {  	_ =	shalt  }
0x51: {  	_ =	shalt  }
0x52: {  	_ =	shalt  }
0x53: {  	_ =	shalt  }
0x54: {  	_ =	shalt  }
0x55: {  	_ =	shalt  }
0x56: {  	_ =	shalt  }
0x57: {  	_ =	shalt  }
0x58: {  	_ =	shalt  }
0x59: {  	_ =	shalt  }
0x5a: {  	_ =	shalt  }
0x5b: {  	_ =	shalt  }
0x5c: {  	_ =	shalt  }
0x5d: {  	_ =	shalt  }
0x5e: {  	_ =	shalt  }
0x5f: {  	_ =	shalt  }
0x60: {  	_ =	shalt  }
0x61: {  	_ =	shalt  }
0x62: {  	_ =	shalt  }
0x63: {  	_ =	shalt  }
0x64: {  	_ =	shalt  }
0x65: {  	_ =	shalt  }
0x66: {  	_ =	shalt  }
0x67: {  	_ =	shalt  }
0x68: {  	_ =	shalt  }
0x69: {  	_ =	shalt  }
0x6a: {  	_ =	shalt  }
0x6b: {  	_ =	shalt  }
0x6c: {  	_ =	shalt  }
0x6d: {  	_ =	shalt  }
0x6e: {  	_ =	shalt  }
0x6f: {  	_ =	shalt  }
0x70: {  	_ =	shalt  }
0x71: {  	_ =	shalt  }
0x72: {  	_ =	shalt  }
0x73: {  	_ =	shalt  }
0x74: {  	_ =	shalt  }
0x75: {  	_ =	shalt  }
0x76: {  	_ =	shalt  }
0x77: {  	_ =	shalt  }
0x78: {  	_ =	shalt  }
0x79: {  	_ =	shalt  }
0x7a: {  	_ =	shalt  }
0x7b: {  	_ =	shalt  }
0x7c: {  	_ =	shalt  }
0x7d: {  	_ =	shalt  }
0x7e: {  	_ =	shalt  }
0x7f: {  	_ =	shalt  }
0x80: {  	_ =	shalt  }
0x81: {  	_ =	shalt  }
0x82: {  	_ =	shalt  }
0x83: {  	_ =	shalt  }
0x84: {  	_ =	shalt  }
0x85: {  	_ =	shalt  }
0x86: {  	_ =	shalt  }
0x87: {  	_ =	shalt  }
.Lfunc_end0:
.L_simem_size_0:
called_computation.1_lowered:
.L_overlay_start_0:
0x88: {  	s2 =	sld [smem:$0x3FD9]  }
0x89: {  	s3 =	sld [smem:$0x3FFE];
	_ =	sdelay $0x1  }
0x8a: {  	s1 =	srdreg.scid  }
0x8b: {  	s0 =	sand.u32 $0x1, s1  }
0x8c: {  	s17 =	sshll.u32 s0, $0xA;
	s2 =	sadd.s32 s3, s2  }
0x8d: {  	s2 =	sadd.s32 s2, s17  }
0x8e: {  	[smem:$0x3FC2] =	sst s2  }
0x8f: {  	_ = 	snop  }
0x90: {  	s2 =	sld [smem:$0x3FC6]  }
0x91: {  	s18 =	sld [smem:$0x3FD0];
	(tm) =	ssettm $0x1  }
0x92: {  	s4 =	sld [smem:$0x3FFB];
	_ =	sdelay $0x3  }
0x93: {  	_ =	strace s4  }
0x94: {  	s4 =	sld [smem:$0x3FFC];
	_ =	sdelay $0x3  }
0x95: {  	_ =	strace s4  }
0x96: {  	s4 =	sld [smem:$0x3FFD];
	_ =	sdelay $0x3  }
0x97: {  	_ =	strace s4  }
0x98: {  	_ =	strace $0x8FFFFFFF  }
0x99: {  	s19 =	sld [smem:$0x3FDB];
	_ =	sdelay $0x1  }
0x9a: {  	s5 =	simm.s32 $_scs_section_size  }
0x9b: {  	s6 =	simm.s32 $_size__tile_overlayer_lowered;
	s7 =	simm.s32 $_tile_overlayer_lowered  }
0x9c: {  	s22 =	simm.s32 $0x1BFF;
	s21 =	sshll.u32 s7, $0x1;
	s4 =	sadd.s32 s5, s19  }
0x9d: {  	s8 =	simm.s32 $0x0;
	s20 =	sshll.u32 s6, $0x1;
	s6 =	sadd.s32 s21, s4  }
0x9e: {  	[timem:s8], [sflag:s22] =	dma.local [hbm:s6], s20  }
0x9f: {  	_ =	swait.ge [sflag:s22], s20  }
0xa0: {  	s5 =	ssub.s32 $0x0, s20;
	[sflag:s22] =	ssyncset.done $0x0  }
0xa1: {  	[sflag:s22] =	ssyncadd.s32 s5;
	_ =	sdelay $0x1  }
0xa2: {  	s23 =	simm.s32 $0x1B8B  }
0xa3: {  	_ =	swait.ge [sflag:s23], $0x1  }
0xa4: {  	[sflag:s23] =	ssyncset.done $0x0  }
0xa5: {  	s25 =	simm.s32 $0x1B8E;
	s24 =	sld [smem:$0x3FFE];
	[sflag:s23] =	ssyncadd.s32 $0xFFFFFFFF  }
0xa6: {  	s26 =	simm.s32 $execute0_lowered;
	[smem:$0x3FD2] =	sst s25  }
0xa7: {  	s6 =	sshll.u32 s26, $0x1;
	_ =	strace $0x80000046;
	[dreg:$0x1] =	wrdreg $0xFFFFFFFF  }
0xa8: {  	s28 =	simm.s32 $_size_execute0_lowered;
	s4 =	sadd.s32 s4, s6;
	[dreg:$0x0] =	wrdreg $0x0  }
0xa9: {  	s6 =	sshll.u32 s28, $0x1;
	[dreg:$0x2] =	wrdreg s4  }
0xaa: {  	[dreg:$0x3] =	wrdreg s6  }
0xab: {  	[dreg:$0x4] =	wrdreg $0xC0  }
0xac: {  	_ =	task [dreg:s8], $0x5FFFF  }
0xad: {  	[dreg:$0x1] =	wrdreg $0xFFFFFFFF  }
0xae: {  	[dreg:$0x0] =	wrdreg $0x60  }
0xaf: {  	[dreg:$0x2] =	wrdreg s2  }
0xb0: {  	[dreg:$0x3] =	wrdreg s24  }
0xb1: {  	[dreg:$0x4] =	wrdreg s18  }
0xb2: {  	[dreg:$0x5] =	wrdreg $0xA  }
0xb3: {  	_ =	task.clear_ibuf [dreg:s8], $0x6FFFF;
	_ =	strace $0x90000046  }
0xb4: {  	s29 =	simm.s32 $0xA;
	_ =	strace $0x80000048  }
0xb5: {  	_ =	swait.ge [sflag:s29], $0x1  }
0xb6: {  	[sflag:s29] =	ssyncadd.s32 $0xFFFFFFFF  }
0xb7: {  	_ =	strace $0x90000048  }
0xb8: {  	_ =	sfence  }
0xb9: {  	s30 =	sld [smem:$0x0];
	_ =	sdelay $0x2  }
0xba: {  	s31 =	sshll.u32 s1, $0xD;
	s1 =	sshrl.u32 s1, $0x2  }
0xbb: {  	s3 =	sand.u32 $0x4000, s31;
	s1 =	sadd.s32 s1, s30  }
0xbc: {  	s0 =	sor.u32 s3, s0;
	s1 =	sshll.u32 s1, $0x11  }
0xbd: {  	s0 =	sor.u32 s1, s0  }
0xbe: {  	s0 =	sadd.s32 $0x8F2B, s0  }
0xbf: {  	[sflag:s0] =	ssyncadd.remote.s32 $0x1  }
0xc0: {  	_ =	sfence.sel $0xFFFF  }
0xc1: {  	[dreg:$0x0] =	wrdreg $0xFFFFFFFF;
	(pc) =	sbr.abs _section_cstart, $3  }
0xc2: {  	[dreg:$0x1] =	wrdreg $0xFFFFFFFF  }
0xc3: {  	_ =	task.clear_ibuf [dreg:s8], $0x2FFFF;
	_ =	strace $0x9FFFFFFF  }
0xc4: {  	(tm) =	ssettm $0x7FFFFFFF  }
0xc5: {  	_ =	shalt  }
tec
execute0_lowered:
.L_overlay_start_1:
0x0: {  	(tag) =	ssettag $0x1  }
0x1: {  	s0 =	rddreg [dreg:$0x1]  }
0x2: {  	s2 =	rddreg [dreg:$0x2];
	s1 =	simm.s32 $0x0;
	s3 =	srdreg.scid  }
0x3: {  	s12 =	stileid.u32;
	s31 =	simm.s32 $0x80;
	s30 =	simm.s32 $0x15A80  }
0x4: {  	s29 =	simm.s32 $0x15B00;
	s3 =	sand.u32 $0x1, s3;
	s4 =	sshll.u32 s12, $0x1  }
0x5: {  	s5 =	smul.u32 $0x2800, s12;
	[smem:$0x7FF] =	sst s1;
	s7 =	sadd.s32 $0x2E00, s0  }
0x6: {  	s8 =	sadd.s32 $0x7E00, s0;
	s4 =	sor.u32 s3, s4;
	s6 =	smul.u32 $0x1400, s3  }
0x7: {  	s9 =	sadd.s32 $0xCE00, s0;
	s10 =	ssub.s32 $0x2, s3;
	s4 =	smul.u32 $0x1400, s4  }
0x8: {  	s28 =	sadd.s32 $0x1C00, s0;
	s3 =	smul.u32 $0x14000, s3;
	s14 =	sshrl.u32 s10, $0x1  }
0x9: {  	s5 =	sadd.s32 s6, s5;
	s6 =	ssub.s32 s10, s14;
	s4 =	sshrl.u32 s4, $0x3  }
0xa: {  	s18 =	sor.u32 $0x200, s5;
	s19 =	sor.u32 $0x180, s5;
	s21 =	sor.u32 $0x100, s5  }
0xb: {  	s25 =	sor.u32 $0x80, s5;
	s5 =	sshrl.u32 s5, $0x3;
	s2 =	sadd.s32 s2, s4  }
0xc: {  	s15 =	sshrl.u32 s18, $0x3;
	s20 =	sshrl.u32 s19, $0x3;
	s23 =	sshrl.u32 s21, $0x3  }
0xd: {  	s14 =	sshrl.u32 s25, $0x3;
	[dreg:$0x4] =	wrdreg s2;
	s16 =	sadd.s32 s15, s9  }
0xe: {  	s18 =	sshll.u32 s18, $0x4;
	s17 =	sadd.s32 s15, s8;
	[dreg:$0x5] =	wrdreg s16  }
0xf: {  	s4 =	sshll.u32 s19, $0x4;
	s2 =	sadd.s32 s15, s7;
	[dreg:$0x6] =	wrdreg s17  }
0x10: {  	s19 =	sshll.u32 s21, $0x4;
	s11 =	sadd.s32 s20, s9;
	[dreg:$0x7] =	wrdreg s2  }
0x11: {  	s21 =	smul.u32 $0x28000, s12;
	s22 =	sadd.s32 s20, s8;
	[dreg:$0x8] =	wrdreg s11  }
0x12: {  	s24 =	sadd.s32 s23, s9;
	s13 =	sadd.s32 s23, s8;
	[dreg:$0x9] =	wrdreg s22  }
0x13: {  	s26 =	sadd.s32 s14, s9;
	s15 =	sadd.s32 s5, s9;
	[dreg:$0xb] =	wrdreg s24  }
0x14: {  	s2 =	sadd.s32 s20, s7;
	[dreg:$0xc] =	wrdreg s13;
	s11 =	sadd.s32 s23, s7  }
0x15: {  	[dreg:$0xe] =	wrdreg s26;
	s13 =	sadd.s32 s14, s8;
	s14 =	sadd.s32 s14, s7  }
0x16: {  	s16 =	sadd.s32 s5, s8;
	s17 =	sadd.s32 s5, s7;
	s22 =	rddreg [dreg:$0x0]  }
0x17: {  	s26 =	sadd.s32 $0x2200, s0;
	s24 =	smax.u32 s6, $0x1;
	[dreg:$0xa] =	wrdreg s2  }
0x18: {  	[dreg:$0xd] =	wrdreg s11;
	s11 =	sadd.s32 $0x11E00, s0;
	s2 =	sshll.u32 s25, $0x4  }
0x19: {  	s25 =	sadd.s32 $0x2800, s0;
	s0 =	simm.s32 $0x2;
	s7 =	sadd.s32 s18, s11  }
0x1a: {  	s4 =	sadd.s32 s4, s11;
	s20 =	sadd.s32 s19, s11;
	[dreg:$0xf] =	wrdreg s7  }
0x1b: {  	s2 =	sadd.s32 s2, s11;
	s23 =	sadd.s32 s21, s11;
	[dreg:$0x10] =	wrdreg s4  }
.Ltmp0:
0x1c: {  	s21 =	simm.s32 $0x1;
	[dreg:$0x11] =	wrdreg s20;
	(pc) =	sbr.rel .LBB2_1-.Ltmp0, $4  }
0x1d: {  	s18 =	simm.s32 $0x4;
	s19 =	simm.s32 $0x5;
	[dreg:$0x12] =	wrdreg s2  }
0x1e: {  	s2 =	sadd.s32 s3, s23;
	s23 =	simm.s32 $0x11400;
	s20 =	simm.s32 $0xA  }
0x1f: {  	s4 =	simm.s32 $0x0;
	[dreg:$0x13] =	wrdreg s2;
	s2 =	simm.s32 $0x3  }
0x20: {  	_ =	strace $0x80000047;
	[dreg:$0x14] =	wrdreg s24;
	s24 =	simm.s32 $0x15A00  }
.LBB2_4:
0x21: {  	s3 =	simm.s32 $0x6  }
0x22: {  	_ =	swait.ge [sflag:s3], $0x4000  }
0x23: {  	[sflag:s3] =	ssyncset.done $0x0  }
0x24: {  	[sflag:s3] =	ssyncadd.s32 $0xFFFFC000  }
0x25: {  	_ =	swait.ge [sflag:s3], $0x80  }
0x26: {  	[sflag:s3] =	ssyncset.done $0x0  }
0x27: {  	[sflag:s3] =	ssyncadd.s32 $0xFFFFFF80  }
0x28: {  	_ =	swait.ge [sflag:s3], $0x80  }
0x29: {  	[sflag:s3] =	ssyncset.done $0x0  }
0x2a: {  	[sflag:s3] =	ssyncadd.s32 $0xFFFFFF80  }
0x2b: {  	_ =	swait.ge [sflag:s3], $0x80  }
0x2c: {  	[sflag:s3] =	ssyncset.done $0x0  }
0x2d: {  	s9 =	simm.s32 $0x7;
	[sflag:s3] =	ssyncadd.s32 $0xFFFFFF80  }
0x2e: {  	_ =	swait.ge [sflag:s9], $0x4000  }
0x2f: {  	[sflag:s9] =	ssyncset.done $0x0  }
0x30: {  	[sflag:s9] =	ssyncadd.s32 $0xFFFFC000  }
0x31: {  	_ =	swait.ge [sflag:s9], $0x80  }
0x32: {  	[sflag:s9] =	ssyncset.done $0x0  }
0x33: {  	[sflag:s9] =	ssyncadd.s32 $0xFFFFFF80  }
0x34: {  	_ =	swait.ge [sflag:s9], $0x80  }
0x35: {  	[sflag:s9] =	ssyncset.done $0x0  }
0x36: {  	[sflag:s9] =	ssyncadd.s32 $0xFFFFFF80  }
0x37: {  	_ =	swait.ge [sflag:s9], $0x80  }
0x38: {  	[sflag:s9] =	ssyncset.done $0x0  }
0x39: {  	s10 =	simm.s32 $0x8;
	[sflag:s9] =	ssyncadd.s32 $0xFFFFFF80  }
0x3a: {  	_ =	swait.ge [sflag:s10], $0x4000  }
0x3b: {  	[sflag:s10] =	ssyncset.done $0x0  }
0x3c: {  	[sflag:s10] =	ssyncadd.s32 $0xFFFFC000  }
0x3d: {  	_ =	swait.ge [sflag:s10], $0x80  }
0x3e: {  	[sflag:s10] =	ssyncset.done $0x0  }
0x3f: {  	[sflag:s10] =	ssyncadd.s32 $0xFFFFFF80  }
0x40: {  	_ =	swait.ge [sflag:s10], $0x80  }
0x41: {  	[sflag:s10] =	ssyncset.done $0x0  }
0x42: {  	[sflag:s10] =	ssyncadd.s32 $0xFFFFFF80  }
0x43: {  	_ =	swait.ge [sflag:s10], $0x80  }
0x44: {  	[sflag:s10] =	ssyncset.done $0x0  }
0x45: {  	s11 =	simm.s32 $0x9;
	[sflag:s10] =	ssyncadd.s32 $0xFFFFFF80  }
0x46: {  	_ =	swait.ge [sflag:s11], $0x4000  }
0x47: {  	[sflag:s11] =	ssyncset.done $0x0  }
0x48: {  	[sflag:s11] =	ssyncadd.s32 $0xFFFFC000  }
0x49: {  	_ =	swait.ge [sflag:s11], $0x80  }
0x4a: {  	[sflag:s11] =	ssyncset.done $0x0  }
0x4b: {  	[sflag:s11] =	ssyncadd.s32 $0xFFFFFF80  }
0x4c: {  	_ =	swait.ge [sflag:s11], $0x80  }
0x4d: {  	[sflag:s11] =	ssyncset.done $0x0  }
0x4e: {  	[sflag:s11] =	ssyncadd.s32 $0xFFFFFF80  }
0x4f: {  	_ =	swait.ge [sflag:s11], $0x80  }
0x50: {  	[sflag:s11] =	ssyncset.done $0x0  }
0x51: {  	[sflag:s11] =	ssyncadd.s32 $0xFFFFFF80  }
0x52: {  	_ =	swait.ge [sflag:s20], $0x4000  }
0x53: {  	[sflag:s20] =	ssyncset.done $0x0  }
0x54: {  	[sflag:s20] =	ssyncadd.s32 $0xFFFFC000  }
0x55: {  	_ =	swait.ge [sflag:s20], $0x80  }
0x56: {  	[sflag:s20] =	ssyncset.done $0x0  }
0x57: {  	[sflag:s20] =	ssyncadd.s32 $0xFFFFFF80  }
0x58: {  	_ =	swait.ge [sflag:s20], $0x80  }
0x59: {  	[sflag:s20] =	ssyncset.done $0x0  }
0x5a: {  	[sflag:s20] =	ssyncadd.s32 $0xFFFFFF80  }
0x5b: {  	_ =	swait.ge [sflag:s20], $0x80  }
0x5c: {  	s4 =	rddreg [dreg:$0x15]  }
0x5d: {  	s12 =	rddreg [dreg:$0x14];
	s4 =	sadd.s32 $0x1, s4  }
0x5e: {  	p0 =	sne.s32 s4, s12  }
.Ltmp1:
0x5f: {  	_ = 	snop;
	(pc) =	sbr.rel @!p0 .LBB2_5-.Ltmp1, $3  }
0x60: {  	_ =	sdelay $0x1  }
0x61: {  	[sflag:s20] =	ssyncset.done $0x0  }
0x62: {  	[sflag:s20] =	ssyncadd.s32 $0xFFFFFF80  }
.LBB2_1:
0x63: {  	[dreg:$0x15] =	wrdreg s4  }
0x64: {  	s3 =	rddreg [dreg:$0x4];
	s10 =	simm.s32 $0xB  }
0x65: {  	[tilespmem:s1], [sflag:$0xB] =	stream.linear.gather [hbm4b:s3+s1], $0x1400, $0x38;
	[tilespmem:$0x15B80] =	vst v63  }
0x66: {  	_ =	swait.ge [sflag:s10], $0x1400  }
0x67: {  	[sflag:s10] =	ssyncset.done $0x0  }
0x68: {  	s11 =	simm.s32 $0x1400;
	[sflag:s10] =	ssyncadd.s32 $0xFFFFEC00  }
0x69: {  	[tilespmem:s11], [sflag:$0x1] =	stream.indirect.gather [hbm4b:s22+s31], $0x80, s1, s31, $0xb8;
	[tilespmem:$0x15B80] =	vst v63  }
0x6a: {  	s12 =	simm.s32 $0x15400  }
0x6b: {  	[tilespmem:s12], [sflag:$0x1] =	stream.indirect.gather [hbm4b:s25+s31], $0x1, s1, s31, $0xb8;
	[tilespmem:$0x15B80] =	vst v63  }
0x6c: {  	s4 =	simm.s32 $0x15480  }
0x6d: {  	[tilespmem:s4], [sflag:$0x1] =	stream.indirect.gather [hbm4b:s26+s31], $0x1, s1, s31, $0xb8;
	[tilespmem:$0x15B80] =	vst v63  }
0x6e: {  	s5 =	simm.s32 $0x15500  }
0x6f: {  	[tilespmem:s5], [sflag:$0x1] =	stream.indirect.gather [hbm4b:s28+s31], $0x1, s1, s31, $0xb8;
	[tilespmem:$0x15B80] =	vst v63  }
0x70: {  	s6 =	simm.s32 $0x5400  }
0x71: {  	[tilespmem:s6], [sflag:$0x2] =	stream.indirect.gather [hbm4b:s22+s31], $0x80, s31, s31, $0xb8;
	[tilespmem:$0x15B80] =	vst v63  }
0x72: {  	s7 =	simm.s32 $0x15580  }
0x73: {  	[tilespmem:s7], [sflag:$0x2] =	stream.indirect.gather [hbm4b:s25+s31], $0x1, s31, s31, $0xb8;
	[tilespmem:$0x15B80] =	vst v63  }
0x74: {  	s8 =	simm.s32 $0x15600  }
0x75: {  	[tilespmem:s8], [sflag:$0x2] =	stream.indirect.gather [hbm4b:s26+s31], $0x1, s31, s31, $0xb8;
	[tilespmem:$0x15B80] =	vst v63  }
0x76: {  	s9 =	simm.s32 $0x15680  }
0x77: {  	[tilespmem:s9], [sflag:$0x2] =	stream.indirect.gather [hbm4b:s28+s31], $0x1, s31, s31, $0xb8;
	[tilespmem:$0x15B80] =	vst v63  }
0x78: {  	s10 =	simm.s32 $0x100;
	s11 =	simm.s32 $0x9400  }
0x79: {  	[tilespmem:s11], [sflag:$0x3] =	stream.indirect.gather [hbm4b:s22+s31], $0x80, s10, s31, $0xb8;
	[tilespmem:$0x15B80] =	vst v63  }
0x7a: {  	s12 =	simm.s32 $0x15700  }
0x7b: {  	[tilespmem:s12], [sflag:$0x3] =	stream.indirect.gather [hbm4b:s25+s31], $0x1, s10, s31, $0xb8;
	[tilespmem:$0x15B80] =	vst v63  }
0x7c: {  	s5 =	simm.s32 $0x15780  }
0x7d: {  	[tilespmem:s5], [sflag:$0x3] =	stream.indirect.gather [hbm4b:s26+s31], $0x1, s10, s31, $0xb8;
	[tilespmem:$0x15B80] =	vst v63  }
0x7e: {  	s6 =	simm.s32 $0x15800  }
0x7f: {  	[tilespmem:s6], [sflag:$0x3] =	stream.indirect.gather [hbm4b:s28+s31], $0x1, s10, s31, $0xb8;
	[tilespmem:$0x15B80] =	vst v63  }
0x80: {  	s7 =	simm.s32 $0x180;
	s8 =	simm.s32 $0xD400  }
0x81: {  	[tilespmem:s8], [sflag:$0x4] =	stream.indirect.gather [hbm4b:s22+s31], $0x80, s7, s31, $0xb8;
	[tilespmem:$0x15B80] =	vst v63  }
0x82: {  	s9 =	simm.s32 $0x15880  }
0x83: {  	[tilespmem:s9], [sflag:$0x4] =	stream.indirect.gather [hbm4b:s25+s31], $0x1, s7, s31, $0xb8;
	[tilespmem:$0x15B80] =	vst v63  }
0x84: {  	s10 =	simm.s32 $0x15900  }
0x85: {  	[tilespmem:s10], [sflag:$0x4] =	stream.indirect.gather [hbm4b:s26+s31], $0x1, s7, s31, $0xb8;
	[tilespmem:$0x15B80] =	vst v63  }
0x86: {  	s4 =	rddreg [dreg:$0x13];
	s11 =	simm.s32 $0x15980  }
0x87: {  	[tilespmem:s11], [sflag:$0x4] =	stream.indirect.gather [hbm4b:s28+s31], $0x1, s7, s31, $0xb8;
	[tilespmem:$0x15B80] =	vst v63  }
0x88: {  	s12 =	simm.s32 $0x200;
	s5 =	rddreg [dreg:$0x12]  }
0x89: {  	[tilespmem:s23], [sflag:$0x5] =	stream.indirect.gather [hbm4b:s22+s31], $0x80, s12, s31, $0xb8;
	[tilespmem:$0x15B80] =	vst v63  }
0x8a: {  	s6 =	rddreg [dreg:$0x11]  }
0x8b: {  	[tilespmem:s24], [sflag:$0x5] =	stream.indirect.gather [hbm4b:s25+s31], $0x1, s12, s31, $0xb8;
	[tilespmem:$0x15B80] =	vst v63  }
0x8c: {  	s8 =	rddreg [dreg:$0xf]  }
0x8d: {  	[tilespmem:s30], [sflag:$0x5] =	stream.indirect.gather [hbm4b:s26+s31], $0x1, s12, s31, $0xb8;
	[tilespmem:$0x15B80] =	vst v63  }
0x8e: {  	s3 =	simm.s32 $0x480;
	s9 =	simm.s32 $0x0;
	s7 =	rddreg [dreg:$0x10]  }
0x8f: {  	[tilespmem:s29], [sflag:$0x5] =	stream.indirect.gather [hbm4b:s28+s31], $0x1, s12, s31, $0xb8;
	[tilespmem:$0x15B80] =	vst v63  }
.LBB2_2:
0x90: {  	_ =	swait.ge [sflag:s21], $0x4000  }
0x91: {  	[sflag:s21] =	ssyncset.done $0x0  }
0x92: {  	[sflag:s21] =	ssyncadd.s32 $0xFFFFC000  }
0x93: {  	_ =	swait.ge [sflag:s21], $0x80  }
0x94: {  	[sflag:s21] =	ssyncset.done $0x0  }
0x95: {  	[sflag:s21] =	ssyncadd.s32 $0xFFFFFF80  }
0x96: {  	_ =	swait.ge [sflag:s21], $0x80  }
0x97: {  	[sflag:s21] =	ssyncset.done $0x0  }
0x98: {  	[sflag:s21] =	ssyncadd.s32 $0xFFFFFF80  }
0x99: {  	_ =	swait.ge [sflag:s21], $0x80  }
0x9a: {  	[sflag:s21] =	ssyncset.done $0x0  }
0x9b: {  	s10 =	simm.s32 $0x1400;
	[sflag:s21] =	ssyncadd.s32 $0xFFFFFF80  }
0x9c: {  	[hbm4b:s4+s1] =	stream.linear.scatter [tilespmem:s10], [sflag:$0x6], $0x4000, $0x38;
	[tilespmem:$0x15B80] =	vst v63  }
0x9d: {  	s12 =	sadd.s32 s9, s17;
	s11 =	simm.s32 $0x15400  }
0x9e: {  	[hbm4b:s12+s1] =	stream.linear.scatter [tilespmem:s11], [sflag:$0x6], $0x80, $0x38;
	[tilespmem:$0x15B80] =	vst v63  }
0x9f: {  	p0 =	seq.s32 s9, $0x230;
	s11 =	sadd.s32 s9, s16;
	s12 =	simm.s32 $0x15480  }
0xa0: {  	[hbm4b:s11+s1] =	stream.linear.scatter [tilespmem:s12], [sflag:$0x6], $0x80, $0x38;
	[tilespmem:$0x15B80] =	vst v63  }
0xa1: {  	s10 =	simm.s32 @!p0 $0x6;
	s11 =	sadd.s32 s9, s15;
	s12 =	simm.s32 $0x15500  }
0xa2: {  	[hbm4b:s11+s1] =	stream.linear.scatter [tilespmem:s12], [sflag:$0x6], $0x80, $0x38;
	[tilespmem:$0x15B80] =	vst v63  }
0xa3: {  	_ =	swait.ge @!p0 [sflag:s10], $0x4000  }
0xa4: {  	[sflag:s10] =	ssyncset.done @!p0 $0x0  }
0xa5: {  	[sflag:s10] =	ssyncadd.s32 @!p0 $0xFFFFC000  }
0xa6: {  	_ =	swait.ge @!p0 [sflag:s10], $0x80  }
0xa7: {  	[sflag:s10] =	ssyncset.done @!p0 $0x0  }
0xa8: {  	[sflag:s10] =	ssyncadd.s32 @!p0 $0xFFFFFF80  }
0xa9: {  	_ =	swait.ge @!p0 [sflag:s10], $0x80  }
0xaa: {  	[sflag:s10] =	ssyncset.done @!p0 $0x0  }
0xab: {  	[sflag:s10] =	ssyncadd.s32 @!p0 $0xFFFFFF80  }
0xac: {  	_ =	swait.ge @!p0 [sflag:s10], $0x80  }
0xad: {  	s11 =	sadd.s32 @!p0 $0xFFFFFE00, s3;
	[sflag:s10] =	ssyncset.done @!p0 $0x0  }
0xae: {  	s12 =	simm.s32 @!p0 $0x1400;
	[sflag:s10] =	ssyncadd.s32 @!p0 $0xFFFFFF80;
	s10 =	simm.s32 @!p0 $0x80  }
0xaf: {  	[tilespmem:s12], [sflag:$0x1] =	stream.indirect.gather @!p0 [hbm4b:s22+s10], $0x80, s11, s10, $0xb8;
	[tilespmem:$0x15B80] =	vst v63  }
0xb0: {  	s12 =	simm.s32 @!p0 $0x15400  }
0xb1: {  	[tilespmem:s12], [sflag:$0x1] =	stream.indirect.gather @!p0 [hbm4b:s25+s10], $0x1, s11, s10, $0xb8;
	[tilespmem:$0x15B80] =	vst v63  }
0xb2: {  	s12 =	simm.s32 @!p0 $0x15480  }
0xb3: {  	[tilespmem:s12], [sflag:$0x1] =	stream.indirect.gather @!p0 [hbm4b:s26+s10], $0x1, s11, s10, $0xb8;
	[tilespmem:$0x15B80] =	vst v63  }
0xb4: {  	s12 =	simm.s32 @!p0 $0x15500  }
0xb5: {  	[tilespmem:s12], [sflag:$0x1] =	stream.indirect.gather @!p0 [hbm4b:s28+s10], $0x1, s11, s10, $0xb8;
	[tilespmem:$0x15B80] =	vst v63  }
0xb6: {  	_ =	swait.ge [sflag:s0], $0x4000  }
0xb7: {  	[sflag:s0] =	ssyncset.done $0x0  }
0xb8: {  	[sflag:s0] =	ssyncadd.s32 $0xFFFFC000  }
0xb9: {  	_ =	swait.ge [sflag:s0], $0x80  }
0xba: {  	[sflag:s0] =	ssyncset.done $0x0  }
0xbb: {  	[sflag:s0] =	ssyncadd.s32 $0xFFFFFF80  }
0xbc: {  	_ =	swait.ge [sflag:s0], $0x80  }
0xbd: {  	[sflag:s0] =	ssyncset.done $0x0  }
0xbe: {  	[sflag:s0] =	ssyncadd.s32 $0xFFFFFF80  }
0xbf: {  	_ =	swait.ge [sflag:s0], $0x80  }
0xc0: {  	[sflag:s0] =	ssyncset.done $0x0  }
0xc1: {  	s12 =	simm.s32 $0x5400;
	[sflag:s0] =	ssyncadd.s32 $0xFFFFFF80  }
0xc2: {  	[hbm4b:s5+s1] =	stream.linear.scatter [tilespmem:s12], [sflag:$0x7], $0x4000, $0x38;
	[tilespmem:$0x15B80] =	vst v63  }
0xc3: {  	s11 =	sadd.s32 s9, s14;
	s12 =	simm.s32 $0x15580  }
0xc4: {  	[hbm4b:s11+s1] =	stream.linear.scatter [tilespmem:s12], [sflag:$0x7], $0x80, $0x38;
	[tilespmem:$0x15B80] =	vst v63  }
0xc5: {  	s11 =	sadd.s32 s9, s13;
	s12 =	simm.s32 $0x15600  }
0xc6: {  	[hbm4b:s11+s1] =	stream.linear.scatter [tilespmem:s12], [sflag:$0x7], $0x80, $0x38;
	[tilespmem:$0x15B80] =	vst v63  }
0xc7: {  	s12 =	rddreg [dreg:$0xe]  }
0xc8: {  	s11 =	sadd.s32 s9, s12;
	s12 =	simm.s32 $0x15680  }
0xc9: {  	[hbm4b:s11+s1] =	stream.linear.scatter [tilespmem:s12], [sflag:$0x7], $0x80, $0x38;
	[tilespmem:$0x15B80] =	vst v63  }
0xca: {  	s11 =	simm.s32 @!p0 $0x7  }
0xcb: {  	_ =	swait.ge @!p0 [sflag:s11], $0x4000  }
0xcc: {  	[sflag:s11] =	ssyncset.done @!p0 $0x0  }
0xcd: {  	[sflag:s11] =	ssyncadd.s32 @!p0 $0xFFFFC000  }
0xce: {  	_ =	swait.ge @!p0 [sflag:s11], $0x80  }
0xcf: {  	[sflag:s11] =	ssyncset.done @!p0 $0x0  }
0xd0: {  	[sflag:s11] =	ssyncadd.s32 @!p0 $0xFFFFFF80  }
0xd1: {  	_ =	swait.ge @!p0 [sflag:s11], $0x80  }
0xd2: {  	[sflag:s11] =	ssyncset.done @!p0 $0x0  }
0xd3: {  	[sflag:s11] =	ssyncadd.s32 @!p0 $0xFFFFFF80  }
0xd4: {  	_ =	swait.ge @!p0 [sflag:s11], $0x80  }
0xd5: {  	[sflag:s11] =	ssyncset.done @!p0 $0x0  }
0xd6: {  	s12 =	simm.s32 @!p0 $0x5400;
	[sflag:s11] =	ssyncadd.s32 @!p0 $0xFFFFFF80;
	s11 =	sadd.s32 @!p0 $0xFFFFFE80, s3  }
0xd7: {  	[tilespmem:s12], [sflag:$0x2] =	stream.indirect.gather @!p0 [hbm4b:s22+s10], $0x80, s11, s10, $0xb8;
	[tilespmem:$0x15B80] =	vst v63  }
0xd8: {  	s12 =	simm.s32 @!p0 $0x15580  }
0xd9: {  	[tilespmem:s12], [sflag:$0x2] =	stream.indirect.gather @!p0 [hbm4b:s25+s10], $0x1, s11, s10, $0xb8;
	[tilespmem:$0x15B80] =	vst v63  }
0xda: {  	s12 =	simm.s32 @!p0 $0x15600  }
0xdb: {  	[tilespmem:s12], [sflag:$0x2] =	stream.indirect.gather @!p0 [hbm4b:s26+s10], $0x1, s11, s10, $0xb8;
	[tilespmem:$0x15B80] =	vst v63  }
0xdc: {  	s12 =	simm.s32 @!p0 $0x15680  }
0xdd: {  	[tilespmem:s12], [sflag:$0x2] =	stream.indirect.gather @!p0 [hbm4b:s28+s10], $0x1, s11, s10, $0xb8;
	[tilespmem:$0x15B80] =	vst v63  }
0xde: {  	_ =	swait.ge [sflag:s2], $0x4000  }
0xdf: {  	[sflag:s2] =	ssyncset.done $0x0  }
0xe0: {  	[sflag:s2] =	ssyncadd.s32 $0xFFFFC000  }
0xe1: {  	_ =	swait.ge [sflag:s2], $0x80  }
0xe2: {  	[sflag:s2] =	ssyncset.done $0x0  }
0xe3: {  	[sflag:s2] =	ssyncadd.s32 $0xFFFFFF80  }
0xe4: {  	_ =	swait.ge [sflag:s2], $0x80  }
0xe5: {  	[sflag:s2] =	ssyncset.done $0x0  }
0xe6: {  	[sflag:s2] =	ssyncadd.s32 $0xFFFFFF80  }
0xe7: {  	_ =	swait.ge [sflag:s2], $0x80  }
0xe8: {  	[sflag:s2] =	ssyncset.done $0x0  }
0xe9: {  	s12 =	simm.s32 $0x9400;
	[sflag:s2] =	ssyncadd.s32 $0xFFFFFF80  }
0xea: {  	[hbm4b:s6+s1] =	stream.linear.scatter [tilespmem:s12], [sflag:$0x8], $0x4000, $0x38;
	[tilespmem:$0x15B80] =	vst v63  }
0xeb: {  	s12 =	rddreg [dreg:$0xd]  }
0xec: {  	s11 =	sadd.s32 s9, s12;
	s12 =	simm.s32 $0x15700  }
0xed: {  	[hbm4b:s11+s1] =	stream.linear.scatter [tilespmem:s12], [sflag:$0x8], $0x80, $0x38;
	[tilespmem:$0x15B80] =	vst v63  }
0xee: {  	s12 =	rddreg [dreg:$0xc]  }
0xef: {  	s11 =	sadd.s32 s9, s12;
	s12 =	simm.s32 $0x15780  }
0xf0: {  	[hbm4b:s11+s1] =	stream.linear.scatter [tilespmem:s12], [sflag:$0x8], $0x80, $0x38;
	[tilespmem:$0x15B80] =	vst v63  }
0xf1: {  	s12 =	rddreg [dreg:$0xb]  }
0xf2: {  	s11 =	sadd.s32 s9, s12;
	s12 =	simm.s32 $0x15800  }
0xf3: {  	[hbm4b:s11+s1] =	stream.linear.scatter [tilespmem:s12], [sflag:$0x8], $0x80, $0x38;
	[tilespmem:$0x15B80] =	vst v63  }
0xf4: {  	s11 =	simm.s32 @!p0 $0x8  }
0xf5: {  	_ =	swait.ge @!p0 [sflag:s11], $0x4000  }
0xf6: {  	[sflag:s11] =	ssyncset.done @!p0 $0x0  }
0xf7: {  	[sflag:s11] =	ssyncadd.s32 @!p0 $0xFFFFC000  }
0xf8: {  	_ =	swait.ge @!p0 [sflag:s11], $0x80  }
0xf9: {  	[sflag:s11] =	ssyncset.done @!p0 $0x0  }
0xfa: {  	[sflag:s11] =	ssyncadd.s32 @!p0 $0xFFFFFF80  }
0xfb: {  	_ =	swait.ge @!p0 [sflag:s11], $0x80  }
0xfc: {  	[sflag:s11] =	ssyncset.done @!p0 $0x0  }
0xfd: {  	[sflag:s11] =	ssyncadd.s32 @!p0 $0xFFFFFF80  }
0xfe: {  	_ =	swait.ge @!p0 [sflag:s11], $0x80  }
0xff: {  	[sflag:s11] =	ssyncset.done @!p0 $0x0  }
0x100: {  	s12 =	simm.s32 @!p0 $0x9400;
	[sflag:s11] =	ssyncadd.s32 @!p0 $0xFFFFFF80;
	s11 =	sadd.s32 @!p0 $0xFFFFFF00, s3  }
0x101: {  	[tilespmem:s12], [sflag:$0x3] =	stream.indirect.gather @!p0 [hbm4b:s22+s10], $0x80, s11, s10, $0xb8;
	[tilespmem:$0x15B80] =	vst v63  }
0x102: {  	s12 =	simm.s32 @!p0 $0x15700  }
0x103: {  	[tilespmem:s12], [sflag:$0x3] =	stream.indirect.gather @!p0 [hbm4b:s25+s10], $0x1, s11, s10, $0xb8;
	[tilespmem:$0x15B80] =	vst v63  }
0x104: {  	s12 =	simm.s32 @!p0 $0x15780  }
0x105: {  	[tilespmem:s12], [sflag:$0x3] =	stream.indirect.gather @!p0 [hbm4b:s26+s10], $0x1, s11, s10, $0xb8;
	[tilespmem:$0x15B80] =	vst v63  }
0x106: {  	s12 =	simm.s32 @!p0 $0x15800  }
0x107: {  	[tilespmem:s12], [sflag:$0x3] =	stream.indirect.gather @!p0 [hbm4b:s28+s10], $0x1, s11, s10, $0xb8;
	[tilespmem:$0x15B80] =	vst v63  }
0x108: {  	_ =	swait.ge [sflag:s18], $0x4000  }
0x109: {  	[sflag:s18] =	ssyncset.done $0x0  }
0x10a: {  	[sflag:s18] =	ssyncadd.s32 $0xFFFFC000  }
0x10b: {  	_ =	swait.ge [sflag:s18], $0x80  }
0x10c: {  	[sflag:s18] =	ssyncset.done $0x0  }
0x10d: {  	[sflag:s18] =	ssyncadd.s32 $0xFFFFFF80  }
0x10e: {  	_ =	swait.ge [sflag:s18], $0x80  }
0x10f: {  	[sflag:s18] =	ssyncset.done $0x0  }
0x110: {  	[sflag:s18] =	ssyncadd.s32 $0xFFFFFF80  }
0x111: {  	_ =	swait.ge [sflag:s18], $0x80  }
0x112: {  	[sflag:s18] =	ssyncset.done $0x0  }
0x113: {  	s12 =	simm.s32 $0xD400;
	[sflag:s18] =	ssyncadd.s32 $0xFFFFFF80  }
0x114: {  	[hbm4b:s7+s1] =	stream.linear.scatter [tilespmem:s12], [sflag:$0x9], $0x4000, $0x38;
	[tilespmem:$0x15B80] =	vst v63  }
0x115: {  	s12 =	rddreg [dreg:$0xa]  }
0x116: {  	s11 =	sadd.s32 s9, s12;
	s12 =	simm.s32 $0x15880  }
0x117: {  	[hbm4b:s11+s1] =	stream.linear.scatter [tilespmem:s12], [sflag:$0x9], $0x80, $0x38;
	[tilespmem:$0x15B80] =	vst v63  }
0x118: {  	s12 =	rddreg [dreg:$0x9]  }
0x119: {  	s11 =	sadd.s32 s9, s12;
	s12 =	simm.s32 $0x15900  }
0x11a: {  	[hbm4b:s11+s1] =	stream.linear.scatter [tilespmem:s12], [sflag:$0x9], $0x80, $0x38;
	[tilespmem:$0x15B80] =	vst v63  }
0x11b: {  	s12 =	rddreg [dreg:$0x8]  }
0x11c: {  	s11 =	sadd.s32 s9, s12;
	s12 =	simm.s32 $0x15980  }
0x11d: {  	[hbm4b:s11+s1] =	stream.linear.scatter [tilespmem:s12], [sflag:$0x9], $0x80, $0x38;
	[tilespmem:$0x15B80] =	vst v63  }
0x11e: {  	s11 =	simm.s32 @!p0 $0x9  }
0x11f: {  	_ =	swait.ge @!p0 [sflag:s11], $0x4000  }
0x120: {  	[sflag:s11] =	ssyncset.done @!p0 $0x0  }
0x121: {  	[sflag:s11] =	ssyncadd.s32 @!p0 $0xFFFFC000  }
0x122: {  	_ =	swait.ge @!p0 [sflag:s11], $0x80  }
0x123: {  	[sflag:s11] =	ssyncset.done @!p0 $0x0  }
0x124: {  	[sflag:s11] =	ssyncadd.s32 @!p0 $0xFFFFFF80  }
0x125: {  	_ =	swait.ge @!p0 [sflag:s11], $0x80  }
0x126: {  	[sflag:s11] =	ssyncset.done @!p0 $0x0  }
0x127: {  	[sflag:s11] =	ssyncadd.s32 @!p0 $0xFFFFFF80  }
0x128: {  	_ =	swait.ge @!p0 [sflag:s11], $0x80  }
0x129: {  	[sflag:s11] =	ssyncset.done @!p0 $0x0  }
0x12a: {  	s12 =	simm.s32 @!p0 $0xD400;
	[sflag:s11] =	ssyncadd.s32 @!p0 $0xFFFFFF80;
	s11 =	sadd.s32 @!p0 $0xFFFFFF80, s3  }
0x12b: {  	[tilespmem:s12], [sflag:$0x4] =	stream.indirect.gather @!p0 [hbm4b:s22+s10], $0x80, s11, s10, $0xb8;
	[tilespmem:$0x15B80] =	vst v63  }
0x12c: {  	s12 =	simm.s32 @!p0 $0x15880  }
0x12d: {  	[tilespmem:s12], [sflag:$0x4] =	stream.indirect.gather @!p0 [hbm4b:s25+s10], $0x1, s11, s10, $0xb8;
	[tilespmem:$0x15B80] =	vst v63  }
0x12e: {  	s12 =	simm.s32 @!p0 $0x15900  }
0x12f: {  	[tilespmem:s12], [sflag:$0x4] =	stream.indirect.gather @!p0 [hbm4b:s26+s10], $0x1, s11, s10, $0xb8;
	[tilespmem:$0x15B80] =	vst v63  }
0x130: {  	s12 =	simm.s32 @!p0 $0x15980  }
0x131: {  	[tilespmem:s12], [sflag:$0x4] =	stream.indirect.gather @!p0 [hbm4b:s28+s10], $0x1, s11, s10, $0xb8;
	[tilespmem:$0x15B80] =	vst v63  }
0x132: {  	_ =	swait.ge [sflag:s19], $0x4000  }
0x133: {  	[sflag:s19] =	ssyncset.done $0x0  }
0x134: {  	[sflag:s19] =	ssyncadd.s32 $0xFFFFC000  }
0x135: {  	_ =	swait.ge [sflag:s19], $0x80  }
0x136: {  	[sflag:s19] =	ssyncset.done $0x0  }
0x137: {  	[sflag:s19] =	ssyncadd.s32 $0xFFFFFF80  }
0x138: {  	_ =	swait.ge [sflag:s19], $0x80  }
0x139: {  	[sflag:s19] =	ssyncset.done $0x0  }
0x13a: {  	[sflag:s19] =	ssyncadd.s32 $0xFFFFFF80  }
0x13b: {  	_ =	swait.ge [sflag:s19], $0x80  }
0x13c: {  	[sflag:s19] =	ssyncset.done $0x0  }
0x13d: {  	s12 =	rddreg [dreg:$0x7];
	[sflag:s19] =	ssyncadd.s32 $0xFFFFFF80  }
0x13e: {  	[hbm4b:s8+s1] =	stream.linear.scatter [tilespmem:s23], [sflag:$0xA], $0x4000, $0x38;
	[tilespmem:$0x15B80] =	vst v63  }
0x13f: {  	s10 =	sadd.s32 s9, s12  }
0x140: {  	[hbm4b:s10+s1] =	stream.linear.scatter [tilespmem:s24], [sflag:$0xA], $0x80, $0x38;
	[tilespmem:$0x15B80] =	vst v63  }
.Ltmp2:
0x141: {  	s11 =	rddreg [dreg:$0x6];
	(pc) =	sbr.rel @p0 .LBB2_4-.Ltmp2, $4  }
0x142: {  	s12 =	rddreg [dreg:$0x5];
	s10 =	sadd.s32 s9, s11  }
0x143: {  	[hbm4b:s10+s1] =	stream.linear.scatter [tilespmem:s30], [sflag:$0xA], $0x80, $0x38;
	[tilespmem:$0x15B80] =	vst v63  }
0x144: {  	s10 =	sadd.s32 s9, s12  }
0x145: {  	[hbm4b:s10+s1] =	stream.linear.scatter [tilespmem:s29], [sflag:$0xA], $0x80, $0x38;
	[tilespmem:$0x15B80] =	vst v63  }
0x146: {  	_ =	swait.ge [sflag:s20], $0x4000  }
0x147: {  	[sflag:s20] =	ssyncset.done $0x0  }
0x148: {  	[sflag:s20] =	ssyncadd.s32 $0xFFFFC000  }
0x149: {  	_ =	swait.ge [sflag:s20], $0x80  }
0x14a: {  	[sflag:s20] =	ssyncset.done $0x0  }
0x14b: {  	[sflag:s20] =	ssyncadd.s32 $0xFFFFFF80  }
0x14c: {  	_ =	swait.ge [sflag:s20], $0x80  }
0x14d: {  	[sflag:s20] =	ssyncset.done $0x0  }
0x14e: {  	[sflag:s20] =	ssyncadd.s32 $0xFFFFFF80  }
0x14f: {  	_ =	swait.ge [sflag:s20], $0x80  }
0x150: {  	[sflag:s20] =	ssyncset.done $0x0  }
0x151: {  	[sflag:s20] =	ssyncadd.s32 $0xFFFFFF80  }
0x152: {  	[tilespmem:s23], [sflag:$0x5] =	stream.indirect.gather [hbm4b:s22+s31], $0x80, s3, s31, $0xb8;
	[tilespmem:$0x15B80] =	vst v63  }
0x153: {  	_ = 	snop  }
0x154: {  	[tilespmem:s24], [sflag:$0x5] =	stream.indirect.gather [hbm4b:s25+s31], $0x1, s3, s31, $0xb8;
	[tilespmem:$0x15B80] =	vst v63  }
.Ltmp3:
0x155: {  	s9 =	sadd.s32 $0x50, s9;
	(pc) =	sbr.rel .LBB2_2-.Ltmp3, $4  }
0x156: {  	[tilespmem:s30], [sflag:$0x5] =	stream.indirect.gather [hbm4b:s26+s31], $0x1, s3, s31, $0xb8;
	[tilespmem:$0x15B80] =	vst v63  }
0x157: {  	s8 =	sadd.s32 $0x2800, s8;
	s7 =	sadd.s32 $0x2800, s7;
	s6 =	sadd.s32 $0x2800, s6  }
0x158: {  	[tilespmem:s29], [sflag:$0x5] =	stream.indirect.gather [hbm4b:s28+s31], $0x1, s3, s31, $0xb8;
	[tilespmem:$0x15B80] =	vst v63  }
0x159: {  	s5 =	sadd.s32 $0x2800, s5;
	s4 =	sadd.s32 $0x2800, s4;
	s3 =	sadd.s32 $0x280, s3  }
.LBB2_5:
0x15a: {  	_ =	sfence.sel $0x180000  }
0x15b: {  	[bflag:$0x0] =	sbarrier.arrive $0xFFFF  }
0x15c: {  	_ =	strace $0x90000047  }
0x15d: {  	s0 =	stileid.u32;
	[bflag:$0x2] =	sbarrier.arrive $0xFFFF  }
0x15e: {  	p0 =	sne.s32 s0, $0x0;
	s0 =	rddreg [dreg:$0x3]  }
0x15f: {  	s0 =	sadd.s32 @!p0 $0x100000, s0  }
0x160: {  	[sflag:s0] =	ssyncadd.tile.s32 @!p0 $0x1;
	_ =	shalt  }
.Lfunc_end2:
_tile_overlayer_lowered:
.L_overlay_start_2:
0x161: {  	(tag) =	ssettag $0x2  }
0x162: {  	s0 =	rddreg [dreg:$0x0];
	s2 =	stileid.u32  }
0x163: {  	s1 =	rddreg [dreg:$0x1];
	p0 =	sne.s32 s2, $0x0  }
0x164: {  	s3 =	rddreg [dreg:$0x2];
	[bflag:$0x3] =	sbarrier.arrive $0xFFFF;
	s2 =	simm.s32 @!p0 $0x1C0B  }
0x165: {  	[timem:s3], [sflag:s2] =	dma.local @!p0 [hbm:s0], s1  }
0x166: {  	s0 =	simm.s32 @!p0 $0xB  }
0x167: {  	_ =	swait.ge @!p0 [sflag:s0], s1  }
0x168: {  	s1 =	ssub.s32 @!p0 $0x0, s1;
	[sflag:s0] =	ssyncset.done @!p0 $0x0  }
0x169: {  	[sflag:s0] =	ssyncadd.s32 @!p0 s1  }
0x16a: {  	[bflag:$0x3] =	sbarrier.arrive $0xFFFF  }
0x16b: {  	_ =	shalt  }

</sc_bundles>
